<compile_context>
chip_gen: v7x
topology: tpu7x:2x2x1
jax: 0.10.2.dev20260603
libtpu: 0.0.44.dev20260713+nightly
codegen_flags: <defaults>
</compile_context>

<pallas_src>
import functools

import jax
import jax.numpy as jnp
from jax import lax
from jax.experimental import pallas as pl
from jax.experimental.pallas import tpu as pltpu
from jax.experimental.pallas import tpu_sc as plsc

N = 10000
E = 320000
D = 128

NC = 2
NS = 16
LANES = 16

NPAD = 10240
HALF = N // NC
ACC_ROWS = 5120
EPT = E // NS
EPT_DEG = E // (NC * NS)
SCAN = 2000
assert SCAN % LANES == 0 and EPT % SCAN == 0
CHUNK = 32
CB = 20384
NB = 8
assert 320 % CHUNK == 0 or CHUNK % 64 == 0


@functools.lru_cache(maxsize=None)
def _mesh():
    return plsc.VectorSubcoreMesh(
        core_axis_name="c", subcore_axis_name="s",
        num_cores=NC, num_subcores=NS)


def _zero_fill(buf, words):
    z = jnp.zeros((LANES,), jnp.float32)

    def body(i, _):
        buf[pl.ds(i * LANES, LANES)] = z
        return 0

    lax.fori_loop(0, words // LANES, body, 0)


def _zero_fill_2d(buf, rows, cols):
    z = jnp.zeros((LANES,), jnp.float32)

    def body(i, _):
        r = i // (cols // LANES)
        q = i % (cols // LANES)
        buf[r, pl.ds(q * LANES, LANES)] = z
        return 0

    lax.fori_loop(0, rows * (cols // LANES), body, 0)


def _deg_body(dst_hbm, deg_out, deg_sh, dbuf, dchunk, ones, zstage):
    c = lax.axis_index("c")
    s = lax.axis_index("s")
    w = c * NS + s

    _zero_fill(zstage, 640)
    one = jnp.full((LANES,), 1.0, jnp.float32)

    def ones_body(i, _):
        ones[pl.ds(i * LANES, LANES)] = one
        return 0

    lax.fori_loop(0, CHUNK // LANES, ones_body, 0)

    pltpu.sync_copy(zstage, deg_sh.at[pl.ds(s * 640, 640)])
    plsc.subcore_barrier()

    pltpu.sync_copy(dst_hbm.at[pl.ds(w * EPT_DEG, EPT_DEG)], dbuf)
    nfull = EPT_DEG // CHUNK

    def chunk_body(k, _):
        for q in range(CHUNK // LANES):
            dchunk[pl.ds(q * LANES, LANES)] = (
                dbuf[pl.ds(k * CHUNK + q * LANES, LANES)])
        pltpu.sync_copy(ones, deg_sh.at[dchunk], add=True)
        return 0

    lax.fori_loop(0, nfull, chunk_body, 0)

    lane = lax.broadcasted_iota(jnp.int32, (LANES,), 0)
    for q in range(CHUNK // LANES):
        dchunk[pl.ds(q * LANES, LANES)] = lane + N
    dchunk[pl.ds(0, LANES)] = dbuf[pl.ds(nfull * CHUNK, LANES)]
    pltpu.sync_copy(ones, deg_sh.at[dchunk], add=True)

    plsc.subcore_barrier()
    pltpu.sync_copy(deg_sh.at[pl.ds(s * 640, 640)],
                    deg_out.at[c, pl.ds(s * 640, 640)])


@functools.lru_cache(maxsize=None)
def _build_deg_kernel():
    return pl.kernel(
        _deg_body,
        out_type=jax.ShapeDtypeStruct((NC, NPAD), jnp.float32),
        mesh=_mesh(),
        compiler_params=pltpu.CompilerParams(needs_layout_passes=False),
        scratch_types=[
            pltpu.VMEM_SHARED((NPAD,), jnp.float32),
            pltpu.VMEM((EPT_DEG,), jnp.int32),
            pltpu.VMEM((CHUNK,), jnp.int32),
            pltpu.VMEM((CHUNK,), jnp.float32),
            pltpu.VMEM((640,), jnp.float32),
        ],
    )


_BLK = 512


def _tc_body(x_ref, w_ref, deg_ref, g_ref, dis_ref):
    ones = jnp.ones((NC, D), jnp.float32)
    degm = lax.dot_general(
        deg_ref[...], ones, (((0,), (0,)), ((), ())),
        preferred_element_type=jnp.float32,
        precision=lax.Precision.HIGHEST,
    )
    dis = lax.rsqrt(degm + 1.0)
    h = lax.dot_general(
        x_ref[...], w_ref[...], (((1,), (0,)), ((), ())),
        preferred_element_type=jnp.float32,
        precision=lax.Precision.HIGHEST,
    )
    g_ref[...] = h * dis
    dis_ref[...] = dis


def _tc_scale(x, W, deg2):
    grid = (NPAD // _BLK,)
    return pl.pallas_call(
        _tc_body,
        grid=grid,
        in_specs=[
            pl.BlockSpec((_BLK, D), lambda i: (i, 0)),
            pl.BlockSpec((D, D), lambda i: (0, 0)),
            pl.BlockSpec((NC, _BLK), lambda i: (0, i)),
        ],
        out_specs=[
            pl.BlockSpec((_BLK, D), lambda i: (i, 0)),
            pl.BlockSpec((_BLK, D), lambda i: (i, 0)),
        ],
        out_shape=[
            jax.ShapeDtypeStruct((N, D), jnp.float32),
            jax.ShapeDtypeStruct((N, D), jnp.float32),
        ],
    )(x, W, deg2)


def _mp_body(src_hbm, dst_hbm, g_hbm, dis_hbm, b_hbm, prelu_hbm, out_hbm,
             acc_sh, sbuf_src, sbuf_dst, cpk, *rest):
    gsbufs = rest[:3 * NB]
    erows, drows, bbuf, pbuf = rest[3 * NB:3 * NB + 4]
    sems = rest[3 * NB + 4:]
    bufs = tuple(
        (gsbufs[3 * i], gsbufs[3 * i + 1], gsbufs[3 * i + 2], sems[i])
        for i in range(NB))

    c = lax.axis_index("c")
    s = lax.axis_index("s")
    lane = lax.broadcasted_iota(jnp.int32, (LANES,), 0)
    rows0 = bufs[0][2]

    ZR = min(CHUNK, 64)
    _zero_fill_2d(rows0, ZR, D)
    for r0 in range(0, 320, ZR):
        pltpu.sync_copy(rows0.at[pl.ds(0, ZR)],
                        acc_sh.at[pl.ds(s * 320 + r0, ZR)])
    plsc.subcore_barrier()

    base = s * EPT
    lo = c * HALF

    def scan_chunk(ch, cnt):
        pltpu.sync_copy(src_hbm.at[pl.ds(base + ch * SCAN, SCAN)], sbuf_src)
        pltpu.sync_copy(dst_hbm.at[pl.ds(base + ch * SCAN, SCAN)], sbuf_dst)

        def vec_body(i, cnt):
            dv = sbuf_dst[pl.ds(i * LANES, LANES)]
            sv = sbuf_src[pl.ds(i * LANES, LANES)]
            loc = dv - lo
            mask = (loc >= 0) & (loc < HALF)
            prefix = plsc.cumsum(mask.astype(jnp.int32))
            pos = jnp.where(mask, cnt + prefix - 1, CB - LANES + lane)
            plsc.store_scatter(cpk, [pos], sv * 8192 + loc)
            return cnt + prefix[15]

        return lax.fori_loop(0, SCAN // LANES, vec_body, cnt)

    cnt = lax.fori_loop(0, EPT // SCAN, scan_chunk, jnp.int32(0))

    def self_body(i, cnt):
        locv = s * 320 + i * LANES + lane
        okm = locv < HALF
        pk = jnp.where(okm, (lo + locv) * 8192 + locv, HALF + lane)
        plsc.store_scatter(cpk, [cnt + i * LANES + lane], pk)
        return cnt

    lax.fori_loop(0, 320 // LANES, self_body, cnt)
    cnt = cnt + 320

    padded = ((cnt + CHUNK - 1) // CHUNK) * CHUNK
    jpk = lane + HALF

    def pad_body(j, _):
        cpk[pl.ds(cnt + j * LANES, LANES)] = jpk
        return 0

    lax.fori_loop(0, (padded - cnt + LANES - 1) // LANES, pad_body, 0)

    n = padded // CHUNK

    def _fill_and_gather(k, b):
        ib, db, rb, sgb = bufs[b]
        for q in range(CHUNK // LANES):
            pk = cpk[pl.ds(k * CHUNK + q * LANES, LANES)]
            ib[pl.ds(q * LANES, LANES)] = pk // 8192
            db[pl.ds(q * LANES, LANES)] = pk % 8192
        pltpu.async_copy(g_hbm.at[ib], rb, sgb)

    for b0 in range(NB - 1):
        @pl.when(b0 < n)
        def _(b0=b0):
            _fill_and_gather(jnp.int32(b0), b0)

    def gs_group(g, _):
        for b in range(NB):
            k = g * NB + b
            ib, db, rb, sgb = bufs[b]

            @pl.when(k < n)
            def _():
                pltpu.make_async_copy(g_hbm.at[ib], rb, sgb).wait()

                @pl.when(k + NB - 1 < n)
                def _():
                    _fill_and_gather(k + NB - 1, (b + NB - 1) % NB)

                pltpu.sync_copy(rb, acc_sh.at[db], add=True)
        return 0

    lax.fori_loop(0, (n + NB - 1) // NB, gs_group, 0)
    plsc.subcore_barrier()

    pltpu.sync_copy(b_hbm, bbuf)
    pltpu.sync_copy(prelu_hbm, pbuf)
    pvec = pbuf[pl.ds(0, LANES)]

    def epi_chunk(j, _):
        local0 = s * 320 + j * 40

        @pl.when(local0 < HALF)
        def _():
            n0 = c * HALF + local0
            pltpu.sync_copy(acc_sh.at[pl.ds(local0, 40)], erows)
            pltpu.sync_copy(dis_hbm.at[pl.ds(n0, 40)], drows)

            def row_body(r, _):
                dvec = drows[r, pl.ds(0, LANES)]
                for q in range(D // LANES):
                    a = erows[r, pl.ds(q * LANES, LANES)]
                    v = dvec * a + bbuf[pl.ds(q * LANES, LANES)]
                    v = jnp.where(v >= 0.0, v, v * pvec)
                    erows[r, pl.ds(q * LANES, LANES)] = v
                return 0

            lax.fori_loop(0, 40, row_body, 0)
            pltpu.sync_copy(erows, out_hbm.at[pl.ds(n0, 40)])
        return 0

    lax.fori_loop(0, 8, epi_chunk, 0)


@functools.lru_cache(maxsize=None)
def _build_mp_kernel():
    return pl.kernel(
        _mp_body,
        out_type=jax.ShapeDtypeStruct((N, D), jnp.float32),
        mesh=_mesh(),
        compiler_params=pltpu.CompilerParams(needs_layout_passes=False),
        scratch_types=[
            pltpu.VMEM_SHARED((ACC_ROWS, D), jnp.float32),
            pltpu.VMEM((SCAN,), jnp.int32),
            pltpu.VMEM((SCAN,), jnp.int32),
            pltpu.VMEM((CB,), jnp.int32),
        ] + [
            ref
            for _ in range(NB)
            for ref in (pltpu.VMEM((CHUNK,), jnp.int32),
                        pltpu.VMEM((CHUNK,), jnp.int32),
                        pltpu.VMEM((CHUNK, D), jnp.float32))
        ] + [
            pltpu.VMEM((40, D), jnp.float32),
            pltpu.VMEM((40, D), jnp.float32),
            pltpu.VMEM((D,), jnp.float32),
            pltpu.VMEM((LANES,), jnp.float32),
        ] + [pltpu.SemaphoreType.DMA] * NB,
    )


def kernel(x, edge_index, batch, W, b, prelu_w):
    src = edge_index[0]
    dst = edge_index[1]
    deg2 = _build_deg_kernel()(dst)
    g, disb = _tc_scale(x, W, deg2)
    prelu16 = jnp.full((LANES,), prelu_w, jnp.float32)
    return _build_mp_kernel()(src, dst, g, disb, b, prelu16)

# --- scband reference (transcript-rebuilt; emitter-appended) ---
"""Pipeline reference for scband-message-passing-net-27943057228185 (READ-ONLY COPY).

The authoritative reference and input builder live on the scoring server;
editing this copy changes nothing except your own understanding.
"""

import jax, jax.numpy as jnp
import numpy as np

N_NODES = 10000
N_EDGES = 320000
D_IN = 128
D_OUT = 128

def setup_inputs(seed: int = 0) -> dict:
    key = jax.random.key(seed)
    k1, k2, k3 = jax.random.split(key, 3)
    x = jax.random.normal(k1, (N_NODES, D_IN), dtype=jnp.float32)
    edge_index = jax.random.randint(k2, (2, N_EDGES), 0, N_NODES, dtype=jnp.int32)
    batch = jnp.zeros((N_NODES,), dtype=jnp.int32)
    # GCNConv linear weight (glorot-ish) and bias
    W = jax.random.normal(k3, (D_IN, D_OUT), dtype=jnp.float32) * (1.0 / np.sqrt(D_IN))
    b = jnp.zeros((D_OUT,), dtype=jnp.float32)
    # PReLU learnable slope (default init 0.25, single shared parameter)
    prelu_w = jnp.array(0.25, dtype=jnp.float32)
    return {"x": x, "edge_index": edge_index, "batch": batch, "W": W, "b": b, "prelu_w": prelu_w}

def reference(x, edge_index, batch, W, b, prelu_w):
    N = x.shape[0]
    src = edge_index[0]
    dst = edge_index[1]
    # add self loops
    loop = jnp.arange(N, dtype=src.dtype)
    src = jnp.concatenate([src, loop])
    dst = jnp.concatenate([dst, loop])
    # linear transform
    h = x @ W
    # symmetric GCN normalization: deg computed over dst with unit edge weights
    deg = jnp.zeros((N,), dtype=h.dtype).at[dst].add(1.0)
    deg_inv_sqrt = jnp.where(deg > 0, 1.0 / jnp.sqrt(deg), 0.0)
    norm = deg_inv_sqrt[src] * deg_inv_sqrt[dst]
    # gather messages from source, scale, scatter-add to destination
    msg = h[src] * norm[:, None]
    out = jax.ops.segment_sum(msg, dst, num_segments=N) + b
    # PReLU activation
    out = jnp.where(out >= 0, out, prelu_w * out)
    # Dropout is identity at inference
    return out

if __name__ == "__main__":
    import jax
    _d = setup_inputs()
    print(jax.jit(kernel)(*tuple(_d.values())))

</pallas_src>

<mosaic_0001>
#map = affine_map<(d0, d1) -> (0)>
#map1 = affine_map<(d0, d1) -> (0, 0)>
module attributes {stable_mosaic.version = 14 : i64} {
  func.func @_mp_body(%arg0: i32, %arg1: i32, %arg2: memref<320000xi32, #tpu.memory_space<hbm>>, %arg3: memref<320000xi32, #tpu.memory_space<hbm>>, %arg4: memref<10000x128xf32, #tpu.memory_space<hbm>>, %arg5: memref<10000x128xf32, #tpu.memory_space<hbm>>, %arg6: memref<128xf32, #tpu.memory_space<hbm>>, %arg7: memref<16xf32, #tpu.memory_space<hbm>>, %arg8: memref<10000x128xf32, #tpu.memory_space<hbm>>, %arg9: memref<5120x128xf32, #tpu.memory_space<vmem_shared>>, %arg10: memref<2000xi32, #tpu.memory_space<vmem>>, %arg11: memref<2000xi32, #tpu.memory_space<vmem>>, %arg12: memref<20384xi32, #tpu.memory_space<vmem>>, %arg13: memref<32xi32, #tpu.memory_space<vmem>>, %arg14: memref<32xi32, #tpu.memory_space<vmem>>, %arg15: memref<32x128xf32, #tpu.memory_space<vmem>>, %arg16: memref<32xi32, #tpu.memory_space<vmem>>, %arg17: memref<32xi32, #tpu.memory_space<vmem>>, %arg18: memref<32x128xf32, #tpu.memory_space<vmem>>, %arg19: memref<32xi32, #tpu.memory_space<vmem>>, %arg20: memref<32xi32, #tpu.memory_space<vmem>>, %arg21: memref<32x128xf32, #tpu.memory_space<vmem>>, %arg22: memref<32xi32, #tpu.memory_space<vmem>>, %arg23: memref<32xi32, #tpu.memory_space<vmem>>, %arg24: memref<32x128xf32, #tpu.memory_space<vmem>>, %arg25: memref<32xi32, #tpu.memory_space<vmem>>, %arg26: memref<32xi32, #tpu.memory_space<vmem>>, %arg27: memref<32x128xf32, #tpu.memory_space<vmem>>, %arg28: memref<32xi32, #tpu.memory_space<vmem>>, %arg29: memref<32xi32, #tpu.memory_space<vmem>>, %arg30: memref<32x128xf32, #tpu.memory_space<vmem>>, %arg31: memref<32xi32, #tpu.memory_space<vmem>>, %arg32: memref<32xi32, #tpu.memory_space<vmem>>, %arg33: memref<32x128xf32, #tpu.memory_space<vmem>>, %arg34: memref<32xi32, #tpu.memory_space<vmem>>, %arg35: memref<32xi32, #tpu.memory_space<vmem>>, %arg36: memref<32x128xf32, #tpu.memory_space<vmem>>, %arg37: memref<40x128xf32, #tpu.memory_space<vmem>>, %arg38: memref<40x128xf32, #tpu.memory_space<vmem>>, %arg39: memref<128xf32, #tpu.memory_space<vmem>>, %arg40: memref<16xf32, #tpu.memory_space<vmem>>, %arg41: memref<!tpu.dma_semaphore, #tpu.memory_space<semaphore_mem>>, %arg42: memref<!tpu.dma_semaphore, #tpu.memory_space<semaphore_mem>>, %arg43: memref<!tpu.dma_semaphore, #tpu.memory_space<semaphore_mem>>, %arg44: memref<!tpu.dma_semaphore, #tpu.memory_space<semaphore_mem>>, %arg45: memref<!tpu.dma_semaphore, #tpu.memory_space<semaphore_mem>>, %arg46: memref<!tpu.dma_semaphore, #tpu.memory_space<semaphore_mem>>, %arg47: memref<!tpu.dma_semaphore, #tpu.memory_space<semaphore_mem>>, %arg48: memref<!tpu.dma_semaphore, #tpu.memory_space<semaphore_mem>>) attributes {dimension_semantics = [#tpu.dimension_semantics<core_parallel>, #tpu.dimension_semantics<subcore_parallel>], iteration_bounds = array<i64: 2, 16>, scalar_prefetch = 0 : i64, scratch_operands = 40 : i64, tpu.core_type = #tpu.core_type<sc_vector_subcore>, window_params = [{transform_indices = #map}, {transform_indices = #map}, {transform_indices = #map1}, {transform_indices = #map1}, {transform_indices = #map}, {transform_indices = #map}, {transform_indices = #map1}]} {
    %iota3A = tpu.iota {dimensions = array<i32: 0>} : vector<16xi32>
    %broadcast_in_dim3A = arith.constant 0.000000e+00 : f32
    %broadcast_in_dim3A_0 = vector.broadcast %broadcast_in_dim3A : f32 to vector<16xf32>
    %scan3A = arith.constant 0 : i32
    %scan3A_1 = arith.constant 0 : i32
    %scan3A_2 = arith.constant 256 : i32
    %scan3A_3 = arith.addi %scan3A_1, %scan3A_2 : i32
    %scan3A_4 = arith.constant 1 : i32
    %scan3A_5 = scf.for %scan3A_233 = %scan3A_1 to %scan3A_3 step %scan3A_4 iter_args(%scan3A_234 = %scan3A) -> (i32)  : i32 {
      %jit3A_235 = arith.constant 8 : i32
      %div3A_236 = arith.divsi %scan3A_233, %jit3A_235 : i32
      %sign3A_237 = arith.constant 0 : i32
      %sign3A_238 = arith.cmpi sgt, %scan3A_233, %sign3A_237 : i32
      %sign3A_239 = arith.extui %sign3A_238 : i1 to i32
      %sign3A_240 = arith.constant 0 : i32
      %sign3A_241 = arith.cmpi slt, %scan3A_233, %sign3A_240 : i32
      %sign3A_242 = arith.extui %sign3A_241 : i1 to i32
      %sign3A_243 = arith.subi %sign3A_239, %sign3A_242 : i32
      %sign3A_244 = arith.constant 0 : i32
      %sign3A_245 = arith.cmpi sgt, %jit3A_235, %sign3A_244 : i32
      %sign3A_246 = arith.extui %sign3A_245 : i1 to i32
      %sign3A_247 = arith.constant 0 : i32
      %sign3A_248 = arith.cmpi slt, %jit3A_235, %sign3A_247 : i32
      %sign3A_249 = arith.extui %sign3A_248 : i1 to i32
      %sign3A_250 = arith.subi %sign3A_246, %sign3A_249 : i32
      %ne3A_251 = arith.cmpi ne, %sign3A_243, %sign3A_250 : i32
      %rem3A_252 = arith.remsi %scan3A_233, %jit3A_235 : i32
      %ne3A_253 = arith.constant 0 : i32
      %ne3A_254 = arith.cmpi ne, %rem3A_252, %ne3A_253 : i32
      %and3A_255 = arith.andi %ne3A_251, %ne3A_254 : i1
      %sub3A_256 = arith.constant 1 : i32
      %sub3A_257 = arith.subi %div3A_236, %sub3A_256 : i32
      %select_n3A_258 = arith.select %and3A_255, %sub3A_257, %div3A_236 : i32
      %jit3A_259 = arith.constant 8 : i32
      %eq3A = arith.constant 0 : i32
      %eq3A_260 = arith.cmpi eq, %jit3A_259, %eq3A : i32
      %jit3A_261 = arith.constant 1 : i32
      %select_n3A_262 = arith.select %eq3A_260, %jit3A_261, %jit3A_259 : i32
      %rem3A_263 = arith.remsi %scan3A_233, %select_n3A_262 : i32
      %ne3A_264 = arith.constant 0 : i32
      %ne3A_265 = arith.cmpi ne, %rem3A_263, %ne3A_264 : i32
      %lt3A = arith.constant 0 : i32
      %lt3A_266 = arith.cmpi slt, %rem3A_263, %lt3A : i32
      %lt3A_267 = arith.constant 0 : i32
      %lt3A_268 = arith.cmpi slt, %select_n3A_262, %lt3A_267 : i32
      %ne3A_269 = arith.xori %lt3A_266, %lt3A_268 : i1
      %and3A_270 = arith.andi %ne3A_269, %ne3A_265 : i1
      %add3A_271 = arith.addi %rem3A_263, %select_n3A_262 : i32
      %select_n3A_272 = arith.select %and3A_270, %add3A_271, %rem3A_263 : i32
      %mul3A_273 = arith.constant 16 : i32
      %mul3A_274 = arith.muli %select_n3A_272, %mul3A_273 : i32
      %swap3A = arith.index_cast %select_n3A_258 : i32 to index
      %swap3A_275 = arith.index_cast %mul3A_274 : i32 to index
      %swap3A_276 = tpu.vector_load %arg15[%swap3A, %swap3A_275] {strides = array<i32>} : memref<32x128xf32, #tpu.memory_space<vmem>>, vector<16xf32>,
      tpu.vector_store %arg15[%swap3A, %swap3A_275], %broadcast_in_dim3A_0 {strides = array<i32>} : memref<32x128xf32, #tpu.memory_space<vmem>>, vector<16xf32>,
      %scan3A_277 = arith.constant 0 : i32
      scf.yield %scan3A_277 : i32
    }
    %scan3A_6 = arith.constant 256 : i32
    %mul3A = arith.constant 320 : i32
    %mul3A_7 = arith.muli %arg1, %mul3A : i32
    %add3A = arith.constant 0 : i32
    %add3A_8 = arith.addi %mul3A_7, %add3A : i32
    "tpu.region"() ({
      %run_scoped3A = tpu.sem_alloc : memref<!tpu.dma_semaphore, #tpu.memory_space<semaphore_mem>>
      %dma_start3A = arith.constant 0 : i32
      %dma_start3A_233 = arith.constant 0 : i32
      %dma_start3A_234 = tpu.memref_slice %arg15[%dma_start3A, %dma_start3A_233] : memref<32x128xf32, #tpu.memory_space<vmem>> -> memref<32x128xf32, #tpu.memory_space<vmem>>
      %dma_start3A_235 = arith.constant 0 : i32
      %dma_start3A_236 = tpu.memref_slice %arg9[%add3A_8, %dma_start3A_235] : memref<5120x128xf32, #tpu.memory_space<vmem_shared>> -> memref<32x128xf32, #tpu.memory_space<vmem_shared>>
      %dma_start3A_237 = arith.constant 0 : i32
      %dma_start3A_238 = tpu.memref_slice %arg9[%add3A_8, %dma_start3A_237] : memref<5120x128xf32, #tpu.memory_space<vmem_shared>> -> memref<32x128xf32, #tpu.memory_space<vmem_shared>>
      %dma_start3A_239 = arith.constant 0 : i32
      %dma_start3A_240 = arith.constant 0 : i32
      %dma_start3A_241 = tpu.memref_slice %arg15[%dma_start3A_239, %dma_start3A_240] : memref<32x128xf32, #tpu.memory_space<vmem>> -> memref<32x128xf32, #tpu.memory_space<vmem>>
      tpu.enqueue_dma source(%dma_start3A_241 : memref<32x128xf32, #tpu.memory_space<vmem>>) target(%dma_start3A_238 : memref<32x128xf32, #tpu.memory_space<vmem_shared>>) target_semaphore(%run_scoped3A : memref<!tpu.dma_semaphore, #tpu.memory_space<semaphore_mem>>)
      %dma_wait3A = arith.constant 0 : i32
      %dma_wait3A_242 = arith.constant 0 : i32
      %dma_wait3A_243 = tpu.memref_slice %arg15[%dma_wait3A, %dma_wait3A_242] : memref<32x128xf32, #tpu.memory_space<vmem>> -> memref<32x128xf32, #tpu.memory_space<vmem>>
      %dma_wait3A_244 = arith.constant 0 : i32
      %dma_wait3A_245 = tpu.memref_slice %arg9[%add3A_8, %dma_wait3A_244] : memref<5120x128xf32, #tpu.memory_space<vmem_shared>> -> memref<32x128xf32, #tpu.memory_space<vmem_shared>>
      %dma_wait3A_246 = arith.constant 0 : i32
      %dma_wait3A_247 = tpu.memref_slice %arg9[%add3A_8, %dma_wait3A_246] : memref<5120x128xf32, #tpu.memory_space<vmem_shared>> -> memref<32x128xf32, #tpu.memory_space<vmem_shared>>
      %dma_wait3A_248 = arith.constant 0 : i32
      %dma_wait3A_249 = arith.constant 0 : i32
      %dma_wait3A_250 = tpu.memref_slice %arg15[%dma_wait3A_248, %dma_wait3A_249] : memref<32x128xf32, #tpu.memory_space<vmem>> -> memref<32x128xf32, #tpu.memory_space<vmem>>
      tpu.wait_dma2 semaphore(%run_scoped3A : memref<!tpu.dma_semaphore, #tpu.memory_space<semaphore_mem>>) src(%dma_wait3A_250 : memref<32x128xf32, #tpu.memory_space<vmem>>) dst(%dma_wait3A_247 : memref<32x128xf32, #tpu.memory_space<vmem_shared>>)
      tpu.yield
    }) : () -> ()
    %mul3A_9 = arith.constant 320 : i32
    %mul3A_10 = arith.muli %arg1, %mul3A_9 : i32
    %add3A_11 = arith.constant 32 : i32
    %add3A_12 = arith.addi %mul3A_10, %add3A_11 : i32
    "tpu.region"() ({
      %run_scoped3A = tpu.sem_alloc : memref<!tpu.dma_semaphore, #tpu.memory_space<semaphore_mem>>
      %dma_start3A = arith.constant 0 : i32
      %dma_start3A_233 = arith.constant 0 : i32
      %dma_start3A_234 = tpu.memref_slice %arg15[%dma_start3A, %dma_start3A_233] : memref<32x128xf32, #tpu.memory_space<vmem>> -> memref<32x128xf32, #tpu.memory_space<vmem>>
      %dma_start3A_235 = arith.constant 0 : i32
      %dma_start3A_236 = tpu.memref_slice %arg9[%add3A_12, %dma_start3A_235] : memref<5120x128xf32, #tpu.memory_space<vmem_shared>> -> memref<32x128xf32, #tpu.memory_space<vmem_shared>>
      %dma_start3A_237 = arith.constant 0 : i32
      %dma_start3A_238 = tpu.memref_slice %arg9[%add3A_12, %dma_start3A_237] : memref<5120x128xf32, #tpu.memory_space<vmem_shared>> -> memref<32x128xf32, #tpu.memory_space<vmem_shared>>
      %dma_start3A_239 = arith.constant 0 : i32
      %dma_start3A_240 = arith.constant 0 : i32
      %dma_start3A_241 = tpu.memref_slice %arg15[%dma_start3A_239, %dma_start3A_240] : memref<32x128xf32, #tpu.memory_space<vmem>> -> memref<32x128xf32, #tpu.memory_space<vmem>>
      tpu.enqueue_dma source(%dma_start3A_241 : memref<32x128xf32, #tpu.memory_space<vmem>>) target(%dma_start3A_238 : memref<32x128xf32, #tpu.memory_space<vmem_shared>>) target_semaphore(%run_scoped3A : memref<!tpu.dma_semaphore, #tpu.memory_space<semaphore_mem>>)
      %dma_wait3A = arith.constant 0 : i32
      %dma_wait3A_242 = arith.constant 0 : i32
      %dma_wait3A_243 = tpu.memref_slice %arg15[%dma_wait3A, %dma_wait3A_242] : memref<32x128xf32, #tpu.memory_space<vmem>> -> memref<32x128xf32, #tpu.memory_space<vmem>>
      %dma_wait3A_244 = arith.constant 0 : i32
      %dma_wait3A_245 = tpu.memref_slice %arg9[%add3A_12, %dma_wait3A_244] : memref<5120x128xf32, #tpu.memory_space<vmem_shared>> -> memref<32x128xf32, #tpu.memory_space<vmem_shared>>
      %dma_wait3A_246 = arith.constant 0 : i32
      %dma_wait3A_247 = tpu.memref_slice %arg9[%add3A_12, %dma_wait3A_246] : memref<5120x128xf32, #tpu.memory_space<vmem_shared>> -> memref<32x128xf32, #tpu.memory_space<vmem_shared>>
      %dma_wait3A_248 = arith.constant 0 : i32
      %dma_wait3A_249 = arith.constant 0 : i32
      %dma_wait3A_250 = tpu.memref_slice %arg15[%dma_wait3A_248, %dma_wait3A_249] : memref<32x128xf32, #tpu.memory_space<vmem>> -> memref<32x128xf32, #tpu.memory_space<vmem>>
      tpu.wait_dma2 semaphore(%run_scoped3A : memref<!tpu.dma_semaphore, #tpu.memory_space<semaphore_mem>>) src(%dma_wait3A_250 : memref<32x128xf32, #tpu.memory_space<vmem>>) dst(%dma_wait3A_247 : memref<32x128xf32, #tpu.memory_space<vmem_shared>>)
      tpu.yield
    }) : () -> ()
    %mul3A_13 = arith.constant 320 : i32
    %mul3A_14 = arith.muli %arg1, %mul3A_13 : i32
    %add3A_15 = arith.constant 64 : i32
    %add3A_16 = arith.addi %mul3A_14, %add3A_15 : i32
    "tpu.region"() ({
      %run_scoped3A = tpu.sem_alloc : memref<!tpu.dma_semaphore, #tpu.memory_space<semaphore_mem>>
      %dma_start3A = arith.constant 0 : i32
      %dma_start3A_233 = arith.constant 0 : i32
      %dma_start3A_234 = tpu.memref_slice %arg15[%dma_start3A, %dma_start3A_233] : memref<32x128xf32, #tpu.memory_space<vmem>> -> memref<32x128xf32, #tpu.memory_space<vmem>>
      %dma_start3A_235 = arith.constant 0 : i32
      %dma_start3A_236 = tpu.memref_slice %arg9[%add3A_16, %dma_start3A_235] : memref<5120x128xf32, #tpu.memory_space<vmem_shared>> -> memref<32x128xf32, #tpu.memory_space<vmem_shared>>
      %dma_start3A_237 = arith.constant 0 : i32
      %dma_start3A_238 = tpu.memref_slice %arg9[%add3A_16, %dma_start3A_237] : memref<5120x128xf32, #tpu.memory_space<vmem_shared>> -> memref<32x128xf32, #tpu.memory_space<vmem_shared>>
      %dma_start3A_239 = arith.constant 0 : i32
      %dma_start3A_240 = arith.constant 0 : i32
      %dma_start3A_241 = tpu.memref_slice %arg15[%dma_start3A_239, %dma_start3A_240] : memref<32x128xf32, #tpu.memory_space<vmem>> -> memref<32x128xf32, #tpu.memory_space<vmem>>
      tpu.enqueue_dma source(%dma_start3A_241 : memref<32x128xf32, #tpu.memory_space<vmem>>) target(%dma_start3A_238 : memref<32x128xf32, #tpu.memory_space<vmem_shared>>) target_semaphore(%run_scoped3A : memref<!tpu.dma_semaphore, #tpu.memory_space<semaphore_mem>>)
      %dma_wait3A = arith.constant 0 : i32
      %dma_wait3A_242 = arith.constant 0 : i32
      %dma_wait3A_243 = tpu.memref_slice %arg15[%dma_wait3A, %dma_wait3A_242] : memref<32x128xf32, #tpu.memory_space<vmem>> -> memref<32x128xf32, #tpu.memory_space<vmem>>
      %dma_wait3A_244 = arith.constant 0 : i32
      %dma_wait3A_245 = tpu.memref_slice %arg9[%add3A_16, %dma_wait3A_244] : memref<5120x128xf32, #tpu.memory_space<vmem_shared>> -> memref<32x128xf32, #tpu.memory_space<vmem_shared>>
      %dma_wait3A_246 = arith.constant 0 : i32
      %dma_wait3A_247 = tpu.memref_slice %arg9[%add3A_16, %dma_wait3A_246] : memref<5120x128xf32, #tpu.memory_space<vmem_shared>> -> memref<32x128xf32, #tpu.memory_space<vmem_shared>>
      %dma_wait3A_248 = arith.constant 0 : i32
      %dma_wait3A_249 = arith.constant 0 : i32
      %dma_wait3A_250 = tpu.memref_slice %arg15[%dma_wait3A_248, %dma_wait3A_249] : memref<32x128xf32, #tpu.memory_space<vmem>> -> memref<32x128xf32, #tpu.memory_space<vmem>>
      tpu.wait_dma2 semaphore(%run_scoped3A : memref<!tpu.dma_semaphore, #tpu.memory_space<semaphore_mem>>) src(%dma_wait3A_250 : memref<32x128xf32, #tpu.memory_space<vmem>>) dst(%dma_wait3A_247 : memref<32x128xf32, #tpu.memory_space<vmem_shared>>)
      tpu.yield
    }) : () -> ()
    %mul3A_17 = arith.constant 320 : i32
    %mul3A_18 = arith.muli %arg1, %mul3A_17 : i32
    %add3A_19 = arith.constant 96 : i32
    %add3A_20 = arith.addi %mul3A_18, %add3A_19 : i32
    "tpu.region"() ({
      %run_scoped3A = tpu.sem_alloc : memref<!tpu.dma_semaphore, #tpu.memory_space<semaphore_mem>>
      %dma_start3A = arith.constant 0 : i32
      %dma_start3A_233 = arith.constant 0 : i32
      %dma_start3A_234 = tpu.memref_slice %arg15[%dma_start3A, %dma_start3A_233] : memref<32x128xf32, #tpu.memory_space<vmem>> -> memref<32x128xf32, #tpu.memory_space<vmem>>
      %dma_start3A_235 = arith.constant 0 : i32
      %dma_start3A_236 = tpu.memref_slice %arg9[%add3A_20, %dma_start3A_235] : memref<5120x128xf32, #tpu.memory_space<vmem_shared>> -> memref<32x128xf32, #tpu.memory_space<vmem_shared>>
      %dma_start3A_237 = arith.constant 0 : i32
      %dma_start3A_238 = tpu.memref_slice %arg9[%add3A_20, %dma_start3A_237] : memref<5120x128xf32, #tpu.memory_space<vmem_shared>> -> memref<32x128xf32, #tpu.memory_space<vmem_shared>>
      %dma_start3A_239 = arith.constant 0 : i32
      %dma_start3A_240 = arith.constant 0 : i32
      %dma_start3A_241 = tpu.memref_slice %arg15[%dma_start3A_239, %dma_start3A_240] : memref<32x128xf32, #tpu.memory_space<vmem>> -> memref<32x128xf32, #tpu.memory_space<vmem>>
      tpu.enqueue_dma source(%dma_start3A_241 : memref<32x128xf32, #tpu.memory_space<vmem>>) target(%dma_start3A_238 : memref<32x128xf32, #tpu.memory_space<vmem_shared>>) target_semaphore(%run_scoped3A : memref<!tpu.dma_semaphore, #tpu.memory_space<semaphore_mem>>)
      %dma_wait3A = arith.constant 0 : i32
      %dma_wait3A_242 = arith.constant 0 : i32
      %dma_wait3A_243 = tpu.memref_slice %arg15[%dma_wait3A, %dma_wait3A_242] : memref<32x128xf32, #tpu.memory_space<vmem>> -> memref<32x128xf32, #tpu.memory_space<vmem>>
      %dma_wait3A_244 = arith.constant 0 : i32
      %dma_wait3A_245 = tpu.memref_slice %arg9[%add3A_20, %dma_wait3A_244] : memref<5120x128xf32, #tpu.memory_space<vmem_shared>> -> memref<32x128xf32, #tpu.memory_space<vmem_shared>>
      %dma_wait3A_246 = arith.constant 0 : i32
      %dma_wait3A_247 = tpu.memref_slice %arg9[%add3A_20, %dma_wait3A_246] : memref<5120x128xf32, #tpu.memory_space<vmem_shared>> -> memref<32x128xf32, #tpu.memory_space<vmem_shared>>
      %dma_wait3A_248 = arith.constant 0 : i32
      %dma_wait3A_249 = arith.constant 0 : i32
      %dma_wait3A_250 = tpu.memref_slice %arg15[%dma_wait3A_248, %dma_wait3A_249] : memref<32x128xf32, #tpu.memory_space<vmem>> -> memref<32x128xf32, #tpu.memory_space<vmem>>
      tpu.wait_dma2 semaphore(%run_scoped3A : memref<!tpu.dma_semaphore, #tpu.memory_space<semaphore_mem>>) src(%dma_wait3A_250 : memref<32x128xf32, #tpu.memory_space<vmem>>) dst(%dma_wait3A_247 : memref<32x128xf32, #tpu.memory_space<vmem_shared>>)
      tpu.yield
    }) : () -> ()
    %mul3A_21 = arith.constant 320 : i32
    %mul3A_22 = arith.muli %arg1, %mul3A_21 : i32
    %add3A_23 = arith.constant 128 : i32
    %add3A_24 = arith.addi %mul3A_22, %add3A_23 : i32
    "tpu.region"() ({
      %run_scoped3A = tpu.sem_alloc : memref<!tpu.dma_semaphore, #tpu.memory_space<semaphore_mem>>
      %dma_start3A = arith.constant 0 : i32
      %dma_start3A_233 = arith.constant 0 : i32
      %dma_start3A_234 = tpu.memref_slice %arg15[%dma_start3A, %dma_start3A_233] : memref<32x128xf32, #tpu.memory_space<vmem>> -> memref<32x128xf32, #tpu.memory_space<vmem>>
      %dma_start3A_235 = arith.constant 0 : i32
      %dma_start3A_236 = tpu.memref_slice %arg9[%add3A_24, %dma_start3A_235] : memref<5120x128xf32, #tpu.memory_space<vmem_shared>> -> memref<32x128xf32, #tpu.memory_space<vmem_shared>>
      %dma_start3A_237 = arith.constant 0 : i32
      %dma_start3A_238 = tpu.memref_slice %arg9[%add3A_24, %dma_start3A_237] : memref<5120x128xf32, #tpu.memory_space<vmem_shared>> -> memref<32x128xf32, #tpu.memory_space<vmem_shared>>
      %dma_start3A_239 = arith.constant 0 : i32
      %dma_start3A_240 = arith.constant 0 : i32
      %dma_start3A_241 = tpu.memref_slice %arg15[%dma_start3A_239, %dma_start3A_240] : memref<32x128xf32, #tpu.memory_space<vmem>> -> memref<32x128xf32, #tpu.memory_space<vmem>>
      tpu.enqueue_dma source(%dma_start3A_241 : memref<32x128xf32, #tpu.memory_space<vmem>>) target(%dma_start3A_238 : memref<32x128xf32, #tpu.memory_space<vmem_shared>>) target_semaphore(%run_scoped3A : memref<!tpu.dma_semaphore, #tpu.memory_space<semaphore_mem>>)
      %dma_wait3A = arith.constant 0 : i32
      %dma_wait3A_242 = arith.constant 0 : i32
      %dma_wait3A_243 = tpu.memref_slice %arg15[%dma_wait3A, %dma_wait3A_242] : memref<32x128xf32, #tpu.memory_space<vmem>> -> memref<32x128xf32, #tpu.memory_space<vmem>>
      %dma_wait3A_244 = arith.constant 0 : i32
      %dma_wait3A_245 = tpu.memref_slice %arg9[%add3A_24, %dma_wait3A_244] : memref<5120x128xf32, #tpu.memory_space<vmem_shared>> -> memref<32x128xf32, #tpu.memory_space<vmem_shared>>
      %dma_wait3A_246 = arith.constant 0 : i32
      %dma_wait3A_247 = tpu.memref_slice %arg9[%add3A_24, %dma_wait3A_246] : memref<5120x128xf32, #tpu.memory_space<vmem_shared>> -> memref<32x128xf32, #tpu.memory_space<vmem_shared>>
      %dma_wait3A_248 = arith.constant 0 : i32
      %dma_wait3A_249 = arith.constant 0 : i32
      %dma_wait3A_250 = tpu.memref_slice %arg15[%dma_wait3A_248, %dma_wait3A_249] : memref<32x128xf32, #tpu.memory_space<vmem>> -> memref<32x128xf32, #tpu.memory_space<vmem>>
      tpu.wait_dma2 semaphore(%run_scoped3A : memref<!tpu.dma_semaphore, #tpu.memory_space<semaphore_mem>>) src(%dma_wait3A_250 : memref<32x128xf32, #tpu.memory_space<vmem>>) dst(%dma_wait3A_247 : memref<32x128xf32, #tpu.memory_space<vmem_shared>>)
      tpu.yield
    }) : () -> ()
    %mul3A_25 = arith.constant 320 : i32
    %mul3A_26 = arith.muli %arg1, %mul3A_25 : i32
    %add3A_27 = arith.constant 160 : i32
    %add3A_28 = arith.addi %mul3A_26, %add3A_27 : i32
    "tpu.region"() ({
      %run_scoped3A = tpu.sem_alloc : memref<!tpu.dma_semaphore, #tpu.memory_space<semaphore_mem>>
      %dma_start3A = arith.constant 0 : i32
      %dma_start3A_233 = arith.constant 0 : i32
      %dma_start3A_234 = tpu.memref_slice %arg15[%dma_start3A, %dma_start3A_233] : memref<32x128xf32, #tpu.memory_space<vmem>> -> memref<32x128xf32, #tpu.memory_space<vmem>>
      %dma_start3A_235 = arith.constant 0 : i32
      %dma_start3A_236 = tpu.memref_slice %arg9[%add3A_28, %dma_start3A_235] : memref<5120x128xf32, #tpu.memory_space<vmem_shared>> -> memref<32x128xf32, #tpu.memory_space<vmem_shared>>
      %dma_start3A_237 = arith.constant 0 : i32
      %dma_start3A_238 = tpu.memref_slice %arg9[%add3A_28, %dma_start3A_237] : memref<5120x128xf32, #tpu.memory_space<vmem_shared>> -> memref<32x128xf32, #tpu.memory_space<vmem_shared>>
      %dma_start3A_239 = arith.constant 0 : i32
      %dma_start3A_240 = arith.constant 0 : i32
      %dma_start3A_241 = tpu.memref_slice %arg15[%dma_start3A_239, %dma_start3A_240] : memref<32x128xf32, #tpu.memory_space<vmem>> -> memref<32x128xf32, #tpu.memory_space<vmem>>
      tpu.enqueue_dma source(%dma_start3A_241 : memref<32x128xf32, #tpu.memory_space<vmem>>) target(%dma_start3A_238 : memref<32x128xf32, #tpu.memory_space<vmem_shared>>) target_semaphore(%run_scoped3A : memref<!tpu.dma_semaphore, #tpu.memory_space<semaphore_mem>>)
      %dma_wait3A = arith.constant 0 : i32
      %dma_wait3A_242 = arith.constant 0 : i32
      %dma_wait3A_243 = tpu.memref_slice %arg15[%dma_wait3A, %dma_wait3A_242] : memref<32x128xf32, #tpu.memory_space<vmem>> -> memref<32x128xf32, #tpu.memory_space<vmem>>
      %dma_wait3A_244 = arith.constant 0 : i32
      %dma_wait3A_245 = tpu.memref_slice %arg9[%add3A_28, %dma_wait3A_244] : memref<5120x128xf32, #tpu.memory_space<vmem_shared>> -> memref<32x128xf32, #tpu.memory_space<vmem_shared>>
      %dma_wait3A_246 = arith.constant 0 : i32
      %dma_wait3A_247 = tpu.memref_slice %arg9[%add3A_28, %dma_wait3A_246] : memref<5120x128xf32, #tpu.memory_space<vmem_shared>> -> memref<32x128xf32, #tpu.memory_space<vmem_shared>>
      %dma_wait3A_248 = arith.constant 0 : i32
      %dma_wait3A_249 = arith.constant 0 : i32
      %dma_wait3A_250 = tpu.memref_slice %arg15[%dma_wait3A_248, %dma_wait3A_249] : memref<32x128xf32, #tpu.memory_space<vmem>> -> memref<32x128xf32, #tpu.memory_space<vmem>>
      tpu.wait_dma2 semaphore(%run_scoped3A : memref<!tpu.dma_semaphore, #tpu.memory_space<semaphore_mem>>) src(%dma_wait3A_250 : memref<32x128xf32, #tpu.memory_space<vmem>>) dst(%dma_wait3A_247 : memref<32x128xf32, #tpu.memory_space<vmem_shared>>)
      tpu.yield
    }) : () -> ()
    %mul3A_29 = arith.constant 320 : i32
    %mul3A_30 = arith.muli %arg1, %mul3A_29 : i32
    %add3A_31 = arith.constant 192 : i32
    %add3A_32 = arith.addi %mul3A_30, %add3A_31 : i32
    "tpu.region"() ({
      %run_scoped3A = tpu.sem_alloc : memref<!tpu.dma_semaphore, #tpu.memory_space<semaphore_mem>>
      %dma_start3A = arith.constant 0 : i32
      %dma_start3A_233 = arith.constant 0 : i32
      %dma_start3A_234 = tpu.memref_slice %arg15[%dma_start3A, %dma_start3A_233] : memref<32x128xf32, #tpu.memory_space<vmem>> -> memref<32x128xf32, #tpu.memory_space<vmem>>
      %dma_start3A_235 = arith.constant 0 : i32
      %dma_start3A_236 = tpu.memref_slice %arg9[%add3A_32, %dma_start3A_235] : memref<5120x128xf32, #tpu.memory_space<vmem_shared>> -> memref<32x128xf32, #tpu.memory_space<vmem_shared>>
      %dma_start3A_237 = arith.constant 0 : i32
      %dma_start3A_238 = tpu.memref_slice %arg9[%add3A_32, %dma_start3A_237] : memref<5120x128xf32, #tpu.memory_space<vmem_shared>> -> memref<32x128xf32, #tpu.memory_space<vmem_shared>>
      %dma_start3A_239 = arith.constant 0 : i32
      %dma_start3A_240 = arith.constant 0 : i32
      %dma_start3A_241 = tpu.memref_slice %arg15[%dma_start3A_239, %dma_start3A_240] : memref<32x128xf32, #tpu.memory_space<vmem>> -> memref<32x128xf32, #tpu.memory_space<vmem>>
      tpu.enqueue_dma source(%dma_start3A_241 : memref<32x128xf32, #tpu.memory_space<vmem>>) target(%dma_start3A_238 : memref<32x128xf32, #tpu.memory_space<vmem_shared>>) target_semaphore(%run_scoped3A : memref<!tpu.dma_semaphore, #tpu.memory_space<semaphore_mem>>)
      %dma_wait3A = arith.constant 0 : i32
      %dma_wait3A_242 = arith.constant 0 : i32
      %dma_wait3A_243 = tpu.memref_slice %arg15[%dma_wait3A, %dma_wait3A_242] : memref<32x128xf32, #tpu.memory_space<vmem>> -> memref<32x128xf32, #tpu.memory_space<vmem>>
      %dma_wait3A_244 = arith.constant 0 : i32
      %dma_wait3A_245 = tpu.memref_slice %arg9[%add3A_32, %dma_wait3A_244] : memref<5120x128xf32, #tpu.memory_space<vmem_shared>> -> memref<32x128xf32, #tpu.memory_space<vmem_shared>>
      %dma_wait3A_246 = arith.constant 0 : i32
      %dma_wait3A_247 = tpu.memref_slice %arg9[%add3A_32, %dma_wait3A_246] : memref<5120x128xf32, #tpu.memory_space<vmem_shared>> -> memref<32x128xf32, #tpu.memory_space<vmem_shared>>
      %dma_wait3A_248 = arith.constant 0 : i32
      %dma_wait3A_249 = arith.constant 0 : i32
      %dma_wait3A_250 = tpu.memref_slice %arg15[%dma_wait3A_248, %dma_wait3A_249] : memref<32x128xf32, #tpu.memory_space<vmem>> -> memref<32x128xf32, #tpu.memory_space<vmem>>
      tpu.wait_dma2 semaphore(%run_scoped3A : memref<!tpu.dma_semaphore, #tpu.memory_space<semaphore_mem>>) src(%dma_wait3A_250 : memref<32x128xf32, #tpu.memory_space<vmem>>) dst(%dma_wait3A_247 : memref<32x128xf32, #tpu.memory_space<vmem_shared>>)
      tpu.yield
    }) : () -> ()
    %mul3A_33 = arith.constant 320 : i32
    %mul3A_34 = arith.muli %arg1, %mul3A_33 : i32
    %add3A_35 = arith.constant 224 : i32
    %add3A_36 = arith.addi %mul3A_34, %add3A_35 : i32
    "tpu.region"() ({
      %run_scoped3A = tpu.sem_alloc : memref<!tpu.dma_semaphore, #tpu.memory_space<semaphore_mem>>
      %dma_start3A = arith.constant 0 : i32
      %dma_start3A_233 = arith.constant 0 : i32
      %dma_start3A_234 = tpu.memref_slice %arg15[%dma_start3A, %dma_start3A_233] : memref<32x128xf32, #tpu.memory_space<vmem>> -> memref<32x128xf32, #tpu.memory_space<vmem>>
      %dma_start3A_235 = arith.constant 0 : i32
      %dma_start3A_236 = tpu.memref_slice %arg9[%add3A_36, %dma_start3A_235] : memref<5120x128xf32, #tpu.memory_space<vmem_shared>> -> memref<32x128xf32, #tpu.memory_space<vmem_shared>>
      %dma_start3A_237 = arith.constant 0 : i32
      %dma_start3A_238 = tpu.memref_slice %arg9[%add3A_36, %dma_start3A_237] : memref<5120x128xf32, #tpu.memory_space<vmem_shared>> -> memref<32x128xf32, #tpu.memory_space<vmem_shared>>
      %dma_start3A_239 = arith.constant 0 : i32
      %dma_start3A_240 = arith.constant 0 : i32
      %dma_start3A_241 = tpu.memref_slice %arg15[%dma_start3A_239, %dma_start3A_240] : memref<32x128xf32, #tpu.memory_space<vmem>> -> memref<32x128xf32, #tpu.memory_space<vmem>>
      tpu.enqueue_dma source(%dma_start3A_241 : memref<32x128xf32, #tpu.memory_space<vmem>>) target(%dma_start3A_238 : memref<32x128xf32, #tpu.memory_space<vmem_shared>>) target_semaphore(%run_scoped3A : memref<!tpu.dma_semaphore, #tpu.memory_space<semaphore_mem>>)
      %dma_wait3A = arith.constant 0 : i32
      %dma_wait3A_242 = arith.constant 0 : i32
      %dma_wait3A_243 = tpu.memref_slice %arg15[%dma_wait3A, %dma_wait3A_242] : memref<32x128xf32, #tpu.memory_space<vmem>> -> memref<32x128xf32, #tpu.memory_space<vmem>>
      %dma_wait3A_244 = arith.constant 0 : i32
      %dma_wait3A_245 = tpu.memref_slice %arg9[%add3A_36, %dma_wait3A_244] : memref<5120x128xf32, #tpu.memory_space<vmem_shared>> -> memref<32x128xf32, #tpu.memory_space<vmem_shared>>
      %dma_wait3A_246 = arith.constant 0 : i32
      %dma_wait3A_247 = tpu.memref_slice %arg9[%add3A_36, %dma_wait3A_246] : memref<5120x128xf32, #tpu.memory_space<vmem_shared>> -> memref<32x128xf32, #tpu.memory_space<vmem_shared>>
      %dma_wait3A_248 = arith.constant 0 : i32
      %dma_wait3A_249 = arith.constant 0 : i32
      %dma_wait3A_250 = tpu.memref_slice %arg15[%dma_wait3A_248, %dma_wait3A_249] : memref<32x128xf32, #tpu.memory_space<vmem>> -> memref<32x128xf32, #tpu.memory_space<vmem>>
      tpu.wait_dma2 semaphore(%run_scoped3A : memref<!tpu.dma_semaphore, #tpu.memory_space<semaphore_mem>>) src(%dma_wait3A_250 : memref<32x128xf32, #tpu.memory_space<vmem>>) dst(%dma_wait3A_247 : memref<32x128xf32, #tpu.memory_space<vmem_shared>>)
      tpu.yield
    }) : () -> ()
    %mul3A_37 = arith.constant 320 : i32
    %mul3A_38 = arith.muli %arg1, %mul3A_37 : i32
    %add3A_39 = arith.constant 256 : i32
    %add3A_40 = arith.addi %mul3A_38, %add3A_39 : i32
    "tpu.region"() ({
      %run_scoped3A = tpu.sem_alloc : memref<!tpu.dma_semaphore, #tpu.memory_space<semaphore_mem>>
      %dma_start3A = arith.constant 0 : i32
      %dma_start3A_233 = arith.constant 0 : i32
      %dma_start3A_234 = tpu.memref_slice %arg15[%dma_start3A, %dma_start3A_233] : memref<32x128xf32, #tpu.memory_space<vmem>> -> memref<32x128xf32, #tpu.memory_space<vmem>>
      %dma_start3A_235 = arith.constant 0 : i32
      %dma_start3A_236 = tpu.memref_slice %arg9[%add3A_40, %dma_start3A_235] : memref<5120x128xf32, #tpu.memory_space<vmem_shared>> -> memref<32x128xf32, #tpu.memory_space<vmem_shared>>
      %dma_start3A_237 = arith.constant 0 : i32
      %dma_start3A_238 = tpu.memref_slice %arg9[%add3A_40, %dma_start3A_237] : memref<5120x128xf32, #tpu.memory_space<vmem_shared>> -> memref<32x128xf32, #tpu.memory_space<vmem_shared>>
      %dma_start3A_239 = arith.constant 0 : i32
      %dma_start3A_240 = arith.constant 0 : i32
      %dma_start3A_241 = tpu.memref_slice %arg15[%dma_start3A_239, %dma_start3A_240] : memref<32x128xf32, #tpu.memory_space<vmem>> -> memref<32x128xf32, #tpu.memory_space<vmem>>
      tpu.enqueue_dma source(%dma_start3A_241 : memref<32x128xf32, #tpu.memory_space<vmem>>) target(%dma_start3A_238 : memref<32x128xf32, #tpu.memory_space<vmem_shared>>) target_semaphore(%run_scoped3A : memref<!tpu.dma_semaphore, #tpu.memory_space<semaphore_mem>>)
      %dma_wait3A = arith.constant 0 : i32
      %dma_wait3A_242 = arith.constant 0 : i32
      %dma_wait3A_243 = tpu.memref_slice %arg15[%dma_wait3A, %dma_wait3A_242] : memref<32x128xf32, #tpu.memory_space<vmem>> -> memref<32x128xf32, #tpu.memory_space<vmem>>
      %dma_wait3A_244 = arith.constant 0 : i32
      %dma_wait3A_245 = tpu.memref_slice %arg9[%add3A_40, %dma_wait3A_244] : memref<5120x128xf32, #tpu.memory_space<vmem_shared>> -> memref<32x128xf32, #tpu.memory_space<vmem_shared>>
      %dma_wait3A_246 = arith.constant 0 : i32
      %dma_wait3A_247 = tpu.memref_slice %arg9[%add3A_40, %dma_wait3A_246] : memref<5120x128xf32, #tpu.memory_space<vmem_shared>> -> memref<32x128xf32, #tpu.memory_space<vmem_shared>>
      %dma_wait3A_248 = arith.constant 0 : i32
      %dma_wait3A_249 = arith.constant 0 : i32
      %dma_wait3A_250 = tpu.memref_slice %arg15[%dma_wait3A_248, %dma_wait3A_249] : memref<32x128xf32, #tpu.memory_space<vmem>> -> memref<32x128xf32, #tpu.memory_space<vmem>>
      tpu.wait_dma2 semaphore(%run_scoped3A : memref<!tpu.dma_semaphore, #tpu.memory_space<semaphore_mem>>) src(%dma_wait3A_250 : memref<32x128xf32, #tpu.memory_space<vmem>>) dst(%dma_wait3A_247 : memref<32x128xf32, #tpu.memory_space<vmem_shared>>)
      tpu.yield
    }) : () -> ()
    %mul3A_41 = arith.constant 320 : i32
    %mul3A_42 = arith.muli %arg1, %mul3A_41 : i32
    %add3A_43 = arith.constant 288 : i32
    %add3A_44 = arith.addi %mul3A_42, %add3A_43 : i32
    "tpu.region"() ({
      %run_scoped3A = tpu.sem_alloc : memref<!tpu.dma_semaphore, #tpu.memory_space<semaphore_mem>>
      %dma_start3A = arith.constant 0 : i32
      %dma_start3A_233 = arith.constant 0 : i32
      %dma_start3A_234 = tpu.memref_slice %arg15[%dma_start3A, %dma_start3A_233] : memref<32x128xf32, #tpu.memory_space<vmem>> -> memref<32x128xf32, #tpu.memory_space<vmem>>
      %dma_start3A_235 = arith.constant 0 : i32
      %dma_start3A_236 = tpu.memref_slice %arg9[%add3A_44, %dma_start3A_235] : memref<5120x128xf32, #tpu.memory_space<vmem_shared>> -> memref<32x128xf32, #tpu.memory_space<vmem_shared>>
      %dma_start3A_237 = arith.constant 0 : i32
      %dma_start3A_238 = tpu.memref_slice %arg9[%add3A_44, %dma_start3A_237] : memref<5120x128xf32, #tpu.memory_space<vmem_shared>> -> memref<32x128xf32, #tpu.memory_space<vmem_shared>>
      %dma_start3A_239 = arith.constant 0 : i32
      %dma_start3A_240 = arith.constant 0 : i32
      %dma_start3A_241 = tpu.memref_slice %arg15[%dma_start3A_239, %dma_start3A_240] : memref<32x128xf32, #tpu.memory_space<vmem>> -> memref<32x128xf32, #tpu.memory_space<vmem>>
      tpu.enqueue_dma source(%dma_start3A_241 : memref<32x128xf32, #tpu.memory_space<vmem>>) target(%dma_start3A_238 : memref<32x128xf32, #tpu.memory_space<vmem_shared>>) target_semaphore(%run_scoped3A : memref<!tpu.dma_semaphore, #tpu.memory_space<semaphore_mem>>)
      %dma_wait3A = arith.constant 0 : i32
      %dma_wait3A_242 = arith.constant 0 : i32
      %dma_wait3A_243 = tpu.memref_slice %arg15[%dma_wait3A, %dma_wait3A_242] : memref<32x128xf32, #tpu.memory_space<vmem>> -> memref<32x128xf32, #tpu.memory_space<vmem>>
      %dma_wait3A_244 = arith.constant 0 : i32
      %dma_wait3A_245 = tpu.memref_slice %arg9[%add3A_44, %dma_wait3A_244] : memref<5120x128xf32, #tpu.memory_space<vmem_shared>> -> memref<32x128xf32, #tpu.memory_space<vmem_shared>>
      %dma_wait3A_246 = arith.constant 0 : i32
      %dma_wait3A_247 = tpu.memref_slice %arg9[%add3A_44, %dma_wait3A_246] : memref<5120x128xf32, #tpu.memory_space<vmem_shared>> -> memref<32x128xf32, #tpu.memory_space<vmem_shared>>
      %dma_wait3A_248 = arith.constant 0 : i32
      %dma_wait3A_249 = arith.constant 0 : i32
      %dma_wait3A_250 = tpu.memref_slice %arg15[%dma_wait3A_248, %dma_wait3A_249] : memref<32x128xf32, #tpu.memory_space<vmem>> -> memref<32x128xf32, #tpu.memory_space<vmem>>
      tpu.wait_dma2 semaphore(%run_scoped3A : memref<!tpu.dma_semaphore, #tpu.memory_space<semaphore_mem>>) src(%dma_wait3A_250 : memref<32x128xf32, #tpu.memory_space<vmem>>) dst(%dma_wait3A_247 : memref<32x128xf32, #tpu.memory_space<vmem_shared>>)
      tpu.yield
    }) : () -> ()
    %barrier3A = arith.constant 0 : index
    tpu.barrier barrier_id(%barrier3A)
    %mul3A_45 = arith.constant 20000 : i32
    %mul3A_46 = arith.muli %arg1, %mul3A_45 : i32
    %mul3A_47 = arith.constant 5000 : i32
    %mul3A_48 = arith.muli %arg0, %mul3A_47 : i32
    %scan3A_49 = arith.constant 0 : i32
    %scan3A_50 = arith.constant 0 : i32
    %scan3A_51 = arith.constant 10 : i32
    %scan3A_52 = arith.addi %scan3A_50, %scan3A_51 : i32
    %scan3A_53 = arith.constant 1 : i32
    %scan3A_54 = scf.for %scan3A_233 = %scan3A_50 to %scan3A_52 step %scan3A_53 iter_args(%scan3A_234 = %scan3A_49) -> (i32)  : i32 {
      %mul3A_235 = arith.constant 2000 : i32
      %mul3A_236 = arith.muli %scan3A_233, %mul3A_235 : i32
      %add3A_237 = arith.addi %mul3A_46, %mul3A_236 : i32
      "tpu.region"() ({
        %run_scoped3A = tpu.sem_alloc : memref<!tpu.dma_semaphore, #tpu.memory_space<semaphore_mem>>
        %dma_start3A = tpu.memref_slice %arg2[%add3A_237] : memref<320000xi32, #tpu.memory_space<hbm>> -> memref<2000xi32, #tpu.memory_space<hbm>>
        %dma_start3A_247 = tpu.memref_slice %arg2[%add3A_237] : memref<320000xi32, #tpu.memory_space<hbm>> -> memref<2000xi32, #tpu.memory_space<hbm>>
        tpu.enqueue_dma source(%dma_start3A_247 : memref<2000xi32, #tpu.memory_space<hbm>>) target(%arg10 : memref<2000xi32, #tpu.memory_space<vmem>>) target_semaphore(%run_scoped3A : memref<!tpu.dma_semaphore, #tpu.memory_space<semaphore_mem>>)
        %dma_wait3A = tpu.memref_slice %arg2[%add3A_237] : memref<320000xi32, #tpu.memory_space<hbm>> -> memref<2000xi32, #tpu.memory_space<hbm>>
        %dma_wait3A_248 = tpu.memref_slice %arg2[%add3A_237] : memref<320000xi32, #tpu.memory_space<hbm>> -> memref<2000xi32, #tpu.memory_space<hbm>>
        tpu.wait_dma2 semaphore(%run_scoped3A : memref<!tpu.dma_semaphore, #tpu.memory_space<semaphore_mem>>) src(%dma_wait3A_248 : memref<2000xi32, #tpu.memory_space<hbm>>) dst(%arg10 : memref<2000xi32, #tpu.memory_space<vmem>>)
        tpu.yield
      }) : () -> ()
      %mul3A_238 = arith.constant 2000 : i32
      %mul3A_239 = arith.muli %scan3A_233, %mul3A_238 : i32
      %add3A_240 = arith.addi %mul3A_46, %mul3A_239 : i32
      "tpu.region"() ({
        %run_scoped3A = tpu.sem_alloc : memref<!tpu.dma_semaphore, #tpu.memory_space<semaphore_mem>>
        %dma_start3A = tpu.memref_slice %arg3[%add3A_240] : memref<320000xi32, #tpu.memory_space<hbm>> -> memref<2000xi32, #tpu.memory_space<hbm>>
        %dma_start3A_247 = tpu.memref_slice %arg3[%add3A_240] : memref<320000xi32, #tpu.memory_space<hbm>> -> memref<2000xi32, #tpu.memory_space<hbm>>
        tpu.enqueue_dma source(%dma_start3A_247 : memref<2000xi32, #tpu.memory_space<hbm>>) target(%arg11 : memref<2000xi32, #tpu.memory_space<vmem>>) target_semaphore(%run_scoped3A : memref<!tpu.dma_semaphore, #tpu.memory_space<semaphore_mem>>)
        %dma_wait3A = tpu.memref_slice %arg3[%add3A_240] : memref<320000xi32, #tpu.memory_space<hbm>> -> memref<2000xi32, #tpu.memory_space<hbm>>
        %dma_wait3A_248 = tpu.memref_slice %arg3[%add3A_240] : memref<320000xi32, #tpu.memory_space<hbm>> -> memref<2000xi32, #tpu.memory_space<hbm>>
        tpu.wait_dma2 semaphore(%run_scoped3A : memref<!tpu.dma_semaphore, #tpu.memory_space<semaphore_mem>>) src(%dma_wait3A_248 : memref<2000xi32, #tpu.memory_space<hbm>>) dst(%arg11 : memref<2000xi32, #tpu.memory_space<vmem>>)
        tpu.yield
      }) : () -> ()
      %scan3A_241 = arith.constant 0 : i32
      %scan3A_242 = arith.constant 125 : i32
      %scan3A_243 = arith.addi %scan3A_241, %scan3A_242 : i32
      %scan3A_244 = arith.constant 1 : i32
      %scan3A_245 = scf.for %scan3A_247 = %scan3A_241 to %scan3A_243 step %scan3A_244 iter_args(%scan3A_248 = %scan3A_234) -> (i32)  : i32 {
        %mul3A_249 = arith.constant 16 : i32
        %mul3A_250 = arith.muli %scan3A_247, %mul3A_249 : i32
        %get3A_251 = arith.index_cast %mul3A_250 : i32 to index
        %get3A_252 = tpu.vector_load %arg11[%get3A_251] {strides = array<i32>} : memref<2000xi32, #tpu.memory_space<vmem>>, vector<16xi32>,
        %mul3A_253 = arith.constant 16 : i32
        %mul3A_254 = arith.muli %scan3A_247, %mul3A_253 : i32
        %get3A_255 = arith.index_cast %mul3A_254 : i32 to index
        %get3A_256 = tpu.vector_load %arg10[%get3A_255] {strides = array<i32>} : memref<2000xi32, #tpu.memory_space<vmem>>, vector<16xi32>,
        %sub3A_257 = vector.broadcast %mul3A_48 : i32 to vector<16xi32>
        %sub3A_258 = arith.subi %get3A_252, %sub3A_257 : vector<16xi32>
        %ge3A = arith.constant 0 : i32
        %ge3A_259 = vector.broadcast %ge3A : i32 to vector<16xi32>
        %ge3A_260 = arith.cmpi sge, %sub3A_258, %ge3A_259 : vector<16xi32>
        %lt3A = arith.constant 5000 : i32
        %lt3A_261 = vector.broadcast %lt3A : i32 to vector<16xi32>
        %lt3A_262 = arith.cmpi slt, %sub3A_258, %lt3A_261 : vector<16xi32>
        %and3A_263 = arith.andi %ge3A_260, %lt3A_262 : vector<16xi1>
        %convert_element_type3A_264 = arith.extui %and3A_263 : vector<16xi1> to vector<16xi32>
        %broadcast_in_dim3A_265 = arith.constant true
        %broadcast_in_dim3A_266 = vector.broadcast %broadcast_in_dim3A_265 : i1 to vector<16xi1>
        %masked_cumsum3A = tpu.scan <sum>, %convert_element_type3A_264 masked %broadcast_in_dim3A_266 : vector<16xi32>, vector<16xi1> -> vector<16xi32>
        %add3A_267 = vector.broadcast %scan3A_248 : i32 to vector<16xi32>
        %add3A_268 = arith.addi %add3A_267, %masked_cumsum3A : vector<16xi32>
        %sub3A_269 = arith.constant 1 : i32
        %sub3A_270 = vector.broadcast %sub3A_269 : i32 to vector<16xi32>
        %sub3A_271 = arith.subi %add3A_268, %sub3A_270 : vector<16xi32>
        %add3A_272 = arith.constant 20368 : i32
        %add3A_273 = vector.broadcast %add3A_272 : i32 to vector<16xi32>
        %add3A_274 = arith.addi %add3A_273, %iota3A : vector<16xi32>
        %select_n3A_275 = arith.select %and3A_263, %sub3A_271, %add3A_274 : vector<16xi1>, vector<16xi32>
        %mul3A_276 = arith.constant 8192 : i32
        %mul3A_277 = vector.broadcast %mul3A_276 : i32 to vector<16xi32>
        %mul3A_278 = arith.muli %get3A_256, %mul3A_277 : vector<16xi32>
        %add3A_279 = arith.addi %mul3A_278, %sub3A_258 : vector<16xi32>
        tpu.vector_store_idx %arg12[%select_n3A_275], %add3A_279 : memref<20384xi32, #tpu.memory_space<vmem>>[vector<16xi32>], vector<16xi32>,
        %slice3A = vector.extract_strided_slice %masked_cumsum3A {offsets = [15], sizes = [1], strides = [1]} : vector<16xi32> to vector<1xi32>
        %squeeze3A = vector.extract %slice3A[0] : i32 from vector<1xi32>
        %add3A_280 = arith.addi %scan3A_248, %squeeze3A : i32
        scf.yield %add3A_280 : i32
      }
      %scan3A_246 = arith.constant 125 : i32
      scf.yield %scan3A_245 : i32
    }
    %scan3A_55 = arith.constant 10 : i32
    %scan3A_56 = arith.constant 0 : i32
    %scan3A_57 = arith.constant 20 : i32
    %scan3A_58 = arith.addi %scan3A_56, %scan3A_57 : i32
    %scan3A_59 = arith.constant 1 : i32
    scf.for %scan3A_233 = %scan3A_56 to %scan3A_58 step %scan3A_59  : i32 {
      %mul3A_234 = arith.constant 320 : i32
      %mul3A_235 = arith.muli %arg1, %mul3A_234 : i32
      %mul3A_236 = arith.constant 16 : i32
      %mul3A_237 = arith.muli %scan3A_233, %mul3A_236 : i32
      %add3A_238 = arith.addi %mul3A_235, %mul3A_237 : i32
      %add3A_239 = vector.broadcast %add3A_238 : i32 to vector<16xi32>
      %add3A_240 = arith.addi %add3A_239, %iota3A : vector<16xi32>
      %lt3A = arith.constant 5000 : i32
      %lt3A_241 = vector.broadcast %lt3A : i32 to vector<16xi32>
      %lt3A_242 = arith.cmpi slt, %add3A_240, %lt3A_241 : vector<16xi32>
      %add3A_243 = vector.broadcast %mul3A_48 : i32 to vector<16xi32>
      %add3A_244 = arith.addi %add3A_243, %add3A_240 : vector<16xi32>
      %mul3A_245 = arith.constant 8192 : i32
      %mul3A_246 = vector.broadcast %mul3A_245 : i32 to vector<16xi32>
      %mul3A_247 = arith.muli %add3A_244, %mul3A_246 : vector<16xi32>
      %add3A_248 = arith.addi %mul3A_247, %add3A_240 : vector<16xi32>
      %add3A_249 = arith.constant 5000 : i32
      %add3A_250 = vector.broadcast %add3A_249 : i32 to vector<16xi32>
      %add3A_251 = arith.addi %add3A_250, %iota3A : vector<16xi32>
      %select_n3A_252 = arith.select %lt3A_242, %add3A_248, %add3A_251 : vector<16xi1>, vector<16xi32>
      %mul3A_253 = arith.constant 16 : i32
      %mul3A_254 = arith.muli %scan3A_233, %mul3A_253 : i32
      %add3A_255 = arith.addi %scan3A_54, %mul3A_254 : i32
      %add3A_256 = vector.broadcast %add3A_255 : i32 to vector<16xi32>
      %add3A_257 = arith.addi %add3A_256, %iota3A : vector<16xi32>
      tpu.vector_store_idx %arg12[%add3A_257], %select_n3A_252 : memref<20384xi32, #tpu.memory_space<vmem>>[vector<16xi32>], vector<16xi32>,
    }
    %scan3A_60 = arith.constant 20 : i32
    %add3A_61 = arith.constant 320 : i32
    %add3A_62 = arith.addi %scan3A_54, %add3A_61 : i32
    %add3A_63 = arith.constant 32 : i32
    %add3A_64 = arith.addi %add3A_62, %add3A_63 : i32
    %sub3A = arith.constant 1 : i32
    %sub3A_65 = arith.subi %add3A_64, %sub3A : i32
    %jit3A = arith.constant 32 : i32
    %div3A = arith.divsi %sub3A_65, %jit3A : i32
    %sign3A = arith.constant 0 : i32
    %sign3A_66 = arith.cmpi sgt, %sub3A_65, %sign3A : i32
    %sign3A_67 = arith.extui %sign3A_66 : i1 to i32
    %sign3A_68 = arith.constant 0 : i32
    %sign3A_69 = arith.cmpi slt, %sub3A_65, %sign3A_68 : i32
    %sign3A_70 = arith.extui %sign3A_69 : i1 to i32
    %sign3A_71 = arith.subi %sign3A_67, %sign3A_70 : i32
    %sign3A_72 = arith.constant 0 : i32
    %sign3A_73 = arith.cmpi sgt, %jit3A, %sign3A_72 : i32
    %sign3A_74 = arith.extui %sign3A_73 : i1 to i32
    %sign3A_75 = arith.constant 0 : i32
    %sign3A_76 = arith.cmpi slt, %jit3A, %sign3A_75 : i32
    %sign3A_77 = arith.extui %sign3A_76 : i1 to i32
    %sign3A_78 = arith.subi %sign3A_74, %sign3A_77 : i32
    %ne3A = arith.cmpi ne, %sign3A_71, %sign3A_78 : i32
    %rem3A = arith.remsi %sub3A_65, %jit3A : i32
    %ne3A_79 = arith.constant 0 : i32
    %ne3A_80 = arith.cmpi ne, %rem3A, %ne3A_79 : i32
    %and3A = arith.andi %ne3A, %ne3A_80 : i1
    %sub3A_81 = arith.constant 1 : i32
    %sub3A_82 = arith.subi %div3A, %sub3A_81 : i32
    %select_n3A = arith.select %and3A, %sub3A_82, %div3A : i32
    %mul3A_83 = arith.constant 32 : i32
    %mul3A_84 = arith.muli %select_n3A, %mul3A_83 : i32
    %add3A_85 = arith.constant 5000 : i32
    %add3A_86 = vector.broadcast %add3A_85 : i32 to vector<16xi32>
    %add3A_87 = arith.addi %iota3A, %add3A_86 : vector<16xi32>
    %sub3A_88 = arith.subi %mul3A_84, %add3A_62 : i32
    %add3A_89 = arith.constant 16 : i32
    %add3A_90 = arith.addi %sub3A_88, %add3A_89 : i32
    %sub3A_91 = arith.constant 1 : i32
    %sub3A_92 = arith.subi %add3A_90, %sub3A_91 : i32
    %jit3A_93 = arith.constant 16 : i32
    %div3A_94 = arith.divsi %sub3A_92, %jit3A_93 : i32
    %sign3A_95 = arith.constant 0 : i32
    %sign3A_96 = arith.cmpi sgt, %sub3A_92, %sign3A_95 : i32
    %sign3A_97 = arith.extui %sign3A_96 : i1 to i32
    %sign3A_98 = arith.constant 0 : i32
    %sign3A_99 = arith.cmpi slt, %sub3A_92, %sign3A_98 : i32
    %sign3A_100 = arith.extui %sign3A_99 : i1 to i32
    %sign3A_101 = arith.subi %sign3A_97, %sign3A_100 : i32
    %sign3A_102 = arith.constant 0 : i32
    %sign3A_103 = arith.cmpi sgt, %jit3A_93, %sign3A_102 : i32
    %sign3A_104 = arith.extui %sign3A_103 : i1 to i32
    %sign3A_105 = arith.constant 0 : i32
    %sign3A_106 = arith.cmpi slt, %jit3A_93, %sign3A_105 : i32
    %sign3A_107 = arith.extui %sign3A_106 : i1 to i32
    %sign3A_108 = arith.subi %sign3A_104, %sign3A_107 : i32
    %ne3A_109 = arith.cmpi ne, %sign3A_101, %sign3A_108 : i32
    %rem3A_110 = arith.remsi %sub3A_92, %jit3A_93 : i32
    %ne3A_111 = arith.constant 0 : i32
    %ne3A_112 = arith.cmpi ne, %rem3A_110, %ne3A_111 : i32
    %and3A_113 = arith.andi %ne3A_109, %ne3A_112 : i1
    %sub3A_114 = arith.constant 1 : i32
    %sub3A_115 = arith.subi %div3A_94, %sub3A_114 : i32
    %select_n3A_116 = arith.select %and3A_113, %sub3A_115, %div3A_94 : i32
    %while3A = arith.constant 0 : i32
    %while3A_117 = arith.constant 0 : i32
    %while3A_118 = arith.subi %select_n3A_116, %while3A : i32
    %while3A_119 = arith.addi %while3A, %while3A_118 : i32
    %while3A_120 = arith.constant 1 : i32
    %while3A_121 = arith.divsi %while3A_118, %while3A_120 : i32
    %while3A_122 = arith.muli %while3A_121, %while3A_120 : i32
    %while3A_123 = arith.addi %while3A, %while3A_122 : i32
    %while3A_124 = arith.constant 1 : i32
    %while3A_125 = scf.for %while3A_233 = %while3A to %while3A_123 step %while3A_124 iter_args(%while3A_234 = %while3A_117) -> (i32)  : i32 {
      %mul3A_235 = arith.constant 16 : i32
      %mul3A_236 = arith.muli %while3A_233, %mul3A_235 : i32
      %add3A_237 = arith.addi %add3A_62, %mul3A_236 : i32
      %swap3A = arith.index_cast %add3A_237 : i32 to index
      %swap3A_238 = tpu.vector_load %arg12[%swap3A] {strides = array<i32>} : memref<20384xi32, #tpu.memory_space<vmem>>, vector<16xi32>,
      tpu.vector_store %arg12[%swap3A], %add3A_87 {strides = array<i32>} : memref<20384xi32, #tpu.memory_space<vmem>>, vector<16xi32>,
      %while3A_239 = arith.constant 0 : i32
      scf.yield %while3A_239 : i32
    }
    %while3A_126 = arith.constant 1 : i32
    %while3A_127 = scf.for %while3A_233 = %while3A_123 to %while3A_119 step %while3A_126 iter_args(%while3A_234 = %while3A_125) -> (i32)  : i32 {
      %mul3A_235 = arith.constant 16 : i32
      %mul3A_236 = arith.muli %while3A_233, %mul3A_235 : i32
      %add3A_237 = arith.addi %add3A_62, %mul3A_236 : i32
      %swap3A = arith.index_cast %add3A_237 : i32 to index
      %swap3A_238 = tpu.vector_load %arg12[%swap3A] {strides = array<i32>} : memref<20384xi32, #tpu.memory_space<vmem>>, vector<16xi32>,
      tpu.vector_store %arg12[%swap3A], %add3A_87 {strides = array<i32>} : memref<20384xi32, #tpu.memory_space<vmem>>, vector<16xi32>,
      %while3A_239 = arith.constant 0 : i32
      scf.yield %while3A_239 : i32
    }
    %jit3A_128 = arith.constant 32 : i32
    %div3A_129 = arith.divsi %mul3A_84, %jit3A_128 : i32
    %sign3A_130 = arith.constant 0 : i32
    %sign3A_131 = arith.cmpi sgt, %mul3A_84, %sign3A_130 : i32
    %sign3A_132 = arith.extui %sign3A_131 : i1 to i32
    %sign3A_133 = arith.constant 0 : i32
    %sign3A_134 = arith.cmpi slt, %mul3A_84, %sign3A_133 : i32
    %sign3A_135 = arith.extui %sign3A_134 : i1 to i32
    %sign3A_136 = arith.subi %sign3A_132, %sign3A_135 : i32
    %sign3A_137 = arith.constant 0 : i32
    %sign3A_138 = arith.cmpi sgt, %jit3A_128, %sign3A_137 : i32
    %sign3A_139 = arith.extui %sign3A_138 : i1 to i32
    %sign3A_140 = arith.constant 0 : i32
    %sign3A_141 = arith.cmpi slt, %jit3A_128, %sign3A_140 : i32
    %sign3A_142 = arith.extui %sign3A_141 : i1 to i32
    %sign3A_143 = arith.subi %sign3A_139, %sign3A_142 : i32
    %ne3A_144 = arith.cmpi ne, %sign3A_136, %sign3A_143 : i32
    %rem3A_145 = arith.remsi %mul3A_84, %jit3A_128 : i32
    %ne3A_146 = arith.constant 0 : i32
    %ne3A_147 = arith.cmpi ne, %rem3A_145, %ne3A_146 : i32
    %and3A_148 = arith.andi %ne3A_144, %ne3A_147 : i1
    %sub3A_149 = arith.constant 1 : i32
    %sub3A_150 = arith.subi %div3A_129, %sub3A_149 : i32
    %select_n3A_151 = arith.select %and3A_148, %sub3A_150, %div3A_129 : i32
    %gt3A = arith.constant 0 : i32
    %gt3A_152 = arith.cmpi sgt, %select_n3A_151, %gt3A : i32
    %convert_element_type3A = arith.extui %gt3A_152 : i1 to i32
    %cond3A = arith.constant 0 : i32
    %cond3A_153 = arith.cmpi ne, %convert_element_type3A, %cond3A : i32
    scf.if %cond3A_153 {
      %mul3A_233 = arith.constant 0 : i32
      %mul3A_234 = arith.constant 32 : i32
      %mul3A_235 = arith.muli %mul3A_233, %mul3A_234 : i32
      %add3A_236 = arith.constant 0 : i32
      %add3A_237 = arith.addi %mul3A_235, %add3A_236 : i32
      %get3A_238 = arith.index_cast %add3A_237 : i32 to index
      %get3A_239 = tpu.vector_load %arg12[%get3A_238] {strides = array<i32>} : memref<20384xi32, #tpu.memory_space<vmem>>, vector<16xi32>,
      %jit3A_240 = arith.constant 8192 : i32
      %div3A_241 = vector.broadcast %jit3A_240 : i32 to vector<16xi32>
      %div3A_242 = arith.divsi %get3A_239, %div3A_241 : vector<16xi32>
      %sign3A_243 = arith.constant 0 : i32
      %sign3A_244 = vector.broadcast %sign3A_243 : i32 to vector<16xi32>
      %sign3A_245 = arith.cmpi sgt, %get3A_239, %sign3A_244 : vector<16xi32>
      %sign3A_246 = arith.extui %sign3A_245 : vector<16xi1> to vector<16xi32>
      %sign3A_247 = arith.constant 0 : i32
      %sign3A_248 = vector.broadcast %sign3A_247 : i32 to vector<16xi32>
      %sign3A_249 = arith.cmpi slt, %get3A_239, %sign3A_248 : vector<16xi32>
      %sign3A_250 = arith.extui %sign3A_249 : vector<16xi1> to vector<16xi32>
      %sign3A_251 = arith.subi %sign3A_246, %sign3A_250 : vector<16xi32>
      %sign3A_252 = arith.constant 0 : i32
      %sign3A_253 = arith.cmpi sgt, %jit3A_240, %sign3A_252 : i32
      %sign3A_254 = arith.extui %sign3A_253 : i1 to i32
      %sign3A_255 = arith.constant 0 : i32
      %sign3A_256 = arith.cmpi slt, %jit3A_240, %sign3A_255 : i32
      %sign3A_257 = arith.extui %sign3A_256 : i1 to i32
      %sign3A_258 = arith.subi %sign3A_254, %sign3A_257 : i32
      %ne3A_259 = vector.broadcast %sign3A_258 : i32 to vector<16xi32>
      %ne3A_260 = arith.cmpi ne, %sign3A_251, %ne3A_259 : vector<16xi32>
      %rem3A_261 = vector.broadcast %jit3A_240 : i32 to vector<16xi32>
      %rem3A_262 = arith.remsi %get3A_239, %rem3A_261 : vector<16xi32>
      %ne3A_263 = arith.constant 0 : i32
      %ne3A_264 = vector.broadcast %ne3A_263 : i32 to vector<16xi32>
      %ne3A_265 = arith.cmpi ne, %rem3A_262, %ne3A_264 : vector<16xi32>
      %and3A_266 = arith.andi %ne3A_260, %ne3A_265 : vector<16xi1>
      %sub3A_267 = arith.constant 1 : i32
      %sub3A_268 = vector.broadcast %sub3A_267 : i32 to vector<16xi32>
      %sub3A_269 = arith.subi %div3A_242, %sub3A_268 : vector<16xi32>
      %select_n3A_270 = arith.select %and3A_266, %sub3A_269, %div3A_242 : vector<16xi1>, vector<16xi32>
      %swap3A = arith.constant 0 : index
      %swap3A_271 = tpu.vector_load %arg13[%swap3A] {strides = array<i32>} : memref<32xi32, #tpu.memory_space<vmem>>, vector<16xi32>,
      tpu.vector_store %arg13[%swap3A], %select_n3A_270 {strides = array<i32>} : memref<32xi32, #tpu.memory_space<vmem>>, vector<16xi32>,
      %jit3A_272 = arith.constant 8192 : i32
      %eq3A = arith.constant 0 : i32
      %eq3A_273 = arith.cmpi eq, %jit3A_272, %eq3A : i32
      %jit3A_274 = arith.constant 1 : i32
      %select_n3A_275 = arith.select %eq3A_273, %jit3A_274, %jit3A_272 : i32
      %rem3A_276 = vector.broadcast %select_n3A_275 : i32 to vector<16xi32>
      %rem3A_277 = arith.remsi %get3A_239, %rem3A_276 : vector<16xi32>
      %ne3A_278 = arith.constant 0 : i32
      %ne3A_279 = vector.broadcast %ne3A_278 : i32 to vector<16xi32>
      %ne3A_280 = arith.cmpi ne, %rem3A_277, %ne3A_279 : vector<16xi32>
      %lt3A = arith.constant 0 : i32
      %lt3A_281 = vector.broadcast %lt3A : i32 to vector<16xi32>
      %lt3A_282 = arith.cmpi slt, %rem3A_277, %lt3A_281 : vector<16xi32>
      %lt3A_283 = arith.constant 0 : i32
      %lt3A_284 = arith.cmpi slt, %select_n3A_275, %lt3A_283 : i32
      %ne3A_285 = vector.broadcast %lt3A_284 : i1 to vector<16xi1>
      %ne3A_286 = vector.broadcast %ne3A_285 : vector<16xi1> to vector<16xi1>
      %ne3A_287 = arith.xori %lt3A_282, %ne3A_286 : vector<16xi1>
      %and3A_288 = arith.andi %ne3A_287, %ne3A_280 : vector<16xi1>
      %add3A_289 = vector.broadcast %select_n3A_275 : i32 to vector<16xi32>
      %add3A_290 = arith.addi %rem3A_277, %add3A_289 : vector<16xi32>
      %select_n3A_291 = arith.select %and3A_288, %add3A_290, %rem3A_277 : vector<16xi1>, vector<16xi32>
      %swap3A_292 = arith.constant 0 : index
      %swap3A_293 = tpu.vector_load %arg14[%swap3A_292] {strides = array<i32>} : memref<32xi32, #tpu.memory_space<vmem>>, vector<16xi32>,
      tpu.vector_store %arg14[%swap3A_292], %select_n3A_291 {strides = array<i32>} : memref<32xi32, #tpu.memory_space<vmem>>, vector<16xi32>,
      %mul3A_294 = arith.constant 0 : i32
      %mul3A_295 = arith.constant 32 : i32
      %mul3A_296 = arith.muli %mul3A_294, %mul3A_295 : i32
      %add3A_297 = arith.constant 16 : i32
      %add3A_298 = arith.addi %mul3A_296, %add3A_297 : i32
      %get3A_299 = arith.index_cast %add3A_298 : i32 to index
      %get3A_300 = tpu.vector_load %arg12[%get3A_299] {strides = array<i32>} : memref<20384xi32, #tpu.memory_space<vmem>>, vector<16xi32>,
      %jit3A_301 = arith.constant 8192 : i32
      %div3A_302 = vector.broadcast %jit3A_301 : i32 to vector<16xi32>
      %div3A_303 = arith.divsi %get3A_300, %div3A_302 : vector<16xi32>
      %sign3A_304 = arith.constant 0 : i32
      %sign3A_305 = vector.broadcast %sign3A_304 : i32 to vector<16xi32>
      %sign3A_306 = arith.cmpi sgt, %get3A_300, %sign3A_305 : vector<16xi32>
      %sign3A_307 = arith.extui %sign3A_306 : vector<16xi1> to vector<16xi32>
      %sign3A_308 = arith.constant 0 : i32
      %sign3A_309 = vector.broadcast %sign3A_308 : i32 to vector<16xi32>
      %sign3A_310 = arith.cmpi slt, %get3A_300, %sign3A_309 : vector<16xi32>
      %sign3A_311 = arith.extui %sign3A_310 : vector<16xi1> to vector<16xi32>
      %sign3A_312 = arith.subi %sign3A_307, %sign3A_311 : vector<16xi32>
      %sign3A_313 = arith.constant 0 : i32
      %sign3A_314 = arith.cmpi sgt, %jit3A_301, %sign3A_313 : i32
      %sign3A_315 = arith.extui %sign3A_314 : i1 to i32
      %sign3A_316 = arith.constant 0 : i32
      %sign3A_317 = arith.cmpi slt, %jit3A_301, %sign3A_316 : i32
      %sign3A_318 = arith.extui %sign3A_317 : i1 to i32
      %sign3A_319 = arith.subi %sign3A_315, %sign3A_318 : i32
      %ne3A_320 = vector.broadcast %sign3A_319 : i32 to vector<16xi32>
      %ne3A_321 = arith.cmpi ne, %sign3A_312, %ne3A_320 : vector<16xi32>
      %rem3A_322 = vector.broadcast %jit3A_301 : i32 to vector<16xi32>
      %rem3A_323 = arith.remsi %get3A_300, %rem3A_322 : vector<16xi32>
      %ne3A_324 = arith.constant 0 : i32
      %ne3A_325 = vector.broadcast %ne3A_324 : i32 to vector<16xi32>
      %ne3A_326 = arith.cmpi ne, %rem3A_323, %ne3A_325 : vector<16xi32>
      %and3A_327 = arith.andi %ne3A_321, %ne3A_326 : vector<16xi1>
      %sub3A_328 = arith.constant 1 : i32
      %sub3A_329 = vector.broadcast %sub3A_328 : i32 to vector<16xi32>
      %sub3A_330 = arith.subi %div3A_303, %sub3A_329 : vector<16xi32>
      %select_n3A_331 = arith.select %and3A_327, %sub3A_330, %div3A_303 : vector<16xi1>, vector<16xi32>
      %swap3A_332 = arith.constant 16 : index
      %swap3A_333 = tpu.vector_load %arg13[%swap3A_332] {strides = array<i32>} : memref<32xi32, #tpu.memory_space<vmem>>, vector<16xi32>,
      tpu.vector_store %arg13[%swap3A_332], %select_n3A_331 {strides = array<i32>} : memref<32xi32, #tpu.memory_space<vmem>>, vector<16xi32>,
      %jit3A_334 = arith.constant 8192 : i32
      %eq3A_335 = arith.constant 0 : i32
      %eq3A_336 = arith.cmpi eq, %jit3A_334, %eq3A_335 : i32
      %jit3A_337 = arith.constant 1 : i32
      %select_n3A_338 = arith.select %eq3A_336, %jit3A_337, %jit3A_334 : i32
      %rem3A_339 = vector.broadcast %select_n3A_338 : i32 to vector<16xi32>
      %rem3A_340 = arith.remsi %get3A_300, %rem3A_339 : vector<16xi32>
      %ne3A_341 = arith.constant 0 : i32
      %ne3A_342 = vector.broadcast %ne3A_341 : i32 to vector<16xi32>
      %ne3A_343 = arith.cmpi ne, %rem3A_340, %ne3A_342 : vector<16xi32>
      %lt3A_344 = arith.constant 0 : i32
      %lt3A_345 = vector.broadcast %lt3A_344 : i32 to vector<16xi32>
      %lt3A_346 = arith.cmpi slt, %rem3A_340, %lt3A_345 : vector<16xi32>
      %lt3A_347 = arith.constant 0 : i32
      %lt3A_348 = arith.cmpi slt, %select_n3A_338, %lt3A_347 : i32
      %ne3A_349 = vector.broadcast %lt3A_348 : i1 to vector<16xi1>
      %ne3A_350 = vector.broadcast %ne3A_349 : vector<16xi1> to vector<16xi1>
      %ne3A_351 = arith.xori %lt3A_346, %ne3A_350 : vector<16xi1>
      %and3A_352 = arith.andi %ne3A_351, %ne3A_343 : vector<16xi1>
      %add3A_353 = vector.broadcast %select_n3A_338 : i32 to vector<16xi32>
      %add3A_354 = arith.addi %rem3A_340, %add3A_353 : vector<16xi32>
      %select_n3A_355 = arith.select %and3A_352, %add3A_354, %rem3A_340 : vector<16xi1>, vector<16xi32>
      %swap3A_356 = arith.constant 16 : index
      %swap3A_357 = tpu.vector_load %arg14[%swap3A_356] {strides = array<i32>} : memref<32xi32, #tpu.memory_space<vmem>>, vector<16xi32>,
      tpu.vector_store %arg14[%swap3A_356], %select_n3A_355 {strides = array<i32>} : memref<32xi32, #tpu.memory_space<vmem>>, vector<16xi32>,
      %dma_start3A = arith.constant 0 : i32
      %dma_start3A_358 = arith.constant 0 : i32
      %dma_start3A_359 = tpu.memref_slice %arg4[%dma_start3A, %dma_start3A_358] : memref<10000x128xf32, #tpu.memory_space<hbm>> -> memref<10000x128xf32, #tpu.memory_space<hbm>>
      tpu.enqueue_indirect_dma source(%dma_start3A_359 : memref<10000x128xf32, #tpu.memory_space<hbm>>) target(%arg15 : memref<32x128xf32, #tpu.memory_space<vmem>>) offsets(%arg13 : memref<32xi32, #tpu.memory_space<vmem>>) semaphore(%arg41 : memref<!tpu.dma_semaphore, #tpu.memory_space<semaphore_mem>>)
    } else {
    }
    %gt3A_154 = arith.constant 1 : i32
    %gt3A_155 = arith.cmpi sgt, %select_n3A_151, %gt3A_154 : i32
    %convert_element_type3A_156 = arith.extui %gt3A_155 : i1 to i32
    %cond3A_157 = arith.constant 0 : i32
    %cond3A_158 = arith.cmpi ne, %convert_element_type3A_156, %cond3A_157 : i32
    scf.if %cond3A_158 {
      %mul3A_233 = arith.constant 1 : i32
      %mul3A_234 = arith.constant 32 : i32
      %mul3A_235 = arith.muli %mul3A_233, %mul3A_234 : i32
      %add3A_236 = arith.constant 0 : i32
      %add3A_237 = arith.addi %mul3A_235, %add3A_236 : i32
      %get3A_238 = arith.index_cast %add3A_237 : i32 to index
      %get3A_239 = tpu.vector_load %arg12[%get3A_238] {strides = array<i32>} : memref<20384xi32, #tpu.memory_space<vmem>>, vector<16xi32>,
      %jit3A_240 = arith.constant 8192 : i32
      %div3A_241 = vector.broadcast %jit3A_240 : i32 to vector<16xi32>
      %div3A_242 = arith.divsi %get3A_239, %div3A_241 : vector<16xi32>
      %sign3A_243 = arith.constant 0 : i32
      %sign3A_244 = vector.broadcast %sign3A_243 : i32 to vector<16xi32>
      %sign3A_245 = arith.cmpi sgt, %get3A_239, %sign3A_244 : vector<16xi32>
      %sign3A_246 = arith.extui %sign3A_245 : vector<16xi1> to vector<16xi32>
      %sign3A_247 = arith.constant 0 : i32
      %sign3A_248 = vector.broadcast %sign3A_247 : i32 to vector<16xi32>
      %sign3A_249 = arith.cmpi slt, %get3A_239, %sign3A_248 : vector<16xi32>
      %sign3A_250 = arith.extui %sign3A_249 : vector<16xi1> to vector<16xi32>
      %sign3A_251 = arith.subi %sign3A_246, %sign3A_250 : vector<16xi32>
      %sign3A_252 = arith.constant 0 : i32
      %sign3A_253 = arith.cmpi sgt, %jit3A_240, %sign3A_252 : i32
      %sign3A_254 = arith.extui %sign3A_253 : i1 to i32
      %sign3A_255 = arith.constant 0 : i32
      %sign3A_256 = arith.cmpi slt, %jit3A_240, %sign3A_255 : i32
      %sign3A_257 = arith.extui %sign3A_256 : i1 to i32
      %sign3A_258 = arith.subi %sign3A_254, %sign3A_257 : i32
      %ne3A_259 = vector.broadcast %sign3A_258 : i32 to vector<16xi32>
      %ne3A_260 = arith.cmpi ne, %sign3A_251, %ne3A_259 : vector<16xi32>
      %rem3A_261 = vector.broadcast %jit3A_240 : i32 to vector<16xi32>
      %rem3A_262 = arith.remsi %get3A_239, %rem3A_261 : vector<16xi32>
      %ne3A_263 = arith.constant 0 : i32
      %ne3A_264 = vector.broadcast %ne3A_263 : i32 to vector<16xi32>
      %ne3A_265 = arith.cmpi ne, %rem3A_262, %ne3A_264 : vector<16xi32>
      %and3A_266 = arith.andi %ne3A_260, %ne3A_265 : vector<16xi1>
      %sub3A_267 = arith.constant 1 : i32
      %sub3A_268 = vector.broadcast %sub3A_267 : i32 to vector<16xi32>
      %sub3A_269 = arith.subi %div3A_242, %sub3A_268 : vector<16xi32>
      %select_n3A_270 = arith.select %and3A_266, %sub3A_269, %div3A_242 : vector<16xi1>, vector<16xi32>
      %swap3A = arith.constant 0 : index
      %swap3A_271 = tpu.vector_load %arg16[%swap3A] {strides = array<i32>} : memref<32xi32, #tpu.memory_space<vmem>>, vector<16xi32>,
      tpu.vector_store %arg16[%swap3A], %select_n3A_270 {strides = array<i32>} : memref<32xi32, #tpu.memory_space<vmem>>, vector<16xi32>,
      %jit3A_272 = arith.constant 8192 : i32
      %eq3A = arith.constant 0 : i32
      %eq3A_273 = arith.cmpi eq, %jit3A_272, %eq3A : i32
      %jit3A_274 = arith.constant 1 : i32
      %select_n3A_275 = arith.select %eq3A_273, %jit3A_274, %jit3A_272 : i32
      %rem3A_276 = vector.broadcast %select_n3A_275 : i32 to vector<16xi32>
      %rem3A_277 = arith.remsi %get3A_239, %rem3A_276 : vector<16xi32>
      %ne3A_278 = arith.constant 0 : i32
      %ne3A_279 = vector.broadcast %ne3A_278 : i32 to vector<16xi32>
      %ne3A_280 = arith.cmpi ne, %rem3A_277, %ne3A_279 : vector<16xi32>
      %lt3A = arith.constant 0 : i32
      %lt3A_281 = vector.broadcast %lt3A : i32 to vector<16xi32>
      %lt3A_282 = arith.cmpi slt, %rem3A_277, %lt3A_281 : vector<16xi32>
      %lt3A_283 = arith.constant 0 : i32
      %lt3A_284 = arith.cmpi slt, %select_n3A_275, %lt3A_283 : i32
      %ne3A_285 = vector.broadcast %lt3A_284 : i1 to vector<16xi1>
      %ne3A_286 = vector.broadcast %ne3A_285 : vector<16xi1> to vector<16xi1>
      %ne3A_287 = arith.xori %lt3A_282, %ne3A_286 : vector<16xi1>
      %and3A_288 = arith.andi %ne3A_287, %ne3A_280 : vector<16xi1>
      %add3A_289 = vector.broadcast %select_n3A_275 : i32 to vector<16xi32>
      %add3A_290 = arith.addi %rem3A_277, %add3A_289 : vector<16xi32>
      %select_n3A_291 = arith.select %and3A_288, %add3A_290, %rem3A_277 : vector<16xi1>, vector<16xi32>
      %swap3A_292 = arith.constant 0 : index
      %swap3A_293 = tpu.vector_load %arg17[%swap3A_292] {strides = array<i32>} : memref<32xi32, #tpu.memory_space<vmem>>, vector<16xi32>,
      tpu.vector_store %arg17[%swap3A_292], %select_n3A_291 {strides = array<i32>} : memref<32xi32, #tpu.memory_space<vmem>>, vector<16xi32>,
      %mul3A_294 = arith.constant 1 : i32
      %mul3A_295 = arith.constant 32 : i32
      %mul3A_296 = arith.muli %mul3A_294, %mul3A_295 : i32
      %add3A_297 = arith.constant 16 : i32
      %add3A_298 = arith.addi %mul3A_296, %add3A_297 : i32
      %get3A_299 = arith.index_cast %add3A_298 : i32 to index
      %get3A_300 = tpu.vector_load %arg12[%get3A_299] {strides = array<i32>} : memref<20384xi32, #tpu.memory_space<vmem>>, vector<16xi32>,
      %jit3A_301 = arith.constant 8192 : i32
      %div3A_302 = vector.broadcast %jit3A_301 : i32 to vector<16xi32>
      %div3A_303 = arith.divsi %get3A_300, %div3A_302 : vector<16xi32>
      %sign3A_304 = arith.constant 0 : i32
      %sign3A_305 = vector.broadcast %sign3A_304 : i32 to vector<16xi32>
      %sign3A_306 = arith.cmpi sgt, %get3A_300, %sign3A_305 : vector<16xi32>
      %sign3A_307 = arith.extui %sign3A_306 : vector<16xi1> to vector<16xi32>
      %sign3A_308 = arith.constant 0 : i32
      %sign3A_309 = vector.broadcast %sign3A_308 : i32 to vector<16xi32>
      %sign3A_310 = arith.cmpi slt, %get3A_300, %sign3A_309 : vector<16xi32>
      %sign3A_311 = arith.extui %sign3A_310 : vector<16xi1> to vector<16xi32>
      %sign3A_312 = arith.subi %sign3A_307, %sign3A_311 : vector<16xi32>
      %sign3A_313 = arith.constant 0 : i32
      %sign3A_314 = arith.cmpi sgt, %jit3A_301, %sign3A_313 : i32
      %sign3A_315 = arith.extui %sign3A_314 : i1 to i32
      %sign3A_316 = arith.constant 0 : i32
      %sign3A_317 = arith.cmpi slt, %jit3A_301, %sign3A_316 : i32
      %sign3A_318 = arith.extui %sign3A_317 : i1 to i32
      %sign3A_319 = arith.subi %sign3A_315, %sign3A_318 : i32
      %ne3A_320 = vector.broadcast %sign3A_319 : i32 to vector<16xi32>
      %ne3A_321 = arith.cmpi ne, %sign3A_312, %ne3A_320 : vector<16xi32>
      %rem3A_322 = vector.broadcast %jit3A_301 : i32 to vector<16xi32>
      %rem3A_323 = arith.remsi %get3A_300, %rem3A_322 : vector<16xi32>
      %ne3A_324 = arith.constant 0 : i32
      %ne3A_325 = vector.broadcast %ne3A_324 : i32 to vector<16xi32>
      %ne3A_326 = arith.cmpi ne, %rem3A_323, %ne3A_325 : vector<16xi32>
      %and3A_327 = arith.andi %ne3A_321, %ne3A_326 : vector<16xi1>
      %sub3A_328 = arith.constant 1 : i32
      %sub3A_329 = vector.broadcast %sub3A_328 : i32 to vector<16xi32>
      %sub3A_330 = arith.subi %div3A_303, %sub3A_329 : vector<16xi32>
      %select_n3A_331 = arith.select %and3A_327, %sub3A_330, %div3A_303 : vector<16xi1>, vector<16xi32>
      %swap3A_332 = arith.constant 16 : index
      %swap3A_333 = tpu.vector_load %arg16[%swap3A_332] {strides = array<i32>} : memref<32xi32, #tpu.memory_space<vmem>>, vector<16xi32>,
      tpu.vector_store %arg16[%swap3A_332], %select_n3A_331 {strides = array<i32>} : memref<32xi32, #tpu.memory_space<vmem>>, vector<16xi32>,
      %jit3A_334 = arith.constant 8192 : i32
      %eq3A_335 = arith.constant 0 : i32
      %eq3A_336 = arith.cmpi eq, %jit3A_334, %eq3A_335 : i32
      %jit3A_337 = arith.constant 1 : i32
      %select_n3A_338 = arith.select %eq3A_336, %jit3A_337, %jit3A_334 : i32
      %rem3A_339 = vector.broadcast %select_n3A_338 : i32 to vector<16xi32>
      %rem3A_340 = arith.remsi %get3A_300, %rem3A_339 : vector<16xi32>
      %ne3A_341 = arith.constant 0 : i32
      %ne3A_342 = vector.broadcast %ne3A_341 : i32 to vector<16xi32>
      %ne3A_343 = arith.cmpi ne, %rem3A_340, %ne3A_342 : vector<16xi32>
      %lt3A_344 = arith.constant 0 : i32
      %lt3A_345 = vector.broadcast %lt3A_344 : i32 to vector<16xi32>
      %lt3A_346 = arith.cmpi slt, %rem3A_340, %lt3A_345 : vector<16xi32>
      %lt3A_347 = arith.constant 0 : i32
      %lt3A_348 = arith.cmpi slt, %select_n3A_338, %lt3A_347 : i32
      %ne3A_349 = vector.broadcast %lt3A_348 : i1 to vector<16xi1>
      %ne3A_350 = vector.broadcast %ne3A_349 : vector<16xi1> to vector<16xi1>
      %ne3A_351 = arith.xori %lt3A_346, %ne3A_350 : vector<16xi1>
      %and3A_352 = arith.andi %ne3A_351, %ne3A_343 : vector<16xi1>
      %add3A_353 = vector.broadcast %select_n3A_338 : i32 to vector<16xi32>
      %add3A_354 = arith.addi %rem3A_340, %add3A_353 : vector<16xi32>
      %select_n3A_355 = arith.select %and3A_352, %add3A_354, %rem3A_340 : vector<16xi1>, vector<16xi32>
      %swap3A_356 = arith.constant 16 : index
      %swap3A_357 = tpu.vector_load %arg17[%swap3A_356] {strides = array<i32>} : memref<32xi32, #tpu.memory_space<vmem>>, vector<16xi32>,
      tpu.vector_store %arg17[%swap3A_356], %select_n3A_355 {strides = array<i32>} : memref<32xi32, #tpu.memory_space<vmem>>, vector<16xi32>,
      %dma_start3A = arith.constant 0 : i32
      %dma_start3A_358 = arith.constant 0 : i32
      %dma_start3A_359 = tpu.memref_slice %arg4[%dma_start3A, %dma_start3A_358] : memref<10000x128xf32, #tpu.memory_space<hbm>> -> memref<10000x128xf32, #tpu.memory_space<hbm>>
      tpu.enqueue_indirect_dma source(%dma_start3A_359 : memref<10000x128xf32, #tpu.memory_space<hbm>>) target(%arg18 : memref<32x128xf32, #tpu.memory_space<vmem>>) offsets(%arg16 : memref<32xi32, #tpu.memory_space<vmem>>) semaphore(%arg42 : memref<!tpu.dma_semaphore, #tpu.memory_space<semaphore_mem>>)
    } else {
    }
    %gt3A_159 = arith.constant 2 : i32
    %gt3A_160 = arith.cmpi sgt, %select_n3A_151, %gt3A_159 : i32
    %convert_element_type3A_161 = arith.extui %gt3A_160 : i1 to i32
    %cond3A_162 = arith.constant 0 : i32
    %cond3A_163 = arith.cmpi ne, %convert_element_type3A_161, %cond3A_162 : i32
    scf.if %cond3A_163 {
      %mul3A_233 = arith.constant 2 : i32
      %mul3A_234 = arith.constant 32 : i32
      %mul3A_235 = arith.muli %mul3A_233, %mul3A_234 : i32
      %add3A_236 = arith.constant 0 : i32
      %add3A_237 = arith.addi %mul3A_235, %add3A_236 : i32
      %get3A_238 = arith.index_cast %add3A_237 : i32 to index
      %get3A_239 = tpu.vector_load %arg12[%get3A_238] {strides = array<i32>} : memref<20384xi32, #tpu.memory_space<vmem>>, vector<16xi32>,
      %jit3A_240 = arith.constant 8192 : i32
      %div3A_241 = vector.broadcast %jit3A_240 : i32 to vector<16xi32>
      %div3A_242 = arith.divsi %get3A_239, %div3A_241 : vector<16xi32>
      %sign3A_243 = arith.constant 0 : i32
      %sign3A_244 = vector.broadcast %sign3A_243 : i32 to vector<16xi32>
      %sign3A_245 = arith.cmpi sgt, %get3A_239, %sign3A_244 : vector<16xi32>
      %sign3A_246 = arith.extui %sign3A_245 : vector<16xi1> to vector<16xi32>
      %sign3A_247 = arith.constant 0 : i32
      %sign3A_248 = vector.broadcast %sign3A_247 : i32 to vector<16xi32>
      %sign3A_249 = arith.cmpi slt, %get3A_239, %sign3A_248 : vector<16xi32>
      %sign3A_250 = arith.extui %sign3A_249 : vector<16xi1> to vector<16xi32>
      %sign3A_251 = arith.subi %sign3A_246, %sign3A_250 : vector<16xi32>
      %sign3A_252 = arith.constant 0 : i32
      %sign3A_253 = arith.cmpi sgt, %jit3A_240, %sign3A_252 : i32
      %sign3A_254 = arith.extui %sign3A_253 : i1 to i32
      %sign3A_255 = arith.constant 0 : i32
      %sign3A_256 = arith.cmpi slt, %jit3A_240, %sign3A_255 : i32
      %sign3A_257 = arith.extui %sign3A_256 : i1 to i32
      %sign3A_258 = arith.subi %sign3A_254, %sign3A_257 : i32
      %ne3A_259 = vector.broadcast %sign3A_258 : i32 to vector<16xi32>
      %ne3A_260 = arith.cmpi ne, %sign3A_251, %ne3A_259 : vector<16xi32>
      %rem3A_261 = vector.broadcast %jit3A_240 : i32 to vector<16xi32>
      %rem3A_262 = arith.remsi %get3A_239, %rem3A_261 : vector<16xi32>
      %ne3A_263 = arith.constant 0 : i32
      %ne3A_264 = vector.broadcast %ne3A_263 : i32 to vector<16xi32>
      %ne3A_265 = arith.cmpi ne, %rem3A_262, %ne3A_264 : vector<16xi32>
      %and3A_266 = arith.andi %ne3A_260, %ne3A_265 : vector<16xi1>
      %sub3A_267 = arith.constant 1 : i32
      %sub3A_268 = vector.broadcast %sub3A_267 : i32 to vector<16xi32>
      %sub3A_269 = arith.subi %div3A_242, %sub3A_268 : vector<16xi32>
      %select_n3A_270 = arith.select %and3A_266, %sub3A_269, %div3A_242 : vector<16xi1>, vector<16xi32>
      %swap3A = arith.constant 0 : index
      %swap3A_271 = tpu.vector_load %arg19[%swap3A] {strides = array<i32>} : memref<32xi32, #tpu.memory_space<vmem>>, vector<16xi32>,
      tpu.vector_store %arg19[%swap3A], %select_n3A_270 {strides = array<i32>} : memref<32xi32, #tpu.memory_space<vmem>>, vector<16xi32>,
      %jit3A_272 = arith.constant 8192 : i32
      %eq3A = arith.constant 0 : i32
      %eq3A_273 = arith.cmpi eq, %jit3A_272, %eq3A : i32
      %jit3A_274 = arith.constant 1 : i32
      %select_n3A_275 = arith.select %eq3A_273, %jit3A_274, %jit3A_272 : i32
      %rem3A_276 = vector.broadcast %select_n3A_275 : i32 to vector<16xi32>
      %rem3A_277 = arith.remsi %get3A_239, %rem3A_276 : vector<16xi32>
      %ne3A_278 = arith.constant 0 : i32
      %ne3A_279 = vector.broadcast %ne3A_278 : i32 to vector<16xi32>
      %ne3A_280 = arith.cmpi ne, %rem3A_277, %ne3A_279 : vector<16xi32>
      %lt3A = arith.constant 0 : i32
      %lt3A_281 = vector.broadcast %lt3A : i32 to vector<16xi32>
      %lt3A_282 = arith.cmpi slt, %rem3A_277, %lt3A_281 : vector<16xi32>
      %lt3A_283 = arith.constant 0 : i32
      %lt3A_284 = arith.cmpi slt, %select_n3A_275, %lt3A_283 : i32
      %ne3A_285 = vector.broadcast %lt3A_284 : i1 to vector<16xi1>
      %ne3A_286 = vector.broadcast %ne3A_285 : vector<16xi1> to vector<16xi1>
      %ne3A_287 = arith.xori %lt3A_282, %ne3A_286 : vector<16xi1>
      %and3A_288 = arith.andi %ne3A_287, %ne3A_280 : vector<16xi1>
      %add3A_289 = vector.broadcast %select_n3A_275 : i32 to vector<16xi32>
      %add3A_290 = arith.addi %rem3A_277, %add3A_289 : vector<16xi32>
      %select_n3A_291 = arith.select %and3A_288, %add3A_290, %rem3A_277 : vector<16xi1>, vector<16xi32>
      %swap3A_292 = arith.constant 0 : index
      %swap3A_293 = tpu.vector_load %arg20[%swap3A_292] {strides = array<i32>} : memref<32xi32, #tpu.memory_space<vmem>>, vector<16xi32>,
      tpu.vector_store %arg20[%swap3A_292], %select_n3A_291 {strides = array<i32>} : memref<32xi32, #tpu.memory_space<vmem>>, vector<16xi32>,
      %mul3A_294 = arith.constant 2 : i32
      %mul3A_295 = arith.constant 32 : i32
      %mul3A_296 = arith.muli %mul3A_294, %mul3A_295 : i32
      %add3A_297 = arith.constant 16 : i32
      %add3A_298 = arith.addi %mul3A_296, %add3A_297 : i32
      %get3A_299 = arith.index_cast %add3A_298 : i32 to index
      %get3A_300 = tpu.vector_load %arg12[%get3A_299] {strides = array<i32>} : memref<20384xi32, #tpu.memory_space<vmem>>, vector<16xi32>,
      %jit3A_301 = arith.constant 8192 : i32
      %div3A_302 = vector.broadcast %jit3A_301 : i32 to vector<16xi32>
      %div3A_303 = arith.divsi %get3A_300, %div3A_302 : vector<16xi32>
      %sign3A_304 = arith.constant 0 : i32
      %sign3A_305 = vector.broadcast %sign3A_304 : i32 to vector<16xi32>
      %sign3A_306 = arith.cmpi sgt, %get3A_300, %sign3A_305 : vector<16xi32>
      %sign3A_307 = arith.extui %sign3A_306 : vector<16xi1> to vector<16xi32>
      %sign3A_308 = arith.constant 0 : i32
      %sign3A_309 = vector.broadcast %sign3A_308 : i32 to vector<16xi32>
      %sign3A_310 = arith.cmpi slt, %get3A_300, %sign3A_309 : vector<16xi32>
      %sign3A_311 = arith.extui %sign3A_310 : vector<16xi1> to vector<16xi32>
      %sign3A_312 = arith.subi %sign3A_307, %sign3A_311 : vector<16xi32>
      %sign3A_313 = arith.constant 0 : i32
      %sign3A_314 = arith.cmpi sgt, %jit3A_301, %sign3A_313 : i32
      %sign3A_315 = arith.extui %sign3A_314 : i1 to i32
      %sign3A_316 = arith.constant 0 : i32
      %sign3A_317 = arith.cmpi slt, %jit3A_301, %sign3A_316 : i32
      %sign3A_318 = arith.extui %sign3A_317 : i1 to i32
      %sign3A_319 = arith.subi %sign3A_315, %sign3A_318 : i32
      %ne3A_320 = vector.broadcast %sign3A_319 : i32 to vector<16xi32>
      %ne3A_321 = arith.cmpi ne, %sign3A_312, %ne3A_320 : vector<16xi32>
      %rem3A_322 = vector.broadcast %jit3A_301 : i32 to vector<16xi32>
      %rem3A_323 = arith.remsi %get3A_300, %rem3A_322 : vector<16xi32>
      %ne3A_324 = arith.constant 0 : i32
      %ne3A_325 = vector.broadcast %ne3A_324 : i32 to vector<16xi32>
      %ne3A_326 = arith.cmpi ne, %rem3A_323, %ne3A_325 : vector<16xi32>
      %and3A_327 = arith.andi %ne3A_321, %ne3A_326 : vector<16xi1>
      %sub3A_328 = arith.constant 1 : i32
      %sub3A_329 = vector.broadcast %sub3A_328 : i32 to vector<16xi32>
      %sub3A_330 = arith.subi %div3A_303, %sub3A_329 : vector<16xi32>
      %select_n3A_331 = arith.select %and3A_327, %sub3A_330, %div3A_303 : vector<16xi1>, vector<16xi32>
      %swap3A_332 = arith.constant 16 : index
      %swap3A_333 = tpu.vector_load %arg19[%swap3A_332] {strides = array<i32>} : memref<32xi32, #tpu.memory_space<vmem>>, vector<16xi32>,
      tpu.vector_store %arg19[%swap3A_332], %select_n3A_331 {strides = array<i32>} : memref<32xi32, #tpu.memory_space<vmem>>, vector<16xi32>,
      %jit3A_334 = arith.constant 8192 : i32
      %eq3A_335 = arith.constant 0 : i32
      %eq3A_336 = arith.cmpi eq, %jit3A_334, %eq3A_335 : i32
      %jit3A_337 = arith.constant 1 : i32
      %select_n3A_338 = arith.select %eq3A_336, %jit3A_337, %jit3A_334 : i32
      %rem3A_339 = vector.broadcast %select_n3A_338 : i32 to vector<16xi32>
      %rem3A_340 = arith.remsi %get3A_300, %rem3A_339 : vector<16xi32>
      %ne3A_341 = arith.constant 0 : i32
      %ne3A_342 = vector.broadcast %ne3A_341 : i32 to vector<16xi32>
      %ne3A_343 = arith.cmpi ne, %rem3A_340, %ne3A_342 : vector<16xi32>
      %lt3A_344 = arith.constant 0 : i32
      %lt3A_345 = vector.broadcast %lt3A_344 : i32 to vector<16xi32>
      %lt3A_346 = arith.cmpi slt, %rem3A_340, %lt3A_345 : vector<16xi32>
      %lt3A_347 = arith.constant 0 : i32
      %lt3A_348 = arith.cmpi slt, %select_n3A_338, %lt3A_347 : i32
      %ne3A_349 = vector.broadcast %lt3A_348 : i1 to vector<16xi1>
      %ne3A_350 = vector.broadcast %ne3A_349 : vector<16xi1> to vector<16xi1>
      %ne3A_351 = arith.xori %lt3A_346, %ne3A_350 : vector<16xi1>
      %and3A_352 = arith.andi %ne3A_351, %ne3A_343 : vector<16xi1>
      %add3A_353 = vector.broadcast %select_n3A_338 : i32 to vector<16xi32>
      %add3A_354 = arith.addi %rem3A_340, %add3A_353 : vector<16xi32>
      %select_n3A_355 = arith.select %and3A_352, %add3A_354, %rem3A_340 : vector<16xi1>, vector<16xi32>
      %swap3A_356 = arith.constant 16 : index
      %swap3A_357 = tpu.vector_load %arg20[%swap3A_356] {strides = array<i32>} : memref<32xi32, #tpu.memory_space<vmem>>, vector<16xi32>,
      tpu.vector_store %arg20[%swap3A_356], %select_n3A_355 {strides = array<i32>} : memref<32xi32, #tpu.memory_space<vmem>>, vector<16xi32>,
      %dma_start3A = arith.constant 0 : i32
      %dma_start3A_358 = arith.constant 0 : i32
      %dma_start3A_359 = tpu.memref_slice %arg4[%dma_start3A, %dma_start3A_358] : memref<10000x128xf32, #tpu.memory_space<hbm>> -> memref<10000x128xf32, #tpu.memory_space<hbm>>
      tpu.enqueue_indirect_dma source(%dma_start3A_359 : memref<10000x128xf32, #tpu.memory_space<hbm>>) target(%arg21 : memref<32x128xf32, #tpu.memory_space<vmem>>) offsets(%arg19 : memref<32xi32, #tpu.memory_space<vmem>>) semaphore(%arg43 : memref<!tpu.dma_semaphore, #tpu.memory_space<semaphore_mem>>)
    } else {
    }
    %gt3A_164 = arith.constant 3 : i32
    %gt3A_165 = arith.cmpi sgt, %select_n3A_151, %gt3A_164 : i32
    %convert_element_type3A_166 = arith.extui %gt3A_165 : i1 to i32
    %cond3A_167 = arith.constant 0 : i32
    %cond3A_168 = arith.cmpi ne, %convert_element_type3A_166, %cond3A_167 : i32
    scf.if %cond3A_168 {
      %mul3A_233 = arith.constant 3 : i32
      %mul3A_234 = arith.constant 32 : i32
      %mul3A_235 = arith.muli %mul3A_233, %mul3A_234 : i32
      %add3A_236 = arith.constant 0 : i32
      %add3A_237 = arith.addi %mul3A_235, %add3A_236 : i32
      %get3A_238 = arith.index_cast %add3A_237 : i32 to index
      %get3A_239 = tpu.vector_load %arg12[%get3A_238] {strides = array<i32>} : memref<20384xi32, #tpu.memory_space<vmem>>, vector<16xi32>,
      %jit3A_240 = arith.constant 8192 : i32
      %div3A_241 = vector.broadcast %jit3A_240 : i32 to vector<16xi32>
      %div3A_242 = arith.divsi %get3A_239, %div3A_241 : vector<16xi32>
      %sign3A_243 = arith.constant 0 : i32
      %sign3A_244 = vector.broadcast %sign3A_243 : i32 to vector<16xi32>
      %sign3A_245 = arith.cmpi sgt, %get3A_239, %sign3A_244 : vector<16xi32>
      %sign3A_246 = arith.extui %sign3A_245 : vector<16xi1> to vector<16xi32>
      %sign3A_247 = arith.constant 0 : i32
      %sign3A_248 = vector.broadcast %sign3A_247 : i32 to vector<16xi32>
      %sign3A_249 = arith.cmpi slt, %get3A_239, %sign3A_248 : vector<16xi32>
      %sign3A_250 = arith.extui %sign3A_249 : vector<16xi1> to vector<16xi32>
      %sign3A_251 = arith.subi %sign3A_246, %sign3A_250 : vector<16xi32>
      %sign3A_252 = arith.constant 0 : i32
      %sign3A_253 = arith.cmpi sgt, %jit3A_240, %sign3A_252 : i32
      %sign3A_254 = arith.extui %sign3A_253 : i1 to i32
      %sign3A_255 = arith.constant 0 : i32
      %sign3A_256 = arith.cmpi slt, %jit3A_240, %sign3A_255 : i32
      %sign3A_257 = arith.extui %sign3A_256 : i1 to i32
      %sign3A_258 = arith.subi %sign3A_254, %sign3A_257 : i32
      %ne3A_259 = vector.broadcast %sign3A_258 : i32 to vector<16xi32>
      %ne3A_260 = arith.cmpi ne, %sign3A_251, %ne3A_259 : vector<16xi32>
      %rem3A_261 = vector.broadcast %jit3A_240 : i32 to vector<16xi32>
      %rem3A_262 = arith.remsi %get3A_239, %rem3A_261 : vector<16xi32>
      %ne3A_263 = arith.constant 0 : i32
      %ne3A_264 = vector.broadcast %ne3A_263 : i32 to vector<16xi32>
      %ne3A_265 = arith.cmpi ne, %rem3A_262, %ne3A_264 : vector<16xi32>
      %and3A_266 = arith.andi %ne3A_260, %ne3A_265 : vector<16xi1>
      %sub3A_267 = arith.constant 1 : i32
      %sub3A_268 = vector.broadcast %sub3A_267 : i32 to vector<16xi32>
      %sub3A_269 = arith.subi %div3A_242, %sub3A_268 : vector<16xi32>
      %select_n3A_270 = arith.select %and3A_266, %sub3A_269, %div3A_242 : vector<16xi1>, vector<16xi32>
      %swap3A = arith.constant 0 : index
      %swap3A_271 = tpu.vector_load %arg22[%swap3A] {strides = array<i32>} : memref<32xi32, #tpu.memory_space<vmem>>, vector<16xi32>,
      tpu.vector_store %arg22[%swap3A], %select_n3A_270 {strides = array<i32>} : memref<32xi32, #tpu.memory_space<vmem>>, vector<16xi32>,
      %jit3A_272 = arith.constant 8192 : i32
      %eq3A = arith.constant 0 : i32
      %eq3A_273 = arith.cmpi eq, %jit3A_272, %eq3A : i32
      %jit3A_274 = arith.constant 1 : i32
      %select_n3A_275 = arith.select %eq3A_273, %jit3A_274, %jit3A_272 : i32
      %rem3A_276 = vector.broadcast %select_n3A_275 : i32 to vector<16xi32>
      %rem3A_277 = arith.remsi %get3A_239, %rem3A_276 : vector<16xi32>
      %ne3A_278 = arith.constant 0 : i32
      %ne3A_279 = vector.broadcast %ne3A_278 : i32 to vector<16xi32>
      %ne3A_280 = arith.cmpi ne, %rem3A_277, %ne3A_279 : vector<16xi32>
      %lt3A = arith.constant 0 : i32
      %lt3A_281 = vector.broadcast %lt3A : i32 to vector<16xi32>
      %lt3A_282 = arith.cmpi slt, %rem3A_277, %lt3A_281 : vector<16xi32>
      %lt3A_283 = arith.constant 0 : i32
      %lt3A_284 = arith.cmpi slt, %select_n3A_275, %lt3A_283 : i32
      %ne3A_285 = vector.broadcast %lt3A_284 : i1 to vector<16xi1>
      %ne3A_286 = vector.broadcast %ne3A_285 : vector<16xi1> to vector<16xi1>
      %ne3A_287 = arith.xori %lt3A_282, %ne3A_286 : vector<16xi1>
      %and3A_288 = arith.andi %ne3A_287, %ne3A_280 : vector<16xi1>
      %add3A_289 = vector.broadcast %select_n3A_275 : i32 to vector<16xi32>
      %add3A_290 = arith.addi %rem3A_277, %add3A_289 : vector<16xi32>
      %select_n3A_291 = arith.select %and3A_288, %add3A_290, %rem3A_277 : vector<16xi1>, vector<16xi32>
      %swap3A_292 = arith.constant 0 : index
      %swap3A_293 = tpu.vector_load %arg23[%swap3A_292] {strides = array<i32>} : memref<32xi32, #tpu.memory_space<vmem>>, vector<16xi32>,
      tpu.vector_store %arg23[%swap3A_292], %select_n3A_291 {strides = array<i32>} : memref<32xi32, #tpu.memory_space<vmem>>, vector<16xi32>,
      %mul3A_294 = arith.constant 3 : i32
      %mul3A_295 = arith.constant 32 : i32
      %mul3A_296 = arith.muli %mul3A_294, %mul3A_295 : i32
      %add3A_297 = arith.constant 16 : i32
      %add3A_298 = arith.addi %mul3A_296, %add3A_297 : i32
      %get3A_299 = arith.index_cast %add3A_298 : i32 to index
      %get3A_300 = tpu.vector_load %arg12[%get3A_299] {strides = array<i32>} : memref<20384xi32, #tpu.memory_space<vmem>>, vector<16xi32>,
      %jit3A_301 = arith.constant 8192 : i32
      %div3A_302 = vector.broadcast %jit3A_301 : i32 to vector<16xi32>
      %div3A_303 = arith.divsi %get3A_300, %div3A_302 : vector<16xi32>
      %sign3A_304 = arith.constant 0 : i32
      %sign3A_305 = vector.broadcast %sign3A_304 : i32 to vector<16xi32>
      %sign3A_306 = arith.cmpi sgt, %get3A_300, %sign3A_305 : vector<16xi32>
      %sign3A_307 = arith.extui %sign3A_306 : vector<16xi1> to vector<16xi32>
      %sign3A_308 = arith.constant 0 : i32
      %sign3A_309 = vector.broadcast %sign3A_308 : i32 to vector<16xi32>
      %sign3A_310 = arith.cmpi slt, %get3A_300, %sign3A_309 : vector<16xi32>
      %sign3A_311 = arith.extui %sign3A_310 : vector<16xi1> to vector<16xi32>
      %sign3A_312 = arith.subi %sign3A_307, %sign3A_311 : vector<16xi32>
      %sign3A_313 = arith.constant 0 : i32
      %sign3A_314 = arith.cmpi sgt, %jit3A_301, %sign3A_313 : i32
      %sign3A_315 = arith.extui %sign3A_314 : i1 to i32
      %sign3A_316 = arith.constant 0 : i32
      %sign3A_317 = arith.cmpi slt, %jit3A_301, %sign3A_316 : i32
      %sign3A_318 = arith.extui %sign3A_317 : i1 to i32
      %sign3A_319 = arith.subi %sign3A_315, %sign3A_318 : i32
      %ne3A_320 = vector.broadcast %sign3A_319 : i32 to vector<16xi32>
      %ne3A_321 = arith.cmpi ne, %sign3A_312, %ne3A_320 : vector<16xi32>
      %rem3A_322 = vector.broadcast %jit3A_301 : i32 to vector<16xi32>
      %rem3A_323 = arith.remsi %get3A_300, %rem3A_322 : vector<16xi32>
      %ne3A_324 = arith.constant 0 : i32
      %ne3A_325 = vector.broadcast %ne3A_324 : i32 to vector<16xi32>
      %ne3A_326 = arith.cmpi ne, %rem3A_323, %ne3A_325 : vector<16xi32>
      %and3A_327 = arith.andi %ne3A_321, %ne3A_326 : vector<16xi1>
      %sub3A_328 = arith.constant 1 : i32
      %sub3A_329 = vector.broadcast %sub3A_328 : i32 to vector<16xi32>
      %sub3A_330 = arith.subi %div3A_303, %sub3A_329 : vector<16xi32>
      %select_n3A_331 = arith.select %and3A_327, %sub3A_330, %div3A_303 : vector<16xi1>, vector<16xi32>
      %swap3A_332 = arith.constant 16 : index
      %swap3A_333 = tpu.vector_load %arg22[%swap3A_332] {strides = array<i32>} : memref<32xi32, #tpu.memory_space<vmem>>, vector<16xi32>,
      tpu.vector_store %arg22[%swap3A_332], %select_n3A_331 {strides = array<i32>} : memref<32xi32, #tpu.memory_space<vmem>>, vector<16xi32>,
      %jit3A_334 = arith.constant 8192 : i32
      %eq3A_335 = arith.constant 0 : i32
      %eq3A_336 = arith.cmpi eq, %jit3A_334, %eq3A_335 : i32
      %jit3A_337 = arith.constant 1 : i32
      %select_n3A_338 = arith.select %eq3A_336, %jit3A_337, %jit3A_334 : i32
      %rem3A_339 = vector.broadcast %select_n3A_338 : i32 to vector<16xi32>
      %rem3A_340 = arith.remsi %get3A_300, %rem3A_339 : vector<16xi32>
      %ne3A_341 = arith.constant 0 : i32
      %ne3A_342 = vector.broadcast %ne3A_341 : i32 to vector<16xi32>
      %ne3A_343 = arith.cmpi ne, %rem3A_340, %ne3A_342 : vector<16xi32>
      %lt3A_344 = arith.constant 0 : i32
      %lt3A_345 = vector.broadcast %lt3A_344 : i32 to vector<16xi32>
      %lt3A_346 = arith.cmpi slt, %rem3A_340, %lt3A_345 : vector<16xi32>
      %lt3A_347 = arith.constant 0 : i32
      %lt3A_348 = arith.cmpi slt, %select_n3A_338, %lt3A_347 : i32
      %ne3A_349 = vector.broadcast %lt3A_348 : i1 to vector<16xi1>
      %ne3A_350 = vector.broadcast %ne3A_349 : vector<16xi1> to vector<16xi1>
      %ne3A_351 = arith.xori %lt3A_346, %ne3A_350 : vector<16xi1>
      %and3A_352 = arith.andi %ne3A_351, %ne3A_343 : vector<16xi1>
      %add3A_353 = vector.broadcast %select_n3A_338 : i32 to vector<16xi32>
      %add3A_354 = arith.addi %rem3A_340, %add3A_353 : vector<16xi32>
      %select_n3A_355 = arith.select %and3A_352, %add3A_354, %rem3A_340 : vector<16xi1>, vector<16xi32>
      %swap3A_356 = arith.constant 16 : index
      %swap3A_357 = tpu.vector_load %arg23[%swap3A_356] {strides = array<i32>} : memref<32xi32, #tpu.memory_space<vmem>>, vector<16xi32>,
      tpu.vector_store %arg23[%swap3A_356], %select_n3A_355 {strides = array<i32>} : memref<32xi32, #tpu.memory_space<vmem>>, vector<16xi32>,
      %dma_start3A = arith.constant 0 : i32
      %dma_start3A_358 = arith.constant 0 : i32
      %dma_start3A_359 = tpu.memref_slice %arg4[%dma_start3A, %dma_start3A_358] : memref<10000x128xf32, #tpu.memory_space<hbm>> -> memref<10000x128xf32, #tpu.memory_space<hbm>>
      tpu.enqueue_indirect_dma source(%dma_start3A_359 : memref<10000x128xf32, #tpu.memory_space<hbm>>) target(%arg24 : memref<32x128xf32, #tpu.memory_space<vmem>>) offsets(%arg22 : memref<32xi32, #tpu.memory_space<vmem>>) semaphore(%arg44 : memref<!tpu.dma_semaphore, #tpu.memory_space<semaphore_mem>>)
    } else {
    }
    %gt3A_169 = arith.constant 4 : i32
    %gt3A_170 = arith.cmpi sgt, %select_n3A_151, %gt3A_169 : i32
    %convert_element_type3A_171 = arith.extui %gt3A_170 : i1 to i32
    %cond3A_172 = arith.constant 0 : i32
    %cond3A_173 = arith.cmpi ne, %convert_element_type3A_171, %cond3A_172 : i32
    scf.if %cond3A_173 {
      %mul3A_233 = arith.constant 4 : i32
      %mul3A_234 = arith.constant 32 : i32
      %mul3A_235 = arith.muli %mul3A_233, %mul3A_234 : i32
      %add3A_236 = arith.constant 0 : i32
      %add3A_237 = arith.addi %mul3A_235, %add3A_236 : i32
      %get3A_238 = arith.index_cast %add3A_237 : i32 to index
      %get3A_239 = tpu.vector_load %arg12[%get3A_238] {strides = array<i32>} : memref<20384xi32, #tpu.memory_space<vmem>>, vector<16xi32>,
      %jit3A_240 = arith.constant 8192 : i32
      %div3A_241 = vector.broadcast %jit3A_240 : i32 to vector<16xi32>
      %div3A_242 = arith.divsi %get3A_239, %div3A_241 : vector<16xi32>
      %sign3A_243 = arith.constant 0 : i32
      %sign3A_244 = vector.broadcast %sign3A_243 : i32 to vector<16xi32>
      %sign3A_245 = arith.cmpi sgt, %get3A_239, %sign3A_244 : vector<16xi32>
      %sign3A_246 = arith.extui %sign3A_245 : vector<16xi1> to vector<16xi32>
      %sign3A_247 = arith.constant 0 : i32
      %sign3A_248 = vector.broadcast %sign3A_247 : i32 to vector<16xi32>
      %sign3A_249 = arith.cmpi slt, %get3A_239, %sign3A_248 : vector<16xi32>
      %sign3A_250 = arith.extui %sign3A_249 : vector<16xi1> to vector<16xi32>
      %sign3A_251 = arith.subi %sign3A_246, %sign3A_250 : vector<16xi32>
      %sign3A_252 = arith.constant 0 : i32
      %sign3A_253 = arith.cmpi sgt, %jit3A_240, %sign3A_252 : i32
      %sign3A_254 = arith.extui %sign3A_253 : i1 to i32
      %sign3A_255 = arith.constant 0 : i32
      %sign3A_256 = arith.cmpi slt, %jit3A_240, %sign3A_255 : i32
      %sign3A_257 = arith.extui %sign3A_256 : i1 to i32
      %sign3A_258 = arith.subi %sign3A_254, %sign3A_257 : i32
      %ne3A_259 = vector.broadcast %sign3A_258 : i32 to vector<16xi32>
      %ne3A_260 = arith.cmpi ne, %sign3A_251, %ne3A_259 : vector<16xi32>
      %rem3A_261 = vector.broadcast %jit3A_240 : i32 to vector<16xi32>
      %rem3A_262 = arith.remsi %get3A_239, %rem3A_261 : vector<16xi32>
      %ne3A_263 = arith.constant 0 : i32
      %ne3A_264 = vector.broadcast %ne3A_263 : i32 to vector<16xi32>
      %ne3A_265 = arith.cmpi ne, %rem3A_262, %ne3A_264 : vector<16xi32>
      %and3A_266 = arith.andi %ne3A_260, %ne3A_265 : vector<16xi1>
      %sub3A_267 = arith.constant 1 : i32
      %sub3A_268 = vector.broadcast %sub3A_267 : i32 to vector<16xi32>
      %sub3A_269 = arith.subi %div3A_242, %sub3A_268 : vector<16xi32>
      %select_n3A_270 = arith.select %and3A_266, %sub3A_269, %div3A_242 : vector<16xi1>, vector<16xi32>
      %swap3A = arith.constant 0 : index
      %swap3A_271 = tpu.vector_load %arg25[%swap3A] {strides = array<i32>} : memref<32xi32, #tpu.memory_space<vmem>>, vector<16xi32>,
      tpu.vector_store %arg25[%swap3A], %select_n3A_270 {strides = array<i32>} : memref<32xi32, #tpu.memory_space<vmem>>, vector<16xi32>,
      %jit3A_272 = arith.constant 8192 : i32
      %eq3A = arith.constant 0 : i32
      %eq3A_273 = arith.cmpi eq, %jit3A_272, %eq3A : i32
      %jit3A_274 = arith.constant 1 : i32
      %select_n3A_275 = arith.select %eq3A_273, %jit3A_274, %jit3A_272 : i32
      %rem3A_276 = vector.broadcast %select_n3A_275 : i32 to vector<16xi32>
      %rem3A_277 = arith.remsi %get3A_239, %rem3A_276 : vector<16xi32>
      %ne3A_278 = arith.constant 0 : i32
      %ne3A_279 = vector.broadcast %ne3A_278 : i32 to vector<16xi32>
      %ne3A_280 = arith.cmpi ne, %rem3A_277, %ne3A_279 : vector<16xi32>
      %lt3A = arith.constant 0 : i32
      %lt3A_281 = vector.broadcast %lt3A : i32 to vector<16xi32>
      %lt3A_282 = arith.cmpi slt, %rem3A_277, %lt3A_281 : vector<16xi32>
      %lt3A_283 = arith.constant 0 : i32
      %lt3A_284 = arith.cmpi slt, %select_n3A_275, %lt3A_283 : i32
      %ne3A_285 = vector.broadcast %lt3A_284 : i1 to vector<16xi1>
      %ne3A_286 = vector.broadcast %ne3A_285 : vector<16xi1> to vector<16xi1>
      %ne3A_287 = arith.xori %lt3A_282, %ne3A_286 : vector<16xi1>
      %and3A_288 = arith.andi %ne3A_287, %ne3A_280 : vector<16xi1>
      %add3A_289 = vector.broadcast %select_n3A_275 : i32 to vector<16xi32>
      %add3A_290 = arith.addi %rem3A_277, %add3A_289 : vector<16xi32>
      %select_n3A_291 = arith.select %and3A_288, %add3A_290, %rem3A_277 : vector<16xi1>, vector<16xi32>
      %swap3A_292 = arith.constant 0 : index
      %swap3A_293 = tpu.vector_load %arg26[%swap3A_292] {strides = array<i32>} : memref<32xi32, #tpu.memory_space<vmem>>, vector<16xi32>,
      tpu.vector_store %arg26[%swap3A_292], %select_n3A_291 {strides = array<i32>} : memref<32xi32, #tpu.memory_space<vmem>>, vector<16xi32>,
      %mul3A_294 = arith.constant 4 : i32
      %mul3A_295 = arith.constant 32 : i32
      %mul3A_296 = arith.muli %mul3A_294, %mul3A_295 : i32
      %add3A_297 = arith.constant 16 : i32
      %add3A_298 = arith.addi %mul3A_296, %add3A_297 : i32
      %get3A_299 = arith.index_cast %add3A_298 : i32 to index
      %get3A_300 = tpu.vector_load %arg12[%get3A_299] {strides = array<i32>} : memref<20384xi32, #tpu.memory_space<vmem>>, vector<16xi32>,
      %jit3A_301 = arith.constant 8192 : i32
      %div3A_302 = vector.broadcast %jit3A_301 : i32 to vector<16xi32>
      %div3A_303 = arith.divsi %get3A_300, %div3A_302 : vector<16xi32>
      %sign3A_304 = arith.constant 0 : i32
      %sign3A_305 = vector.broadcast %sign3A_304 : i32 to vector<16xi32>
      %sign3A_306 = arith.cmpi sgt, %get3A_300, %sign3A_305 : vector<16xi32>
      %sign3A_307 = arith.extui %sign3A_306 : vector<16xi1> to vector<16xi32>
      %sign3A_308 = arith.constant 0 : i32
      %sign3A_309 = vector.broadcast %sign3A_308 : i32 to vector<16xi32>
      %sign3A_310 = arith.cmpi slt, %get3A_300, %sign3A_309 : vector<16xi32>
      %sign3A_311 = arith.extui %sign3A_310 : vector<16xi1> to vector<16xi32>
      %sign3A_312 = arith.subi %sign3A_307, %sign3A_311 : vector<16xi32>
      %sign3A_313 = arith.constant 0 : i32
      %sign3A_314 = arith.cmpi sgt, %jit3A_301, %sign3A_313 : i32
      %sign3A_315 = arith.extui %sign3A_314 : i1 to i32
      %sign3A_316 = arith.constant 0 : i32
      %sign3A_317 = arith.cmpi slt, %jit3A_301, %sign3A_316 : i32
      %sign3A_318 = arith.extui %sign3A_317 : i1 to i32
      %sign3A_319 = arith.subi %sign3A_315, %sign3A_318 : i32
      %ne3A_320 = vector.broadcast %sign3A_319 : i32 to vector<16xi32>
      %ne3A_321 = arith.cmpi ne, %sign3A_312, %ne3A_320 : vector<16xi32>
      %rem3A_322 = vector.broadcast %jit3A_301 : i32 to vector<16xi32>
      %rem3A_323 = arith.remsi %get3A_300, %rem3A_322 : vector<16xi32>
      %ne3A_324 = arith.constant 0 : i32
      %ne3A_325 = vector.broadcast %ne3A_324 : i32 to vector<16xi32>
      %ne3A_326 = arith.cmpi ne, %rem3A_323, %ne3A_325 : vector<16xi32>
      %and3A_327 = arith.andi %ne3A_321, %ne3A_326 : vector<16xi1>
      %sub3A_328 = arith.constant 1 : i32
      %sub3A_329 = vector.broadcast %sub3A_328 : i32 to vector<16xi32>
      %sub3A_330 = arith.subi %div3A_303, %sub3A_329 : vector<16xi32>
      %select_n3A_331 = arith.select %and3A_327, %sub3A_330, %div3A_303 : vector<16xi1>, vector<16xi32>
      %swap3A_332 = arith.constant 16 : index
      %swap3A_333 = tpu.vector_load %arg25[%swap3A_332] {strides = array<i32>} : memref<32xi32, #tpu.memory_space<vmem>>, vector<16xi32>,
      tpu.vector_store %arg25[%swap3A_332], %select_n3A_331 {strides = array<i32>} : memref<32xi32, #tpu.memory_space<vmem>>, vector<16xi32>,
      %jit3A_334 = arith.constant 8192 : i32
      %eq3A_335 = arith.constant 0 : i32
      %eq3A_336 = arith.cmpi eq, %jit3A_334, %eq3A_335 : i32
      %jit3A_337 = arith.constant 1 : i32
      %select_n3A_338 = arith.select %eq3A_336, %jit3A_337, %jit3A_334 : i32
      %rem3A_339 = vector.broadcast %select_n3A_338 : i32 to vector<16xi32>
      %rem3A_340 = arith.remsi %get3A_300, %rem3A_339 : vector<16xi32>
      %ne3A_341 = arith.constant 0 : i32
      %ne3A_342 = vector.broadcast %ne3A_341 : i32 to vector<16xi32>
      %ne3A_343 = arith.cmpi ne, %rem3A_340, %ne3A_342 : vector<16xi32>
      %lt3A_344 = arith.constant 0 : i32
      %lt3A_345 = vector.broadcast %lt3A_344 : i32 to vector<16xi32>
      %lt3A_346 = arith.cmpi slt, %rem3A_340, %lt3A_345 : vector<16xi32>
      %lt3A_347 = arith.constant 0 : i32
      %lt3A_348 = arith.cmpi slt, %select_n3A_338, %lt3A_347 : i32
      %ne3A_349 = vector.broadcast %lt3A_348 : i1 to vector<16xi1>
      %ne3A_350 = vector.broadcast %ne3A_349 : vector<16xi1> to vector<16xi1>
      %ne3A_351 = arith.xori %lt3A_346, %ne3A_350 : vector<16xi1>
      %and3A_352 = arith.andi %ne3A_351, %ne3A_343 : vector<16xi1>
      %add3A_353 = vector.broadcast %select_n3A_338 : i32 to vector<16xi32>
      %add3A_354 = arith.addi %rem3A_340, %add3A_353 : vector<16xi32>
      %select_n3A_355 = arith.select %and3A_352, %add3A_354, %rem3A_340 : vector<16xi1>, vector<16xi32>
      %swap3A_356 = arith.constant 16 : index
      %swap3A_357 = tpu.vector_load %arg26[%swap3A_356] {strides = array<i32>} : memref<32xi32, #tpu.memory_space<vmem>>, vector<16xi32>,
      tpu.vector_store %arg26[%swap3A_356], %select_n3A_355 {strides = array<i32>} : memref<32xi32, #tpu.memory_space<vmem>>, vector<16xi32>,
      %dma_start3A = arith.constant 0 : i32
      %dma_start3A_358 = arith.constant 0 : i32
      %dma_start3A_359 = tpu.memref_slice %arg4[%dma_start3A, %dma_start3A_358] : memref<10000x128xf32, #tpu.memory_space<hbm>> -> memref<10000x128xf32, #tpu.memory_space<hbm>>
      tpu.enqueue_indirect_dma source(%dma_start3A_359 : memref<10000x128xf32, #tpu.memory_space<hbm>>) target(%arg27 : memref<32x128xf32, #tpu.memory_space<vmem>>) offsets(%arg25 : memref<32xi32, #tpu.memory_space<vmem>>) semaphore(%arg45 : memref<!tpu.dma_semaphore, #tpu.memory_space<semaphore_mem>>)
    } else {
    }
    %gt3A_174 = arith.constant 5 : i32
    %gt3A_175 = arith.cmpi sgt, %select_n3A_151, %gt3A_174 : i32
    %convert_element_type3A_176 = arith.extui %gt3A_175 : i1 to i32
    %cond3A_177 = arith.constant 0 : i32
    %cond3A_178 = arith.cmpi ne, %convert_element_type3A_176, %cond3A_177 : i32
    scf.if %cond3A_178 {
      %mul3A_233 = arith.constant 5 : i32
      %mul3A_234 = arith.constant 32 : i32
      %mul3A_235 = arith.muli %mul3A_233, %mul3A_234 : i32
      %add3A_236 = arith.constant 0 : i32
      %add3A_237 = arith.addi %mul3A_235, %add3A_236 : i32
      %get3A_238 = arith.index_cast %add3A_237 : i32 to index
      %get3A_239 = tpu.vector_load %arg12[%get3A_238] {strides = array<i32>} : memref<20384xi32, #tpu.memory_space<vmem>>, vector<16xi32>,
      %jit3A_240 = arith.constant 8192 : i32
      %div3A_241 = vector.broadcast %jit3A_240 : i32 to vector<16xi32>
      %div3A_242 = arith.divsi %get3A_239, %div3A_241 : vector<16xi32>
      %sign3A_243 = arith.constant 0 : i32
      %sign3A_244 = vector.broadcast %sign3A_243 : i32 to vector<16xi32>
      %sign3A_245 = arith.cmpi sgt, %get3A_239, %sign3A_244 : vector<16xi32>
      %sign3A_246 = arith.extui %sign3A_245 : vector<16xi1> to vector<16xi32>
      %sign3A_247 = arith.constant 0 : i32
      %sign3A_248 = vector.broadcast %sign3A_247 : i32 to vector<16xi32>
      %sign3A_249 = arith.cmpi slt, %get3A_239, %sign3A_248 : vector<16xi32>
      %sign3A_250 = arith.extui %sign3A_249 : vector<16xi1> to vector<16xi32>
      %sign3A_251 = arith.subi %sign3A_246, %sign3A_250 : vector<16xi32>
      %sign3A_252 = arith.constant 0 : i32
      %sign3A_253 = arith.cmpi sgt, %jit3A_240, %sign3A_252 : i32
      %sign3A_254 = arith.extui %sign3A_253 : i1 to i32
      %sign3A_255 = arith.constant 0 : i32
      %sign3A_256 = arith.cmpi slt, %jit3A_240, %sign3A_255 : i32
      %sign3A_257 = arith.extui %sign3A_256 : i1 to i32
      %sign3A_258 = arith.subi %sign3A_254, %sign3A_257 : i32
      %ne3A_259 = vector.broadcast %sign3A_258 : i32 to vector<16xi32>
      %ne3A_260 = arith.cmpi ne, %sign3A_251, %ne3A_259 : vector<16xi32>
      %rem3A_261 = vector.broadcast %jit3A_240 : i32 to vector<16xi32>
      %rem3A_262 = arith.remsi %get3A_239, %rem3A_261 : vector<16xi32>
      %ne3A_263 = arith.constant 0 : i32
      %ne3A_264 = vector.broadcast %ne3A_263 : i32 to vector<16xi32>
      %ne3A_265 = arith.cmpi ne, %rem3A_262, %ne3A_264 : vector<16xi32>
      %and3A_266 = arith.andi %ne3A_260, %ne3A_265 : vector<16xi1>
      %sub3A_267 = arith.constant 1 : i32
      %sub3A_268 = vector.broadcast %sub3A_267 : i32 to vector<16xi32>
      %sub3A_269 = arith.subi %div3A_242, %sub3A_268 : vector<16xi32>
      %select_n3A_270 = arith.select %and3A_266, %sub3A_269, %div3A_242 : vector<16xi1>, vector<16xi32>
      %swap3A = arith.constant 0 : index
      %swap3A_271 = tpu.vector_load %arg28[%swap3A] {strides = array<i32>} : memref<32xi32, #tpu.memory_space<vmem>>, vector<16xi32>,
      tpu.vector_store %arg28[%swap3A], %select_n3A_270 {strides = array<i32>} : memref<32xi32, #tpu.memory_space<vmem>>, vector<16xi32>,
      %jit3A_272 = arith.constant 8192 : i32
      %eq3A = arith.constant 0 : i32
      %eq3A_273 = arith.cmpi eq, %jit3A_272, %eq3A : i32
      %jit3A_274 = arith.constant 1 : i32
      %select_n3A_275 = arith.select %eq3A_273, %jit3A_274, %jit3A_272 : i32
      %rem3A_276 = vector.broadcast %select_n3A_275 : i32 to vector<16xi32>
      %rem3A_277 = arith.remsi %get3A_239, %rem3A_276 : vector<16xi32>
      %ne3A_278 = arith.constant 0 : i32
      %ne3A_279 = vector.broadcast %ne3A_278 : i32 to vector<16xi32>
      %ne3A_280 = arith.cmpi ne, %rem3A_277, %ne3A_279 : vector<16xi32>
      %lt3A = arith.constant 0 : i32
      %lt3A_281 = vector.broadcast %lt3A : i32 to vector<16xi32>
      %lt3A_282 = arith.cmpi slt, %rem3A_277, %lt3A_281 : vector<16xi32>
      %lt3A_283 = arith.constant 0 : i32
      %lt3A_284 = arith.cmpi slt, %select_n3A_275, %lt3A_283 : i32
      %ne3A_285 = vector.broadcast %lt3A_284 : i1 to vector<16xi1>
      %ne3A_286 = vector.broadcast %ne3A_285 : vector<16xi1> to vector<16xi1>
      %ne3A_287 = arith.xori %lt3A_282, %ne3A_286 : vector<16xi1>
      %and3A_288 = arith.andi %ne3A_287, %ne3A_280 : vector<16xi1>
      %add3A_289 = vector.broadcast %select_n3A_275 : i32 to vector<16xi32>
      %add3A_290 = arith.addi %rem3A_277, %add3A_289 : vector<16xi32>
      %select_n3A_291 = arith.select %and3A_288, %add3A_290, %rem3A_277 : vector<16xi1>, vector<16xi32>
      %swap3A_292 = arith.constant 0 : index
      %swap3A_293 = tpu.vector_load %arg29[%swap3A_292] {strides = array<i32>} : memref<32xi32, #tpu.memory_space<vmem>>, vector<16xi32>,
      tpu.vector_store %arg29[%swap3A_292], %select_n3A_291 {strides = array<i32>} : memref<32xi32, #tpu.memory_space<vmem>>, vector<16xi32>,
      %mul3A_294 = arith.constant 5 : i32
      %mul3A_295 = arith.constant 32 : i32
      %mul3A_296 = arith.muli %mul3A_294, %mul3A_295 : i32
      %add3A_297 = arith.constant 16 : i32
      %add3A_298 = arith.addi %mul3A_296, %add3A_297 : i32
      %get3A_299 = arith.index_cast %add3A_298 : i32 to index
      %get3A_300 = tpu.vector_load %arg12[%get3A_299] {strides = array<i32>} : memref<20384xi32, #tpu.memory_space<vmem>>, vector<16xi32>,
      %jit3A_301 = arith.constant 8192 : i32
      %div3A_302 = vector.broadcast %jit3A_301 : i32 to vector<16xi32>
      %div3A_303 = arith.divsi %get3A_300, %div3A_302 : vector<16xi32>
      %sign3A_304 = arith.constant 0 : i32
      %sign3A_305 = vector.broadcast %sign3A_304 : i32 to vector<16xi32>
      %sign3A_306 = arith.cmpi sgt, %get3A_300, %sign3A_305 : vector<16xi32>
      %sign3A_307 = arith.extui %sign3A_306 : vector<16xi1> to vector<16xi32>
      %sign3A_308 = arith.constant 0 : i32
      %sign3A_309 = vector.broadcast %sign3A_308 : i32 to vector<16xi32>
      %sign3A_310 = arith.cmpi slt, %get3A_300, %sign3A_309 : vector<16xi32>
      %sign3A_311 = arith.extui %sign3A_310 : vector<16xi1> to vector<16xi32>
      %sign3A_312 = arith.subi %sign3A_307, %sign3A_311 : vector<16xi32>
      %sign3A_313 = arith.constant 0 : i32
      %sign3A_314 = arith.cmpi sgt, %jit3A_301, %sign3A_313 : i32
      %sign3A_315 = arith.extui %sign3A_314 : i1 to i32
      %sign3A_316 = arith.constant 0 : i32
      %sign3A_317 = arith.cmpi slt, %jit3A_301, %sign3A_316 : i32
      %sign3A_318 = arith.extui %sign3A_317 : i1 to i32
      %sign3A_319 = arith.subi %sign3A_315, %sign3A_318 : i32
      %ne3A_320 = vector.broadcast %sign3A_319 : i32 to vector<16xi32>
      %ne3A_321 = arith.cmpi ne, %sign3A_312, %ne3A_320 : vector<16xi32>
      %rem3A_322 = vector.broadcast %jit3A_301 : i32 to vector<16xi32>
      %rem3A_323 = arith.remsi %get3A_300, %rem3A_322 : vector<16xi32>
      %ne3A_324 = arith.constant 0 : i32
      %ne3A_325 = vector.broadcast %ne3A_324 : i32 to vector<16xi32>
      %ne3A_326 = arith.cmpi ne, %rem3A_323, %ne3A_325 : vector<16xi32>
      %and3A_327 = arith.andi %ne3A_321, %ne3A_326 : vector<16xi1>
      %sub3A_328 = arith.constant 1 : i32
      %sub3A_329 = vector.broadcast %sub3A_328 : i32 to vector<16xi32>
      %sub3A_330 = arith.subi %div3A_303, %sub3A_329 : vector<16xi32>
      %select_n3A_331 = arith.select %and3A_327, %sub3A_330, %div3A_303 : vector<16xi1>, vector<16xi32>
      %swap3A_332 = arith.constant 16 : index
      %swap3A_333 = tpu.vector_load %arg28[%swap3A_332] {strides = array<i32>} : memref<32xi32, #tpu.memory_space<vmem>>, vector<16xi32>,
      tpu.vector_store %arg28[%swap3A_332], %select_n3A_331 {strides = array<i32>} : memref<32xi32, #tpu.memory_space<vmem>>, vector<16xi32>,
      %jit3A_334 = arith.constant 8192 : i32
      %eq3A_335 = arith.constant 0 : i32
      %eq3A_336 = arith.cmpi eq, %jit3A_334, %eq3A_335 : i32
      %jit3A_337 = arith.constant 1 : i32
      %select_n3A_338 = arith.select %eq3A_336, %jit3A_337, %jit3A_334 : i32
      %rem3A_339 = vector.broadcast %select_n3A_338 : i32 to vector<16xi32>
      %rem3A_340 = arith.remsi %get3A_300, %rem3A_339 : vector<16xi32>
      %ne3A_341 = arith.constant 0 : i32
      %ne3A_342 = vector.broadcast %ne3A_341 : i32 to vector<16xi32>
      %ne3A_343 = arith.cmpi ne, %rem3A_340, %ne3A_342 : vector<16xi32>
      %lt3A_344 = arith.constant 0 : i32
      %lt3A_345 = vector.broadcast %lt3A_344 : i32 to vector<16xi32>
      %lt3A_346 = arith.cmpi slt, %rem3A_340, %lt3A_345 : vector<16xi32>
      %lt3A_347 = arith.constant 0 : i32
      %lt3A_348 = arith.cmpi slt, %select_n3A_338, %lt3A_347 : i32
      %ne3A_349 = vector.broadcast %lt3A_348 : i1 to vector<16xi1>
      %ne3A_350 = vector.broadcast %ne3A_349 : vector<16xi1> to vector<16xi1>
      %ne3A_351 = arith.xori %lt3A_346, %ne3A_350 : vector<16xi1>
      %and3A_352 = arith.andi %ne3A_351, %ne3A_343 : vector<16xi1>
      %add3A_353 = vector.broadcast %select_n3A_338 : i32 to vector<16xi32>
      %add3A_354 = arith.addi %rem3A_340, %add3A_353 : vector<16xi32>
      %select_n3A_355 = arith.select %and3A_352, %add3A_354, %rem3A_340 : vector<16xi1>, vector<16xi32>
      %swap3A_356 = arith.constant 16 : index
      %swap3A_357 = tpu.vector_load %arg29[%swap3A_356] {strides = array<i32>} : memref<32xi32, #tpu.memory_space<vmem>>, vector<16xi32>,
      tpu.vector_store %arg29[%swap3A_356], %select_n3A_355 {strides = array<i32>} : memref<32xi32, #tpu.memory_space<vmem>>, vector<16xi32>,
      %dma_start3A = arith.constant 0 : i32
      %dma_start3A_358 = arith.constant 0 : i32
      %dma_start3A_359 = tpu.memref_slice %arg4[%dma_start3A, %dma_start3A_358] : memref<10000x128xf32, #tpu.memory_space<hbm>> -> memref<10000x128xf32, #tpu.memory_space<hbm>>
      tpu.enqueue_indirect_dma source(%dma_start3A_359 : memref<10000x128xf32, #tpu.memory_space<hbm>>) target(%arg30 : memref<32x128xf32, #tpu.memory_space<vmem>>) offsets(%arg28 : memref<32xi32, #tpu.memory_space<vmem>>) semaphore(%arg46 : memref<!tpu.dma_semaphore, #tpu.memory_space<semaphore_mem>>)
    } else {
    }
    %gt3A_179 = arith.constant 6 : i32
    %gt3A_180 = arith.cmpi sgt, %select_n3A_151, %gt3A_179 : i32
    %convert_element_type3A_181 = arith.extui %gt3A_180 : i1 to i32
    %cond3A_182 = arith.constant 0 : i32
    %cond3A_183 = arith.cmpi ne, %convert_element_type3A_181, %cond3A_182 : i32
    scf.if %cond3A_183 {
      %mul3A_233 = arith.constant 6 : i32
      %mul3A_234 = arith.constant 32 : i32
      %mul3A_235 = arith.muli %mul3A_233, %mul3A_234 : i32
      %add3A_236 = arith.constant 0 : i32
      %add3A_237 = arith.addi %mul3A_235, %add3A_236 : i32
      %get3A_238 = arith.index_cast %add3A_237 : i32 to index
      %get3A_239 = tpu.vector_load %arg12[%get3A_238] {strides = array<i32>} : memref<20384xi32, #tpu.memory_space<vmem>>, vector<16xi32>,
      %jit3A_240 = arith.constant 8192 : i32
      %div3A_241 = vector.broadcast %jit3A_240 : i32 to vector<16xi32>
      %div3A_242 = arith.divsi %get3A_239, %div3A_241 : vector<16xi32>
      %sign3A_243 = arith.constant 0 : i32
      %sign3A_244 = vector.broadcast %sign3A_243 : i32 to vector<16xi32>
      %sign3A_245 = arith.cmpi sgt, %get3A_239, %sign3A_244 : vector<16xi32>
      %sign3A_246 = arith.extui %sign3A_245 : vector<16xi1> to vector<16xi32>
      %sign3A_247 = arith.constant 0 : i32
      %sign3A_248 = vector.broadcast %sign3A_247 : i32 to vector<16xi32>
      %sign3A_249 = arith.cmpi slt, %get3A_239, %sign3A_248 : vector<16xi32>
      %sign3A_250 = arith.extui %sign3A_249 : vector<16xi1> to vector<16xi32>
      %sign3A_251 = arith.subi %sign3A_246, %sign3A_250 : vector<16xi32>
      %sign3A_252 = arith.constant 0 : i32
      %sign3A_253 = arith.cmpi sgt, %jit3A_240, %sign3A_252 : i32
      %sign3A_254 = arith.extui %sign3A_253 : i1 to i32
      %sign3A_255 = arith.constant 0 : i32
      %sign3A_256 = arith.cmpi slt, %jit3A_240, %sign3A_255 : i32
      %sign3A_257 = arith.extui %sign3A_256 : i1 to i32
      %sign3A_258 = arith.subi %sign3A_254, %sign3A_257 : i32
      %ne3A_259 = vector.broadcast %sign3A_258 : i32 to vector<16xi32>
      %ne3A_260 = arith.cmpi ne, %sign3A_251, %ne3A_259 : vector<16xi32>
      %rem3A_261 = vector.broadcast %jit3A_240 : i32 to vector<16xi32>
      %rem3A_262 = arith.remsi %get3A_239, %rem3A_261 : vector<16xi32>
      %ne3A_263 = arith.constant 0 : i32
      %ne3A_264 = vector.broadcast %ne3A_263 : i32 to vector<16xi32>
      %ne3A_265 = arith.cmpi ne, %rem3A_262, %ne3A_264 : vector<16xi32>
      %and3A_266 = arith.andi %ne3A_260, %ne3A_265 : vector<16xi1>
      %sub3A_267 = arith.constant 1 : i32
      %sub3A_268 = vector.broadcast %sub3A_267 : i32 to vector<16xi32>
      %sub3A_269 = arith.subi %div3A_242, %sub3A_268 : vector<16xi32>
      %select_n3A_270 = arith.select %and3A_266, %sub3A_269, %div3A_242 : vector<16xi1>, vector<16xi32>
      %swap3A = arith.constant 0 : index
      %swap3A_271 = tpu.vector_load %arg31[%swap3A] {strides = array<i32>} : memref<32xi32, #tpu.memory_space<vmem>>, vector<16xi32>,
      tpu.vector_store %arg31[%swap3A], %select_n3A_270 {strides = array<i32>} : memref<32xi32, #tpu.memory_space<vmem>>, vector<16xi32>,
      %jit3A_272 = arith.constant 8192 : i32
      %eq3A = arith.constant 0 : i32
      %eq3A_273 = arith.cmpi eq, %jit3A_272, %eq3A : i32
      %jit3A_274 = arith.constant 1 : i32
      %select_n3A_275 = arith.select %eq3A_273, %jit3A_274, %jit3A_272 : i32
      %rem3A_276 = vector.broadcast %select_n3A_275 : i32 to vector<16xi32>
      %rem3A_277 = arith.remsi %get3A_239, %rem3A_276 : vector<16xi32>
      %ne3A_278 = arith.constant 0 : i32
      %ne3A_279 = vector.broadcast %ne3A_278 : i32 to vector<16xi32>
      %ne3A_280 = arith.cmpi ne, %rem3A_277, %ne3A_279 : vector<16xi32>
      %lt3A = arith.constant 0 : i32
      %lt3A_281 = vector.broadcast %lt3A : i32 to vector<16xi32>
      %lt3A_282 = arith.cmpi slt, %rem3A_277, %lt3A_281 : vector<16xi32>
      %lt3A_283 = arith.constant 0 : i32
      %lt3A_284 = arith.cmpi slt, %select_n3A_275, %lt3A_283 : i32
      %ne3A_285 = vector.broadcast %lt3A_284 : i1 to vector<16xi1>
      %ne3A_286 = vector.broadcast %ne3A_285 : vector<16xi1> to vector<16xi1>
      %ne3A_287 = arith.xori %lt3A_282, %ne3A_286 : vector<16xi1>
      %and3A_288 = arith.andi %ne3A_287, %ne3A_280 : vector<16xi1>
      %add3A_289 = vector.broadcast %select_n3A_275 : i32 to vector<16xi32>
      %add3A_290 = arith.addi %rem3A_277, %add3A_289 : vector<16xi32>
      %select_n3A_291 = arith.select %and3A_288, %add3A_290, %rem3A_277 : vector<16xi1>, vector<16xi32>
      %swap3A_292 = arith.constant 0 : index
      %swap3A_293 = tpu.vector_load %arg32[%swap3A_292] {strides = array<i32>} : memref<32xi32, #tpu.memory_space<vmem>>, vector<16xi32>,
      tpu.vector_store %arg32[%swap3A_292], %select_n3A_291 {strides = array<i32>} : memref<32xi32, #tpu.memory_space<vmem>>, vector<16xi32>,
      %mul3A_294 = arith.constant 6 : i32
      %mul3A_295 = arith.constant 32 : i32
      %mul3A_296 = arith.muli %mul3A_294, %mul3A_295 : i32
      %add3A_297 = arith.constant 16 : i32
      %add3A_298 = arith.addi %mul3A_296, %add3A_297 : i32
      %get3A_299 = arith.index_cast %add3A_298 : i32 to index
      %get3A_300 = tpu.vector_load %arg12[%get3A_299] {strides = array<i32>} : memref<20384xi32, #tpu.memory_space<vmem>>, vector<16xi32>,
      %jit3A_301 = arith.constant 8192 : i32
      %div3A_302 = vector.broadcast %jit3A_301 : i32 to vector<16xi32>
      %div3A_303 = arith.divsi %get3A_300, %div3A_302 : vector<16xi32>
      %sign3A_304 = arith.constant 0 : i32
      %sign3A_305 = vector.broadcast %sign3A_304 : i32 to vector<16xi32>
      %sign3A_306 = arith.cmpi sgt, %get3A_300, %sign3A_305 : vector<16xi32>
      %sign3A_307 = arith.extui %sign3A_306 : vector<16xi1> to vector<16xi32>
      %sign3A_308 = arith.constant 0 : i32
      %sign3A_309 = vector.broadcast %sign3A_308 : i32 to vector<16xi32>
      %sign3A_310 = arith.cmpi slt, %get3A_300, %sign3A_309 : vector<16xi32>
      %sign3A_311 = arith.extui %sign3A_310 : vector<16xi1> to vector<16xi32>
      %sign3A_312 = arith.subi %sign3A_307, %sign3A_311 : vector<16xi32>
      %sign3A_313 = arith.constant 0 : i32
      %sign3A_314 = arith.cmpi sgt, %jit3A_301, %sign3A_313 : i32
      %sign3A_315 = arith.extui %sign3A_314 : i1 to i32
      %sign3A_316 = arith.constant 0 : i32
      %sign3A_317 = arith.cmpi slt, %jit3A_301, %sign3A_316 : i32
      %sign3A_318 = arith.extui %sign3A_317 : i1 to i32
      %sign3A_319 = arith.subi %sign3A_315, %sign3A_318 : i32
      %ne3A_320 = vector.broadcast %sign3A_319 : i32 to vector<16xi32>
      %ne3A_321 = arith.cmpi ne, %sign3A_312, %ne3A_320 : vector<16xi32>
      %rem3A_322 = vector.broadcast %jit3A_301 : i32 to vector<16xi32>
      %rem3A_323 = arith.remsi %get3A_300, %rem3A_322 : vector<16xi32>
      %ne3A_324 = arith.constant 0 : i32
      %ne3A_325 = vector.broadcast %ne3A_324 : i32 to vector<16xi32>
      %ne3A_326 = arith.cmpi ne, %rem3A_323, %ne3A_325 : vector<16xi32>
      %and3A_327 = arith.andi %ne3A_321, %ne3A_326 : vector<16xi1>
      %sub3A_328 = arith.constant 1 : i32
      %sub3A_329 = vector.broadcast %sub3A_328 : i32 to vector<16xi32>
      %sub3A_330 = arith.subi %div3A_303, %sub3A_329 : vector<16xi32>
      %select_n3A_331 = arith.select %and3A_327, %sub3A_330, %div3A_303 : vector<16xi1>, vector<16xi32>
      %swap3A_332 = arith.constant 16 : index
      %swap3A_333 = tpu.vector_load %arg31[%swap3A_332] {strides = array<i32>} : memref<32xi32, #tpu.memory_space<vmem>>, vector<16xi32>,
      tpu.vector_store %arg31[%swap3A_332], %select_n3A_331 {strides = array<i32>} : memref<32xi32, #tpu.memory_space<vmem>>, vector<16xi32>,
      %jit3A_334 = arith.constant 8192 : i32
      %eq3A_335 = arith.constant 0 : i32
      %eq3A_336 = arith.cmpi eq, %jit3A_334, %eq3A_335 : i32
      %jit3A_337 = arith.constant 1 : i32
      %select_n3A_338 = arith.select %eq3A_336, %jit3A_337, %jit3A_334 : i32
      %rem3A_339 = vector.broadcast %select_n3A_338 : i32 to vector<16xi32>
      %rem3A_340 = arith.remsi %get3A_300, %rem3A_339 : vector<16xi32>
      %ne3A_341 = arith.constant 0 : i32
      %ne3A_342 = vector.broadcast %ne3A_341 : i32 to vector<16xi32>
      %ne3A_343 = arith.cmpi ne, %rem3A_340, %ne3A_342 : vector<16xi32>
      %lt3A_344 = arith.constant 0 : i32
      %lt3A_345 = vector.broadcast %lt3A_344 : i32 to vector<16xi32>
      %lt3A_346 = arith.cmpi slt, %rem3A_340, %lt3A_345 : vector<16xi32>
      %lt3A_347 = arith.constant 0 : i32
      %lt3A_348 = arith.cmpi slt, %select_n3A_338, %lt3A_347 : i32
      %ne3A_349 = vector.broadcast %lt3A_348 : i1 to vector<16xi1>
      %ne3A_350 = vector.broadcast %ne3A_349 : vector<16xi1> to vector<16xi1>
      %ne3A_351 = arith.xori %lt3A_346, %ne3A_350 : vector<16xi1>
      %and3A_352 = arith.andi %ne3A_351, %ne3A_343 : vector<16xi1>
      %add3A_353 = vector.broadcast %select_n3A_338 : i32 to vector<16xi32>
      %add3A_354 = arith.addi %rem3A_340, %add3A_353 : vector<16xi32>
      %select_n3A_355 = arith.select %and3A_352, %add3A_354, %rem3A_340 : vector<16xi1>, vector<16xi32>
      %swap3A_356 = arith.constant 16 : index
      %swap3A_357 = tpu.vector_load %arg32[%swap3A_356] {strides = array<i32>} : memref<32xi32, #tpu.memory_space<vmem>>, vector<16xi32>,
      tpu.vector_store %arg32[%swap3A_356], %select_n3A_355 {strides = array<i32>} : memref<32xi32, #tpu.memory_space<vmem>>, vector<16xi32>,
      %dma_start3A = arith.constant 0 : i32
      %dma_start3A_358 = arith.constant 0 : i32
      %dma_start3A_359 = tpu.memref_slice %arg4[%dma_start3A, %dma_start3A_358] : memref<10000x128xf32, #tpu.memory_space<hbm>> -> memref<10000x128xf32, #tpu.memory_space<hbm>>
      tpu.enqueue_indirect_dma source(%dma_start3A_359 : memref<10000x128xf32, #tpu.memory_space<hbm>>) target(%arg33 : memref<32x128xf32, #tpu.memory_space<vmem>>) offsets(%arg31 : memref<32xi32, #tpu.memory_space<vmem>>) semaphore(%arg47 : memref<!tpu.dma_semaphore, #tpu.memory_space<semaphore_mem>>)
    } else {
    }
    %add3A_184 = arith.constant 8 : i32
    %add3A_185 = arith.addi %select_n3A_151, %add3A_184 : i32
    %sub3A_186 = arith.constant 1 : i32
    %sub3A_187 = arith.subi %add3A_185, %sub3A_186 : i32
    %jit3A_188 = arith.constant 8 : i32
    %div3A_189 = arith.divsi %sub3A_187, %jit3A_188 : i32
    %sign3A_190 = arith.constant 0 : i32
    %sign3A_191 = arith.cmpi sgt, %sub3A_187, %sign3A_190 : i32
    %sign3A_192 = arith.extui %sign3A_191 : i1 to i32
    %sign3A_193 = arith.constant 0 : i32
    %sign3A_194 = arith.cmpi slt, %sub3A_187, %sign3A_193 : i32
    %sign3A_195 = arith.extui %sign3A_194 : i1 to i32
    %sign3A_196 = arith.subi %sign3A_192, %sign3A_195 : i32
    %sign3A_197 = arith.constant 0 : i32
    %sign3A_198 = arith.cmpi sgt, %jit3A_188, %sign3A_197 : i32
    %sign3A_199 = arith.extui %sign3A_198 : i1 to i32
    %sign3A_200 = arith.constant 0 : i32
    %sign3A_201 = arith.cmpi slt, %jit3A_188, %sign3A_200 : i32
    %sign3A_202 = arith.extui %sign3A_201 : i1 to i32
    %sign3A_203 = arith.subi %sign3A_199, %sign3A_202 : i32
    %ne3A_204 = arith.cmpi ne, %sign3A_196, %sign3A_203 : i32
    %rem3A_205 = arith.remsi %sub3A_187, %jit3A_188 : i32
    %ne3A_206 = arith.constant 0 : i32
    %ne3A_207 = arith.cmpi ne, %rem3A_205, %ne3A_206 : i32
    %and3A_208 = arith.andi %ne3A_204, %ne3A_207 : i1
    %sub3A_209 = arith.constant 1 : i32
    %sub3A_210 = arith.subi %div3A_189, %sub3A_209 : i32
    %select_n3A_211 = arith.select %and3A_208, %sub3A_210, %div3A_189 : i32
    %while3A_212 = arith.constant 0 : i32
    %while3A_213 = arith.constant 0 : i32
    %while3A_214 = arith.subi %select_n3A_211, %while3A_212 : i32
    %while3A_215 = arith.addi %while3A_212, %while3A_214 : i32
    %while3A_216 = arith.constant 1 : i32
    %while3A_217 = arith.divsi %while3A_214, %while3A_216 : i32
    %while3A_218 = arith.muli %while3A_217, %while3A_216 : i32
    %while3A_219 = arith.addi %while3A_212, %while3A_218 : i32
    %while3A_220 = arith.constant 1 : i32
    %while3A_221 = scf.for %while3A_233 = %while3A_212 to %while3A_219 step %while3A_220 iter_args(%while3A_234 = %while3A_213) -> (i32)  : i32 {
      %mul3A_235 = arith.constant 8 : i32
      %mul3A_236 = arith.muli %while3A_233, %mul3A_235 : i32
      %add3A_237 = arith.constant 0 : i32
      %add3A_238 = arith.addi %mul3A_236, %add3A_237 : i32
      %lt3A = arith.cmpi slt, %add3A_238, %select_n3A_151 : i32
      %convert_element_type3A_239 = arith.extui %lt3A : i1 to i32
      %cond3A_240 = arith.constant 0 : i32
      %cond3A_241 = arith.cmpi ne, %convert_element_type3A_239, %cond3A_240 : i32
      scf.if %cond3A_241 {
        %dma_wait3A = arith.constant 0 : i32
        %dma_wait3A_299 = arith.constant 0 : i32
        %dma_wait3A_300 = tpu.memref_slice %arg4[%dma_wait3A, %dma_wait3A_299] : memref<10000x128xf32, #tpu.memory_space<hbm>> -> memref<10000x128xf32, #tpu.memory_space<hbm>>
        tpu.wait_indirect_dma semaphore(%arg41 : memref<!tpu.dma_semaphore, #tpu.memory_space<semaphore_mem>>) src(%dma_wait3A_300 : memref<10000x128xf32, #tpu.memory_space<hbm>>) dst(%arg15 : memref<32x128xf32, #tpu.memory_space<vmem>>)
        %add3A_301 = arith.constant 8 : i32
        %add3A_302 = arith.addi %add3A_238, %add3A_301 : i32
        %sub3A_303 = arith.constant 1 : i32
        %sub3A_304 = arith.subi %add3A_302, %sub3A_303 : i32
        %lt3A_305 = arith.cmpi slt, %sub3A_304, %select_n3A_151 : i32
        %convert_element_type3A_306 = arith.extui %lt3A_305 : i1 to i32
        %cond3A_307 = arith.constant 0 : i32
        %cond3A_308 = arith.cmpi ne, %convert_element_type3A_306, %cond3A_307 : i32
        scf.if %cond3A_308 {
          %add3A_309 = arith.constant 8 : i32
          %add3A_310 = arith.addi %add3A_238, %add3A_309 : i32
          %sub3A_311 = arith.constant 1 : i32
          %sub3A_312 = arith.subi %add3A_310, %sub3A_311 : i32
          %mul3A_313 = arith.constant 32 : i32
          %mul3A_314 = arith.muli %sub3A_312, %mul3A_313 : i32
          %add3A_315 = arith.constant 0 : i32
          %add3A_316 = arith.addi %mul3A_314, %add3A_315 : i32
          %get3A_317 = arith.index_cast %add3A_316 : i32 to index
          %get3A_318 = tpu.vector_load %arg12[%get3A_317] {strides = array<i32>} : memref<20384xi32, #tpu.memory_space<vmem>>, vector<16xi32>,
          %jit3A_319 = arith.constant 8192 : i32
          %div3A_320 = vector.broadcast %jit3A_319 : i32 to vector<16xi32>
          %div3A_321 = arith.divsi %get3A_318, %div3A_320 : vector<16xi32>
          %sign3A_322 = arith.constant 0 : i32
          %sign3A_323 = vector.broadcast %sign3A_322 : i32 to vector<16xi32>
          %sign3A_324 = arith.cmpi sgt, %get3A_318, %sign3A_323 : vector<16xi32>
          %sign3A_325 = arith.extui %sign3A_324 : vector<16xi1> to vector<16xi32>
          %sign3A_326 = arith.constant 0 : i32
          %sign3A_327 = vector.broadcast %sign3A_326 : i32 to vector<16xi32>
          %sign3A_328 = arith.cmpi slt, %get3A_318, %sign3A_327 : vector<16xi32>
          %sign3A_329 = arith.extui %sign3A_328 : vector<16xi1> to vector<16xi32>
          %sign3A_330 = arith.subi %sign3A_325, %sign3A_329 : vector<16xi32>
          %sign3A_331 = arith.constant 0 : i32
          %sign3A_332 = arith.cmpi sgt, %jit3A_319, %sign3A_331 : i32
          %sign3A_333 = arith.extui %sign3A_332 : i1 to i32
          %sign3A_334 = arith.constant 0 : i32
          %sign3A_335 = arith.cmpi slt, %jit3A_319, %sign3A_334 : i32
          %sign3A_336 = arith.extui %sign3A_335 : i1 to i32
          %sign3A_337 = arith.subi %sign3A_333, %sign3A_336 : i32
          %ne3A_338 = vector.broadcast %sign3A_337 : i32 to vector<16xi32>
          %ne3A_339 = arith.cmpi ne, %sign3A_330, %ne3A_338 : vector<16xi32>
          %rem3A_340 = vector.broadcast %jit3A_319 : i32 to vector<16xi32>
          %rem3A_341 = arith.remsi %get3A_318, %rem3A_340 : vector<16xi32>
          %ne3A_342 = arith.constant 0 : i32
          %ne3A_343 = vector.broadcast %ne3A_342 : i32 to vector<16xi32>
          %ne3A_344 = arith.cmpi ne, %rem3A_341, %ne3A_343 : vector<16xi32>
          %and3A_345 = arith.andi %ne3A_339, %ne3A_344 : vector<16xi1>
          %sub3A_346 = arith.constant 1 : i32
          %sub3A_347 = vector.broadcast %sub3A_346 : i32 to vector<16xi32>
          %sub3A_348 = arith.subi %div3A_321, %sub3A_347 : vector<16xi32>
          %select_n3A_349 = arith.select %and3A_345, %sub3A_348, %div3A_321 : vector<16xi1>, vector<16xi32>
          %swap3A = arith.constant 0 : index
          %swap3A_350 = tpu.vector_load %arg34[%swap3A] {strides = array<i32>} : memref<32xi32, #tpu.memory_space<vmem>>, vector<16xi32>,
          tpu.vector_store %arg34[%swap3A], %select_n3A_349 {strides = array<i32>} : memref<32xi32, #tpu.memory_space<vmem>>, vector<16xi32>,
          %jit3A_351 = arith.constant 8192 : i32
          %eq3A = arith.constant 0 : i32
          %eq3A_352 = arith.cmpi eq, %jit3A_351, %eq3A : i32
          %jit3A_353 = arith.constant 1 : i32
          %select_n3A_354 = arith.select %eq3A_352, %jit3A_353, %jit3A_351 : i32
          %rem3A_355 = vector.broadcast %select_n3A_354 : i32 to vector<16xi32>
          %rem3A_356 = arith.remsi %get3A_318, %rem3A_355 : vector<16xi32>
          %ne3A_357 = arith.constant 0 : i32
          %ne3A_358 = vector.broadcast %ne3A_357 : i32 to vector<16xi32>
          %ne3A_359 = arith.cmpi ne, %rem3A_356, %ne3A_358 : vector<16xi32>
          %lt3A_360 = arith.constant 0 : i32
          %lt3A_361 = vector.broadcast %lt3A_360 : i32 to vector<16xi32>
          %lt3A_362 = arith.cmpi slt, %rem3A_356, %lt3A_361 : vector<16xi32>
          %lt3A_363 = arith.constant 0 : i32
          %lt3A_364 = arith.cmpi slt, %select_n3A_354, %lt3A_363 : i32
          %ne3A_365 = vector.broadcast %lt3A_364 : i1 to vector<16xi1>
          %ne3A_366 = vector.broadcast %ne3A_365 : vector<16xi1> to vector<16xi1>
          %ne3A_367 = arith.xori %lt3A_362, %ne3A_366 : vector<16xi1>
          %and3A_368 = arith.andi %ne3A_367, %ne3A_359 : vector<16xi1>
          %add3A_369 = vector.broadcast %select_n3A_354 : i32 to vector<16xi32>
          %add3A_370 = arith.addi %rem3A_356, %add3A_369 : vector<16xi32>
          %select_n3A_371 = arith.select %and3A_368, %add3A_370, %rem3A_356 : vector<16xi1>, vector<16xi32>
          %swap3A_372 = arith.constant 0 : index
          %swap3A_373 = tpu.vector_load %arg35[%swap3A_372] {strides = array<i32>} : memref<32xi32, #tpu.memory_space<vmem>>, vector<16xi32>,
          tpu.vector_store %arg35[%swap3A_372], %select_n3A_371 {strides = array<i32>} : memref<32xi32, #tpu.memory_space<vmem>>, vector<16xi32>,
          %mul3A_374 = arith.constant 32 : i32
          %mul3A_375 = arith.muli %sub3A_312, %mul3A_374 : i32
          %add3A_376 = arith.constant 16 : i32
          %add3A_377 = arith.addi %mul3A_375, %add3A_376 : i32
          %get3A_378 = arith.index_cast %add3A_377 : i32 to index
          %get3A_379 = tpu.vector_load %arg12[%get3A_378] {strides = array<i32>} : memref<20384xi32, #tpu.memory_space<vmem>>, vector<16xi32>,
          %jit3A_380 = arith.constant 8192 : i32
          %div3A_381 = vector.broadcast %jit3A_380 : i32 to vector<16xi32>
          %div3A_382 = arith.divsi %get3A_379, %div3A_381 : vector<16xi32>
          %sign3A_383 = arith.constant 0 : i32
          %sign3A_384 = vector.broadcast %sign3A_383 : i32 to vector<16xi32>
          %sign3A_385 = arith.cmpi sgt, %get3A_379, %sign3A_384 : vector<16xi32>
          %sign3A_386 = arith.extui %sign3A_385 : vector<16xi1> to vector<16xi32>
          %sign3A_387 = arith.constant 0 : i32
          %sign3A_388 = vector.broadcast %sign3A_387 : i32 to vector<16xi32>
          %sign3A_389 = arith.cmpi slt, %get3A_379, %sign3A_388 : vector<16xi32>
          %sign3A_390 = arith.extui %sign3A_389 : vector<16xi1> to vector<16xi32>
          %sign3A_391 = arith.subi %sign3A_386, %sign3A_390 : vector<16xi32>
          %sign3A_392 = arith.constant 0 : i32
          %sign3A_393 = arith.cmpi sgt, %jit3A_380, %sign3A_392 : i32
          %sign3A_394 = arith.extui %sign3A_393 : i1 to i32
          %sign3A_395 = arith.constant 0 : i32
          %sign3A_396 = arith.cmpi slt, %jit3A_380, %sign3A_395 : i32
          %sign3A_397 = arith.extui %sign3A_396 : i1 to i32
          %sign3A_398 = arith.subi %sign3A_394, %sign3A_397 : i32
          %ne3A_399 = vector.broadcast %sign3A_398 : i32 to vector<16xi32>
          %ne3A_400 = arith.cmpi ne, %sign3A_391, %ne3A_399 : vector<16xi32>
          %rem3A_401 = vector.broadcast %jit3A_380 : i32 to vector<16xi32>
          %rem3A_402 = arith.remsi %get3A_379, %rem3A_401 : vector<16xi32>
          %ne3A_403 = arith.constant 0 : i32
          %ne3A_404 = vector.broadcast %ne3A_403 : i32 to vector<16xi32>
          %ne3A_405 = arith.cmpi ne, %rem3A_402, %ne3A_404 : vector<16xi32>
          %and3A_406 = arith.andi %ne3A_400, %ne3A_405 : vector<16xi1>
          %sub3A_407 = arith.constant 1 : i32
          %sub3A_408 = vector.broadcast %sub3A_407 : i32 to vector<16xi32>
          %sub3A_409 = arith.subi %div3A_382, %sub3A_408 : vector<16xi32>
          %select_n3A_410 = arith.select %and3A_406, %sub3A_409, %div3A_382 : vector<16xi1>, vector<16xi32>
          %swap3A_411 = arith.constant 16 : index
          %swap3A_412 = tpu.vector_load %arg34[%swap3A_411] {strides = array<i32>} : memref<32xi32, #tpu.memory_space<vmem>>, vector<16xi32>,
          tpu.vector_store %arg34[%swap3A_411], %select_n3A_410 {strides = array<i32>} : memref<32xi32, #tpu.memory_space<vmem>>, vector<16xi32>,
          %jit3A_413 = arith.constant 8192 : i32
          %eq3A_414 = arith.constant 0 : i32
          %eq3A_415 = arith.cmpi eq, %jit3A_413, %eq3A_414 : i32
          %jit3A_416 = arith.constant 1 : i32
          %select_n3A_417 = arith.select %eq3A_415, %jit3A_416, %jit3A_413 : i32
          %rem3A_418 = vector.broadcast %select_n3A_417 : i32 to vector<16xi32>
          %rem3A_419 = arith.remsi %get3A_379, %rem3A_418 : vector<16xi32>
          %ne3A_420 = arith.constant 0 : i32
          %ne3A_421 = vector.broadcast %ne3A_420 : i32 to vector<16xi32>
          %ne3A_422 = arith.cmpi ne, %rem3A_419, %ne3A_421 : vector<16xi32>
          %lt3A_423 = arith.constant 0 : i32
          %lt3A_424 = vector.broadcast %lt3A_423 : i32 to vector<16xi32>
          %lt3A_425 = arith.cmpi slt, %rem3A_419, %lt3A_424 : vector<16xi32>
          %lt3A_426 = arith.constant 0 : i32
          %lt3A_427 = arith.cmpi slt, %select_n3A_417, %lt3A_426 : i32
          %ne3A_428 = vector.broadcast %lt3A_427 : i1 to vector<16xi1>
          %ne3A_429 = vector.broadcast %ne3A_428 : vector<16xi1> to vector<16xi1>
          %ne3A_430 = arith.xori %lt3A_425, %ne3A_429 : vector<16xi1>
          %and3A_431 = arith.andi %ne3A_430, %ne3A_422 : vector<16xi1>
          %add3A_432 = vector.broadcast %select_n3A_417 : i32 to vector<16xi32>
          %add3A_433 = arith.addi %rem3A_419, %add3A_432 : vector<16xi32>
          %select_n3A_434 = arith.select %and3A_431, %add3A_433, %rem3A_419 : vector<16xi1>, vector<16xi32>
          %swap3A_435 = arith.constant 16 : index
          %swap3A_436 = tpu.vector_load %arg35[%swap3A_435] {strides = array<i32>} : memref<32xi32, #tpu.memory_space<vmem>>, vector<16xi32>,
          tpu.vector_store %arg35[%swap3A_435], %select_n3A_434 {strides = array<i32>} : memref<32xi32, #tpu.memory_space<vmem>>, vector<16xi32>,
          %dma_start3A = arith.constant 0 : i32
          %dma_start3A_437 = arith.constant 0 : i32
          %dma_start3A_438 = tpu.memref_slice %arg4[%dma_start3A, %dma_start3A_437] : memref<10000x128xf32, #tpu.memory_space<hbm>> -> memref<10000x128xf32, #tpu.memory_space<hbm>>
          tpu.enqueue_indirect_dma source(%dma_start3A_438 : memref<10000x128xf32, #tpu.memory_space<hbm>>) target(%arg36 : memref<32x128xf32, #tpu.memory_space<vmem>>) offsets(%arg34 : memref<32xi32, #tpu.memory_space<vmem>>) semaphore(%arg48 : memref<!tpu.dma_semaphore, #tpu.memory_space<semaphore_mem>>)
        } else {
        }
        "tpu.region"() ({
          %run_scoped3A = tpu.sem_alloc : memref<!tpu.dma_semaphore, #tpu.memory_space<semaphore_mem>>
          %dma_start3A = arith.constant 0 : i32
          %dma_start3A_309 = arith.constant 0 : i32
          %dma_start3A_310 = tpu.memref_slice %arg9[%dma_start3A, %dma_start3A_309] : memref<5120x128xf32, #tpu.memory_space<vmem_shared>> -> memref<5120x128xf32, #tpu.memory_space<vmem_shared>>
          tpu.enqueue_indirect_dma source(%arg15 : memref<32x128xf32, #tpu.memory_space<vmem>>) target(%dma_start3A_310 : memref<5120x128xf32, #tpu.memory_space<vmem_shared>>) offsets(%arg14 : memref<32xi32, #tpu.memory_space<vmem>>) semaphore(%run_scoped3A : memref<!tpu.dma_semaphore, #tpu.memory_space<semaphore_mem>>) {add = true}
          %dma_wait3A_311 = arith.constant 0 : i32
          %dma_wait3A_312 = arith.constant 0 : i32
          %dma_wait3A_313 = tpu.memref_slice %arg9[%dma_wait3A_311, %dma_wait3A_312] : memref<5120x128xf32, #tpu.memory_space<vmem_shared>> -> memref<5120x128xf32, #tpu.memory_space<vmem_shared>>
          tpu.wait_indirect_dma semaphore(%run_scoped3A : memref<!tpu.dma_semaphore, #tpu.memory_space<semaphore_mem>>) src(%arg15 : memref<32x128xf32, #tpu.memory_space<vmem>>) dst(%dma_wait3A_313 : memref<5120x128xf32, #tpu.memory_space<vmem_shared>>)
          tpu.yield
        }) : () -> ()
      } else {
      }
      %mul3A_242 = arith.constant 8 : i32
      %mul3A_243 = arith.muli %while3A_233, %mul3A_242 : i32
      %add3A_244 = arith.constant 1 : i32
      %add3A_245 = arith.addi %mul3A_243, %add3A_244 : i32
      %lt3A_246 = arith.cmpi slt, %add3A_245, %select_n3A_151 : i32
      %convert_element_type3A_247 = arith.extui %lt3A_246 : i1 to i32
      %cond3A_248 = arith.constant 0 : i32
      %cond3A_249 = arith.cmpi ne, %convert_element_type3A_247, %cond3A_248 : i32
      scf.if %cond3A_249 {
        %dma_wait3A = arith.constant 0 : i32
        %dma_wait3A_299 = arith.constant 0 : i32
        %dma_wait3A_300 = tpu.memref_slice %arg4[%dma_wait3A, %dma_wait3A_299] : memref<10000x128xf32, #tpu.memory_space<hbm>> -> memref<10000x128xf32, #tpu.memory_space<hbm>>
        tpu.wait_indirect_dma semaphore(%arg42 : memref<!tpu.dma_semaphore, #tpu.memory_space<semaphore_mem>>) src(%dma_wait3A_300 : memref<10000x128xf32, #tpu.memory_space<hbm>>) dst(%arg18 : memref<32x128xf32, #tpu.memory_space<vmem>>)
        %add3A_301 = arith.constant 8 : i32
        %add3A_302 = arith.addi %add3A_245, %add3A_301 : i32
        %sub3A_303 = arith.constant 1 : i32
        %sub3A_304 = arith.subi %add3A_302, %sub3A_303 : i32
        %lt3A_305 = arith.cmpi slt, %sub3A_304, %select_n3A_151 : i32
        %convert_element_type3A_306 = arith.extui %lt3A_305 : i1 to i32
        %cond3A_307 = arith.constant 0 : i32
        %cond3A_308 = arith.cmpi ne, %convert_element_type3A_306, %cond3A_307 : i32
        scf.if %cond3A_308 {
          %add3A_309 = arith.constant 8 : i32
          %add3A_310 = arith.addi %add3A_245, %add3A_309 : i32
          %sub3A_311 = arith.constant 1 : i32
          %sub3A_312 = arith.subi %add3A_310, %sub3A_311 : i32
          %mul3A_313 = arith.constant 32 : i32
          %mul3A_314 = arith.muli %sub3A_312, %mul3A_313 : i32
          %add3A_315 = arith.constant 0 : i32
          %add3A_316 = arith.addi %mul3A_314, %add3A_315 : i32
          %get3A_317 = arith.index_cast %add3A_316 : i32 to index
          %get3A_318 = tpu.vector_load %arg12[%get3A_317] {strides = array<i32>} : memref<20384xi32, #tpu.memory_space<vmem>>, vector<16xi32>,
          %jit3A_319 = arith.constant 8192 : i32
          %div3A_320 = vector.broadcast %jit3A_319 : i32 to vector<16xi32>
          %div3A_321 = arith.divsi %get3A_318, %div3A_320 : vector<16xi32>
          %sign3A_322 = arith.constant 0 : i32
          %sign3A_323 = vector.broadcast %sign3A_322 : i32 to vector<16xi32>
          %sign3A_324 = arith.cmpi sgt, %get3A_318, %sign3A_323 : vector<16xi32>
          %sign3A_325 = arith.extui %sign3A_324 : vector<16xi1> to vector<16xi32>
          %sign3A_326 = arith.constant 0 : i32
          %sign3A_327 = vector.broadcast %sign3A_326 : i32 to vector<16xi32>
          %sign3A_328 = arith.cmpi slt, %get3A_318, %sign3A_327 : vector<16xi32>
          %sign3A_329 = arith.extui %sign3A_328 : vector<16xi1> to vector<16xi32>
          %sign3A_330 = arith.subi %sign3A_325, %sign3A_329 : vector<16xi32>
          %sign3A_331 = arith.constant 0 : i32
          %sign3A_332 = arith.cmpi sgt, %jit3A_319, %sign3A_331 : i32
          %sign3A_333 = arith.extui %sign3A_332 : i1 to i32
          %sign3A_334 = arith.constant 0 : i32
          %sign3A_335 = arith.cmpi slt, %jit3A_319, %sign3A_334 : i32
          %sign3A_336 = arith.extui %sign3A_335 : i1 to i32
          %sign3A_337 = arith.subi %sign3A_333, %sign3A_336 : i32
          %ne3A_338 = vector.broadcast %sign3A_337 : i32 to vector<16xi32>
          %ne3A_339 = arith.cmpi ne, %sign3A_330, %ne3A_338 : vector<16xi32>
          %rem3A_340 = vector.broadcast %jit3A_319 : i32 to vector<16xi32>
          %rem3A_341 = arith.remsi %get3A_318, %rem3A_340 : vector<16xi32>
          %ne3A_342 = arith.constant 0 : i32
          %ne3A_343 = vector.broadcast %ne3A_342 : i32 to vector<16xi32>
          %ne3A_344 = arith.cmpi ne, %rem3A_341, %ne3A_343 : vector<16xi32>
          %and3A_345 = arith.andi %ne3A_339, %ne3A_344 : vector<16xi1>
          %sub3A_346 = arith.constant 1 : i32
          %sub3A_347 = vector.broadcast %sub3A_346 : i32 to vector<16xi32>
          %sub3A_348 = arith.subi %div3A_321, %sub3A_347 : vector<16xi32>
          %select_n3A_349 = arith.select %and3A_345, %sub3A_348, %div3A_321 : vector<16xi1>, vector<16xi32>
          %swap3A = arith.constant 0 : index
          %swap3A_350 = tpu.vector_load %arg13[%swap3A] {strides = array<i32>} : memref<32xi32, #tpu.memory_space<vmem>>, vector<16xi32>,
          tpu.vector_store %arg13[%swap3A], %select_n3A_349 {strides = array<i32>} : memref<32xi32, #tpu.memory_space<vmem>>, vector<16xi32>,
          %jit3A_351 = arith.constant 8192 : i32
          %eq3A = arith.constant 0 : i32
          %eq3A_352 = arith.cmpi eq, %jit3A_351, %eq3A : i32
          %jit3A_353 = arith.constant 1 : i32
          %select_n3A_354 = arith.select %eq3A_352, %jit3A_353, %jit3A_351 : i32
          %rem3A_355 = vector.broadcast %select_n3A_354 : i32 to vector<16xi32>
          %rem3A_356 = arith.remsi %get3A_318, %rem3A_355 : vector<16xi32>
          %ne3A_357 = arith.constant 0 : i32
          %ne3A_358 = vector.broadcast %ne3A_357 : i32 to vector<16xi32>
          %ne3A_359 = arith.cmpi ne, %rem3A_356, %ne3A_358 : vector<16xi32>
          %lt3A_360 = arith.constant 0 : i32
          %lt3A_361 = vector.broadcast %lt3A_360 : i32 to vector<16xi32>
          %lt3A_362 = arith.cmpi slt, %rem3A_356, %lt3A_361 : vector<16xi32>
          %lt3A_363 = arith.constant 0 : i32
          %lt3A_364 = arith.cmpi slt, %select_n3A_354, %lt3A_363 : i32
          %ne3A_365 = vector.broadcast %lt3A_364 : i1 to vector<16xi1>
          %ne3A_366 = vector.broadcast %ne3A_365 : vector<16xi1> to vector<16xi1>
          %ne3A_367 = arith.xori %lt3A_362, %ne3A_366 : vector<16xi1>
          %and3A_368 = arith.andi %ne3A_367, %ne3A_359 : vector<16xi1>
          %add3A_369 = vector.broadcast %select_n3A_354 : i32 to vector<16xi32>
          %add3A_370 = arith.addi %rem3A_356, %add3A_369 : vector<16xi32>
          %select_n3A_371 = arith.select %and3A_368, %add3A_370, %rem3A_356 : vector<16xi1>, vector<16xi32>
          %swap3A_372 = arith.constant 0 : index
          %swap3A_373 = tpu.vector_load %arg14[%swap3A_372] {strides = array<i32>} : memref<32xi32, #tpu.memory_space<vmem>>, vector<16xi32>,
          tpu.vector_store %arg14[%swap3A_372], %select_n3A_371 {strides = array<i32>} : memref<32xi32, #tpu.memory_space<vmem>>, vector<16xi32>,
          %mul3A_374 = arith.constant 32 : i32
          %mul3A_375 = arith.muli %sub3A_312, %mul3A_374 : i32
          %add3A_376 = arith.constant 16 : i32
          %add3A_377 = arith.addi %mul3A_375, %add3A_376 : i32
          %get3A_378 = arith.index_cast %add3A_377 : i32 to index
          %get3A_379 = tpu.vector_load %arg12[%get3A_378] {strides = array<i32>} : memref<20384xi32, #tpu.memory_space<vmem>>, vector<16xi32>,
          %jit3A_380 = arith.constant 8192 : i32
          %div3A_381 = vector.broadcast %jit3A_380 : i32 to vector<16xi32>
          %div3A_382 = arith.divsi %get3A_379, %div3A_381 : vector<16xi32>
          %sign3A_383 = arith.constant 0 : i32
          %sign3A_384 = vector.broadcast %sign3A_383 : i32 to vector<16xi32>
          %sign3A_385 = arith.cmpi sgt, %get3A_379, %sign3A_384 : vector<16xi32>
          %sign3A_386 = arith.extui %sign3A_385 : vector<16xi1> to vector<16xi32>
          %sign3A_387 = arith.constant 0 : i32
          %sign3A_388 = vector.broadcast %sign3A_387 : i32 to vector<16xi32>
          %sign3A_389 = arith.cmpi slt, %get3A_379, %sign3A_388 : vector<16xi32>
          %sign3A_390 = arith.extui %sign3A_389 : vector<16xi1> to vector<16xi32>
          %sign3A_391 = arith.subi %sign3A_386, %sign3A_390 : vector<16xi32>
          %sign3A_392 = arith.constant 0 : i32
          %sign3A_393 = arith.cmpi sgt, %jit3A_380, %sign3A_392 : i32
          %sign3A_394 = arith.extui %sign3A_393 : i1 to i32
          %sign3A_395 = arith.constant 0 : i32
          %sign3A_396 = arith.cmpi slt, %jit3A_380, %sign3A_395 : i32
          %sign3A_397 = arith.extui %sign3A_396 : i1 to i32
          %sign3A_398 = arith.subi %sign3A_394, %sign3A_397 : i32
          %ne3A_399 = vector.broadcast %sign3A_398 : i32 to vector<16xi32>
          %ne3A_400 = arith.cmpi ne, %sign3A_391, %ne3A_399 : vector<16xi32>
          %rem3A_401 = vector.broadcast %jit3A_380 : i32 to vector<16xi32>
          %rem3A_402 = arith.remsi %get3A_379, %rem3A_401 : vector<16xi32>
          %ne3A_403 = arith.constant 0 : i32
          %ne3A_404 = vector.broadcast %ne3A_403 : i32 to vector<16xi32>
          %ne3A_405 = arith.cmpi ne, %rem3A_402, %ne3A_404 : vector<16xi32>
          %and3A_406 = arith.andi %ne3A_400, %ne3A_405 : vector<16xi1>
          %sub3A_407 = arith.constant 1 : i32
          %sub3A_408 = vector.broadcast %sub3A_407 : i32 to vector<16xi32>
          %sub3A_409 = arith.subi %div3A_382, %sub3A_408 : vector<16xi32>
          %select_n3A_410 = arith.select %and3A_406, %sub3A_409, %div3A_382 : vector<16xi1>, vector<16xi32>
          %swap3A_411 = arith.constant 16 : index
          %swap3A_412 = tpu.vector_load %arg13[%swap3A_411] {strides = array<i32>} : memref<32xi32, #tpu.memory_space<vmem>>, vector<16xi32>,
          tpu.vector_store %arg13[%swap3A_411], %select_n3A_410 {strides = array<i32>} : memref<32xi32, #tpu.memory_space<vmem>>, vector<16xi32>,
          %jit3A_413 = arith.constant 8192 : i32
          %eq3A_414 = arith.constant 0 : i32
          %eq3A_415 = arith.cmpi eq, %jit3A_413, %eq3A_414 : i32
          %jit3A_416 = arith.constant 1 : i32
          %select_n3A_417 = arith.select %eq3A_415, %jit3A_416, %jit3A_413 : i32
          %rem3A_418 = vector.broadcast %select_n3A_417 : i32 to vector<16xi32>
          %rem3A_419 = arith.remsi %get3A_379, %rem3A_418 : vector<16xi32>
          %ne3A_420 = arith.constant 0 : i32
          %ne3A_421 = vector.broadcast %ne3A_420 : i32 to vector<16xi32>
          %ne3A_422 = arith.cmpi ne, %rem3A_419, %ne3A_421 : vector<16xi32>
          %lt3A_423 = arith.constant 0 : i32
          %lt3A_424 = vector.broadcast %lt3A_423 : i32 to vector<16xi32>
          %lt3A_425 = arith.cmpi slt, %rem3A_419, %lt3A_424 : vector<16xi32>
          %lt3A_426 = arith.constant 0 : i32
          %lt3A_427 = arith.cmpi slt, %select_n3A_417, %lt3A_426 : i32
          %ne3A_428 = vector.broadcast %lt3A_427 : i1 to vector<16xi1>
          %ne3A_429 = vector.broadcast %ne3A_428 : vector<16xi1> to vector<16xi1>
          %ne3A_430 = arith.xori %lt3A_425, %ne3A_429 : vector<16xi1>
          %and3A_431 = arith.andi %ne3A_430, %ne3A_422 : vector<16xi1>
          %add3A_432 = vector.broadcast %select_n3A_417 : i32 to vector<16xi32>
          %add3A_433 = arith.addi %rem3A_419, %add3A_432 : vector<16xi32>
          %select_n3A_434 = arith.select %and3A_431, %add3A_433, %rem3A_419 : vector<16xi1>, vector<16xi32>
          %swap3A_435 = arith.constant 16 : index
          %swap3A_436 = tpu.vector_load %arg14[%swap3A_435] {strides = array<i32>} : memref<32xi32, #tpu.memory_space<vmem>>, vector<16xi32>,
          tpu.vector_store %arg14[%swap3A_435], %select_n3A_434 {strides = array<i32>} : memref<32xi32, #tpu.memory_space<vmem>>, vector<16xi32>,
          %dma_start3A = arith.constant 0 : i32
          %dma_start3A_437 = arith.constant 0 : i32
          %dma_start3A_438 = tpu.memref_slice %arg4[%dma_start3A, %dma_start3A_437] : memref<10000x128xf32, #tpu.memory_space<hbm>> -> memref<10000x128xf32, #tpu.memory_space<hbm>>
          tpu.enqueue_indirect_dma source(%dma_start3A_438 : memref<10000x128xf32, #tpu.memory_space<hbm>>) target(%arg15 : memref<32x128xf32, #tpu.memory_space<vmem>>) offsets(%arg13 : memref<32xi32, #tpu.memory_space<vmem>>) semaphore(%arg41 : memref<!tpu.dma_semaphore, #tpu.memory_space<semaphore_mem>>)
        } else {
        }
        "tpu.region"() ({
          %run_scoped3A = tpu.sem_alloc : memref<!tpu.dma_semaphore, #tpu.memory_space<semaphore_mem>>
          %dma_start3A = arith.constant 0 : i32
          %dma_start3A_309 = arith.constant 0 : i32
          %dma_start3A_310 = tpu.memref_slice %arg9[%dma_start3A, %dma_start3A_309] : memref<5120x128xf32, #tpu.memory_space<vmem_shared>> -> memref<5120x128xf32, #tpu.memory_space<vmem_shared>>
          tpu.enqueue_indirect_dma source(%arg18 : memref<32x128xf32, #tpu.memory_space<vmem>>) target(%dma_start3A_310 : memref<5120x128xf32, #tpu.memory_space<vmem_shared>>) offsets(%arg17 : memref<32xi32, #tpu.memory_space<vmem>>) semaphore(%run_scoped3A : memref<!tpu.dma_semaphore, #tpu.memory_space<semaphore_mem>>) {add = true}
          %dma_wait3A_311 = arith.constant 0 : i32
          %dma_wait3A_312 = arith.constant 0 : i32
          %dma_wait3A_313 = tpu.memref_slice %arg9[%dma_wait3A_311, %dma_wait3A_312] : memref<5120x128xf32, #tpu.memory_space<vmem_shared>> -> memref<5120x128xf32, #tpu.memory_space<vmem_shared>>
          tpu.wait_indirect_dma semaphore(%run_scoped3A : memref<!tpu.dma_semaphore, #tpu.memory_space<semaphore_mem>>) src(%arg18 : memref<32x128xf32, #tpu.memory_space<vmem>>) dst(%dma_wait3A_313 : memref<5120x128xf32, #tpu.memory_space<vmem_shared>>)
          tpu.yield
        }) : () -> ()
      } else {
      }
      %mul3A_250 = arith.constant 8 : i32
      %mul3A_251 = arith.muli %while3A_233, %mul3A_250 : i32
      %add3A_252 = arith.constant 2 : i32
      %add3A_253 = arith.addi %mul3A_251, %add3A_252 : i32
      %lt3A_254 = arith.cmpi slt, %add3A_253, %select_n3A_151 : i32
      %convert_element_type3A_255 = arith.extui %lt3A_254 : i1 to i32
      %cond3A_256 = arith.constant 0 : i32
      %cond3A_257 = arith.cmpi ne, %convert_element_type3A_255, %cond3A_256 : i32
      scf.if %cond3A_257 {
        %dma_wait3A = arith.constant 0 : i32
        %dma_wait3A_299 = arith.constant 0 : i32
        %dma_wait3A_300 = tpu.memref_slice %arg4[%dma_wait3A, %dma_wait3A_299] : memref<10000x128xf32, #tpu.memory_space<hbm>> -> memref<10000x128xf32, #tpu.memory_space<hbm>>
        tpu.wait_indirect_dma semaphore(%arg43 : memref<!tpu.dma_semaphore, #tpu.memory_space<semaphore_mem>>) src(%dma_wait3A_300 : memref<10000x128xf32, #tpu.memory_space<hbm>>) dst(%arg21 : memref<32x128xf32, #tpu.memory_space<vmem>>)
        %add3A_301 = arith.constant 8 : i32
        %add3A_302 = arith.addi %add3A_253, %add3A_301 : i32
        %sub3A_303 = arith.constant 1 : i32
        %sub3A_304 = arith.subi %add3A_302, %sub3A_303 : i32
        %lt3A_305 = arith.cmpi slt, %sub3A_304, %select_n3A_151 : i32
        %convert_element_type3A_306 = arith.extui %lt3A_305 : i1 to i32
        %cond3A_307 = arith.constant 0 : i32
        %cond3A_308 = arith.cmpi ne, %convert_element_type3A_306, %cond3A_307 : i32
        scf.if %cond3A_308 {
          %add3A_309 = arith.constant 8 : i32
          %add3A_310 = arith.addi %add3A_253, %add3A_309 : i32
          %sub3A_311 = arith.constant 1 : i32
          %sub3A_312 = arith.subi %add3A_310, %sub3A_311 : i32
          %mul3A_313 = arith.constant 32 : i32
          %mul3A_314 = arith.muli %sub3A_312, %mul3A_313 : i32
          %add3A_315 = arith.constant 0 : i32
          %add3A_316 = arith.addi %mul3A_314, %add3A_315 : i32
          %get3A_317 = arith.index_cast %add3A_316 : i32 to index
          %get3A_318 = tpu.vector_load %arg12[%get3A_317] {strides = array<i32>} : memref<20384xi32, #tpu.memory_space<vmem>>, vector<16xi32>,
          %jit3A_319 = arith.constant 8192 : i32
          %div3A_320 = vector.broadcast %jit3A_319 : i32 to vector<16xi32>
          %div3A_321 = arith.divsi %get3A_318, %div3A_320 : vector<16xi32>
          %sign3A_322 = arith.constant 0 : i32
          %sign3A_323 = vector.broadcast %sign3A_322 : i32 to vector<16xi32>
          %sign3A_324 = arith.cmpi sgt, %get3A_318, %sign3A_323 : vector<16xi32>
          %sign3A_325 = arith.extui %sign3A_324 : vector<16xi1> to vector<16xi32>
          %sign3A_326 = arith.constant 0 : i32
          %sign3A_327 = vector.broadcast %sign3A_326 : i32 to vector<16xi32>
          %sign3A_328 = arith.cmpi slt, %get3A_318, %sign3A_327 : vector<16xi32>
          %sign3A_329 = arith.extui %sign3A_328 : vector<16xi1> to vector<16xi32>
          %sign3A_330 = arith.subi %sign3A_325, %sign3A_329 : vector<16xi32>
          %sign3A_331 = arith.constant 0 : i32
          %sign3A_332 = arith.cmpi sgt, %jit3A_319, %sign3A_331 : i32
          %sign3A_333 = arith.extui %sign3A_332 : i1 to i32
          %sign3A_334 = arith.constant 0 : i32
          %sign3A_335 = arith.cmpi slt, %jit3A_319, %sign3A_334 : i32
          %sign3A_336 = arith.extui %sign3A_335 : i1 to i32
          %sign3A_337 = arith.subi %sign3A_333, %sign3A_336 : i32
          %ne3A_338 = vector.broadcast %sign3A_337 : i32 to vector<16xi32>
          %ne3A_339 = arith.cmpi ne, %sign3A_330, %ne3A_338 : vector<16xi32>
          %rem3A_340 = vector.broadcast %jit3A_319 : i32 to vector<16xi32>
          %rem3A_341 = arith.remsi %get3A_318, %rem3A_340 : vector<16xi32>
          %ne3A_342 = arith.constant 0 : i32
          %ne3A_343 = vector.broadcast %ne3A_342 : i32 to vector<16xi32>
          %ne3A_344 = arith.cmpi ne, %rem3A_341, %ne3A_343 : vector<16xi32>
          %and3A_345 = arith.andi %ne3A_339, %ne3A_344 : vector<16xi1>
          %sub3A_346 = arith.constant 1 : i32
          %sub3A_347 = vector.broadcast %sub3A_346 : i32 to vector<16xi32>
          %sub3A_348 = arith.subi %div3A_321, %sub3A_347 : vector<16xi32>
          %select_n3A_349 = arith.select %and3A_345, %sub3A_348, %div3A_321 : vector<16xi1>, vector<16xi32>
          %swap3A = arith.constant 0 : index
          %swap3A_350 = tpu.vector_load %arg16[%swap3A] {strides = array<i32>} : memref<32xi32, #tpu.memory_space<vmem>>, vector<16xi32>,
          tpu.vector_store %arg16[%swap3A], %select_n3A_349 {strides = array<i32>} : memref<32xi32, #tpu.memory_space<vmem>>, vector<16xi32>,
          %jit3A_351 = arith.constant 8192 : i32
          %eq3A = arith.constant 0 : i32
          %eq3A_352 = arith.cmpi eq, %jit3A_351, %eq3A : i32
          %jit3A_353 = arith.constant 1 : i32
          %select_n3A_354 = arith.select %eq3A_352, %jit3A_353, %jit3A_351 : i32
          %rem3A_355 = vector.broadcast %select_n3A_354 : i32 to vector<16xi32>
          %rem3A_356 = arith.remsi %get3A_318, %rem3A_355 : vector<16xi32>
          %ne3A_357 = arith.constant 0 : i32
          %ne3A_358 = vector.broadcast %ne3A_357 : i32 to vector<16xi32>
          %ne3A_359 = arith.cmpi ne, %rem3A_356, %ne3A_358 : vector<16xi32>
          %lt3A_360 = arith.constant 0 : i32
          %lt3A_361 = vector.broadcast %lt3A_360 : i32 to vector<16xi32>
          %lt3A_362 = arith.cmpi slt, %rem3A_356, %lt3A_361 : vector<16xi32>
          %lt3A_363 = arith.constant 0 : i32
          %lt3A_364 = arith.cmpi slt, %select_n3A_354, %lt3A_363 : i32
          %ne3A_365 = vector.broadcast %lt3A_364 : i1 to vector<16xi1>
          %ne3A_366 = vector.broadcast %ne3A_365 : vector<16xi1> to vector<16xi1>
          %ne3A_367 = arith.xori %lt3A_362, %ne3A_366 : vector<16xi1>
          %and3A_368 = arith.andi %ne3A_367, %ne3A_359 : vector<16xi1>
          %add3A_369 = vector.broadcast %select_n3A_354 : i32 to vector<16xi32>
          %add3A_370 = arith.addi %rem3A_356, %add3A_369 : vector<16xi32>
          %select_n3A_371 = arith.select %and3A_368, %add3A_370, %rem3A_356 : vector<16xi1>, vector<16xi32>
          %swap3A_372 = arith.constant 0 : index
          %swap3A_373 = tpu.vector_load %arg17[%swap3A_372] {strides = array<i32>} : memref<32xi32, #tpu.memory_space<vmem>>, vector<16xi32>,
          tpu.vector_store %arg17[%swap3A_372], %select_n3A_371 {strides = array<i32>} : memref<32xi32, #tpu.memory_space<vmem>>, vector<16xi32>,
          %mul3A_374 = arith.constant 32 : i32
          %mul3A_375 = arith.muli %sub3A_312, %mul3A_374 : i32
          %add3A_376 = arith.constant 16 : i32
          %add3A_377 = arith.addi %mul3A_375, %add3A_376 : i32
          %get3A_378 = arith.index_cast %add3A_377 : i32 to index
          %get3A_379 = tpu.vector_load %arg12[%get3A_378] {strides = array<i32>} : memref<20384xi32, #tpu.memory_space<vmem>>, vector<16xi32>,
          %jit3A_380 = arith.constant 8192 : i32
          %div3A_381 = vector.broadcast %jit3A_380 : i32 to vector<16xi32>
          %div3A_382 = arith.divsi %get3A_379, %div3A_381 : vector<16xi32>
          %sign3A_383 = arith.constant 0 : i32
          %sign3A_384 = vector.broadcast %sign3A_383 : i32 to vector<16xi32>
          %sign3A_385 = arith.cmpi sgt, %get3A_379, %sign3A_384 : vector<16xi32>
          %sign3A_386 = arith.extui %sign3A_385 : vector<16xi1> to vector<16xi32>
          %sign3A_387 = arith.constant 0 : i32
          %sign3A_388 = vector.broadcast %sign3A_387 : i32 to vector<16xi32>
          %sign3A_389 = arith.cmpi slt, %get3A_379, %sign3A_388 : vector<16xi32>
          %sign3A_390 = arith.extui %sign3A_389 : vector<16xi1> to vector<16xi32>
          %sign3A_391 = arith.subi %sign3A_386, %sign3A_390 : vector<16xi32>
          %sign3A_392 = arith.constant 0 : i32
          %sign3A_393 = arith.cmpi sgt, %jit3A_380, %sign3A_392 : i32
          %sign3A_394 = arith.extui %sign3A_393 : i1 to i32
          %sign3A_395 = arith.constant 0 : i32
          %sign3A_396 = arith.cmpi slt, %jit3A_380, %sign3A_395 : i32
          %sign3A_397 = arith.extui %sign3A_396 : i1 to i32
          %sign3A_398 = arith.subi %sign3A_394, %sign3A_397 : i32
          %ne3A_399 = vector.broadcast %sign3A_398 : i32 to vector<16xi32>
          %ne3A_400 = arith.cmpi ne, %sign3A_391, %ne3A_399 : vector<16xi32>
          %rem3A_401 = vector.broadcast %jit3A_380 : i32 to vector<16xi32>
          %rem3A_402 = arith.remsi %get3A_379, %rem3A_401 : vector<16xi32>
          %ne3A_403 = arith.constant 0 : i32
          %ne3A_404 = vector.broadcast %ne3A_403 : i32 to vector<16xi32>
          %ne3A_405 = arith.cmpi ne, %rem3A_402, %ne3A_404 : vector<16xi32>
          %and3A_406 = arith.andi %ne3A_400, %ne3A_405 : vector<16xi1>
          %sub3A_407 = arith.constant 1 : i32
          %sub3A_408 = vector.broadcast %sub3A_407 : i32 to vector<16xi32>
          %sub3A_409 = arith.subi %div3A_382, %sub3A_408 : vector<16xi32>
          %select_n3A_410 = arith.select %and3A_406, %sub3A_409, %div3A_382 : vector<16xi1>, vector<16xi32>
          %swap3A_411 = arith.constant 16 : index
          %swap3A_412 = tpu.vector_load %arg16[%swap3A_411] {strides = array<i32>} : memref<32xi32, #tpu.memory_space<vmem>>, vector<16xi32>,
          tpu.vector_store %arg16[%swap3A_411], %select_n3A_410 {strides = array<i32>} : memref<32xi32, #tpu.memory_space<vmem>>, vector<16xi32>,
          %jit3A_413 = arith.constant 8192 : i32
          %eq3A_414 = arith.constant 0 : i32
          %eq3A_415 = arith.cmpi eq, %jit3A_413, %eq3A_414 : i32
          %jit3A_416 = arith.constant 1 : i32
          %select_n3A_417 = arith.select %eq3A_415, %jit3A_416, %jit3A_413 : i32
          %rem3A_418 = vector.broadcast %select_n3A_417 : i32 to vector<16xi32>
          %rem3A_419 = arith.remsi %get3A_379, %rem3A_418 : vector<16xi32>
          %ne3A_420 = arith.constant 0 : i32
          %ne3A_421 = vector.broadcast %ne3A_420 : i32 to vector<16xi32>
          %ne3A_422 = arith.cmpi ne, %rem3A_419, %ne3A_421 : vector<16xi32>
          %lt3A_423 = arith.constant 0 : i32
          %lt3A_424 = vector.broadcast %lt3A_423 : i32 to vector<16xi32>
          %lt3A_425 = arith.cmpi slt, %rem3A_419, %lt3A_424 : vector<16xi32>
          %lt3A_426 = arith.constant 0 : i32
          %lt3A_427 = arith.cmpi slt, %select_n3A_417, %lt3A_426 : i32
          %ne3A_428 = vector.broadcast %lt3A_427 : i1 to vector<16xi1>
          %ne3A_429 = vector.broadcast %ne3A_428 : vector<16xi1> to vector<16xi1>
          %ne3A_430 = arith.xori %lt3A_425, %ne3A_429 : vector<16xi1>
          %and3A_431 = arith.andi %ne3A_430, %ne3A_422 : vector<16xi1>
          %add3A_432 = vector.broadcast %select_n3A_417 : i32 to vector<16xi32>
          %add3A_433 = arith.addi %rem3A_419, %add3A_432 : vector<16xi32>
          %select_n3A_434 = arith.select %and3A_431, %add3A_433, %rem3A_419 : vector<16xi1>, vector<16xi32>
          %swap3A_435 = arith.constant 16 : index
          %swap3A_436 = tpu.vector_load %arg17[%swap3A_435] {strides = array<i32>} : memref<32xi32, #tpu.memory_space<vmem>>, vector<16xi32>,
          tpu.vector_store %arg17[%swap3A_435], %select_n3A_434 {strides = array<i32>} : memref<32xi32, #tpu.memory_space<vmem>>, vector<16xi32>,
          %dma_start3A = arith.constant 0 : i32
          %dma_start3A_437 = arith.constant 0 : i32
          %dma_start3A_438 = tpu.memref_slice %arg4[%dma_start3A, %dma_start3A_437] : memref<10000x128xf32, #tpu.memory_space<hbm>> -> memref<10000x128xf32, #tpu.memory_space<hbm>>
          tpu.enqueue_indirect_dma source(%dma_start3A_438 : memref<10000x128xf32, #tpu.memory_space<hbm>>) target(%arg18 : memref<32x128xf32, #tpu.memory_space<vmem>>) offsets(%arg16 : memref<32xi32, #tpu.memory_space<vmem>>) semaphore(%arg42 : memref<!tpu.dma_semaphore, #tpu.memory_space<semaphore_mem>>)
        } else {
        }
        "tpu.region"() ({
          %run_scoped3A = tpu.sem_alloc : memref<!tpu.dma_semaphore, #tpu.memory_space<semaphore_mem>>
          %dma_start3A = arith.constant 0 : i32
          %dma_start3A_309 = arith.constant 0 : i32
          %dma_start3A_310 = tpu.memref_slice %arg9[%dma_start3A, %dma_start3A_309] : memref<5120x128xf32, #tpu.memory_space<vmem_shared>> -> memref<5120x128xf32, #tpu.memory_space<vmem_shared>>
          tpu.enqueue_indirect_dma source(%arg21 : memref<32x128xf32, #tpu.memory_space<vmem>>) target(%dma_start3A_310 : memref<5120x128xf32, #tpu.memory_space<vmem_shared>>) offsets(%arg20 : memref<32xi32, #tpu.memory_space<vmem>>) semaphore(%run_scoped3A : memref<!tpu.dma_semaphore, #tpu.memory_space<semaphore_mem>>) {add = true}
          %dma_wait3A_311 = arith.constant 0 : i32
          %dma_wait3A_312 = arith.constant 0 : i32
          %dma_wait3A_313 = tpu.memref_slice %arg9[%dma_wait3A_311, %dma_wait3A_312] : memref<5120x128xf32, #tpu.memory_space<vmem_shared>> -> memref<5120x128xf32, #tpu.memory_space<vmem_shared>>
          tpu.wait_indirect_dma semaphore(%run_scoped3A : memref<!tpu.dma_semaphore, #tpu.memory_space<semaphore_mem>>) src(%arg21 : memref<32x128xf32, #tpu.memory_space<vmem>>) dst(%dma_wait3A_313 : memref<5120x128xf32, #tpu.memory_space<vmem_shared>>)
          tpu.yield
        }) : () -> ()
      } else {
      }
      %mul3A_258 = arith.constant 8 : i32
      %mul3A_259 = arith.muli %while3A_233, %mul3A_258 : i32
      %add3A_260 = arith.constant 3 : i32
      %add3A_261 = arith.addi %mul3A_259, %add3A_260 : i32
      %lt3A_262 = arith.cmpi slt, %add3A_261, %select_n3A_151 : i32
      %convert_element_type3A_263 = arith.extui %lt3A_262 : i1 to i32
      %cond3A_264 = arith.constant 0 : i32
      %cond3A_265 = arith.cmpi ne, %convert_element_type3A_263, %cond3A_264 : i32
      scf.if %cond3A_265 {
        %dma_wait3A = arith.constant 0 : i32
        %dma_wait3A_299 = arith.constant 0 : i32
        %dma_wait3A_300 = tpu.memref_slice %arg4[%dma_wait3A, %dma_wait3A_299] : memref<10000x128xf32, #tpu.memory_space<hbm>> -> memref<10000x128xf32, #tpu.memory_space<hbm>>
        tpu.wait_indirect_dma semaphore(%arg44 : memref<!tpu.dma_semaphore, #tpu.memory_space<semaphore_mem>>) src(%dma_wait3A_300 : memref<10000x128xf32, #tpu.memory_space<hbm>>) dst(%arg24 : memref<32x128xf32, #tpu.memory_space<vmem>>)
        %add3A_301 = arith.constant 8 : i32
        %add3A_302 = arith.addi %add3A_261, %add3A_301 : i32
        %sub3A_303 = arith.constant 1 : i32
        %sub3A_304 = arith.subi %add3A_302, %sub3A_303 : i32
        %lt3A_305 = arith.cmpi slt, %sub3A_304, %select_n3A_151 : i32
        %convert_element_type3A_306 = arith.extui %lt3A_305 : i1 to i32
        %cond3A_307 = arith.constant 0 : i32
        %cond3A_308 = arith.cmpi ne, %convert_element_type3A_306, %cond3A_307 : i32
        scf.if %cond3A_308 {
          %add3A_309 = arith.constant 8 : i32
          %add3A_310 = arith.addi %add3A_261, %add3A_309 : i32
          %sub3A_311 = arith.constant 1 : i32
          %sub3A_312 = arith.subi %add3A_310, %sub3A_311 : i32
          %mul3A_313 = arith.constant 32 : i32
          %mul3A_314 = arith.muli %sub3A_312, %mul3A_313 : i32
          %add3A_315 = arith.constant 0 : i32
          %add3A_316 = arith.addi %mul3A_314, %add3A_315 : i32
          %get3A_317 = arith.index_cast %add3A_316 : i32 to index
          %get3A_318 = tpu.vector_load %arg12[%get3A_317] {strides = array<i32>} : memref<20384xi32, #tpu.memory_space<vmem>>, vector<16xi32>,
          %jit3A_319 = arith.constant 8192 : i32
          %div3A_320 = vector.broadcast %jit3A_319 : i32 to vector<16xi32>
          %div3A_321 = arith.divsi %get3A_318, %div3A_320 : vector<16xi32>
          %sign3A_322 = arith.constant 0 : i32
          %sign3A_323 = vector.broadcast %sign3A_322 : i32 to vector<16xi32>
          %sign3A_324 = arith.cmpi sgt, %get3A_318, %sign3A_323 : vector<16xi32>
          %sign3A_325 = arith.extui %sign3A_324 : vector<16xi1> to vector<16xi32>
          %sign3A_326 = arith.constant 0 : i32
          %sign3A_327 = vector.broadcast %sign3A_326 : i32 to vector<16xi32>
          %sign3A_328 = arith.cmpi slt, %get3A_318, %sign3A_327 : vector<16xi32>
          %sign3A_329 = arith.extui %sign3A_328 : vector<16xi1> to vector<16xi32>
          %sign3A_330 = arith.subi %sign3A_325, %sign3A_329 : vector<16xi32>
          %sign3A_331 = arith.constant 0 : i32
          %sign3A_332 = arith.cmpi sgt, %jit3A_319, %sign3A_331 : i32
          %sign3A_333 = arith.extui %sign3A_332 : i1 to i32
          %sign3A_334 = arith.constant 0 : i32
          %sign3A_335 = arith.cmpi slt, %jit3A_319, %sign3A_334 : i32
          %sign3A_336 = arith.extui %sign3A_335 : i1 to i32
          %sign3A_337 = arith.subi %sign3A_333, %sign3A_336 : i32
          %ne3A_338 = vector.broadcast %sign3A_337 : i32 to vector<16xi32>
          %ne3A_339 = arith.cmpi ne, %sign3A_330, %ne3A_338 : vector<16xi32>
          %rem3A_340 = vector.broadcast %jit3A_319 : i32 to vector<16xi32>
          %rem3A_341 = arith.remsi %get3A_318, %rem3A_340 : vector<16xi32>
          %ne3A_342 = arith.constant 0 : i32
          %ne3A_343 = vector.broadcast %ne3A_342 : i32 to vector<16xi32>
          %ne3A_344 = arith.cmpi ne, %rem3A_341, %ne3A_343 : vector<16xi32>
          %and3A_345 = arith.andi %ne3A_339, %ne3A_344 : vector<16xi1>
          %sub3A_346 = arith.constant 1 : i32
          %sub3A_347 = vector.broadcast %sub3A_346 : i32 to vector<16xi32>
          %sub3A_348 = arith.subi %div3A_321, %sub3A_347 : vector<16xi32>
          %select_n3A_349 = arith.select %and3A_345, %sub3A_348, %div3A_321 : vector<16xi1>, vector<16xi32>
          %swap3A = arith.constant 0 : index
          %swap3A_350 = tpu.vector_load %arg19[%swap3A] {strides = array<i32>} : memref<32xi32, #tpu.memory_space<vmem>>, vector<16xi32>,
          tpu.vector_store %arg19[%swap3A], %select_n3A_349 {strides = array<i32>} : memref<32xi32, #tpu.memory_space<vmem>>, vector<16xi32>,
          %jit3A_351 = arith.constant 8192 : i32
          %eq3A = arith.constant 0 : i32
          %eq3A_352 = arith.cmpi eq, %jit3A_351, %eq3A : i32
          %jit3A_353 = arith.constant 1 : i32
          %select_n3A_354 = arith.select %eq3A_352, %jit3A_353, %jit3A_351 : i32
          %rem3A_355 = vector.broadcast %select_n3A_354 : i32 to vector<16xi32>
          %rem3A_356 = arith.remsi %get3A_318, %rem3A_355 : vector<16xi32>
          %ne3A_357 = arith.constant 0 : i32
          %ne3A_358 = vector.broadcast %ne3A_357 : i32 to vector<16xi32>
          %ne3A_359 = arith.cmpi ne, %rem3A_356, %ne3A_358 : vector<16xi32>
          %lt3A_360 = arith.constant 0 : i32
          %lt3A_361 = vector.broadcast %lt3A_360 : i32 to vector<16xi32>
          %lt3A_362 = arith.cmpi slt, %rem3A_356, %lt3A_361 : vector<16xi32>
          %lt3A_363 = arith.constant 0 : i32
          %lt3A_364 = arith.cmpi slt, %select_n3A_354, %lt3A_363 : i32
          %ne3A_365 = vector.broadcast %lt3A_364 : i1 to vector<16xi1>
          %ne3A_366 = vector.broadcast %ne3A_365 : vector<16xi1> to vector<16xi1>
          %ne3A_367 = arith.xori %lt3A_362, %ne3A_366 : vector<16xi1>
          %and3A_368 = arith.andi %ne3A_367, %ne3A_359 : vector<16xi1>
          %add3A_369 = vector.broadcast %select_n3A_354 : i32 to vector<16xi32>
          %add3A_370 = arith.addi %rem3A_356, %add3A_369 : vector<16xi32>
          %select_n3A_371 = arith.select %and3A_368, %add3A_370, %rem3A_356 : vector<16xi1>, vector<16xi32>
          %swap3A_372 = arith.constant 0 : index
          %swap3A_373 = tpu.vector_load %arg20[%swap3A_372] {strides = array<i32>} : memref<32xi32, #tpu.memory_space<vmem>>, vector<16xi32>,
          tpu.vector_store %arg20[%swap3A_372], %select_n3A_371 {strides = array<i32>} : memref<32xi32, #tpu.memory_space<vmem>>, vector<16xi32>,
          %mul3A_374 = arith.constant 32 : i32
          %mul3A_375 = arith.muli %sub3A_312, %mul3A_374 : i32
          %add3A_376 = arith.constant 16 : i32
          %add3A_377 = arith.addi %mul3A_375, %add3A_376 : i32
          %get3A_378 = arith.index_cast %add3A_377 : i32 to index
          %get3A_379 = tpu.vector_load %arg12[%get3A_378] {strides = array<i32>} : memref<20384xi32, #tpu.memory_space<vmem>>, vector<16xi32>,
          %jit3A_380 = arith.constant 8192 : i32
          %div3A_381 = vector.broadcast %jit3A_380 : i32 to vector<16xi32>
          %div3A_382 = arith.divsi %get3A_379, %div3A_381 : vector<16xi32>
          %sign3A_383 = arith.constant 0 : i32
          %sign3A_384 = vector.broadcast %sign3A_383 : i32 to vector<16xi32>
          %sign3A_385 = arith.cmpi sgt, %get3A_379, %sign3A_384 : vector<16xi32>
          %sign3A_386 = arith.extui %sign3A_385 : vector<16xi1> to vector<16xi32>
          %sign3A_387 = arith.constant 0 : i32
          %sign3A_388 = vector.broadcast %sign3A_387 : i32 to vector<16xi32>
          %sign3A_389 = arith.cmpi slt, %get3A_379, %sign3A_388 : vector<16xi32>
          %sign3A_390 = arith.extui %sign3A_389 : vector<16xi1> to vector<16xi32>
          %sign3A_391 = arith.subi %sign3A_386, %sign3A_390 : vector<16xi32>
          %sign3A_392 = arith.constant 0 : i32
          %sign3A_393 = arith.cmpi sgt, %jit3A_380, %sign3A_392 : i32
          %sign3A_394 = arith.extui %sign3A_393 : i1 to i32
          %sign3A_395 = arith.constant 0 : i32
          %sign3A_396 = arith.cmpi slt, %jit3A_380, %sign3A_395 : i32
          %sign3A_397 = arith.extui %sign3A_396 : i1 to i32
          %sign3A_398 = arith.subi %sign3A_394, %sign3A_397 : i32
          %ne3A_399 = vector.broadcast %sign3A_398 : i32 to vector<16xi32>
          %ne3A_400 = arith.cmpi ne, %sign3A_391, %ne3A_399 : vector<16xi32>
          %rem3A_401 = vector.broadcast %jit3A_380 : i32 to vector<16xi32>
          %rem3A_402 = arith.remsi %get3A_379, %rem3A_401 : vector<16xi32>
          %ne3A_403 = arith.constant 0 : i32
          %ne3A_404 = vector.broadcast %ne3A_403 : i32 to vector<16xi32>
          %ne3A_405 = arith.cmpi ne, %rem3A_402, %ne3A_404 : vector<16xi32>
          %and3A_406 = arith.andi %ne3A_400, %ne3A_405 : vector<16xi1>
          %sub3A_407 = arith.constant 1 : i32
          %sub3A_408 = vector.broadcast %sub3A_407 : i32 to vector<16xi32>
          %sub3A_409 = arith.subi %div3A_382, %sub3A_408 : vector<16xi32>
          %select_n3A_410 = arith.select %and3A_406, %sub3A_409, %div3A_382 : vector<16xi1>, vector<16xi32>
          %swap3A_411 = arith.constant 16 : index
          %swap3A_412 = tpu.vector_load %arg19[%swap3A_411] {strides = array<i32>} : memref<32xi32, #tpu.memory_space<vmem>>, vector<16xi32>,
          tpu.vector_store %arg19[%swap3A_411], %select_n3A_410 {strides = array<i32>} : memref<32xi32, #tpu.memory_space<vmem>>, vector<16xi32>,
          %jit3A_413 = arith.constant 8192 : i32
          %eq3A_414 = arith.constant 0 : i32
          %eq3A_415 = arith.cmpi eq, %jit3A_413, %eq3A_414 : i32
          %jit3A_416 = arith.constant 1 : i32
          %select_n3A_417 = arith.select %eq3A_415, %jit3A_416, %jit3A_413 : i32
          %rem3A_418 = vector.broadcast %select_n3A_417 : i32 to vector<16xi32>
          %rem3A_419 = arith.remsi %get3A_379, %rem3A_418 : vector<16xi32>
          %ne3A_420 = arith.constant 0 : i32
          %ne3A_421 = vector.broadcast %ne3A_420 : i32 to vector<16xi32>
          %ne3A_422 = arith.cmpi ne, %rem3A_419, %ne3A_421 : vector<16xi32>
          %lt3A_423 = arith.constant 0 : i32
          %lt3A_424 = vector.broadcast %lt3A_423 : i32 to vector<16xi32>
          %lt3A_425 = arith.cmpi slt, %rem3A_419, %lt3A_424 : vector<16xi32>
          %lt3A_426 = arith.constant 0 : i32
          %lt3A_427 = arith.cmpi slt, %select_n3A_417, %lt3A_426 : i32
          %ne3A_428 = vector.broadcast %lt3A_427 : i1 to vector<16xi1>
          %ne3A_429 = vector.broadcast %ne3A_428 : vector<16xi1> to vector<16xi1>
          %ne3A_430 = arith.xori %lt3A_425, %ne3A_429 : vector<16xi1>
          %and3A_431 = arith.andi %ne3A_430, %ne3A_422 : vector<16xi1>
          %add3A_432 = vector.broadcast %select_n3A_417 : i32 to vector<16xi32>
          %add3A_433 = arith.addi %rem3A_419, %add3A_432 : vector<16xi32>
          %select_n3A_434 = arith.select %and3A_431, %add3A_433, %rem3A_419 : vector<16xi1>, vector<16xi32>
          %swap3A_435 = arith.constant 16 : index
          %swap3A_436 = tpu.vector_load %arg20[%swap3A_435] {strides = array<i32>} : memref<32xi32, #tpu.memory_space<vmem>>, vector<16xi32>,
          tpu.vector_store %arg20[%swap3A_435], %select_n3A_434 {strides = array<i32>} : memref<32xi32, #tpu.memory_space<vmem>>, vector<16xi32>,
          %dma_start3A = arith.constant 0 : i32
          %dma_start3A_437 = arith.constant 0 : i32
          %dma_start3A_438 = tpu.memref_slice %arg4[%dma_start3A, %dma_start3A_437] : memref<10000x128xf32, #tpu.memory_space<hbm>> -> memref<10000x128xf32, #tpu.memory_space<hbm>>
          tpu.enqueue_indirect_dma source(%dma_start3A_438 : memref<10000x128xf32, #tpu.memory_space<hbm>>) target(%arg21 : memref<32x128xf32, #tpu.memory_space<vmem>>) offsets(%arg19 : memref<32xi32, #tpu.memory_space<vmem>>) semaphore(%arg43 : memref<!tpu.dma_semaphore, #tpu.memory_space<semaphore_mem>>)
        } else {
        }
        "tpu.region"() ({
          %run_scoped3A = tpu.sem_alloc : memref<!tpu.dma_semaphore, #tpu.memory_space<semaphore_mem>>
          %dma_start3A = arith.constant 0 : i32
          %dma_start3A_309 = arith.constant 0 : i32
          %dma_start3A_310 = tpu.memref_slice %arg9[%dma_start3A, %dma_start3A_309] : memref<5120x128xf32, #tpu.memory_space<vmem_shared>> -> memref<5120x128xf32, #tpu.memory_space<vmem_shared>>
          tpu.enqueue_indirect_dma source(%arg24 : memref<32x128xf32, #tpu.memory_space<vmem>>) target(%dma_start3A_310 : memref<5120x128xf32, #tpu.memory_space<vmem_shared>>) offsets(%arg23 : memref<32xi32, #tpu.memory_space<vmem>>) semaphore(%run_scoped3A : memref<!tpu.dma_semaphore, #tpu.memory_space<semaphore_mem>>) {add = true}
          %dma_wait3A_311 = arith.constant 0 : i32
          %dma_wait3A_312 = arith.constant 0 : i32
          %dma_wait3A_313 = tpu.memref_slice %arg9[%dma_wait3A_311, %dma_wait3A_312] : memref<5120x128xf32, #tpu.memory_space<vmem_shared>> -> memref<5120x128xf32, #tpu.memory_space<vmem_shared>>
          tpu.wait_indirect_dma semaphore(%run_scoped3A : memref<!tpu.dma_semaphore, #tpu.memory_space<semaphore_mem>>) src(%arg24 : memref<32x128xf32, #tpu.memory_space<vmem>>) dst(%dma_wait3A_313 : memref<5120x128xf32, #tpu.memory_space<vmem_shared>>)
          tpu.yield
        }) : () -> ()
      } else {
      }
      %mul3A_266 = arith.constant 8 : i32
      %mul3A_267 = arith.muli %while3A_233, %mul3A_266 : i32
      %add3A_268 = arith.constant 4 : i32
      %add3A_269 = arith.addi %mul3A_267, %add3A_268 : i32
      %lt3A_270 = arith.cmpi slt, %add3A_269, %select_n3A_151 : i32
      %convert_element_type3A_271 = arith.extui %lt3A_270 : i1 to i32
      %cond3A_272 = arith.constant 0 : i32
      %cond3A_273 = arith.cmpi ne, %convert_element_type3A_271, %cond3A_272 : i32
      scf.if %cond3A_273 {
        %dma_wait3A = arith.constant 0 : i32
        %dma_wait3A_299 = arith.constant 0 : i32
        %dma_wait3A_300 = tpu.memref_slice %arg4[%dma_wait3A, %dma_wait3A_299] : memref<10000x128xf32, #tpu.memory_space<hbm>> -> memref<10000x128xf32, #tpu.memory_space<hbm>>
        tpu.wait_indirect_dma semaphore(%arg45 : memref<!tpu.dma_semaphore, #tpu.memory_space<semaphore_mem>>) src(%dma_wait3A_300 : memref<10000x128xf32, #tpu.memory_space<hbm>>) dst(%arg27 : memref<32x128xf32, #tpu.memory_space<vmem>>)
        %add3A_301 = arith.constant 8 : i32
        %add3A_302 = arith.addi %add3A_269, %add3A_301 : i32
        %sub3A_303 = arith.constant 1 : i32
        %sub3A_304 = arith.subi %add3A_302, %sub3A_303 : i32
        %lt3A_305 = arith.cmpi slt, %sub3A_304, %select_n3A_151 : i32
        %convert_element_type3A_306 = arith.extui %lt3A_305 : i1 to i32
        %cond3A_307 = arith.constant 0 : i32
        %cond3A_308 = arith.cmpi ne, %convert_element_type3A_306, %cond3A_307 : i32
        scf.if %cond3A_308 {
          %add3A_309 = arith.constant 8 : i32
          %add3A_310 = arith.addi %add3A_269, %add3A_309 : i32
          %sub3A_311 = arith.constant 1 : i32
          %sub3A_312 = arith.subi %add3A_310, %sub3A_311 : i32
          %mul3A_313 = arith.constant 32 : i32
          %mul3A_314 = arith.muli %sub3A_312, %mul3A_313 : i32
          %add3A_315 = arith.constant 0 : i32
          %add3A_316 = arith.addi %mul3A_314, %add3A_315 : i32
          %get3A_317 = arith.index_cast %add3A_316 : i32 to index
          %get3A_318 = tpu.vector_load %arg12[%get3A_317] {strides = array<i32>} : memref<20384xi32, #tpu.memory_space<vmem>>, vector<16xi32>,
          %jit3A_319 = arith.constant 8192 : i32
          %div3A_320 = vector.broadcast %jit3A_319 : i32 to vector<16xi32>
          %div3A_321 = arith.divsi %get3A_318, %div3A_320 : vector<16xi32>
          %sign3A_322 = arith.constant 0 : i32
          %sign3A_323 = vector.broadcast %sign3A_322 : i32 to vector<16xi32>
          %sign3A_324 = arith.cmpi sgt, %get3A_318, %sign3A_323 : vector<16xi32>
          %sign3A_325 = arith.extui %sign3A_324 : vector<16xi1> to vector<16xi32>
          %sign3A_326 = arith.constant 0 : i32
          %sign3A_327 = vector.broadcast %sign3A_326 : i32 to vector<16xi32>
          %sign3A_328 = arith.cmpi slt, %get3A_318, %sign3A_327 : vector<16xi32>
          %sign3A_329 = arith.extui %sign3A_328 : vector<16xi1> to vector<16xi32>
          %sign3A_330 = arith.subi %sign3A_325, %sign3A_329 : vector<16xi32>
          %sign3A_331 = arith.constant 0 : i32
          %sign3A_332 = arith.cmpi sgt, %jit3A_319, %sign3A_331 : i32
          %sign3A_333 = arith.extui %sign3A_332 : i1 to i32
          %sign3A_334 = arith.constant 0 : i32
          %sign3A_335 = arith.cmpi slt, %jit3A_319, %sign3A_334 : i32
          %sign3A_336 = arith.extui %sign3A_335 : i1 to i32
          %sign3A_337 = arith.subi %sign3A_333, %sign3A_336 : i32
          %ne3A_338 = vector.broadcast %sign3A_337 : i32 to vector<16xi32>
          %ne3A_339 = arith.cmpi ne, %sign3A_330, %ne3A_338 : vector<16xi32>
          %rem3A_340 = vector.broadcast %jit3A_319 : i32 to vector<16xi32>
          %rem3A_341 = arith.remsi %get3A_318, %rem3A_340 : vector<16xi32>
          %ne3A_342 = arith.constant 0 : i32
          %ne3A_343 = vector.broadcast %ne3A_342 : i32 to vector<16xi32>
          %ne3A_344 = arith.cmpi ne, %rem3A_341, %ne3A_343 : vector<16xi32>
          %and3A_345 = arith.andi %ne3A_339, %ne3A_344 : vector<16xi1>
          %sub3A_346 = arith.constant 1 : i32
          %sub3A_347 = vector.broadcast %sub3A_346 : i32 to vector<16xi32>
          %sub3A_348 = arith.subi %div3A_321, %sub3A_347 : vector<16xi32>
          %select_n3A_349 = arith.select %and3A_345, %sub3A_348, %div3A_321 : vector<16xi1>, vector<16xi32>
          %swap3A = arith.constant 0 : index
          %swap3A_350 = tpu.vector_load %arg22[%swap3A] {strides = array<i32>} : memref<32xi32, #tpu.memory_space<vmem>>, vector<16xi32>,
          tpu.vector_store %arg22[%swap3A], %select_n3A_349 {strides = array<i32>} : memref<32xi32, #tpu.memory_space<vmem>>, vector<16xi32>,
          %jit3A_351 = arith.constant 8192 : i32
          %eq3A = arith.constant 0 : i32
          %eq3A_352 = arith.cmpi eq, %jit3A_351, %eq3A : i32
          %jit3A_353 = arith.constant 1 : i32
          %select_n3A_354 = arith.select %eq3A_352, %jit3A_353, %jit3A_351 : i32
          %rem3A_355 = vector.broadcast %select_n3A_354 : i32 to vector<16xi32>
          %rem3A_356 = arith.remsi %get3A_318, %rem3A_355 : vector<16xi32>
          %ne3A_357 = arith.constant 0 : i32
          %ne3A_358 = vector.broadcast %ne3A_357 : i32 to vector<16xi32>
          %ne3A_359 = arith.cmpi ne, %rem3A_356, %ne3A_358 : vector<16xi32>
          %lt3A_360 = arith.constant 0 : i32
          %lt3A_361 = vector.broadcast %lt3A_360 : i32 to vector<16xi32>
          %lt3A_362 = arith.cmpi slt, %rem3A_356, %lt3A_361 : vector<16xi32>
          %lt3A_363 = arith.constant 0 : i32
          %lt3A_364 = arith.cmpi slt, %select_n3A_354, %lt3A_363 : i32
          %ne3A_365 = vector.broadcast %lt3A_364 : i1 to vector<16xi1>
          %ne3A_366 = vector.broadcast %ne3A_365 : vector<16xi1> to vector<16xi1>
          %ne3A_367 = arith.xori %lt3A_362, %ne3A_366 : vector<16xi1>
          %and3A_368 = arith.andi %ne3A_367, %ne3A_359 : vector<16xi1>
          %add3A_369 = vector.broadcast %select_n3A_354 : i32 to vector<16xi32>
          %add3A_370 = arith.addi %rem3A_356, %add3A_369 : vector<16xi32>
          %select_n3A_371 = arith.select %and3A_368, %add3A_370, %rem3A_356 : vector<16xi1>, vector<16xi32>
          %swap3A_372 = arith.constant 0 : index
          %swap3A_373 = tpu.vector_load %arg23[%swap3A_372] {strides = array<i32>} : memref<32xi32, #tpu.memory_space<vmem>>, vector<16xi32>,
          tpu.vector_store %arg23[%swap3A_372], %select_n3A_371 {strides = array<i32>} : memref<32xi32, #tpu.memory_space<vmem>>, vector<16xi32>,
          %mul3A_374 = arith.constant 32 : i32
          %mul3A_375 = arith.muli %sub3A_312, %mul3A_374 : i32
          %add3A_376 = arith.constant 16 : i32
          %add3A_377 = arith.addi %mul3A_375, %add3A_376 : i32
          %get3A_378 = arith.index_cast %add3A_377 : i32 to index
          %get3A_379 = tpu.vector_load %arg12[%get3A_378] {strides = array<i32>} : memref<20384xi32, #tpu.memory_space<vmem>>, vector<16xi32>,
          %jit3A_380 = arith.constant 8192 : i32
          %div3A_381 = vector.broadcast %jit3A_380 : i32 to vector<16xi32>
          %div3A_382 = arith.divsi %get3A_379, %div3A_381 : vector<16xi32>
          %sign3A_383 = arith.constant 0 : i32
          %sign3A_384 = vector.broadcast %sign3A_383 : i32 to vector<16xi32>
          %sign3A_385 = arith.cmpi sgt, %get3A_379, %sign3A_384 : vector<16xi32>
          %sign3A_386 = arith.extui %sign3A_385 : vector<16xi1> to vector<16xi32>
          %sign3A_387 = arith.constant 0 : i32
          %sign3A_388 = vector.broadcast %sign3A_387 : i32 to vector<16xi32>
          %sign3A_389 = arith.cmpi slt, %get3A_379, %sign3A_388 : vector<16xi32>
          %sign3A_390 = arith.extui %sign3A_389 : vector<16xi1> to vector<16xi32>
          %sign3A_391 = arith.subi %sign3A_386, %sign3A_390 : vector<16xi32>
          %sign3A_392 = arith.constant 0 : i32
          %sign3A_393 = arith.cmpi sgt, %jit3A_380, %sign3A_392 : i32
          %sign3A_394 = arith.extui %sign3A_393 : i1 to i32
          %sign3A_395 = arith.constant 0 : i32
          %sign3A_396 = arith.cmpi slt, %jit3A_380, %sign3A_395 : i32
          %sign3A_397 = arith.extui %sign3A_396 : i1 to i32
          %sign3A_398 = arith.subi %sign3A_394, %sign3A_397 : i32
          %ne3A_399 = vector.broadcast %sign3A_398 : i32 to vector<16xi32>
          %ne3A_400 = arith.cmpi ne, %sign3A_391, %ne3A_399 : vector<16xi32>
          %rem3A_401 = vector.broadcast %jit3A_380 : i32 to vector<16xi32>
          %rem3A_402 = arith.remsi %get3A_379, %rem3A_401 : vector<16xi32>
          %ne3A_403 = arith.constant 0 : i32
          %ne3A_404 = vector.broadcast %ne3A_403 : i32 to vector<16xi32>
          %ne3A_405 = arith.cmpi ne, %rem3A_402, %ne3A_404 : vector<16xi32>
          %and3A_406 = arith.andi %ne3A_400, %ne3A_405 : vector<16xi1>
          %sub3A_407 = arith.constant 1 : i32
          %sub3A_408 = vector.broadcast %sub3A_407 : i32 to vector<16xi32>
          %sub3A_409 = arith.subi %div3A_382, %sub3A_408 : vector<16xi32>
          %select_n3A_410 = arith.select %and3A_406, %sub3A_409, %div3A_382 : vector<16xi1>, vector<16xi32>
          %swap3A_411 = arith.constant 16 : index
          %swap3A_412 = tpu.vector_load %arg22[%swap3A_411] {strides = array<i32>} : memref<32xi32, #tpu.memory_space<vmem>>, vector<16xi32>,
          tpu.vector_store %arg22[%swap3A_411], %select_n3A_410 {strides = array<i32>} : memref<32xi32, #tpu.memory_space<vmem>>, vector<16xi32>,
          %jit3A_413 = arith.constant 8192 : i32
          %eq3A_414 = arith.constant 0 : i32
          %eq3A_415 = arith.cmpi eq, %jit3A_413, %eq3A_414 : i32
          %jit3A_416 = arith.constant 1 : i32
          %select_n3A_417 = arith.select %eq3A_415, %jit3A_416, %jit3A_413 : i32
          %rem3A_418 = vector.broadcast %select_n3A_417 : i32 to vector<16xi32>
          %rem3A_419 = arith.remsi %get3A_379, %rem3A_418 : vector<16xi32>
          %ne3A_420 = arith.constant 0 : i32
          %ne3A_421 = vector.broadcast %ne3A_420 : i32 to vector<16xi32>
          %ne3A_422 = arith.cmpi ne, %rem3A_419, %ne3A_421 : vector<16xi32>
          %lt3A_423 = arith.constant 0 : i32
          %lt3A_424 = vector.broadcast %lt3A_423 : i32 to vector<16xi32>
          %lt3A_425 = arith.cmpi slt, %rem3A_419, %lt3A_424 : vector<16xi32>
          %lt3A_426 = arith.constant 0 : i32
          %lt3A_427 = arith.cmpi slt, %select_n3A_417, %lt3A_426 : i32
          %ne3A_428 = vector.broadcast %lt3A_427 : i1 to vector<16xi1>
          %ne3A_429 = vector.broadcast %ne3A_428 : vector<16xi1> to vector<16xi1>
          %ne3A_430 = arith.xori %lt3A_425, %ne3A_429 : vector<16xi1>
          %and3A_431 = arith.andi %ne3A_430, %ne3A_422 : vector<16xi1>
          %add3A_432 = vector.broadcast %select_n3A_417 : i32 to vector<16xi32>
          %add3A_433 = arith.addi %rem3A_419, %add3A_432 : vector<16xi32>
          %select_n3A_434 = arith.select %and3A_431, %add3A_433, %rem3A_419 : vector<16xi1>, vector<16xi32>
          %swap3A_435 = arith.constant 16 : index
          %swap3A_436 = tpu.vector_load %arg23[%swap3A_435] {strides = array<i32>} : memref<32xi32, #tpu.memory_space<vmem>>, vector<16xi32>,
          tpu.vector_store %arg23[%swap3A_435], %select_n3A_434 {strides = array<i32>} : memref<32xi32, #tpu.memory_space<vmem>>, vector<16xi32>,
          %dma_start3A = arith.constant 0 : i32
          %dma_start3A_437 = arith.constant 0 : i32
          %dma_start3A_438 = tpu.memref_slice %arg4[%dma_start3A, %dma_start3A_437] : memref<10000x128xf32, #tpu.memory_space<hbm>> -> memref<10000x128xf32, #tpu.memory_space<hbm>>
          tpu.enqueue_indirect_dma source(%dma_start3A_438 : memref<10000x128xf32, #tpu.memory_space<hbm>>) target(%arg24 : memref<32x128xf32, #tpu.memory_space<vmem>>) offsets(%arg22 : memref<32xi32, #tpu.memory_space<vmem>>) semaphore(%arg44 : memref<!tpu.dma_semaphore, #tpu.memory_space<semaphore_mem>>)
        } else {
        }
        "tpu.region"() ({
          %run_scoped3A = tpu.sem_alloc : memref<!tpu.dma_semaphore, #tpu.memory_space<semaphore_mem>>
          %dma_start3A = arith.constant 0 : i32
          %dma_start3A_309 = arith.constant 0 : i32
          %dma_start3A_310 = tpu.memref_slice %arg9[%dma_start3A, %dma_start3A_309] : memref<5120x128xf32, #tpu.memory_space<vmem_shared>> -> memref<5120x128xf32, #tpu.memory_space<vmem_shared>>
          tpu.enqueue_indirect_dma source(%arg27 : memref<32x128xf32, #tpu.memory_space<vmem>>) target(%dma_start3A_310 : memref<5120x128xf32, #tpu.memory_space<vmem_shared>>) offsets(%arg26 : memref<32xi32, #tpu.memory_space<vmem>>) semaphore(%run_scoped3A : memref<!tpu.dma_semaphore, #tpu.memory_space<semaphore_mem>>) {add = true}
          %dma_wait3A_311 = arith.constant 0 : i32
          %dma_wait3A_312 = arith.constant 0 : i32
          %dma_wait3A_313 = tpu.memref_slice %arg9[%dma_wait3A_311, %dma_wait3A_312] : memref<5120x128xf32, #tpu.memory_space<vmem_shared>> -> memref<5120x128xf32, #tpu.memory_space<vmem_shared>>
          tpu.wait_indirect_dma semaphore(%run_scoped3A : memref<!tpu.dma_semaphore, #tpu.memory_space<semaphore_mem>>) src(%arg27 : memref<32x128xf32, #tpu.memory_space<vmem>>) dst(%dma_wait3A_313 : memref<5120x128xf32, #tpu.memory_space<vmem_shared>>)
          tpu.yield
        }) : () -> ()
      } else {
      }
      %mul3A_274 = arith.constant 8 : i32
      %mul3A_275 = arith.muli %while3A_233, %mul3A_274 : i32
      %add3A_276 = arith.constant 5 : i32
      %add3A_277 = arith.addi %mul3A_275, %add3A_276 : i32
      %lt3A_278 = arith.cmpi slt, %add3A_277, %select_n3A_151 : i32
      %convert_element_type3A_279 = arith.extui %lt3A_278 : i1 to i32
      %cond3A_280 = arith.constant 0 : i32
      %cond3A_281 = arith.cmpi ne, %convert_element_type3A_279, %cond3A_280 : i32
      scf.if %cond3A_281 {
        %dma_wait3A = arith.constant 0 : i32
        %dma_wait3A_299 = arith.constant 0 : i32
        %dma_wait3A_300 = tpu.memref_slice %arg4[%dma_wait3A, %dma_wait3A_299] : memref<10000x128xf32, #tpu.memory_space<hbm>> -> memref<10000x128xf32, #tpu.memory_space<hbm>>
        tpu.wait_indirect_dma semaphore(%arg46 : memref<!tpu.dma_semaphore, #tpu.memory_space<semaphore_mem>>) src(%dma_wait3A_300 : memref<10000x128xf32, #tpu.memory_space<hbm>>) dst(%arg30 : memref<32x128xf32, #tpu.memory_space<vmem>>)
        %add3A_301 = arith.constant 8 : i32
        %add3A_302 = arith.addi %add3A_277, %add3A_301 : i32
        %sub3A_303 = arith.constant 1 : i32
        %sub3A_304 = arith.subi %add3A_302, %sub3A_303 : i32
        %lt3A_305 = arith.cmpi slt, %sub3A_304, %select_n3A_151 : i32
        %convert_element_type3A_306 = arith.extui %lt3A_305 : i1 to i32
        %cond3A_307 = arith.constant 0 : i32
        %cond3A_308 = arith.cmpi ne, %convert_element_type3A_306, %cond3A_307 : i32
        scf.if %cond3A_308 {
          %add3A_309 = arith.constant 8 : i32
          %add3A_310 = arith.addi %add3A_277, %add3A_309 : i32
          %sub3A_311 = arith.constant 1 : i32
          %sub3A_312 = arith.subi %add3A_310, %sub3A_311 : i32
          %mul3A_313 = arith.constant 32 : i32
          %mul3A_314 = arith.muli %sub3A_312, %mul3A_313 : i32
          %add3A_315 = arith.constant 0 : i32
          %add3A_316 = arith.addi %mul3A_314, %add3A_315 : i32
          %get3A_317 = arith.index_cast %add3A_316 : i32 to index
          %get3A_318 = tpu.vector_load %arg12[%get3A_317] {strides = array<i32>} : memref<20384xi32, #tpu.memory_space<vmem>>, vector<16xi32>,
          %jit3A_319 = arith.constant 8192 : i32
          %div3A_320 = vector.broadcast %jit3A_319 : i32 to vector<16xi32>
          %div3A_321 = arith.divsi %get3A_318, %div3A_320 : vector<16xi32>
          %sign3A_322 = arith.constant 0 : i32
          %sign3A_323 = vector.broadcast %sign3A_322 : i32 to vector<16xi32>
          %sign3A_324 = arith.cmpi sgt, %get3A_318, %sign3A_323 : vector<16xi32>
          %sign3A_325 = arith.extui %sign3A_324 : vector<16xi1> to vector<16xi32>
          %sign3A_326 = arith.constant 0 : i32
          %sign3A_327 = vector.broadcast %sign3A_326 : i32 to vector<16xi32>
          %sign3A_328 = arith.cmpi slt, %get3A_318, %sign3A_327 : vector<16xi32>
          %sign3A_329 = arith.extui %sign3A_328 : vector<16xi1> to vector<16xi32>
          %sign3A_330 = arith.subi %sign3A_325, %sign3A_329 : vector<16xi32>
          %sign3A_331 = arith.constant 0 : i32
          %sign3A_332 = arith.cmpi sgt, %jit3A_319, %sign3A_331 : i32
          %sign3A_333 = arith.extui %sign3A_332 : i1 to i32
          %sign3A_334 = arith.constant 0 : i32
          %sign3A_335 = arith.cmpi slt, %jit3A_319, %sign3A_334 : i32
          %sign3A_336 = arith.extui %sign3A_335 : i1 to i32
          %sign3A_337 = arith.subi %sign3A_333, %sign3A_336 : i32
          %ne3A_338 = vector.broadcast %sign3A_337 : i32 to vector<16xi32>
          %ne3A_339 = arith.cmpi ne, %sign3A_330, %ne3A_338 : vector<16xi32>
          %rem3A_340 = vector.broadcast %jit3A_319 : i32 to vector<16xi32>
          %rem3A_341 = arith.remsi %get3A_318, %rem3A_340 : vector<16xi32>
          %ne3A_342 = arith.constant 0 : i32
          %ne3A_343 = vector.broadcast %ne3A_342 : i32 to vector<16xi32>
          %ne3A_344 = arith.cmpi ne, %rem3A_341, %ne3A_343 : vector<16xi32>
          %and3A_345 = arith.andi %ne3A_339, %ne3A_344 : vector<16xi1>
          %sub3A_346 = arith.constant 1 : i32
          %sub3A_347 = vector.broadcast %sub3A_346 : i32 to vector<16xi32>
          %sub3A_348 = arith.subi %div3A_321, %sub3A_347 : vector<16xi32>
          %select_n3A_349 = arith.select %and3A_345, %sub3A_348, %div3A_321 : vector<16xi1>, vector<16xi32>
          %swap3A = arith.constant 0 : index
          %swap3A_350 = tpu.vector_load %arg25[%swap3A] {strides = array<i32>} : memref<32xi32, #tpu.memory_space<vmem>>, vector<16xi32>,
          tpu.vector_store %arg25[%swap3A], %select_n3A_349 {strides = array<i32>} : memref<32xi32, #tpu.memory_space<vmem>>, vector<16xi32>,
          %jit3A_351 = arith.constant 8192 : i32
          %eq3A = arith.constant 0 : i32
          %eq3A_352 = arith.cmpi eq, %jit3A_351, %eq3A : i32
          %jit3A_353 = arith.constant 1 : i32
          %select_n3A_354 = arith.select %eq3A_352, %jit3A_353, %jit3A_351 : i32
          %rem3A_355 = vector.broadcast %select_n3A_354 : i32 to vector<16xi32>
          %rem3A_356 = arith.remsi %get3A_318, %rem3A_355 : vector<16xi32>
          %ne3A_357 = arith.constant 0 : i32
          %ne3A_358 = vector.broadcast %ne3A_357 : i32 to vector<16xi32>
          %ne3A_359 = arith.cmpi ne, %rem3A_356, %ne3A_358 : vector<16xi32>
          %lt3A_360 = arith.constant 0 : i32
          %lt3A_361 = vector.broadcast %lt3A_360 : i32 to vector<16xi32>
          %lt3A_362 = arith.cmpi slt, %rem3A_356, %lt3A_361 : vector<16xi32>
          %lt3A_363 = arith.constant 0 : i32
          %lt3A_364 = arith.cmpi slt, %select_n3A_354, %lt3A_363 : i32
          %ne3A_365 = vector.broadcast %lt3A_364 : i1 to vector<16xi1>
          %ne3A_366 = vector.broadcast %ne3A_365 : vector<16xi1> to vector<16xi1>
          %ne3A_367 = arith.xori %lt3A_362, %ne3A_366 : vector<16xi1>
          %and3A_368 = arith.andi %ne3A_367, %ne3A_359 : vector<16xi1>
          %add3A_369 = vector.broadcast %select_n3A_354 : i32 to vector<16xi32>
          %add3A_370 = arith.addi %rem3A_356, %add3A_369 : vector<16xi32>
          %select_n3A_371 = arith.select %and3A_368, %add3A_370, %rem3A_356 : vector<16xi1>, vector<16xi32>
          %swap3A_372 = arith.constant 0 : index
          %swap3A_373 = tpu.vector_load %arg26[%swap3A_372] {strides = array<i32>} : memref<32xi32, #tpu.memory_space<vmem>>, vector<16xi32>,
          tpu.vector_store %arg26[%swap3A_372], %select_n3A_371 {strides = array<i32>} : memref<32xi32, #tpu.memory_space<vmem>>, vector<16xi32>,
          %mul3A_374 = arith.constant 32 : i32
          %mul3A_375 = arith.muli %sub3A_312, %mul3A_374 : i32
          %add3A_376 = arith.constant 16 : i32
          %add3A_377 = arith.addi %mul3A_375, %add3A_376 : i32
          %get3A_378 = arith.index_cast %add3A_377 : i32 to index
          %get3A_379 = tpu.vector_load %arg12[%get3A_378] {strides = array<i32>} : memref<20384xi32, #tpu.memory_space<vmem>>, vector<16xi32>,
          %jit3A_380 = arith.constant 8192 : i32
          %div3A_381 = vector.broadcast %jit3A_380 : i32 to vector<16xi32>
          %div3A_382 = arith.divsi %get3A_379, %div3A_381 : vector<16xi32>
          %sign3A_383 = arith.constant 0 : i32
          %sign3A_384 = vector.broadcast %sign3A_383 : i32 to vector<16xi32>
          %sign3A_385 = arith.cmpi sgt, %get3A_379, %sign3A_384 : vector<16xi32>
          %sign3A_386 = arith.extui %sign3A_385 : vector<16xi1> to vector<16xi32>
          %sign3A_387 = arith.constant 0 : i32
          %sign3A_388 = vector.broadcast %sign3A_387 : i32 to vector<16xi32>
          %sign3A_389 = arith.cmpi slt, %get3A_379, %sign3A_388 : vector<16xi32>
          %sign3A_390 = arith.extui %sign3A_389 : vector<16xi1> to vector<16xi32>
          %sign3A_391 = arith.subi %sign3A_386, %sign3A_390 : vector<16xi32>
          %sign3A_392 = arith.constant 0 : i32
          %sign3A_393 = arith.cmpi sgt, %jit3A_380, %sign3A_392 : i32
          %sign3A_394 = arith.extui %sign3A_393 : i1 to i32
          %sign3A_395 = arith.constant 0 : i32
          %sign3A_396 = arith.cmpi slt, %jit3A_380, %sign3A_395 : i32
          %sign3A_397 = arith.extui %sign3A_396 : i1 to i32
          %sign3A_398 = arith.subi %sign3A_394, %sign3A_397 : i32
          %ne3A_399 = vector.broadcast %sign3A_398 : i32 to vector<16xi32>
          %ne3A_400 = arith.cmpi ne, %sign3A_391, %ne3A_399 : vector<16xi32>
          %rem3A_401 = vector.broadcast %jit3A_380 : i32 to vector<16xi32>
          %rem3A_402 = arith.remsi %get3A_379, %rem3A_401 : vector<16xi32>
          %ne3A_403 = arith.constant 0 : i32
          %ne3A_404 = vector.broadcast %ne3A_403 : i32 to vector<16xi32>
          %ne3A_405 = arith.cmpi ne, %rem3A_402, %ne3A_404 : vector<16xi32>
          %and3A_406 = arith.andi %ne3A_400, %ne3A_405 : vector<16xi1>
          %sub3A_407 = arith.constant 1 : i32
          %sub3A_408 = vector.broadcast %sub3A_407 : i32 to vector<16xi32>
          %sub3A_409 = arith.subi %div3A_382, %sub3A_408 : vector<16xi32>
          %select_n3A_410 = arith.select %and3A_406, %sub3A_409, %div3A_382 : vector<16xi1>, vector<16xi32>
          %swap3A_411 = arith.constant 16 : index
          %swap3A_412 = tpu.vector_load %arg25[%swap3A_411] {strides = array<i32>} : memref<32xi32, #tpu.memory_space<vmem>>, vector<16xi32>,
          tpu.vector_store %arg25[%swap3A_411], %select_n3A_410 {strides = array<i32>} : memref<32xi32, #tpu.memory_space<vmem>>, vector<16xi32>,
          %jit3A_413 = arith.constant 8192 : i32
          %eq3A_414 = arith.constant 0 : i32
          %eq3A_415 = arith.cmpi eq, %jit3A_413, %eq3A_414 : i32
          %jit3A_416 = arith.constant 1 : i32
          %select_n3A_417 = arith.select %eq3A_415, %jit3A_416, %jit3A_413 : i32
          %rem3A_418 = vector.broadcast %select_n3A_417 : i32 to vector<16xi32>
          %rem3A_419 = arith.remsi %get3A_379, %rem3A_418 : vector<16xi32>
          %ne3A_420 = arith.constant 0 : i32
          %ne3A_421 = vector.broadcast %ne3A_420 : i32 to vector<16xi32>
          %ne3A_422 = arith.cmpi ne, %rem3A_419, %ne3A_421 : vector<16xi32>
          %lt3A_423 = arith.constant 0 : i32
          %lt3A_424 = vector.broadcast %lt3A_423 : i32 to vector<16xi32>
          %lt3A_425 = arith.cmpi slt, %rem3A_419, %lt3A_424 : vector<16xi32>
          %lt3A_426 = arith.constant 0 : i32
          %lt3A_427 = arith.cmpi slt, %select_n3A_417, %lt3A_426 : i32
          %ne3A_428 = vector.broadcast %lt3A_427 : i1 to vector<16xi1>
          %ne3A_429 = vector.broadcast %ne3A_428 : vector<16xi1> to vector<16xi1>
          %ne3A_430 = arith.xori %lt3A_425, %ne3A_429 : vector<16xi1>
          %and3A_431 = arith.andi %ne3A_430, %ne3A_422 : vector<16xi1>
          %add3A_432 = vector.broadcast %select_n3A_417 : i32 to vector<16xi32>
          %add3A_433 = arith.addi %rem3A_419, %add3A_432 : vector<16xi32>
          %select_n3A_434 = arith.select %and3A_431, %add3A_433, %rem3A_419 : vector<16xi1>, vector<16xi32>
          %swap3A_435 = arith.constant 16 : index
          %swap3A_436 = tpu.vector_load %arg26[%swap3A_435] {strides = array<i32>} : memref<32xi32, #tpu.memory_space<vmem>>, vector<16xi32>,
          tpu.vector_store %arg26[%swap3A_435], %select_n3A_434 {strides = array<i32>} : memref<32xi32, #tpu.memory_space<vmem>>, vector<16xi32>,
          %dma_start3A = arith.constant 0 : i32
          %dma_start3A_437 = arith.constant 0 : i32
          %dma_start3A_438 = tpu.memref_slice %arg4[%dma_start3A, %dma_start3A_437] : memref<10000x128xf32, #tpu.memory_space<hbm>> -> memref<10000x128xf32, #tpu.memory_space<hbm>>
          tpu.enqueue_indirect_dma source(%dma_start3A_438 : memref<10000x128xf32, #tpu.memory_space<hbm>>) target(%arg27 : memref<32x128xf32, #tpu.memory_space<vmem>>) offsets(%arg25 : memref<32xi32, #tpu.memory_space<vmem>>) semaphore(%arg45 : memref<!tpu.dma_semaphore, #tpu.memory_space<semaphore_mem>>)
        } else {
        }
        "tpu.region"() ({
          %run_scoped3A = tpu.sem_alloc : memref<!tpu.dma_semaphore, #tpu.memory_space<semaphore_mem>>
          %dma_start3A = arith.constant 0 : i32
          %dma_start3A_309 = arith.constant 0 : i32
          %dma_start3A_310 = tpu.memref_slice %arg9[%dma_start3A, %dma_start3A_309] : memref<5120x128xf32, #tpu.memory_space<vmem_shared>> -> memref<5120x128xf32, #tpu.memory_space<vmem_shared>>
          tpu.enqueue_indirect_dma source(%arg30 : memref<32x128xf32, #tpu.memory_space<vmem>>) target(%dma_start3A_310 : memref<5120x128xf32, #tpu.memory_space<vmem_shared>>) offsets(%arg29 : memref<32xi32, #tpu.memory_space<vmem>>) semaphore(%run_scoped3A : memref<!tpu.dma_semaphore, #tpu.memory_space<semaphore_mem>>) {add = true}
          %dma_wait3A_311 = arith.constant 0 : i32
          %dma_wait3A_312 = arith.constant 0 : i32
          %dma_wait3A_313 = tpu.memref_slice %arg9[%dma_wait3A_311, %dma_wait3A_312] : memref<5120x128xf32, #tpu.memory_space<vmem_shared>> -> memref<5120x128xf32, #tpu.memory_space<vmem_shared>>
          tpu.wait_indirect_dma semaphore(%run_scoped3A : memref<!tpu.dma_semaphore, #tpu.memory_space<semaphore_mem>>) src(%arg30 : memref<32x128xf32, #tpu.memory_space<vmem>>) dst(%dma_wait3A_313 : memref<5120x128xf32, #tpu.memory_space<vmem_shared>>)
          tpu.yield
        }) : () -> ()
      } else {
      }
      %mul3A_282 = arith.constant 8 : i32
      %mul3A_283 = arith.muli %while3A_233, %mul3A_282 : i32
      %add3A_284 = arith.constant 6 : i32
      %add3A_285 = arith.addi %mul3A_283, %add3A_284 : i32
      %lt3A_286 = arith.cmpi slt, %add3A_285, %select_n3A_151 : i32
      %convert_element_type3A_287 = arith.extui %lt3A_286 : i1 to i32
      %cond3A_288 = arith.constant 0 : i32
      %cond3A_289 = arith.cmpi ne, %convert_element_type3A_287, %cond3A_288 : i32
      scf.if %cond3A_289 {
        %dma_wait3A = arith.constant 0 : i32
        %dma_wait3A_299 = arith.constant 0 : i32
        %dma_wait3A_300 = tpu.memref_slice %arg4[%dma_wait3A, %dma_wait3A_299] : memref<10000x128xf32, #tpu.memory_space<hbm>> -> memref<10000x128xf32, #tpu.memory_space<hbm>>
        tpu.wait_indirect_dma semaphore(%arg47 : memref<!tpu.dma_semaphore, #tpu.memory_space<semaphore_mem>>) src(%dma_wait3A_300 : memref<10000x128xf32, #tpu.memory_space<hbm>>) dst(%arg33 : memref<32x128xf32, #tpu.memory_space<vmem>>)
        %add3A_301 = arith.constant 8 : i32
        %add3A_302 = arith.addi %add3A_285, %add3A_301 : i32
        %sub3A_303 = arith.constant 1 : i32
        %sub3A_304 = arith.subi %add3A_302, %sub3A_303 : i32
        %lt3A_305 = arith.cmpi slt, %sub3A_304, %select_n3A_151 : i32
        %convert_element_type3A_306 = arith.extui %lt3A_305 : i1 to i32
        %cond3A_307 = arith.constant 0 : i32
        %cond3A_308 = arith.cmpi ne, %convert_element_type3A_306, %cond3A_307 : i32
        scf.if %cond3A_308 {
          %add3A_309 = arith.constant 8 : i32
          %add3A_310 = arith.addi %add3A_285, %add3A_309 : i32
          %sub3A_311 = arith.constant 1 : i32
          %sub3A_312 = arith.subi %add3A_310, %sub3A_311 : i32
          %mul3A_313 = arith.constant 32 : i32
          %mul3A_314 = arith.muli %sub3A_312, %mul3A_313 : i32
          %add3A_315 = arith.constant 0 : i32
          %add3A_316 = arith.addi %mul3A_314, %add3A_315 : i32
          %get3A_317 = arith.index_cast %add3A_316 : i32 to index
          %get3A_318 = tpu.vector_load %arg12[%get3A_317] {strides = array<i32>} : memref<20384xi32, #tpu.memory_space<vmem>>, vector<16xi32>,
          %jit3A_319 = arith.constant 8192 : i32
          %div3A_320 = vector.broadcast %jit3A_319 : i32 to vector<16xi32>
          %div3A_321 = arith.divsi %get3A_318, %div3A_320 : vector<16xi32>
          %sign3A_322 = arith.constant 0 : i32
          %sign3A_323 = vector.broadcast %sign3A_322 : i32 to vector<16xi32>
          %sign3A_324 = arith.cmpi sgt, %get3A_318, %sign3A_323 : vector<16xi32>
          %sign3A_325 = arith.extui %sign3A_324 : vector<16xi1> to vector<16xi32>
          %sign3A_326 = arith.constant 0 : i32
          %sign3A_327 = vector.broadcast %sign3A_326 : i32 to vector<16xi32>
          %sign3A_328 = arith.cmpi slt, %get3A_318, %sign3A_327 : vector<16xi32>
          %sign3A_329 = arith.extui %sign3A_328 : vector<16xi1> to vector<16xi32>
          %sign3A_330 = arith.subi %sign3A_325, %sign3A_329 : vector<16xi32>
          %sign3A_331 = arith.constant 0 : i32
          %sign3A_332 = arith.cmpi sgt, %jit3A_319, %sign3A_331 : i32
          %sign3A_333 = arith.extui %sign3A_332 : i1 to i32
          %sign3A_334 = arith.constant 0 : i32
          %sign3A_335 = arith.cmpi slt, %jit3A_319, %sign3A_334 : i32
          %sign3A_336 = arith.extui %sign3A_335 : i1 to i32
          %sign3A_337 = arith.subi %sign3A_333, %sign3A_336 : i32
          %ne3A_338 = vector.broadcast %sign3A_337 : i32 to vector<16xi32>
          %ne3A_339 = arith.cmpi ne, %sign3A_330, %ne3A_338 : vector<16xi32>
          %rem3A_340 = vector.broadcast %jit3A_319 : i32 to vector<16xi32>
          %rem3A_341 = arith.remsi %get3A_318, %rem3A_340 : vector<16xi32>
          %ne3A_342 = arith.constant 0 : i32
          %ne3A_343 = vector.broadcast %ne3A_342 : i32 to vector<16xi32>
          %ne3A_344 = arith.cmpi ne, %rem3A_341, %ne3A_343 : vector<16xi32>
          %and3A_345 = arith.andi %ne3A_339, %ne3A_344 : vector<16xi1>
          %sub3A_346 = arith.constant 1 : i32
          %sub3A_347 = vector.broadcast %sub3A_346 : i32 to vector<16xi32>
          %sub3A_348 = arith.subi %div3A_321, %sub3A_347 : vector<16xi32>
          %select_n3A_349 = arith.select %and3A_345, %sub3A_348, %div3A_321 : vector<16xi1>, vector<16xi32>
          %swap3A = arith.constant 0 : index
          %swap3A_350 = tpu.vector_load %arg28[%swap3A] {strides = array<i32>} : memref<32xi32, #tpu.memory_space<vmem>>, vector<16xi32>,
          tpu.vector_store %arg28[%swap3A], %select_n3A_349 {strides = array<i32>} : memref<32xi32, #tpu.memory_space<vmem>>, vector<16xi32>,
          %jit3A_351 = arith.constant 8192 : i32
          %eq3A = arith.constant 0 : i32
          %eq3A_352 = arith.cmpi eq, %jit3A_351, %eq3A : i32
          %jit3A_353 = arith.constant 1 : i32
          %select_n3A_354 = arith.select %eq3A_352, %jit3A_353, %jit3A_351 : i32
          %rem3A_355 = vector.broadcast %select_n3A_354 : i32 to vector<16xi32>
          %rem3A_356 = arith.remsi %get3A_318, %rem3A_355 : vector<16xi32>
          %ne3A_357 = arith.constant 0 : i32
          %ne3A_358 = vector.broadcast %ne3A_357 : i32 to vector<16xi32>
          %ne3A_359 = arith.cmpi ne, %rem3A_356, %ne3A_358 : vector<16xi32>
          %lt3A_360 = arith.constant 0 : i32
          %lt3A_361 = vector.broadcast %lt3A_360 : i32 to vector<16xi32>
          %lt3A_362 = arith.cmpi slt, %rem3A_356, %lt3A_361 : vector<16xi32>
          %lt3A_363 = arith.constant 0 : i32
          %lt3A_364 = arith.cmpi slt, %select_n3A_354, %lt3A_363 : i32
          %ne3A_365 = vector.broadcast %lt3A_364 : i1 to vector<16xi1>
          %ne3A_366 = vector.broadcast %ne3A_365 : vector<16xi1> to vector<16xi1>
          %ne3A_367 = arith.xori %lt3A_362, %ne3A_366 : vector<16xi1>
          %and3A_368 = arith.andi %ne3A_367, %ne3A_359 : vector<16xi1>
          %add3A_369 = vector.broadcast %select_n3A_354 : i32 to vector<16xi32>
          %add3A_370 = arith.addi %rem3A_356, %add3A_369 : vector<16xi32>
          %select_n3A_371 = arith.select %and3A_368, %add3A_370, %rem3A_356 : vector<16xi1>, vector<16xi32>
          %swap3A_372 = arith.constant 0 : index
          %swap3A_373 = tpu.vector_load %arg29[%swap3A_372] {strides = array<i32>} : memref<32xi32, #tpu.memory_space<vmem>>, vector<16xi32>,
          tpu.vector_store %arg29[%swap3A_372], %select_n3A_371 {strides = array<i32>} : memref<32xi32, #tpu.memory_space<vmem>>, vector<16xi32>,
          %mul3A_374 = arith.constant 32 : i32
          %mul3A_375 = arith.muli %sub3A_312, %mul3A_374 : i32
          %add3A_376 = arith.constant 16 : i32
          %add3A_377 = arith.addi %mul3A_375, %add3A_376 : i32
          %get3A_378 = arith.index_cast %add3A_377 : i32 to index
          %get3A_379 = tpu.vector_load %arg12[%get3A_378] {strides = array<i32>} : memref<20384xi32, #tpu.memory_space<vmem>>, vector<16xi32>,
          %jit3A_380 = arith.constant 8192 : i32
          %div3A_381 = vector.broadcast %jit3A_380 : i32 to vector<16xi32>
          %div3A_382 = arith.divsi %get3A_379, %div3A_381 : vector<16xi32>
          %sign3A_383 = arith.constant 0 : i32
          %sign3A_384 = vector.broadcast %sign3A_383 : i32 to vector<16xi32>
          %sign3A_385 = arith.cmpi sgt, %get3A_379, %sign3A_384 : vector<16xi32>
          %sign3A_386 = arith.extui %sign3A_385 : vector<16xi1> to vector<16xi32>
          %sign3A_387 = arith.constant 0 : i32
          %sign3A_388 = vector.broadcast %sign3A_387 : i32 to vector<16xi32>
          %sign3A_389 = arith.cmpi slt, %get3A_379, %sign3A_388 : vector<16xi32>
          %sign3A_390 = arith.extui %sign3A_389 : vector<16xi1> to vector<16xi32>
          %sign3A_391 = arith.subi %sign3A_386, %sign3A_390 : vector<16xi32>
          %sign3A_392 = arith.constant 0 : i32
          %sign3A_393 = arith.cmpi sgt, %jit3A_380, %sign3A_392 : i32
          %sign3A_394 = arith.extui %sign3A_393 : i1 to i32
          %sign3A_395 = arith.constant 0 : i32
          %sign3A_396 = arith.cmpi slt, %jit3A_380, %sign3A_395 : i32
          %sign3A_397 = arith.extui %sign3A_396 : i1 to i32
          %sign3A_398 = arith.subi %sign3A_394, %sign3A_397 : i32
          %ne3A_399 = vector.broadcast %sign3A_398 : i32 to vector<16xi32>
          %ne3A_400 = arith.cmpi ne, %sign3A_391, %ne3A_399 : vector<16xi32>
          %rem3A_401 = vector.broadcast %jit3A_380 : i32 to vector<16xi32>
          %rem3A_402 = arith.remsi %get3A_379, %rem3A_401 : vector<16xi32>
          %ne3A_403 = arith.constant 0 : i32
          %ne3A_404 = vector.broadcast %ne3A_403 : i32 to vector<16xi32>
          %ne3A_405 = arith.cmpi ne, %rem3A_402, %ne3A_404 : vector<16xi32>
          %and3A_406 = arith.andi %ne3A_400, %ne3A_405 : vector<16xi1>
          %sub3A_407 = arith.constant 1 : i32
          %sub3A_408 = vector.broadcast %sub3A_407 : i32 to vector<16xi32>
          %sub3A_409 = arith.subi %div3A_382, %sub3A_408 : vector<16xi32>
          %select_n3A_410 = arith.select %and3A_406, %sub3A_409, %div3A_382 : vector<16xi1>, vector<16xi32>
          %swap3A_411 = arith.constant 16 : index
          %swap3A_412 = tpu.vector_load %arg28[%swap3A_411] {strides = array<i32>} : memref<32xi32, #tpu.memory_space<vmem>>, vector<16xi32>,
          tpu.vector_store %arg28[%swap3A_411], %select_n3A_410 {strides = array<i32>} : memref<32xi32, #tpu.memory_space<vmem>>, vector<16xi32>,
          %jit3A_413 = arith.constant 8192 : i32
          %eq3A_414 = arith.constant 0 : i32
          %eq3A_415 = arith.cmpi eq, %jit3A_413, %eq3A_414 : i32
          %jit3A_416 = arith.constant 1 : i32
          %select_n3A_417 = arith.select %eq3A_415, %jit3A_416, %jit3A_413 : i32
          %rem3A_418 = vector.broadcast %select_n3A_417 : i32 to vector<16xi32>
          %rem3A_419 = arith.remsi %get3A_379, %rem3A_418 : vector<16xi32>
          %ne3A_420 = arith.constant 0 : i32
          %ne3A_421 = vector.broadcast %ne3A_420 : i32 to vector<16xi32>
          %ne3A_422 = arith.cmpi ne, %rem3A_419, %ne3A_421 : vector<16xi32>
          %lt3A_423 = arith.constant 0 : i32
          %lt3A_424 = vector.broadcast %lt3A_423 : i32 to vector<16xi32>
          %lt3A_425 = arith.cmpi slt, %rem3A_419, %lt3A_424 : vector<16xi32>
          %lt3A_426 = arith.constant 0 : i32
          %lt3A_427 = arith.cmpi slt, %select_n3A_417, %lt3A_426 : i32
          %ne3A_428 = vector.broadcast %lt3A_427 : i1 to vector<16xi1>
          %ne3A_429 = vector.broadcast %ne3A_428 : vector<16xi1> to vector<16xi1>
          %ne3A_430 = arith.xori %lt3A_425, %ne3A_429 : vector<16xi1>
          %and3A_431 = arith.andi %ne3A_430, %ne3A_422 : vector<16xi1>
          %add3A_432 = vector.broadcast %select_n3A_417 : i32 to vector<16xi32>
          %add3A_433 = arith.addi %rem3A_419, %add3A_432 : vector<16xi32>
          %select_n3A_434 = arith.select %and3A_431, %add3A_433, %rem3A_419 : vector<16xi1>, vector<16xi32>
          %swap3A_435 = arith.constant 16 : index
          %swap3A_436 = tpu.vector_load %arg29[%swap3A_435] {strides = array<i32>} : memref<32xi32, #tpu.memory_space<vmem>>, vector<16xi32>,
          tpu.vector_store %arg29[%swap3A_435], %select_n3A_434 {strides = array<i32>} : memref<32xi32, #tpu.memory_space<vmem>>, vector<16xi32>,
          %dma_start3A = arith.constant 0 : i32
          %dma_start3A_437 = arith.constant 0 : i32
          %dma_start3A_438 = tpu.memref_slice %arg4[%dma_start3A, %dma_start3A_437] : memref<10000x128xf32, #tpu.memory_space<hbm>> -> memref<10000x128xf32, #tpu.memory_space<hbm>>
          tpu.enqueue_indirect_dma source(%dma_start3A_438 : memref<10000x128xf32, #tpu.memory_space<hbm>>) target(%arg30 : memref<32x128xf32, #tpu.memory_space<vmem>>) offsets(%arg28 : memref<32xi32, #tpu.memory_space<vmem>>) semaphore(%arg46 : memref<!tpu.dma_semaphore, #tpu.memory_space<semaphore_mem>>)
        } else {
        }
        "tpu.region"() ({
          %run_scoped3A = tpu.sem_alloc : memref<!tpu.dma_semaphore, #tpu.memory_space<semaphore_mem>>
          %dma_start3A = arith.constant 0 : i32
          %dma_start3A_309 = arith.constant 0 : i32
          %dma_start3A_310 = tpu.memref_slice %arg9[%dma_start3A, %dma_start3A_309] : memref<5120x128xf32, #tpu.memory_space<vmem_shared>> -> memref<5120x128xf32, #tpu.memory_space<vmem_shared>>
          tpu.enqueue_indirect_dma source(%arg33 : memref<32x128xf32, #tpu.memory_space<vmem>>) target(%dma_start3A_310 : memref<5120x128xf32, #tpu.memory_space<vmem_shared>>) offsets(%arg32 : memref<32xi32, #tpu.memory_space<vmem>>) semaphore(%run_scoped3A : memref<!tpu.dma_semaphore, #tpu.memory_space<semaphore_mem>>) {add = true}
          %dma_wait3A_311 = arith.constant 0 : i32
          %dma_wait3A_312 = arith.constant 0 : i32
          %dma_wait3A_313 = tpu.memref_slice %arg9[%dma_wait3A_311, %dma_wait3A_312] : memref<5120x128xf32, #tpu.memory_space<vmem_shared>> -> memref<5120x128xf32, #tpu.memory_space<vmem_shared>>
          tpu.wait_indirect_dma semaphore(%run_scoped3A : memref<!tpu.dma_semaphore, #tpu.memory_space<semaphore_mem>>) src(%arg33 : memref<32x128xf32, #tpu.memory_space<vmem>>) dst(%dma_wait3A_313 : memref<5120x128xf32, #tpu.memory_space<vmem_shared>>)
          tpu.yield
        }) : () -> ()
      } else {
      }
      %mul3A_290 = arith.constant 8 : i32
      %mul3A_291 = arith.muli %while3A_233, %mul3A_290 : i32
      %add3A_292 = arith.constant 7 : i32
      %add3A_293 = arith.addi %mul3A_291, %add3A_292 : i32
      %lt3A_294 = arith.cmpi slt, %add3A_293, %select_n3A_151 : i32
      %convert_element_type3A_295 = arith.extui %lt3A_294 : i1 to i32
      %cond3A_296 = arith.constant 0 : i32
      %cond3A_297 = arith.cmpi ne, %convert_element_type3A_295, %cond3A_296 : i32
      scf.if %cond3A_297 {
        %dma_wait3A = arith.constant 0 : i32
        %dma_wait3A_299 = arith.constant 0 : i32
        %dma_wait3A_300 = tpu.memref_slice %arg4[%dma_wait3A, %dma_wait3A_299] : memref<10000x128xf32, #tpu.memory_space<hbm>> -> memref<10000x128xf32, #tpu.memory_space<hbm>>
        tpu.wait_indirect_dma semaphore(%arg48 : memref<!tpu.dma_semaphore, #tpu.memory_space<semaphore_mem>>) src(%dma_wait3A_300 : memref<10000x128xf32, #tpu.memory_space<hbm>>) dst(%arg36 : memref<32x128xf32, #tpu.memory_space<vmem>>)
        %add3A_301 = arith.constant 8 : i32
        %add3A_302 = arith.addi %add3A_293, %add3A_301 : i32
        %sub3A_303 = arith.constant 1 : i32
        %sub3A_304 = arith.subi %add3A_302, %sub3A_303 : i32
        %lt3A_305 = arith.cmpi slt, %sub3A_304, %select_n3A_151 : i32
        %convert_element_type3A_306 = arith.extui %lt3A_305 : i1 to i32
        %cond3A_307 = arith.constant 0 : i32
        %cond3A_308 = arith.cmpi ne, %convert_element_type3A_306, %cond3A_307 : i32
        scf.if %cond3A_308 {
          %add3A_309 = arith.constant 8 : i32
          %add3A_310 = arith.addi %add3A_293, %add3A_309 : i32
          %sub3A_311 = arith.constant 1 : i32
          %sub3A_312 = arith.subi %add3A_310, %sub3A_311 : i32
          %mul3A_313 = arith.constant 32 : i32
          %mul3A_314 = arith.muli %sub3A_312, %mul3A_313 : i32
          %add3A_315 = arith.constant 0 : i32
          %add3A_316 = arith.addi %mul3A_314, %add3A_315 : i32
          %get3A_317 = arith.index_cast %add3A_316 : i32 to index
          %get3A_318 = tpu.vector_load %arg12[%get3A_317] {strides = array<i32>} : memref<20384xi32, #tpu.memory_space<vmem>>, vector<16xi32>,
          %jit3A_319 = arith.constant 8192 : i32
          %div3A_320 = vector.broadcast %jit3A_319 : i32 to vector<16xi32>
          %div3A_321 = arith.divsi %get3A_318, %div3A_320 : vector<16xi32>
          %sign3A_322 = arith.constant 0 : i32
          %sign3A_323 = vector.broadcast %sign3A_322 : i32 to vector<16xi32>
          %sign3A_324 = arith.cmpi sgt, %get3A_318, %sign3A_323 : vector<16xi32>
          %sign3A_325 = arith.extui %sign3A_324 : vector<16xi1> to vector<16xi32>
          %sign3A_326 = arith.constant 0 : i32
          %sign3A_327 = vector.broadcast %sign3A_326 : i32 to vector<16xi32>
          %sign3A_328 = arith.cmpi slt, %get3A_318, %sign3A_327 : vector<16xi32>
          %sign3A_329 = arith.extui %sign3A_328 : vector<16xi1> to vector<16xi32>
          %sign3A_330 = arith.subi %sign3A_325, %sign3A_329 : vector<16xi32>
          %sign3A_331 = arith.constant 0 : i32
          %sign3A_332 = arith.cmpi sgt, %jit3A_319, %sign3A_331 : i32
          %sign3A_333 = arith.extui %sign3A_332 : i1 to i32
          %sign3A_334 = arith.constant 0 : i32
          %sign3A_335 = arith.cmpi slt, %jit3A_319, %sign3A_334 : i32
          %sign3A_336 = arith.extui %sign3A_335 : i1 to i32
          %sign3A_337 = arith.subi %sign3A_333, %sign3A_336 : i32
          %ne3A_338 = vector.broadcast %sign3A_337 : i32 to vector<16xi32>
          %ne3A_339 = arith.cmpi ne, %sign3A_330, %ne3A_338 : vector<16xi32>
          %rem3A_340 = vector.broadcast %jit3A_319 : i32 to vector<16xi32>
          %rem3A_341 = arith.remsi %get3A_318, %rem3A_340 : vector<16xi32>
          %ne3A_342 = arith.constant 0 : i32
          %ne3A_343 = vector.broadcast %ne3A_342 : i32 to vector<16xi32>
          %ne3A_344 = arith.cmpi ne, %rem3A_341, %ne3A_343 : vector<16xi32>
          %and3A_345 = arith.andi %ne3A_339, %ne3A_344 : vector<16xi1>
          %sub3A_346 = arith.constant 1 : i32
          %sub3A_347 = vector.broadcast %sub3A_346 : i32 to vector<16xi32>
          %sub3A_348 = arith.subi %div3A_321, %sub3A_347 : vector<16xi32>
          %select_n3A_349 = arith.select %and3A_345, %sub3A_348, %div3A_321 : vector<16xi1>, vector<16xi32>
          %swap3A = arith.constant 0 : index
          %swap3A_350 = tpu.vector_load %arg31[%swap3A] {strides = array<i32>} : memref<32xi32, #tpu.memory_space<vmem>>, vector<16xi32>,
          tpu.vector_store %arg31[%swap3A], %select_n3A_349 {strides = array<i32>} : memref<32xi32, #tpu.memory_space<vmem>>, vector<16xi32>,
          %jit3A_351 = arith.constant 8192 : i32
          %eq3A = arith.constant 0 : i32
          %eq3A_352 = arith.cmpi eq, %jit3A_351, %eq3A : i32
          %jit3A_353 = arith.constant 1 : i32
          %select_n3A_354 = arith.select %eq3A_352, %jit3A_353, %jit3A_351 : i32
          %rem3A_355 = vector.broadcast %select_n3A_354 : i32 to vector<16xi32>
          %rem3A_356 = arith.remsi %get3A_318, %rem3A_355 : vector<16xi32>
          %ne3A_357 = arith.constant 0 : i32
          %ne3A_358 = vector.broadcast %ne3A_357 : i32 to vector<16xi32>
          %ne3A_359 = arith.cmpi ne, %rem3A_356, %ne3A_358 : vector<16xi32>
          %lt3A_360 = arith.constant 0 : i32
          %lt3A_361 = vector.broadcast %lt3A_360 : i32 to vector<16xi32>
          %lt3A_362 = arith.cmpi slt, %rem3A_356, %lt3A_361 : vector<16xi32>
          %lt3A_363 = arith.constant 0 : i32
          %lt3A_364 = arith.cmpi slt, %select_n3A_354, %lt3A_363 : i32
          %ne3A_365 = vector.broadcast %lt3A_364 : i1 to vector<16xi1>
          %ne3A_366 = vector.broadcast %ne3A_365 : vector<16xi1> to vector<16xi1>
          %ne3A_367 = arith.xori %lt3A_362, %ne3A_366 : vector<16xi1>
          %and3A_368 = arith.andi %ne3A_367, %ne3A_359 : vector<16xi1>
          %add3A_369 = vector.broadcast %select_n3A_354 : i32 to vector<16xi32>
          %add3A_370 = arith.addi %rem3A_356, %add3A_369 : vector<16xi32>
          %select_n3A_371 = arith.select %and3A_368, %add3A_370, %rem3A_356 : vector<16xi1>, vector<16xi32>
          %swap3A_372 = arith.constant 0 : index
          %swap3A_373 = tpu.vector_load %arg32[%swap3A_372] {strides = array<i32>} : memref<32xi32, #tpu.memory_space<vmem>>, vector<16xi32>,
          tpu.vector_store %arg32[%swap3A_372], %select_n3A_371 {strides = array<i32>} : memref<32xi32, #tpu.memory_space<vmem>>, vector<16xi32>,
          %mul3A_374 = arith.constant 32 : i32
          %mul3A_375 = arith.muli %sub3A_312, %mul3A_374 : i32
          %add3A_376 = arith.constant 16 : i32
          %add3A_377 = arith.addi %mul3A_375, %add3A_376 : i32
          %get3A_378 = arith.index_cast %add3A_377 : i32 to index
          %get3A_379 = tpu.vector_load %arg12[%get3A_378] {strides = array<i32>} : memref<20384xi32, #tpu.memory_space<vmem>>, vector<16xi32>,
          %jit3A_380 = arith.constant 8192 : i32
          %div3A_381 = vector.broadcast %jit3A_380 : i32 to vector<16xi32>
          %div3A_382 = arith.divsi %get3A_379, %div3A_381 : vector<16xi32>
          %sign3A_383 = arith.constant 0 : i32
          %sign3A_384 = vector.broadcast %sign3A_383 : i32 to vector<16xi32>
          %sign3A_385 = arith.cmpi sgt, %get3A_379, %sign3A_384 : vector<16xi32>
          %sign3A_386 = arith.extui %sign3A_385 : vector<16xi1> to vector<16xi32>
          %sign3A_387 = arith.constant 0 : i32
          %sign3A_388 = vector.broadcast %sign3A_387 : i32 to vector<16xi32>
          %sign3A_389 = arith.cmpi slt, %get3A_379, %sign3A_388 : vector<16xi32>
          %sign3A_390 = arith.extui %sign3A_389 : vector<16xi1> to vector<16xi32>
          %sign3A_391 = arith.subi %sign3A_386, %sign3A_390 : vector<16xi32>
          %sign3A_392 = arith.constant 0 : i32
          %sign3A_393 = arith.cmpi sgt, %jit3A_380, %sign3A_392 : i32
          %sign3A_394 = arith.extui %sign3A_393 : i1 to i32
          %sign3A_395 = arith.constant 0 : i32
          %sign3A_396 = arith.cmpi slt, %jit3A_380, %sign3A_395 : i32
          %sign3A_397 = arith.extui %sign3A_396 : i1 to i32
          %sign3A_398 = arith.subi %sign3A_394, %sign3A_397 : i32
          %ne3A_399 = vector.broadcast %sign3A_398 : i32 to vector<16xi32>
          %ne3A_400 = arith.cmpi ne, %sign3A_391, %ne3A_399 : vector<16xi32>
          %rem3A_401 = vector.broadcast %jit3A_380 : i32 to vector<16xi32>
          %rem3A_402 = arith.remsi %get3A_379, %rem3A_401 : vector<16xi32>
          %ne3A_403 = arith.constant 0 : i32
          %ne3A_404 = vector.broadcast %ne3A_403 : i32 to vector<16xi32>
          %ne3A_405 = arith.cmpi ne, %rem3A_402, %ne3A_404 : vector<16xi32>
          %and3A_406 = arith.andi %ne3A_400, %ne3A_405 : vector<16xi1>
          %sub3A_407 = arith.constant 1 : i32
          %sub3A_408 = vector.broadcast %sub3A_407 : i32 to vector<16xi32>
          %sub3A_409 = arith.subi %div3A_382, %sub3A_408 : vector<16xi32>
          %select_n3A_410 = arith.select %and3A_406, %sub3A_409, %div3A_382 : vector<16xi1>, vector<16xi32>
          %swap3A_411 = arith.constant 16 : index
          %swap3A_412 = tpu.vector_load %arg31[%swap3A_411] {strides = array<i32>} : memref<32xi32, #tpu.memory_space<vmem>>, vector<16xi32>,
          tpu.vector_store %arg31[%swap3A_411], %select_n3A_410 {strides = array<i32>} : memref<32xi32, #tpu.memory_space<vmem>>, vector<16xi32>,
          %jit3A_413 = arith.constant 8192 : i32
          %eq3A_414 = arith.constant 0 : i32
          %eq3A_415 = arith.cmpi eq, %jit3A_413, %eq3A_414 : i32
          %jit3A_416 = arith.constant 1 : i32
          %select_n3A_417 = arith.select %eq3A_415, %jit3A_416, %jit3A_413 : i32
          %rem3A_418 = vector.broadcast %select_n3A_417 : i32 to vector<16xi32>
          %rem3A_419 = arith.remsi %get3A_379, %rem3A_418 : vector<16xi32>
          %ne3A_420 = arith.constant 0 : i32
          %ne3A_421 = vector.broadcast %ne3A_420 : i32 to vector<16xi32>
          %ne3A_422 = arith.cmpi ne, %rem3A_419, %ne3A_421 : vector<16xi32>
          %lt3A_423 = arith.constant 0 : i32
          %lt3A_424 = vector.broadcast %lt3A_423 : i32 to vector<16xi32>
          %lt3A_425 = arith.cmpi slt, %rem3A_419, %lt3A_424 : vector<16xi32>
          %lt3A_426 = arith.constant 0 : i32
          %lt3A_427 = arith.cmpi slt, %select_n3A_417, %lt3A_426 : i32
          %ne3A_428 = vector.broadcast %lt3A_427 : i1 to vector<16xi1>
          %ne3A_429 = vector.broadcast %ne3A_428 : vector<16xi1> to vector<16xi1>
          %ne3A_430 = arith.xori %lt3A_425, %ne3A_429 : vector<16xi1>
          %and3A_431 = arith.andi %ne3A_430, %ne3A_422 : vector<16xi1>
          %add3A_432 = vector.broadcast %select_n3A_417 : i32 to vector<16xi32>
          %add3A_433 = arith.addi %rem3A_419, %add3A_432 : vector<16xi32>
          %select_n3A_434 = arith.select %and3A_431, %add3A_433, %rem3A_419 : vector<16xi1>, vector<16xi32>
          %swap3A_435 = arith.constant 16 : index
          %swap3A_436 = tpu.vector_load %arg32[%swap3A_435] {strides = array<i32>} : memref<32xi32, #tpu.memory_space<vmem>>, vector<16xi32>,
          tpu.vector_store %arg32[%swap3A_435], %select_n3A_434 {strides = array<i32>} : memref<32xi32, #tpu.memory_space<vmem>>, vector<16xi32>,
          %dma_start3A = arith.constant 0 : i32
          %dma_start3A_437 = arith.constant 0 : i32
          %dma_start3A_438 = tpu.memref_slice %arg4[%dma_start3A, %dma_start3A_437] : memref<10000x128xf32, #tpu.memory_space<hbm>> -> memref<10000x128xf32, #tpu.memory_space<hbm>>
          tpu.enqueue_indirect_dma source(%dma_start3A_438 : memref<10000x128xf32, #tpu.memory_space<hbm>>) target(%arg33 : memref<32x128xf32, #tpu.memory_space<vmem>>) offsets(%arg31 : memref<32xi32, #tpu.memory_space<vmem>>) semaphore(%arg47 : memref<!tpu.dma_semaphore, #tpu.memory_space<semaphore_mem>>)
        } else {
        }
        "tpu.region"() ({
          %run_scoped3A = tpu.sem_alloc : memref<!tpu.dma_semaphore, #tpu.memory_space<semaphore_mem>>
          %dma_start3A = arith.constant 0 : i32
          %dma_start3A_309 = arith.constant 0 : i32
          %dma_start3A_310 = tpu.memref_slice %arg9[%dma_start3A, %dma_start3A_309] : memref<5120x128xf32, #tpu.memory_space<vmem_shared>> -> memref<5120x128xf32, #tpu.memory_space<vmem_shared>>
          tpu.enqueue_indirect_dma source(%arg36 : memref<32x128xf32, #tpu.memory_space<vmem>>) target(%dma_start3A_310 : memref<5120x128xf32, #tpu.memory_space<vmem_shared>>) offsets(%arg35 : memref<32xi32, #tpu.memory_space<vmem>>) semaphore(%run_scoped3A : memref<!tpu.dma_semaphore, #tpu.memory_space<semaphore_mem>>) {add = true}
          %dma_wait3A_311 = arith.constant 0 : i32
          %dma_wait3A_312 = arith.constant 0 : i32
          %dma_wait3A_313 = tpu.memref_slice %arg9[%dma_wait3A_311, %dma_wait3A_312] : memref<5120x128xf32, #tpu.memory_space<vmem_shared>> -> memref<5120x128xf32, #tpu.memory_space<vmem_shared>>
          tpu.wait_indirect_dma semaphore(%run_scoped3A : memref<!tpu.dma_semaphore, #tpu.memory_space<semaphore_mem>>) src(%arg36 : memref<32x128xf32, #tpu.memory_space<vmem>>) dst(%dma_wait3A_313 : memref<5120x128xf32, #tpu.memory_space<vmem_shared>>)
          tpu.yield
        }) : () -> ()
      } else {
      }
      %while3A_298 = arith.constant 0 : i32
      scf.yield %while3A_298 : i32
    }
    %while3A_222 = arith.constant 1 : i32
    %while3A_223 = scf.for %while3A_233 = %while3A_219 to %while3A_215 step %while3A_222 iter_args(%while3A_234 = %while3A_221) -> (i32)  : i32 {
      %mul3A_235 = arith.constant 8 : i32
      %mul3A_236 = arith.muli %while3A_233, %mul3A_235 : i32
      %add3A_237 = arith.constant 0 : i32
      %add3A_238 = arith.addi %mul3A_236, %add3A_237 : i32
      %lt3A = arith.cmpi slt, %add3A_238, %select_n3A_151 : i32
      %convert_element_type3A_239 = arith.extui %lt3A : i1 to i32
      %cond3A_240 = arith.constant 0 : i32
      %cond3A_241 = arith.cmpi ne, %convert_element_type3A_239, %cond3A_240 : i32
      scf.if %cond3A_241 {
        %dma_wait3A = arith.constant 0 : i32
        %dma_wait3A_299 = arith.constant 0 : i32
        %dma_wait3A_300 = tpu.memref_slice %arg4[%dma_wait3A, %dma_wait3A_299] : memref<10000x128xf32, #tpu.memory_space<hbm>> -> memref<10000x128xf32, #tpu.memory_space<hbm>>
        tpu.wait_indirect_dma semaphore(%arg41 : memref<!tpu.dma_semaphore, #tpu.memory_space<semaphore_mem>>) src(%dma_wait3A_300 : memref<10000x128xf32, #tpu.memory_space<hbm>>) dst(%arg15 : memref<32x128xf32, #tpu.memory_space<vmem>>)
        %add3A_301 = arith.constant 8 : i32
        %add3A_302 = arith.addi %add3A_238, %add3A_301 : i32
        %sub3A_303 = arith.constant 1 : i32
        %sub3A_304 = arith.subi %add3A_302, %sub3A_303 : i32
        %lt3A_305 = arith.cmpi slt, %sub3A_304, %select_n3A_151 : i32
        %convert_element_type3A_306 = arith.extui %lt3A_305 : i1 to i32
        %cond3A_307 = arith.constant 0 : i32
        %cond3A_308 = arith.cmpi ne, %convert_element_type3A_306, %cond3A_307 : i32
        scf.if %cond3A_308 {
          %add3A_309 = arith.constant 8 : i32
          %add3A_310 = arith.addi %add3A_238, %add3A_309 : i32
          %sub3A_311 = arith.constant 1 : i32
          %sub3A_312 = arith.subi %add3A_310, %sub3A_311 : i32
          %mul3A_313 = arith.constant 32 : i32
          %mul3A_314 = arith.muli %sub3A_312, %mul3A_313 : i32
          %add3A_315 = arith.constant 0 : i32
          %add3A_316 = arith.addi %mul3A_314, %add3A_315 : i32
          %get3A_317 = arith.index_cast %add3A_316 : i32 to index
          %get3A_318 = tpu.vector_load %arg12[%get3A_317] {strides = array<i32>} : memref<20384xi32, #tpu.memory_space<vmem>>, vector<16xi32>,
          %jit3A_319 = arith.constant 8192 : i32
          %div3A_320 = vector.broadcast %jit3A_319 : i32 to vector<16xi32>
          %div3A_321 = arith.divsi %get3A_318, %div3A_320 : vector<16xi32>
          %sign3A_322 = arith.constant 0 : i32
          %sign3A_323 = vector.broadcast %sign3A_322 : i32 to vector<16xi32>
          %sign3A_324 = arith.cmpi sgt, %get3A_318, %sign3A_323 : vector<16xi32>
          %sign3A_325 = arith.extui %sign3A_324 : vector<16xi1> to vector<16xi32>
          %sign3A_326 = arith.constant 0 : i32
          %sign3A_327 = vector.broadcast %sign3A_326 : i32 to vector<16xi32>
          %sign3A_328 = arith.cmpi slt, %get3A_318, %sign3A_327 : vector<16xi32>
          %sign3A_329 = arith.extui %sign3A_328 : vector<16xi1> to vector<16xi32>
          %sign3A_330 = arith.subi %sign3A_325, %sign3A_329 : vector<16xi32>
          %sign3A_331 = arith.constant 0 : i32
          %sign3A_332 = arith.cmpi sgt, %jit3A_319, %sign3A_331 : i32
          %sign3A_333 = arith.extui %sign3A_332 : i1 to i32
          %sign3A_334 = arith.constant 0 : i32
          %sign3A_335 = arith.cmpi slt, %jit3A_319, %sign3A_334 : i32
          %sign3A_336 = arith.extui %sign3A_335 : i1 to i32
          %sign3A_337 = arith.subi %sign3A_333, %sign3A_336 : i32
          %ne3A_338 = vector.broadcast %sign3A_337 : i32 to vector<16xi32>
          %ne3A_339 = arith.cmpi ne, %sign3A_330, %ne3A_338 : vector<16xi32>
          %rem3A_340 = vector.broadcast %jit3A_319 : i32 to vector<16xi32>
          %rem3A_341 = arith.remsi %get3A_318, %rem3A_340 : vector<16xi32>
          %ne3A_342 = arith.constant 0 : i32
          %ne3A_343 = vector.broadcast %ne3A_342 : i32 to vector<16xi32>
          %ne3A_344 = arith.cmpi ne, %rem3A_341, %ne3A_343 : vector<16xi32>
          %and3A_345 = arith.andi %ne3A_339, %ne3A_344 : vector<16xi1>
          %sub3A_346 = arith.constant 1 : i32
          %sub3A_347 = vector.broadcast %sub3A_346 : i32 to vector<16xi32>
          %sub3A_348 = arith.subi %div3A_321, %sub3A_347 : vector<16xi32>
          %select_n3A_349 = arith.select %and3A_345, %sub3A_348, %div3A_321 : vector<16xi1>, vector<16xi32>
          %swap3A = arith.constant 0 : index
          %swap3A_350 = tpu.vector_load %arg34[%swap3A] {strides = array<i32>} : memref<32xi32, #tpu.memory_space<vmem>>, vector<16xi32>,
          tpu.vector_store %arg34[%swap3A], %select_n3A_349 {strides = array<i32>} : memref<32xi32, #tpu.memory_space<vmem>>, vector<16xi32>,
          %jit3A_351 = arith.constant 8192 : i32
          %eq3A = arith.constant 0 : i32
          %eq3A_352 = arith.cmpi eq, %jit3A_351, %eq3A : i32
          %jit3A_353 = arith.constant 1 : i32
          %select_n3A_354 = arith.select %eq3A_352, %jit3A_353, %jit3A_351 : i32
          %rem3A_355 = vector.broadcast %select_n3A_354 : i32 to vector<16xi32>
          %rem3A_356 = arith.remsi %get3A_318, %rem3A_355 : vector<16xi32>
          %ne3A_357 = arith.constant 0 : i32
          %ne3A_358 = vector.broadcast %ne3A_357 : i32 to vector<16xi32>
          %ne3A_359 = arith.cmpi ne, %rem3A_356, %ne3A_358 : vector<16xi32>
          %lt3A_360 = arith.constant 0 : i32
          %lt3A_361 = vector.broadcast %lt3A_360 : i32 to vector<16xi32>
          %lt3A_362 = arith.cmpi slt, %rem3A_356, %lt3A_361 : vector<16xi32>
          %lt3A_363 = arith.constant 0 : i32
          %lt3A_364 = arith.cmpi slt, %select_n3A_354, %lt3A_363 : i32
          %ne3A_365 = vector.broadcast %lt3A_364 : i1 to vector<16xi1>
          %ne3A_366 = vector.broadcast %ne3A_365 : vector<16xi1> to vector<16xi1>
          %ne3A_367 = arith.xori %lt3A_362, %ne3A_366 : vector<16xi1>
          %and3A_368 = arith.andi %ne3A_367, %ne3A_359 : vector<16xi1>
          %add3A_369 = vector.broadcast %select_n3A_354 : i32 to vector<16xi32>
          %add3A_370 = arith.addi %rem3A_356, %add3A_369 : vector<16xi32>
          %select_n3A_371 = arith.select %and3A_368, %add3A_370, %rem3A_356 : vector<16xi1>, vector<16xi32>
          %swap3A_372 = arith.constant 0 : index
          %swap3A_373 = tpu.vector_load %arg35[%swap3A_372] {strides = array<i32>} : memref<32xi32, #tpu.memory_space<vmem>>, vector<16xi32>,
          tpu.vector_store %arg35[%swap3A_372], %select_n3A_371 {strides = array<i32>} : memref<32xi32, #tpu.memory_space<vmem>>, vector<16xi32>,
          %mul3A_374 = arith.constant 32 : i32
          %mul3A_375 = arith.muli %sub3A_312, %mul3A_374 : i32
          %add3A_376 = arith.constant 16 : i32
          %add3A_377 = arith.addi %mul3A_375, %add3A_376 : i32
          %get3A_378 = arith.index_cast %add3A_377 : i32 to index
          %get3A_379 = tpu.vector_load %arg12[%get3A_378] {strides = array<i32>} : memref<20384xi32, #tpu.memory_space<vmem>>, vector<16xi32>,
          %jit3A_380 = arith.constant 8192 : i32
          %div3A_381 = vector.broadcast %jit3A_380 : i32 to vector<16xi32>
          %div3A_382 = arith.divsi %get3A_379, %div3A_381 : vector<16xi32>
          %sign3A_383 = arith.constant 0 : i32
          %sign3A_384 = vector.broadcast %sign3A_383 : i32 to vector<16xi32>
          %sign3A_385 = arith.cmpi sgt, %get3A_379, %sign3A_384 : vector<16xi32>
          %sign3A_386 = arith.extui %sign3A_385 : vector<16xi1> to vector<16xi32>
          %sign3A_387 = arith.constant 0 : i32
          %sign3A_388 = vector.broadcast %sign3A_387 : i32 to vector<16xi32>
          %sign3A_389 = arith.cmpi slt, %get3A_379, %sign3A_388 : vector<16xi32>
          %sign3A_390 = arith.extui %sign3A_389 : vector<16xi1> to vector<16xi32>
          %sign3A_391 = arith.subi %sign3A_386, %sign3A_390 : vector<16xi32>
          %sign3A_392 = arith.constant 0 : i32
          %sign3A_393 = arith.cmpi sgt, %jit3A_380, %sign3A_392 : i32
          %sign3A_394 = arith.extui %sign3A_393 : i1 to i32
          %sign3A_395 = arith.constant 0 : i32
          %sign3A_396 = arith.cmpi slt, %jit3A_380, %sign3A_395 : i32
          %sign3A_397 = arith.extui %sign3A_396 : i1 to i32
          %sign3A_398 = arith.subi %sign3A_394, %sign3A_397 : i32
          %ne3A_399 = vector.broadcast %sign3A_398 : i32 to vector<16xi32>
          %ne3A_400 = arith.cmpi ne, %sign3A_391, %ne3A_399 : vector<16xi32>
          %rem3A_401 = vector.broadcast %jit3A_380 : i32 to vector<16xi32>
          %rem3A_402 = arith.remsi %get3A_379, %rem3A_401 : vector<16xi32>
          %ne3A_403 = arith.constant 0 : i32
          %ne3A_404 = vector.broadcast %ne3A_403 : i32 to vector<16xi32>
          %ne3A_405 = arith.cmpi ne, %rem3A_402, %ne3A_404 : vector<16xi32>
          %and3A_406 = arith.andi %ne3A_400, %ne3A_405 : vector<16xi1>
          %sub3A_407 = arith.constant 1 : i32
          %sub3A_408 = vector.broadcast %sub3A_407 : i32 to vector<16xi32>
          %sub3A_409 = arith.subi %div3A_382, %sub3A_408 : vector<16xi32>
          %select_n3A_410 = arith.select %and3A_406, %sub3A_409, %div3A_382 : vector<16xi1>, vector<16xi32>
          %swap3A_411 = arith.constant 16 : index
          %swap3A_412 = tpu.vector_load %arg34[%swap3A_411] {strides = array<i32>} : memref<32xi32, #tpu.memory_space<vmem>>, vector<16xi32>,
          tpu.vector_store %arg34[%swap3A_411], %select_n3A_410 {strides = array<i32>} : memref<32xi32, #tpu.memory_space<vmem>>, vector<16xi32>,
          %jit3A_413 = arith.constant 8192 : i32
          %eq3A_414 = arith.constant 0 : i32
          %eq3A_415 = arith.cmpi eq, %jit3A_413, %eq3A_414 : i32
          %jit3A_416 = arith.constant 1 : i32
          %select_n3A_417 = arith.select %eq3A_415, %jit3A_416, %jit3A_413 : i32
          %rem3A_418 = vector.broadcast %select_n3A_417 : i32 to vector<16xi32>
          %rem3A_419 = arith.remsi %get3A_379, %rem3A_418 : vector<16xi32>
          %ne3A_420 = arith.constant 0 : i32
          %ne3A_421 = vector.broadcast %ne3A_420 : i32 to vector<16xi32>
          %ne3A_422 = arith.cmpi ne, %rem3A_419, %ne3A_421 : vector<16xi32>
          %lt3A_423 = arith.constant 0 : i32
          %lt3A_424 = vector.broadcast %lt3A_423 : i32 to vector<16xi32>
          %lt3A_425 = arith.cmpi slt, %rem3A_419, %lt3A_424 : vector<16xi32>
          %lt3A_426 = arith.constant 0 : i32
          %lt3A_427 = arith.cmpi slt, %select_n3A_417, %lt3A_426 : i32
          %ne3A_428 = vector.broadcast %lt3A_427 : i1 to vector<16xi1>
          %ne3A_429 = vector.broadcast %ne3A_428 : vector<16xi1> to vector<16xi1>
          %ne3A_430 = arith.xori %lt3A_425, %ne3A_429 : vector<16xi1>
          %and3A_431 = arith.andi %ne3A_430, %ne3A_422 : vector<16xi1>
          %add3A_432 = vector.broadcast %select_n3A_417 : i32 to vector<16xi32>
          %add3A_433 = arith.addi %rem3A_419, %add3A_432 : vector<16xi32>
          %select_n3A_434 = arith.select %and3A_431, %add3A_433, %rem3A_419 : vector<16xi1>, vector<16xi32>
          %swap3A_435 = arith.constant 16 : index
          %swap3A_436 = tpu.vector_load %arg35[%swap3A_435] {strides = array<i32>} : memref<32xi32, #tpu.memory_space<vmem>>, vector<16xi32>,
          tpu.vector_store %arg35[%swap3A_435], %select_n3A_434 {strides = array<i32>} : memref<32xi32, #tpu.memory_space<vmem>>, vector<16xi32>,
          %dma_start3A = arith.constant 0 : i32
          %dma_start3A_437 = arith.constant 0 : i32
          %dma_start3A_438 = tpu.memref_slice %arg4[%dma_start3A, %dma_start3A_437] : memref<10000x128xf32, #tpu.memory_space<hbm>> -> memref<10000x128xf32, #tpu.memory_space<hbm>>
          tpu.enqueue_indirect_dma source(%dma_start3A_438 : memref<10000x128xf32, #tpu.memory_space<hbm>>) target(%arg36 : memref<32x128xf32, #tpu.memory_space<vmem>>) offsets(%arg34 : memref<32xi32, #tpu.memory_space<vmem>>) semaphore(%arg48 : memref<!tpu.dma_semaphore, #tpu.memory_space<semaphore_mem>>)
        } else {
        }
        "tpu.region"() ({
          %run_scoped3A = tpu.sem_alloc : memref<!tpu.dma_semaphore, #tpu.memory_space<semaphore_mem>>
          %dma_start3A = arith.constant 0 : i32
          %dma_start3A_309 = arith.constant 0 : i32
          %dma_start3A_310 = tpu.memref_slice %arg9[%dma_start3A, %dma_start3A_309] : memref<5120x128xf32, #tpu.memory_space<vmem_shared>> -> memref<5120x128xf32, #tpu.memory_space<vmem_shared>>
          tpu.enqueue_indirect_dma source(%arg15 : memref<32x128xf32, #tpu.memory_space<vmem>>) target(%dma_start3A_310 : memref<5120x128xf32, #tpu.memory_space<vmem_shared>>) offsets(%arg14 : memref<32xi32, #tpu.memory_space<vmem>>) semaphore(%run_scoped3A : memref<!tpu.dma_semaphore, #tpu.memory_space<semaphore_mem>>) {add = true}
          %dma_wait3A_311 = arith.constant 0 : i32
          %dma_wait3A_312 = arith.constant 0 : i32
          %dma_wait3A_313 = tpu.memref_slice %arg9[%dma_wait3A_311, %dma_wait3A_312] : memref<5120x128xf32, #tpu.memory_space<vmem_shared>> -> memref<5120x128xf32, #tpu.memory_space<vmem_shared>>
          tpu.wait_indirect_dma semaphore(%run_scoped3A : memref<!tpu.dma_semaphore, #tpu.memory_space<semaphore_mem>>) src(%arg15 : memref<32x128xf32, #tpu.memory_space<vmem>>) dst(%dma_wait3A_313 : memref<5120x128xf32, #tpu.memory_space<vmem_shared>>)
          tpu.yield
        }) : () -> ()
      } else {
      }
      %mul3A_242 = arith.constant 8 : i32
      %mul3A_243 = arith.muli %while3A_233, %mul3A_242 : i32
      %add3A_244 = arith.constant 1 : i32
      %add3A_245 = arith.addi %mul3A_243, %add3A_244 : i32
      %lt3A_246 = arith.cmpi slt, %add3A_245, %select_n3A_151 : i32
      %convert_element_type3A_247 = arith.extui %lt3A_246 : i1 to i32
      %cond3A_248 = arith.constant 0 : i32
      %cond3A_249 = arith.cmpi ne, %convert_element_type3A_247, %cond3A_248 : i32
      scf.if %cond3A_249 {
        %dma_wait3A = arith.constant 0 : i32
        %dma_wait3A_299 = arith.constant 0 : i32
        %dma_wait3A_300 = tpu.memref_slice %arg4[%dma_wait3A, %dma_wait3A_299] : memref<10000x128xf32, #tpu.memory_space<hbm>> -> memref<10000x128xf32, #tpu.memory_space<hbm>>
        tpu.wait_indirect_dma semaphore(%arg42 : memref<!tpu.dma_semaphore, #tpu.memory_space<semaphore_mem>>) src(%dma_wait3A_300 : memref<10000x128xf32, #tpu.memory_space<hbm>>) dst(%arg18 : memref<32x128xf32, #tpu.memory_space<vmem>>)
        %add3A_301 = arith.constant 8 : i32
        %add3A_302 = arith.addi %add3A_245, %add3A_301 : i32
        %sub3A_303 = arith.constant 1 : i32
        %sub3A_304 = arith.subi %add3A_302, %sub3A_303 : i32
        %lt3A_305 = arith.cmpi slt, %sub3A_304, %select_n3A_151 : i32
        %convert_element_type3A_306 = arith.extui %lt3A_305 : i1 to i32
        %cond3A_307 = arith.constant 0 : i32
        %cond3A_308 = arith.cmpi ne, %convert_element_type3A_306, %cond3A_307 : i32
        scf.if %cond3A_308 {
          %add3A_309 = arith.constant 8 : i32
          %add3A_310 = arith.addi %add3A_245, %add3A_309 : i32
          %sub3A_311 = arith.constant 1 : i32
          %sub3A_312 = arith.subi %add3A_310, %sub3A_311 : i32
          %mul3A_313 = arith.constant 32 : i32
          %mul3A_314 = arith.muli %sub3A_312, %mul3A_313 : i32
          %add3A_315 = arith.constant 0 : i32
          %add3A_316 = arith.addi %mul3A_314, %add3A_315 : i32
          %get3A_317 = arith.index_cast %add3A_316 : i32 to index
          %get3A_318 = tpu.vector_load %arg12[%get3A_317] {strides = array<i32>} : memref<20384xi32, #tpu.memory_space<vmem>>, vector<16xi32>,
          %jit3A_319 = arith.constant 8192 : i32
          %div3A_320 = vector.broadcast %jit3A_319 : i32 to vector<16xi32>
          %div3A_321 = arith.divsi %get3A_318, %div3A_320 : vector<16xi32>
          %sign3A_322 = arith.constant 0 : i32
          %sign3A_323 = vector.broadcast %sign3A_322 : i32 to vector<16xi32>
          %sign3A_324 = arith.cmpi sgt, %get3A_318, %sign3A_323 : vector<16xi32>
          %sign3A_325 = arith.extui %sign3A_324 : vector<16xi1> to vector<16xi32>
          %sign3A_326 = arith.constant 0 : i32
          %sign3A_327 = vector.broadcast %sign3A_326 : i32 to vector<16xi32>
          %sign3A_328 = arith.cmpi slt, %get3A_318, %sign3A_327 : vector<16xi32>
          %sign3A_329 = arith.extui %sign3A_328 : vector<16xi1> to vector<16xi32>
          %sign3A_330 = arith.subi %sign3A_325, %sign3A_329 : vector<16xi32>
          %sign3A_331 = arith.constant 0 : i32
          %sign3A_332 = arith.cmpi sgt, %jit3A_319, %sign3A_331 : i32
          %sign3A_333 = arith.extui %sign3A_332 : i1 to i32
          %sign3A_334 = arith.constant 0 : i32
          %sign3A_335 = arith.cmpi slt, %jit3A_319, %sign3A_334 : i32
          %sign3A_336 = arith.extui %sign3A_335 : i1 to i32
          %sign3A_337 = arith.subi %sign3A_333, %sign3A_336 : i32
          %ne3A_338 = vector.broadcast %sign3A_337 : i32 to vector<16xi32>
          %ne3A_339 = arith.cmpi ne, %sign3A_330, %ne3A_338 : vector<16xi32>
          %rem3A_340 = vector.broadcast %jit3A_319 : i32 to vector<16xi32>
          %rem3A_341 = arith.remsi %get3A_318, %rem3A_340 : vector<16xi32>
          %ne3A_342 = arith.constant 0 : i32
          %ne3A_343 = vector.broadcast %ne3A_342 : i32 to vector<16xi32>
          %ne3A_344 = arith.cmpi ne, %rem3A_341, %ne3A_343 : vector<16xi32>
          %and3A_345 = arith.andi %ne3A_339, %ne3A_344 : vector<16xi1>
          %sub3A_346 = arith.constant 1 : i32
          %sub3A_347 = vector.broadcast %sub3A_346 : i32 to vector<16xi32>
          %sub3A_348 = arith.subi %div3A_321, %sub3A_347 : vector<16xi32>
          %select_n3A_349 = arith.select %and3A_345, %sub3A_348, %div3A_321 : vector<16xi1>, vector<16xi32>
          %swap3A = arith.constant 0 : index
          %swap3A_350 = tpu.vector_load %arg13[%swap3A] {strides = array<i32>} : memref<32xi32, #tpu.memory_space<vmem>>, vector<16xi32>,
          tpu.vector_store %arg13[%swap3A], %select_n3A_349 {strides = array<i32>} : memref<32xi32, #tpu.memory_space<vmem>>, vector<16xi32>,
          %jit3A_351 = arith.constant 8192 : i32
          %eq3A = arith.constant 0 : i32
          %eq3A_352 = arith.cmpi eq, %jit3A_351, %eq3A : i32
          %jit3A_353 = arith.constant 1 : i32
          %select_n3A_354 = arith.select %eq3A_352, %jit3A_353, %jit3A_351 : i32
          %rem3A_355 = vector.broadcast %select_n3A_354 : i32 to vector<16xi32>
          %rem3A_356 = arith.remsi %get3A_318, %rem3A_355 : vector<16xi32>
          %ne3A_357 = arith.constant 0 : i32
          %ne3A_358 = vector.broadcast %ne3A_357 : i32 to vector<16xi32>
          %ne3A_359 = arith.cmpi ne, %rem3A_356, %ne3A_358 : vector<16xi32>
          %lt3A_360 = arith.constant 0 : i32
          %lt3A_361 = vector.broadcast %lt3A_360 : i32 to vector<16xi32>
          %lt3A_362 = arith.cmpi slt, %rem3A_356, %lt3A_361 : vector<16xi32>
          %lt3A_363 = arith.constant 0 : i32
          %lt3A_364 = arith.cmpi slt, %select_n3A_354, %lt3A_363 : i32
          %ne3A_365 = vector.broadcast %lt3A_364 : i1 to vector<16xi1>
          %ne3A_366 = vector.broadcast %ne3A_365 : vector<16xi1> to vector<16xi1>
          %ne3A_367 = arith.xori %lt3A_362, %ne3A_366 : vector<16xi1>
          %and3A_368 = arith.andi %ne3A_367, %ne3A_359 : vector<16xi1>
          %add3A_369 = vector.broadcast %select_n3A_354 : i32 to vector<16xi32>
          %add3A_370 = arith.addi %rem3A_356, %add3A_369 : vector<16xi32>
          %select_n3A_371 = arith.select %and3A_368, %add3A_370, %rem3A_356 : vector<16xi1>, vector<16xi32>
          %swap3A_372 = arith.constant 0 : index
          %swap3A_373 = tpu.vector_load %arg14[%swap3A_372] {strides = array<i32>} : memref<32xi32, #tpu.memory_space<vmem>>, vector<16xi32>,
          tpu.vector_store %arg14[%swap3A_372], %select_n3A_371 {strides = array<i32>} : memref<32xi32, #tpu.memory_space<vmem>>, vector<16xi32>,
          %mul3A_374 = arith.constant 32 : i32
          %mul3A_375 = arith.muli %sub3A_312, %mul3A_374 : i32
          %add3A_376 = arith.constant 16 : i32
          %add3A_377 = arith.addi %mul3A_375, %add3A_376 : i32
          %get3A_378 = arith.index_cast %add3A_377 : i32 to index
          %get3A_379 = tpu.vector_load %arg12[%get3A_378] {strides = array<i32>} : memref<20384xi32, #tpu.memory_space<vmem>>, vector<16xi32>,
          %jit3A_380 = arith.constant 8192 : i32
          %div3A_381 = vector.broadcast %jit3A_380 : i32 to vector<16xi32>
          %div3A_382 = arith.divsi %get3A_379, %div3A_381 : vector<16xi32>
          %sign3A_383 = arith.constant 0 : i32
          %sign3A_384 = vector.broadcast %sign3A_383 : i32 to vector<16xi32>
          %sign3A_385 = arith.cmpi sgt, %get3A_379, %sign3A_384 : vector<16xi32>
          %sign3A_386 = arith.extui %sign3A_385 : vector<16xi1> to vector<16xi32>
          %sign3A_387 = arith.constant 0 : i32
          %sign3A_388 = vector.broadcast %sign3A_387 : i32 to vector<16xi32>
          %sign3A_389 = arith.cmpi slt, %get3A_379, %sign3A_388 : vector<16xi32>
          %sign3A_390 = arith.extui %sign3A_389 : vector<16xi1> to vector<16xi32>
          %sign3A_391 = arith.subi %sign3A_386, %sign3A_390 : vector<16xi32>
          %sign3A_392 = arith.constant 0 : i32
          %sign3A_393 = arith.cmpi sgt, %jit3A_380, %sign3A_392 : i32
          %sign3A_394 = arith.extui %sign3A_393 : i1 to i32
          %sign3A_395 = arith.constant 0 : i32
          %sign3A_396 = arith.cmpi slt, %jit3A_380, %sign3A_395 : i32
          %sign3A_397 = arith.extui %sign3A_396 : i1 to i32
          %sign3A_398 = arith.subi %sign3A_394, %sign3A_397 : i32
          %ne3A_399 = vector.broadcast %sign3A_398 : i32 to vector<16xi32>
          %ne3A_400 = arith.cmpi ne, %sign3A_391, %ne3A_399 : vector<16xi32>
          %rem3A_401 = vector.broadcast %jit3A_380 : i32 to vector<16xi32>
          %rem3A_402 = arith.remsi %get3A_379, %rem3A_401 : vector<16xi32>
          %ne3A_403 = arith.constant 0 : i32
          %ne3A_404 = vector.broadcast %ne3A_403 : i32 to vector<16xi32>
          %ne3A_405 = arith.cmpi ne, %rem3A_402, %ne3A_404 : vector<16xi32>
          %and3A_406 = arith.andi %ne3A_400, %ne3A_405 : vector<16xi1>
          %sub3A_407 = arith.constant 1 : i32
          %sub3A_408 = vector.broadcast %sub3A_407 : i32 to vector<16xi32>
          %sub3A_409 = arith.subi %div3A_382, %sub3A_408 : vector<16xi32>
          %select_n3A_410 = arith.select %and3A_406, %sub3A_409, %div3A_382 : vector<16xi1>, vector<16xi32>
          %swap3A_411 = arith.constant 16 : index
          %swap3A_412 = tpu.vector_load %arg13[%swap3A_411] {strides = array<i32>} : memref<32xi32, #tpu.memory_space<vmem>>, vector<16xi32>,
          tpu.vector_store %arg13[%swap3A_411], %select_n3A_410 {strides = array<i32>} : memref<32xi32, #tpu.memory_space<vmem>>, vector<16xi32>,
          %jit3A_413 = arith.constant 8192 : i32
          %eq3A_414 = arith.constant 0 : i32
          %eq3A_415 = arith.cmpi eq, %jit3A_413, %eq3A_414 : i32
          %jit3A_416 = arith.constant 1 : i32
          %select_n3A_417 = arith.select %eq3A_415, %jit3A_416, %jit3A_413 : i32
          %rem3A_418 = vector.broadcast %select_n3A_417 : i32 to vector<16xi32>
          %rem3A_419 = arith.remsi %get3A_379, %rem3A_418 : vector<16xi32>
          %ne3A_420 = arith.constant 0 : i32
          %ne3A_421 = vector.broadcast %ne3A_420 : i32 to vector<16xi32>
          %ne3A_422 = arith.cmpi ne, %rem3A_419, %ne3A_421 : vector<16xi32>
          %lt3A_423 = arith.constant 0 : i32
          %lt3A_424 = vector.broadcast %lt3A_423 : i32 to vector<16xi32>
          %lt3A_425 = arith.cmpi slt, %rem3A_419, %lt3A_424 : vector<16xi32>
          %lt3A_426 = arith.constant 0 : i32
          %lt3A_427 = arith.cmpi slt, %select_n3A_417, %lt3A_426 : i32
          %ne3A_428 = vector.broadcast %lt3A_427 : i1 to vector<16xi1>
          %ne3A_429 = vector.broadcast %ne3A_428 : vector<16xi1> to vector<16xi1>
          %ne3A_430 = arith.xori %lt3A_425, %ne3A_429 : vector<16xi1>
          %and3A_431 = arith.andi %ne3A_430, %ne3A_422 : vector<16xi1>
          %add3A_432 = vector.broadcast %select_n3A_417 : i32 to vector<16xi32>
          %add3A_433 = arith.addi %rem3A_419, %add3A_432 : vector<16xi32>
          %select_n3A_434 = arith.select %and3A_431, %add3A_433, %rem3A_419 : vector<16xi1>, vector<16xi32>
          %swap3A_435 = arith.constant 16 : index
          %swap3A_436 = tpu.vector_load %arg14[%swap3A_435] {strides = array<i32>} : memref<32xi32, #tpu.memory_space<vmem>>, vector<16xi32>,
          tpu.vector_store %arg14[%swap3A_435], %select_n3A_434 {strides = array<i32>} : memref<32xi32, #tpu.memory_space<vmem>>, vector<16xi32>,
          %dma_start3A = arith.constant 0 : i32
          %dma_start3A_437 = arith.constant 0 : i32
          %dma_start3A_438 = tpu.memref_slice %arg4[%dma_start3A, %dma_start3A_437] : memref<10000x128xf32, #tpu.memory_space<hbm>> -> memref<10000x128xf32, #tpu.memory_space<hbm>>
          tpu.enqueue_indirect_dma source(%dma_start3A_438 : memref<10000x128xf32, #tpu.memory_space<hbm>>) target(%arg15 : memref<32x128xf32, #tpu.memory_space<vmem>>) offsets(%arg13 : memref<32xi32, #tpu.memory_space<vmem>>) semaphore(%arg41 : memref<!tpu.dma_semaphore, #tpu.memory_space<semaphore_mem>>)
        } else {
        }
        "tpu.region"() ({
          %run_scoped3A = tpu.sem_alloc : memref<!tpu.dma_semaphore, #tpu.memory_space<semaphore_mem>>
          %dma_start3A = arith.constant 0 : i32
          %dma_start3A_309 = arith.constant 0 : i32
          %dma_start3A_310 = tpu.memref_slice %arg9[%dma_start3A, %dma_start3A_309] : memref<5120x128xf32, #tpu.memory_space<vmem_shared>> -> memref<5120x128xf32, #tpu.memory_space<vmem_shared>>
          tpu.enqueue_indirect_dma source(%arg18 : memref<32x128xf32, #tpu.memory_space<vmem>>) target(%dma_start3A_310 : memref<5120x128xf32, #tpu.memory_space<vmem_shared>>) offsets(%arg17 : memref<32xi32, #tpu.memory_space<vmem>>) semaphore(%run_scoped3A : memref<!tpu.dma_semaphore, #tpu.memory_space<semaphore_mem>>) {add = true}
          %dma_wait3A_311 = arith.constant 0 : i32
          %dma_wait3A_312 = arith.constant 0 : i32
          %dma_wait3A_313 = tpu.memref_slice %arg9[%dma_wait3A_311, %dma_wait3A_312] : memref<5120x128xf32, #tpu.memory_space<vmem_shared>> -> memref<5120x128xf32, #tpu.memory_space<vmem_shared>>
          tpu.wait_indirect_dma semaphore(%run_scoped3A : memref<!tpu.dma_semaphore, #tpu.memory_space<semaphore_mem>>) src(%arg18 : memref<32x128xf32, #tpu.memory_space<vmem>>) dst(%dma_wait3A_313 : memref<5120x128xf32, #tpu.memory_space<vmem_shared>>)
          tpu.yield
        }) : () -> ()
      } else {
      }
      %mul3A_250 = arith.constant 8 : i32
      %mul3A_251 = arith.muli %while3A_233, %mul3A_250 : i32
      %add3A_252 = arith.constant 2 : i32
      %add3A_253 = arith.addi %mul3A_251, %add3A_252 : i32
      %lt3A_254 = arith.cmpi slt, %add3A_253, %select_n3A_151 : i32
      %convert_element_type3A_255 = arith.extui %lt3A_254 : i1 to i32
      %cond3A_256 = arith.constant 0 : i32
      %cond3A_257 = arith.cmpi ne, %convert_element_type3A_255, %cond3A_256 : i32
      scf.if %cond3A_257 {
        %dma_wait3A = arith.constant 0 : i32
        %dma_wait3A_299 = arith.constant 0 : i32
        %dma_wait3A_300 = tpu.memref_slice %arg4[%dma_wait3A, %dma_wait3A_299] : memref<10000x128xf32, #tpu.memory_space<hbm>> -> memref<10000x128xf32, #tpu.memory_space<hbm>>
        tpu.wait_indirect_dma semaphore(%arg43 : memref<!tpu.dma_semaphore, #tpu.memory_space<semaphore_mem>>) src(%dma_wait3A_300 : memref<10000x128xf32, #tpu.memory_space<hbm>>) dst(%arg21 : memref<32x128xf32, #tpu.memory_space<vmem>>)
        %add3A_301 = arith.constant 8 : i32
        %add3A_302 = arith.addi %add3A_253, %add3A_301 : i32
        %sub3A_303 = arith.constant 1 : i32
        %sub3A_304 = arith.subi %add3A_302, %sub3A_303 : i32
        %lt3A_305 = arith.cmpi slt, %sub3A_304, %select_n3A_151 : i32
        %convert_element_type3A_306 = arith.extui %lt3A_305 : i1 to i32
        %cond3A_307 = arith.constant 0 : i32
        %cond3A_308 = arith.cmpi ne, %convert_element_type3A_306, %cond3A_307 : i32
        scf.if %cond3A_308 {
          %add3A_309 = arith.constant 8 : i32
          %add3A_310 = arith.addi %add3A_253, %add3A_309 : i32
          %sub3A_311 = arith.constant 1 : i32
          %sub3A_312 = arith.subi %add3A_310, %sub3A_311 : i32
          %mul3A_313 = arith.constant 32 : i32
          %mul3A_314 = arith.muli %sub3A_312, %mul3A_313 : i32
          %add3A_315 = arith.constant 0 : i32
          %add3A_316 = arith.addi %mul3A_314, %add3A_315 : i32
          %get3A_317 = arith.index_cast %add3A_316 : i32 to index
          %get3A_318 = tpu.vector_load %arg12[%get3A_317] {strides = array<i32>} : memref<20384xi32, #tpu.memory_space<vmem>>, vector<16xi32>,
          %jit3A_319 = arith.constant 8192 : i32
          %div3A_320 = vector.broadcast %jit3A_319 : i32 to vector<16xi32>
          %div3A_321 = arith.divsi %get3A_318, %div3A_320 : vector<16xi32>
          %sign3A_322 = arith.constant 0 : i32
          %sign3A_323 = vector.broadcast %sign3A_322 : i32 to vector<16xi32>
          %sign3A_324 = arith.cmpi sgt, %get3A_318, %sign3A_323 : vector<16xi32>
          %sign3A_325 = arith.extui %sign3A_324 : vector<16xi1> to vector<16xi32>
          %sign3A_326 = arith.constant 0 : i32
          %sign3A_327 = vector.broadcast %sign3A_326 : i32 to vector<16xi32>
          %sign3A_328 = arith.cmpi slt, %get3A_318, %sign3A_327 : vector<16xi32>
          %sign3A_329 = arith.extui %sign3A_328 : vector<16xi1> to vector<16xi32>
          %sign3A_330 = arith.subi %sign3A_325, %sign3A_329 : vector<16xi32>
          %sign3A_331 = arith.constant 0 : i32
          %sign3A_332 = arith.cmpi sgt, %jit3A_319, %sign3A_331 : i32
          %sign3A_333 = arith.extui %sign3A_332 : i1 to i32
          %sign3A_334 = arith.constant 0 : i32
          %sign3A_335 = arith.cmpi slt, %jit3A_319, %sign3A_334 : i32
          %sign3A_336 = arith.extui %sign3A_335 : i1 to i32
          %sign3A_337 = arith.subi %sign3A_333, %sign3A_336 : i32
          %ne3A_338 = vector.broadcast %sign3A_337 : i32 to vector<16xi32>
          %ne3A_339 = arith.cmpi ne, %sign3A_330, %ne3A_338 : vector<16xi32>
          %rem3A_340 = vector.broadcast %jit3A_319 : i32 to vector<16xi32>
          %rem3A_341 = arith.remsi %get3A_318, %rem3A_340 : vector<16xi32>
          %ne3A_342 = arith.constant 0 : i32
          %ne3A_343 = vector.broadcast %ne3A_342 : i32 to vector<16xi32>
          %ne3A_344 = arith.cmpi ne, %rem3A_341, %ne3A_343 : vector<16xi32>
          %and3A_345 = arith.andi %ne3A_339, %ne3A_344 : vector<16xi1>
          %sub3A_346 = arith.constant 1 : i32
          %sub3A_347 = vector.broadcast %sub3A_346 : i32 to vector<16xi32>
          %sub3A_348 = arith.subi %div3A_321, %sub3A_347 : vector<16xi32>
          %select_n3A_349 = arith.select %and3A_345, %sub3A_348, %div3A_321 : vector<16xi1>, vector<16xi32>
          %swap3A = arith.constant 0 : index
          %swap3A_350 = tpu.vector_load %arg16[%swap3A] {strides = array<i32>} : memref<32xi32, #tpu.memory_space<vmem>>, vector<16xi32>,
          tpu.vector_store %arg16[%swap3A], %select_n3A_349 {strides = array<i32>} : memref<32xi32, #tpu.memory_space<vmem>>, vector<16xi32>,
          %jit3A_351 = arith.constant 8192 : i32
          %eq3A = arith.constant 0 : i32
          %eq3A_352 = arith.cmpi eq, %jit3A_351, %eq3A : i32
          %jit3A_353 = arith.constant 1 : i32
          %select_n3A_354 = arith.select %eq3A_352, %jit3A_353, %jit3A_351 : i32
          %rem3A_355 = vector.broadcast %select_n3A_354 : i32 to vector<16xi32>
          %rem3A_356 = arith.remsi %get3A_318, %rem3A_355 : vector<16xi32>
          %ne3A_357 = arith.constant 0 : i32
          %ne3A_358 = vector.broadcast %ne3A_357 : i32 to vector<16xi32>
          %ne3A_359 = arith.cmpi ne, %rem3A_356, %ne3A_358 : vector<16xi32>
          %lt3A_360 = arith.constant 0 : i32
          %lt3A_361 = vector.broadcast %lt3A_360 : i32 to vector<16xi32>
          %lt3A_362 = arith.cmpi slt, %rem3A_356, %lt3A_361 : vector<16xi32>
          %lt3A_363 = arith.constant 0 : i32
          %lt3A_364 = arith.cmpi slt, %select_n3A_354, %lt3A_363 : i32
          %ne3A_365 = vector.broadcast %lt3A_364 : i1 to vector<16xi1>
          %ne3A_366 = vector.broadcast %ne3A_365 : vector<16xi1> to vector<16xi1>
          %ne3A_367 = arith.xori %lt3A_362, %ne3A_366 : vector<16xi1>
          %and3A_368 = arith.andi %ne3A_367, %ne3A_359 : vector<16xi1>
          %add3A_369 = vector.broadcast %select_n3A_354 : i32 to vector<16xi32>
          %add3A_370 = arith.addi %rem3A_356, %add3A_369 : vector<16xi32>
          %select_n3A_371 = arith.select %and3A_368, %add3A_370, %rem3A_356 : vector<16xi1>, vector<16xi32>
          %swap3A_372 = arith.constant 0 : index
          %swap3A_373 = tpu.vector_load %arg17[%swap3A_372] {strides = array<i32>} : memref<32xi32, #tpu.memory_space<vmem>>, vector<16xi32>,
          tpu.vector_store %arg17[%swap3A_372], %select_n3A_371 {strides = array<i32>} : memref<32xi32, #tpu.memory_space<vmem>>, vector<16xi32>,
          %mul3A_374 = arith.constant 32 : i32
          %mul3A_375 = arith.muli %sub3A_312, %mul3A_374 : i32
          %add3A_376 = arith.constant 16 : i32
          %add3A_377 = arith.addi %mul3A_375, %add3A_376 : i32
          %get3A_378 = arith.index_cast %add3A_377 : i32 to index
          %get3A_379 = tpu.vector_load %arg12[%get3A_378] {strides = array<i32>} : memref<20384xi32, #tpu.memory_space<vmem>>, vector<16xi32>,
          %jit3A_380 = arith.constant 8192 : i32
          %div3A_381 = vector.broadcast %jit3A_380 : i32 to vector<16xi32>
          %div3A_382 = arith.divsi %get3A_379, %div3A_381 : vector<16xi32>
          %sign3A_383 = arith.constant 0 : i32
          %sign3A_384 = vector.broadcast %sign3A_383 : i32 to vector<16xi32>
          %sign3A_385 = arith.cmpi sgt, %get3A_379, %sign3A_384 : vector<16xi32>
          %sign3A_386 = arith.extui %sign3A_385 : vector<16xi1> to vector<16xi32>
          %sign3A_387 = arith.constant 0 : i32
          %sign3A_388 = vector.broadcast %sign3A_387 : i32 to vector<16xi32>
          %sign3A_389 = arith.cmpi slt, %get3A_379, %sign3A_388 : vector<16xi32>
          %sign3A_390 = arith.extui %sign3A_389 : vector<16xi1> to vector<16xi32>
          %sign3A_391 = arith.subi %sign3A_386, %sign3A_390 : vector<16xi32>
          %sign3A_392 = arith.constant 0 : i32
          %sign3A_393 = arith.cmpi sgt, %jit3A_380, %sign3A_392 : i32
          %sign3A_394 = arith.extui %sign3A_393 : i1 to i32
          %sign3A_395 = arith.constant 0 : i32
          %sign3A_396 = arith.cmpi slt, %jit3A_380, %sign3A_395 : i32
          %sign3A_397 = arith.extui %sign3A_396 : i1 to i32
          %sign3A_398 = arith.subi %sign3A_394, %sign3A_397 : i32
          %ne3A_399 = vector.broadcast %sign3A_398 : i32 to vector<16xi32>
          %ne3A_400 = arith.cmpi ne, %sign3A_391, %ne3A_399 : vector<16xi32>
          %rem3A_401 = vector.broadcast %jit3A_380 : i32 to vector<16xi32>
          %rem3A_402 = arith.remsi %get3A_379, %rem3A_401 : vector<16xi32>
          %ne3A_403 = arith.constant 0 : i32
          %ne3A_404 = vector.broadcast %ne3A_403 : i32 to vector<16xi32>
          %ne3A_405 = arith.cmpi ne, %rem3A_402, %ne3A_404 : vector<16xi32>
          %and3A_406 = arith.andi %ne3A_400, %ne3A_405 : vector<16xi1>
          %sub3A_407 = arith.constant 1 : i32
          %sub3A_408 = vector.broadcast %sub3A_407 : i32 to vector<16xi32>
          %sub3A_409 = arith.subi %div3A_382, %sub3A_408 : vector<16xi32>
          %select_n3A_410 = arith.select %and3A_406, %sub3A_409, %div3A_382 : vector<16xi1>, vector<16xi32>
          %swap3A_411 = arith.constant 16 : index
          %swap3A_412 = tpu.vector_load %arg16[%swap3A_411] {strides = array<i32>} : memref<32xi32, #tpu.memory_space<vmem>>, vector<16xi32>,
          tpu.vector_store %arg16[%swap3A_411], %select_n3A_410 {strides = array<i32>} : memref<32xi32, #tpu.memory_space<vmem>>, vector<16xi32>,
          %jit3A_413 = arith.constant 8192 : i32
          %eq3A_414 = arith.constant 0 : i32
          %eq3A_415 = arith.cmpi eq, %jit3A_413, %eq3A_414 : i32
          %jit3A_416 = arith.constant 1 : i32
          %select_n3A_417 = arith.select %eq3A_415, %jit3A_416, %jit3A_413 : i32
          %rem3A_418 = vector.broadcast %select_n3A_417 : i32 to vector<16xi32>
          %rem3A_419 = arith.remsi %get3A_379, %rem3A_418 : vector<16xi32>
          %ne3A_420 = arith.constant 0 : i32
          %ne3A_421 = vector.broadcast %ne3A_420 : i32 to vector<16xi32>
          %ne3A_422 = arith.cmpi ne, %rem3A_419, %ne3A_421 : vector<16xi32>
          %lt3A_423 = arith.constant 0 : i32
          %lt3A_424 = vector.broadcast %lt3A_423 : i32 to vector<16xi32>
          %lt3A_425 = arith.cmpi slt, %rem3A_419, %lt3A_424 : vector<16xi32>
          %lt3A_426 = arith.constant 0 : i32
          %lt3A_427 = arith.cmpi slt, %select_n3A_417, %lt3A_426 : i32
          %ne3A_428 = vector.broadcast %lt3A_427 : i1 to vector<16xi1>
          %ne3A_429 = vector.broadcast %ne3A_428 : vector<16xi1> to vector<16xi1>
          %ne3A_430 = arith.xori %lt3A_425, %ne3A_429 : vector<16xi1>
          %and3A_431 = arith.andi %ne3A_430, %ne3A_422 : vector<16xi1>
          %add3A_432 = vector.broadcast %select_n3A_417 : i32 to vector<16xi32>
          %add3A_433 = arith.addi %rem3A_419, %add3A_432 : vector<16xi32>
          %select_n3A_434 = arith.select %and3A_431, %add3A_433, %rem3A_419 : vector<16xi1>, vector<16xi32>
          %swap3A_435 = arith.constant 16 : index
          %swap3A_436 = tpu.vector_load %arg17[%swap3A_435] {strides = array<i32>} : memref<32xi32, #tpu.memory_space<vmem>>, vector<16xi32>,
          tpu.vector_store %arg17[%swap3A_435], %select_n3A_434 {strides = array<i32>} : memref<32xi32, #tpu.memory_space<vmem>>, vector<16xi32>,
          %dma_start3A = arith.constant 0 : i32
          %dma_start3A_437 = arith.constant 0 : i32
          %dma_start3A_438 = tpu.memref_slice %arg4[%dma_start3A, %dma_start3A_437] : memref<10000x128xf32, #tpu.memory_space<hbm>> -> memref<10000x128xf32, #tpu.memory_space<hbm>>
          tpu.enqueue_indirect_dma source(%dma_start3A_438 : memref<10000x128xf32, #tpu.memory_space<hbm>>) target(%arg18 : memref<32x128xf32, #tpu.memory_space<vmem>>) offsets(%arg16 : memref<32xi32, #tpu.memory_space<vmem>>) semaphore(%arg42 : memref<!tpu.dma_semaphore, #tpu.memory_space<semaphore_mem>>)
        } else {
        }
        "tpu.region"() ({
          %run_scoped3A = tpu.sem_alloc : memref<!tpu.dma_semaphore, #tpu.memory_space<semaphore_mem>>
          %dma_start3A = arith.constant 0 : i32
          %dma_start3A_309 = arith.constant 0 : i32
          %dma_start3A_310 = tpu.memref_slice %arg9[%dma_start3A, %dma_start3A_309] : memref<5120x128xf32, #tpu.memory_space<vmem_shared>> -> memref<5120x128xf32, #tpu.memory_space<vmem_shared>>
          tpu.enqueue_indirect_dma source(%arg21 : memref<32x128xf32, #tpu.memory_space<vmem>>) target(%dma_start3A_310 : memref<5120x128xf32, #tpu.memory_space<vmem_shared>>) offsets(%arg20 : memref<32xi32, #tpu.memory_space<vmem>>) semaphore(%run_scoped3A : memref<!tpu.dma_semaphore, #tpu.memory_space<semaphore_mem>>) {add = true}
          %dma_wait3A_311 = arith.constant 0 : i32
          %dma_wait3A_312 = arith.constant 0 : i32
          %dma_wait3A_313 = tpu.memref_slice %arg9[%dma_wait3A_311, %dma_wait3A_312] : memref<5120x128xf32, #tpu.memory_space<vmem_shared>> -> memref<5120x128xf32, #tpu.memory_space<vmem_shared>>
          tpu.wait_indirect_dma semaphore(%run_scoped3A : memref<!tpu.dma_semaphore, #tpu.memory_space<semaphore_mem>>) src(%arg21 : memref<32x128xf32, #tpu.memory_space<vmem>>) dst(%dma_wait3A_313 : memref<5120x128xf32, #tpu.memory_space<vmem_shared>>)
          tpu.yield
        }) : () -> ()
      } else {
      }
      %mul3A_258 = arith.constant 8 : i32
      %mul3A_259 = arith.muli %while3A_233, %mul3A_258 : i32
      %add3A_260 = arith.constant 3 : i32
      %add3A_261 = arith.addi %mul3A_259, %add3A_260 : i32
      %lt3A_262 = arith.cmpi slt, %add3A_261, %select_n3A_151 : i32
      %convert_element_type3A_263 = arith.extui %lt3A_262 : i1 to i32
      %cond3A_264 = arith.constant 0 : i32
      %cond3A_265 = arith.cmpi ne, %convert_element_type3A_263, %cond3A_264 : i32
      scf.if %cond3A_265 {
        %dma_wait3A = arith.constant 0 : i32
        %dma_wait3A_299 = arith.constant 0 : i32
        %dma_wait3A_300 = tpu.memref_slice %arg4[%dma_wait3A, %dma_wait3A_299] : memref<10000x128xf32, #tpu.memory_space<hbm>> -> memref<10000x128xf32, #tpu.memory_space<hbm>>
        tpu.wait_indirect_dma semaphore(%arg44 : memref<!tpu.dma_semaphore, #tpu.memory_space<semaphore_mem>>) src(%dma_wait3A_300 : memref<10000x128xf32, #tpu.memory_space<hbm>>) dst(%arg24 : memref<32x128xf32, #tpu.memory_space<vmem>>)
        %add3A_301 = arith.constant 8 : i32
        %add3A_302 = arith.addi %add3A_261, %add3A_301 : i32
        %sub3A_303 = arith.constant 1 : i32
        %sub3A_304 = arith.subi %add3A_302, %sub3A_303 : i32
        %lt3A_305 = arith.cmpi slt, %sub3A_304, %select_n3A_151 : i32
        %convert_element_type3A_306 = arith.extui %lt3A_305 : i1 to i32
        %cond3A_307 = arith.constant 0 : i32
        %cond3A_308 = arith.cmpi ne, %convert_element_type3A_306, %cond3A_307 : i32
        scf.if %cond3A_308 {
          %add3A_309 = arith.constant 8 : i32
          %add3A_310 = arith.addi %add3A_261, %add3A_309 : i32
          %sub3A_311 = arith.constant 1 : i32
          %sub3A_312 = arith.subi %add3A_310, %sub3A_311 : i32
          %mul3A_313 = arith.constant 32 : i32
          %mul3A_314 = arith.muli %sub3A_312, %mul3A_313 : i32
          %add3A_315 = arith.constant 0 : i32
          %add3A_316 = arith.addi %mul3A_314, %add3A_315 : i32
          %get3A_317 = arith.index_cast %add3A_316 : i32 to index
          %get3A_318 = tpu.vector_load %arg12[%get3A_317] {strides = array<i32>} : memref<20384xi32, #tpu.memory_space<vmem>>, vector<16xi32>,
          %jit3A_319 = arith.constant 8192 : i32
          %div3A_320 = vector.broadcast %jit3A_319 : i32 to vector<16xi32>
          %div3A_321 = arith.divsi %get3A_318, %div3A_320 : vector<16xi32>
          %sign3A_322 = arith.constant 0 : i32
          %sign3A_323 = vector.broadcast %sign3A_322 : i32 to vector<16xi32>
          %sign3A_324 = arith.cmpi sgt, %get3A_318, %sign3A_323 : vector<16xi32>
          %sign3A_325 = arith.extui %sign3A_324 : vector<16xi1> to vector<16xi32>
          %sign3A_326 = arith.constant 0 : i32
          %sign3A_327 = vector.broadcast %sign3A_326 : i32 to vector<16xi32>
          %sign3A_328 = arith.cmpi slt, %get3A_318, %sign3A_327 : vector<16xi32>
          %sign3A_329 = arith.extui %sign3A_328 : vector<16xi1> to vector<16xi32>
          %sign3A_330 = arith.subi %sign3A_325, %sign3A_329 : vector<16xi32>
          %sign3A_331 = arith.constant 0 : i32
          %sign3A_332 = arith.cmpi sgt, %jit3A_319, %sign3A_331 : i32
          %sign3A_333 = arith.extui %sign3A_332 : i1 to i32
          %sign3A_334 = arith.constant 0 : i32
          %sign3A_335 = arith.cmpi slt, %jit3A_319, %sign3A_334 : i32
          %sign3A_336 = arith.extui %sign3A_335 : i1 to i32
          %sign3A_337 = arith.subi %sign3A_333, %sign3A_336 : i32
          %ne3A_338 = vector.broadcast %sign3A_337 : i32 to vector<16xi32>
          %ne3A_339 = arith.cmpi ne, %sign3A_330, %ne3A_338 : vector<16xi32>
          %rem3A_340 = vector.broadcast %jit3A_319 : i32 to vector<16xi32>
          %rem3A_341 = arith.remsi %get3A_318, %rem3A_340 : vector<16xi32>
          %ne3A_342 = arith.constant 0 : i32
          %ne3A_343 = vector.broadcast %ne3A_342 : i32 to vector<16xi32>
          %ne3A_344 = arith.cmpi ne, %rem3A_341, %ne3A_343 : vector<16xi32>
          %and3A_345 = arith.andi %ne3A_339, %ne3A_344 : vector<16xi1>
          %sub3A_346 = arith.constant 1 : i32
          %sub3A_347 = vector.broadcast %sub3A_346 : i32 to vector<16xi32>
          %sub3A_348 = arith.subi %div3A_321, %sub3A_347 : vector<16xi32>
          %select_n3A_349 = arith.select %and3A_345, %sub3A_348, %div3A_321 : vector<16xi1>, vector<16xi32>
          %swap3A = arith.constant 0 : index
          %swap3A_350 = tpu.vector_load %arg19[%swap3A] {strides = array<i32>} : memref<32xi32, #tpu.memory_space<vmem>>, vector<16xi32>,
          tpu.vector_store %arg19[%swap3A], %select_n3A_349 {strides = array<i32>} : memref<32xi32, #tpu.memory_space<vmem>>, vector<16xi32>,
          %jit3A_351 = arith.constant 8192 : i32
          %eq3A = arith.constant 0 : i32
          %eq3A_352 = arith.cmpi eq, %jit3A_351, %eq3A : i32
          %jit3A_353 = arith.constant 1 : i32
          %select_n3A_354 = arith.select %eq3A_352, %jit3A_353, %jit3A_351 : i32
          %rem3A_355 = vector.broadcast %select_n3A_354 : i32 to vector<16xi32>
          %rem3A_356 = arith.remsi %get3A_318, %rem3A_355 : vector<16xi32>
          %ne3A_357 = arith.constant 0 : i32
          %ne3A_358 = vector.broadcast %ne3A_357 : i32 to vector<16xi32>
          %ne3A_359 = arith.cmpi ne, %rem3A_356, %ne3A_358 : vector<16xi32>
          %lt3A_360 = arith.constant 0 : i32
          %lt3A_361 = vector.broadcast %lt3A_360 : i32 to vector<16xi32>
          %lt3A_362 = arith.cmpi slt, %rem3A_356, %lt3A_361 : vector<16xi32>
          %lt3A_363 = arith.constant 0 : i32
          %lt3A_364 = arith.cmpi slt, %select_n3A_354, %lt3A_363 : i32
          %ne3A_365 = vector.broadcast %lt3A_364 : i1 to vector<16xi1>
          %ne3A_366 = vector.broadcast %ne3A_365 : vector<16xi1> to vector<16xi1>
          %ne3A_367 = arith.xori %lt3A_362, %ne3A_366 : vector<16xi1>
          %and3A_368 = arith.andi %ne3A_367, %ne3A_359 : vector<16xi1>
          %add3A_369 = vector.broadcast %select_n3A_354 : i32 to vector<16xi32>
          %add3A_370 = arith.addi %rem3A_356, %add3A_369 : vector<16xi32>
          %select_n3A_371 = arith.select %and3A_368, %add3A_370, %rem3A_356 : vector<16xi1>, vector<16xi32>
          %swap3A_372 = arith.constant 0 : index
          %swap3A_373 = tpu.vector_load %arg20[%swap3A_372] {strides = array<i32>} : memref<32xi32, #tpu.memory_space<vmem>>, vector<16xi32>,
          tpu.vector_store %arg20[%swap3A_372], %select_n3A_371 {strides = array<i32>} : memref<32xi32, #tpu.memory_space<vmem>>, vector<16xi32>,
          %mul3A_374 = arith.constant 32 : i32
          %mul3A_375 = arith.muli %sub3A_312, %mul3A_374 : i32
          %add3A_376 = arith.constant 16 : i32
          %add3A_377 = arith.addi %mul3A_375, %add3A_376 : i32
          %get3A_378 = arith.index_cast %add3A_377 : i32 to index
          %get3A_379 = tpu.vector_load %arg12[%get3A_378] {strides = array<i32>} : memref<20384xi32, #tpu.memory_space<vmem>>, vector<16xi32>,
          %jit3A_380 = arith.constant 8192 : i32
          %div3A_381 = vector.broadcast %jit3A_380 : i32 to vector<16xi32>
          %div3A_382 = arith.divsi %get3A_379, %div3A_381 : vector<16xi32>
          %sign3A_383 = arith.constant 0 : i32
          %sign3A_384 = vector.broadcast %sign3A_383 : i32 to vector<16xi32>
          %sign3A_385 = arith.cmpi sgt, %get3A_379, %sign3A_384 : vector<16xi32>
          %sign3A_386 = arith.extui %sign3A_385 : vector<16xi1> to vector<16xi32>
          %sign3A_387 = arith.constant 0 : i32
          %sign3A_388 = vector.broadcast %sign3A_387 : i32 to vector<16xi32>
          %sign3A_389 = arith.cmpi slt, %get3A_379, %sign3A_388 : vector<16xi32>
          %sign3A_390 = arith.extui %sign3A_389 : vector<16xi1> to vector<16xi32>
          %sign3A_391 = arith.subi %sign3A_386, %sign3A_390 : vector<16xi32>
          %sign3A_392 = arith.constant 0 : i32
          %sign3A_393 = arith.cmpi sgt, %jit3A_380, %sign3A_392 : i32
          %sign3A_394 = arith.extui %sign3A_393 : i1 to i32
          %sign3A_395 = arith.constant 0 : i32
          %sign3A_396 = arith.cmpi slt, %jit3A_380, %sign3A_395 : i32
          %sign3A_397 = arith.extui %sign3A_396 : i1 to i32
          %sign3A_398 = arith.subi %sign3A_394, %sign3A_397 : i32
          %ne3A_399 = vector.broadcast %sign3A_398 : i32 to vector<16xi32>
          %ne3A_400 = arith.cmpi ne, %sign3A_391, %ne3A_399 : vector<16xi32>
          %rem3A_401 = vector.broadcast %jit3A_380 : i32 to vector<16xi32>
          %rem3A_402 = arith.remsi %get3A_379, %rem3A_401 : vector<16xi32>
          %ne3A_403 = arith.constant 0 : i32
          %ne3A_404 = vector.broadcast %ne3A_403 : i32 to vector<16xi32>
          %ne3A_405 = arith.cmpi ne, %rem3A_402, %ne3A_404 : vector<16xi32>
          %and3A_406 = arith.andi %ne3A_400, %ne3A_405 : vector<16xi1>
          %sub3A_407 = arith.constant 1 : i32
          %sub3A_408 = vector.broadcast %sub3A_407 : i32 to vector<16xi32>
          %sub3A_409 = arith.subi %div3A_382, %sub3A_408 : vector<16xi32>
          %select_n3A_410 = arith.select %and3A_406, %sub3A_409, %div3A_382 : vector<16xi1>, vector<16xi32>
          %swap3A_411 = arith.constant 16 : index
          %swap3A_412 = tpu.vector_load %arg19[%swap3A_411] {strides = array<i32>} : memref<32xi32, #tpu.memory_space<vmem>>, vector<16xi32>,
          tpu.vector_store %arg19[%swap3A_411], %select_n3A_410 {strides = array<i32>} : memref<32xi32, #tpu.memory_space<vmem>>, vector<16xi32>,
          %jit3A_413 = arith.constant 8192 : i32
          %eq3A_414 = arith.constant 0 : i32
          %eq3A_415 = arith.cmpi eq, %jit3A_413, %eq3A_414 : i32
          %jit3A_416 = arith.constant 1 : i32
          %select_n3A_417 = arith.select %eq3A_415, %jit3A_416, %jit3A_413 : i32
          %rem3A_418 = vector.broadcast %select_n3A_417 : i32 to vector<16xi32>
          %rem3A_419 = arith.remsi %get3A_379, %rem3A_418 : vector<16xi32>
          %ne3A_420 = arith.constant 0 : i32
          %ne3A_421 = vector.broadcast %ne3A_420 : i32 to vector<16xi32>
          %ne3A_422 = arith.cmpi ne, %rem3A_419, %ne3A_421 : vector<16xi32>
          %lt3A_423 = arith.constant 0 : i32
          %lt3A_424 = vector.broadcast %lt3A_423 : i32 to vector<16xi32>
          %lt3A_425 = arith.cmpi slt, %rem3A_419, %lt3A_424 : vector<16xi32>
          %lt3A_426 = arith.constant 0 : i32
          %lt3A_427 = arith.cmpi slt, %select_n3A_417, %lt3A_426 : i32
          %ne3A_428 = vector.broadcast %lt3A_427 : i1 to vector<16xi1>
          %ne3A_429 = vector.broadcast %ne3A_428 : vector<16xi1> to vector<16xi1>
          %ne3A_430 = arith.xori %lt3A_425, %ne3A_429 : vector<16xi1>
          %and3A_431 = arith.andi %ne3A_430, %ne3A_422 : vector<16xi1>
          %add3A_432 = vector.broadcast %select_n3A_417 : i32 to vector<16xi32>
          %add3A_433 = arith.addi %rem3A_419, %add3A_432 : vector<16xi32>
          %select_n3A_434 = arith.select %and3A_431, %add3A_433, %rem3A_419 : vector<16xi1>, vector<16xi32>
          %swap3A_435 = arith.constant 16 : index
          %swap3A_436 = tpu.vector_load %arg20[%swap3A_435] {strides = array<i32>} : memref<32xi32, #tpu.memory_space<vmem>>, vector<16xi32>,
          tpu.vector_store %arg20[%swap3A_435], %select_n3A_434 {strides = array<i32>} : memref<32xi32, #tpu.memory_space<vmem>>, vector<16xi32>,
          %dma_start3A = arith.constant 0 : i32
          %dma_start3A_437 = arith.constant 0 : i32
          %dma_start3A_438 = tpu.memref_slice %arg4[%dma_start3A, %dma_start3A_437] : memref<10000x128xf32, #tpu.memory_space<hbm>> -> memref<10000x128xf32, #tpu.memory_space<hbm>>
          tpu.enqueue_indirect_dma source(%dma_start3A_438 : memref<10000x128xf32, #tpu.memory_space<hbm>>) target(%arg21 : memref<32x128xf32, #tpu.memory_space<vmem>>) offsets(%arg19 : memref<32xi32, #tpu.memory_space<vmem>>) semaphore(%arg43 : memref<!tpu.dma_semaphore, #tpu.memory_space<semaphore_mem>>)
        } else {
        }
        "tpu.region"() ({
          %run_scoped3A = tpu.sem_alloc : memref<!tpu.dma_semaphore, #tpu.memory_space<semaphore_mem>>
          %dma_start3A = arith.constant 0 : i32
          %dma_start3A_309 = arith.constant 0 : i32
          %dma_start3A_310 = tpu.memref_slice %arg9[%dma_start3A, %dma_start3A_309] : memref<5120x128xf32, #tpu.memory_space<vmem_shared>> -> memref<5120x128xf32, #tpu.memory_space<vmem_shared>>
          tpu.enqueue_indirect_dma source(%arg24 : memref<32x128xf32, #tpu.memory_space<vmem>>) target(%dma_start3A_310 : memref<5120x128xf32, #tpu.memory_space<vmem_shared>>) offsets(%arg23 : memref<32xi32, #tpu.memory_space<vmem>>) semaphore(%run_scoped3A : memref<!tpu.dma_semaphore, #tpu.memory_space<semaphore_mem>>) {add = true}
          %dma_wait3A_311 = arith.constant 0 : i32
          %dma_wait3A_312 = arith.constant 0 : i32
          %dma_wait3A_313 = tpu.memref_slice %arg9[%dma_wait3A_311, %dma_wait3A_312] : memref<5120x128xf32, #tpu.memory_space<vmem_shared>> -> memref<5120x128xf32, #tpu.memory_space<vmem_shared>>
          tpu.wait_indirect_dma semaphore(%run_scoped3A : memref<!tpu.dma_semaphore, #tpu.memory_space<semaphore_mem>>) src(%arg24 : memref<32x128xf32, #tpu.memory_space<vmem>>) dst(%dma_wait3A_313 : memref<5120x128xf32, #tpu.memory_space<vmem_shared>>)
          tpu.yield
        }) : () -> ()
      } else {
      }
      %mul3A_266 = arith.constant 8 : i32
      %mul3A_267 = arith.muli %while3A_233, %mul3A_266 : i32
      %add3A_268 = arith.constant 4 : i32
      %add3A_269 = arith.addi %mul3A_267, %add3A_268 : i32
      %lt3A_270 = arith.cmpi slt, %add3A_269, %select_n3A_151 : i32
      %convert_element_type3A_271 = arith.extui %lt3A_270 : i1 to i32
      %cond3A_272 = arith.constant 0 : i32
      %cond3A_273 = arith.cmpi ne, %convert_element_type3A_271, %cond3A_272 : i32
      scf.if %cond3A_273 {
        %dma_wait3A = arith.constant 0 : i32
        %dma_wait3A_299 = arith.constant 0 : i32
        %dma_wait3A_300 = tpu.memref_slice %arg4[%dma_wait3A, %dma_wait3A_299] : memref<10000x128xf32, #tpu.memory_space<hbm>> -> memref<10000x128xf32, #tpu.memory_space<hbm>>
        tpu.wait_indirect_dma semaphore(%arg45 : memref<!tpu.dma_semaphore, #tpu.memory_space<semaphore_mem>>) src(%dma_wait3A_300 : memref<10000x128xf32, #tpu.memory_space<hbm>>) dst(%arg27 : memref<32x128xf32, #tpu.memory_space<vmem>>)
        %add3A_301 = arith.constant 8 : i32
        %add3A_302 = arith.addi %add3A_269, %add3A_301 : i32
        %sub3A_303 = arith.constant 1 : i32
        %sub3A_304 = arith.subi %add3A_302, %sub3A_303 : i32
        %lt3A_305 = arith.cmpi slt, %sub3A_304, %select_n3A_151 : i32
        %convert_element_type3A_306 = arith.extui %lt3A_305 : i1 to i32
        %cond3A_307 = arith.constant 0 : i32
        %cond3A_308 = arith.cmpi ne, %convert_element_type3A_306, %cond3A_307 : i32
        scf.if %cond3A_308 {
          %add3A_309 = arith.constant 8 : i32
          %add3A_310 = arith.addi %add3A_269, %add3A_309 : i32
          %sub3A_311 = arith.constant 1 : i32
          %sub3A_312 = arith.subi %add3A_310, %sub3A_311 : i32
          %mul3A_313 = arith.constant 32 : i32
          %mul3A_314 = arith.muli %sub3A_312, %mul3A_313 : i32
          %add3A_315 = arith.constant 0 : i32
          %add3A_316 = arith.addi %mul3A_314, %add3A_315 : i32
          %get3A_317 = arith.index_cast %add3A_316 : i32 to index
          %get3A_318 = tpu.vector_load %arg12[%get3A_317] {strides = array<i32>} : memref<20384xi32, #tpu.memory_space<vmem>>, vector<16xi32>,
          %jit3A_319 = arith.constant 8192 : i32
          %div3A_320 = vector.broadcast %jit3A_319 : i32 to vector<16xi32>
          %div3A_321 = arith.divsi %get3A_318, %div3A_320 : vector<16xi32>
          %sign3A_322 = arith.constant 0 : i32
          %sign3A_323 = vector.broadcast %sign3A_322 : i32 to vector<16xi32>
          %sign3A_324 = arith.cmpi sgt, %get3A_318, %sign3A_323 : vector<16xi32>
          %sign3A_325 = arith.extui %sign3A_324 : vector<16xi1> to vector<16xi32>
          %sign3A_326 = arith.constant 0 : i32
          %sign3A_327 = vector.broadcast %sign3A_326 : i32 to vector<16xi32>
          %sign3A_328 = arith.cmpi slt, %get3A_318, %sign3A_327 : vector<16xi32>
          %sign3A_329 = arith.extui %sign3A_328 : vector<16xi1> to vector<16xi32>
          %sign3A_330 = arith.subi %sign3A_325, %sign3A_329 : vector<16xi32>
          %sign3A_331 = arith.constant 0 : i32
          %sign3A_332 = arith.cmpi sgt, %jit3A_319, %sign3A_331 : i32
          %sign3A_333 = arith.extui %sign3A_332 : i1 to i32
          %sign3A_334 = arith.constant 0 : i32
          %sign3A_335 = arith.cmpi slt, %jit3A_319, %sign3A_334 : i32
          %sign3A_336 = arith.extui %sign3A_335 : i1 to i32
          %sign3A_337 = arith.subi %sign3A_333, %sign3A_336 : i32
          %ne3A_338 = vector.broadcast %sign3A_337 : i32 to vector<16xi32>
          %ne3A_339 = arith.cmpi ne, %sign3A_330, %ne3A_338 : vector<16xi32>
          %rem3A_340 = vector.broadcast %jit3A_319 : i32 to vector<16xi32>
          %rem3A_341 = arith.remsi %get3A_318, %rem3A_340 : vector<16xi32>
          %ne3A_342 = arith.constant 0 : i32
          %ne3A_343 = vector.broadcast %ne3A_342 : i32 to vector<16xi32>
          %ne3A_344 = arith.cmpi ne, %rem3A_341, %ne3A_343 : vector<16xi32>
          %and3A_345 = arith.andi %ne3A_339, %ne3A_344 : vector<16xi1>
          %sub3A_346 = arith.constant 1 : i32
          %sub3A_347 = vector.broadcast %sub3A_346 : i32 to vector<16xi32>
          %sub3A_348 = arith.subi %div3A_321, %sub3A_347 : vector<16xi32>
          %select_n3A_349 = arith.select %and3A_345, %sub3A_348, %div3A_321 : vector<16xi1>, vector<16xi32>
          %swap3A = arith.constant 0 : index
          %swap3A_350 = tpu.vector_load %arg22[%swap3A] {strides = array<i32>} : memref<32xi32, #tpu.memory_space<vmem>>, vector<16xi32>,
          tpu.vector_store %arg22[%swap3A], %select_n3A_349 {strides = array<i32>} : memref<32xi32, #tpu.memory_space<vmem>>, vector<16xi32>,
          %jit3A_351 = arith.constant 8192 : i32
          %eq3A = arith.constant 0 : i32
          %eq3A_352 = arith.cmpi eq, %jit3A_351, %eq3A : i32
          %jit3A_353 = arith.constant 1 : i32
          %select_n3A_354 = arith.select %eq3A_352, %jit3A_353, %jit3A_351 : i32
          %rem3A_355 = vector.broadcast %select_n3A_354 : i32 to vector<16xi32>
          %rem3A_356 = arith.remsi %get3A_318, %rem3A_355 : vector<16xi32>
          %ne3A_357 = arith.constant 0 : i32
          %ne3A_358 = vector.broadcast %ne3A_357 : i32 to vector<16xi32>
          %ne3A_359 = arith.cmpi ne, %rem3A_356, %ne3A_358 : vector<16xi32>
          %lt3A_360 = arith.constant 0 : i32
          %lt3A_361 = vector.broadcast %lt3A_360 : i32 to vector<16xi32>
          %lt3A_362 = arith.cmpi slt, %rem3A_356, %lt3A_361 : vector<16xi32>
          %lt3A_363 = arith.constant 0 : i32
          %lt3A_364 = arith.cmpi slt, %select_n3A_354, %lt3A_363 : i32
          %ne3A_365 = vector.broadcast %lt3A_364 : i1 to vector<16xi1>
          %ne3A_366 = vector.broadcast %ne3A_365 : vector<16xi1> to vector<16xi1>
          %ne3A_367 = arith.xori %lt3A_362, %ne3A_366 : vector<16xi1>
          %and3A_368 = arith.andi %ne3A_367, %ne3A_359 : vector<16xi1>
          %add3A_369 = vector.broadcast %select_n3A_354 : i32 to vector<16xi32>
          %add3A_370 = arith.addi %rem3A_356, %add3A_369 : vector<16xi32>
          %select_n3A_371 = arith.select %and3A_368, %add3A_370, %rem3A_356 : vector<16xi1>, vector<16xi32>
          %swap3A_372 = arith.constant 0 : index
          %swap3A_373 = tpu.vector_load %arg23[%swap3A_372] {strides = array<i32>} : memref<32xi32, #tpu.memory_space<vmem>>, vector<16xi32>,
          tpu.vector_store %arg23[%swap3A_372], %select_n3A_371 {strides = array<i32>} : memref<32xi32, #tpu.memory_space<vmem>>, vector<16xi32>,
          %mul3A_374 = arith.constant 32 : i32
          %mul3A_375 = arith.muli %sub3A_312, %mul3A_374 : i32
          %add3A_376 = arith.constant 16 : i32
          %add3A_377 = arith.addi %mul3A_375, %add3A_376 : i32
          %get3A_378 = arith.index_cast %add3A_377 : i32 to index
          %get3A_379 = tpu.vector_load %arg12[%get3A_378] {strides = array<i32>} : memref<20384xi32, #tpu.memory_space<vmem>>, vector<16xi32>,
          %jit3A_380 = arith.constant 8192 : i32
          %div3A_381 = vector.broadcast %jit3A_380 : i32 to vector<16xi32>
          %div3A_382 = arith.divsi %get3A_379, %div3A_381 : vector<16xi32>
          %sign3A_383 = arith.constant 0 : i32
          %sign3A_384 = vector.broadcast %sign3A_383 : i32 to vector<16xi32>
          %sign3A_385 = arith.cmpi sgt, %get3A_379, %sign3A_384 : vector<16xi32>
          %sign3A_386 = arith.extui %sign3A_385 : vector<16xi1> to vector<16xi32>
          %sign3A_387 = arith.constant 0 : i32
          %sign3A_388 = vector.broadcast %sign3A_387 : i32 to vector<16xi32>
          %sign3A_389 = arith.cmpi slt, %get3A_379, %sign3A_388 : vector<16xi32>
          %sign3A_390 = arith.extui %sign3A_389 : vector<16xi1> to vector<16xi32>
          %sign3A_391 = arith.subi %sign3A_386, %sign3A_390 : vector<16xi32>
          %sign3A_392 = arith.constant 0 : i32
          %sign3A_393 = arith.cmpi sgt, %jit3A_380, %sign3A_392 : i32
          %sign3A_394 = arith.extui %sign3A_393 : i1 to i32
          %sign3A_395 = arith.constant 0 : i32
          %sign3A_396 = arith.cmpi slt, %jit3A_380, %sign3A_395 : i32
          %sign3A_397 = arith.extui %sign3A_396 : i1 to i32
          %sign3A_398 = arith.subi %sign3A_394, %sign3A_397 : i32
          %ne3A_399 = vector.broadcast %sign3A_398 : i32 to vector<16xi32>
          %ne3A_400 = arith.cmpi ne, %sign3A_391, %ne3A_399 : vector<16xi32>
          %rem3A_401 = vector.broadcast %jit3A_380 : i32 to vector<16xi32>
          %rem3A_402 = arith.remsi %get3A_379, %rem3A_401 : vector<16xi32>
          %ne3A_403 = arith.constant 0 : i32
          %ne3A_404 = vector.broadcast %ne3A_403 : i32 to vector<16xi32>
          %ne3A_405 = arith.cmpi ne, %rem3A_402, %ne3A_404 : vector<16xi32>
          %and3A_406 = arith.andi %ne3A_400, %ne3A_405 : vector<16xi1>
          %sub3A_407 = arith.constant 1 : i32
          %sub3A_408 = vector.broadcast %sub3A_407 : i32 to vector<16xi32>
          %sub3A_409 = arith.subi %div3A_382, %sub3A_408 : vector<16xi32>
          %select_n3A_410 = arith.select %and3A_406, %sub3A_409, %div3A_382 : vector<16xi1>, vector<16xi32>
          %swap3A_411 = arith.constant 16 : index
          %swap3A_412 = tpu.vector_load %arg22[%swap3A_411] {strides = array<i32>} : memref<32xi32, #tpu.memory_space<vmem>>, vector<16xi32>,
          tpu.vector_store %arg22[%swap3A_411], %select_n3A_410 {strides = array<i32>} : memref<32xi32, #tpu.memory_space<vmem>>, vector<16xi32>,
          %jit3A_413 = arith.constant 8192 : i32
          %eq3A_414 = arith.constant 0 : i32
          %eq3A_415 = arith.cmpi eq, %jit3A_413, %eq3A_414 : i32
          %jit3A_416 = arith.constant 1 : i32
          %select_n3A_417 = arith.select %eq3A_415, %jit3A_416, %jit3A_413 : i32
          %rem3A_418 = vector.broadcast %select_n3A_417 : i32 to vector<16xi32>
          %rem3A_419 = arith.remsi %get3A_379, %rem3A_418 : vector<16xi32>
          %ne3A_420 = arith.constant 0 : i32
          %ne3A_421 = vector.broadcast %ne3A_420 : i32 to vector<16xi32>
          %ne3A_422 = arith.cmpi ne, %rem3A_419, %ne3A_421 : vector<16xi32>
          %lt3A_423 = arith.constant 0 : i32
          %lt3A_424 = vector.broadcast %lt3A_423 : i32 to vector<16xi32>
          %lt3A_425 = arith.cmpi slt, %rem3A_419, %lt3A_424 : vector<16xi32>
          %lt3A_426 = arith.constant 0 : i32
          %lt3A_427 = arith.cmpi slt, %select_n3A_417, %lt3A_426 : i32
          %ne3A_428 = vector.broadcast %lt3A_427 : i1 to vector<16xi1>
          %ne3A_429 = vector.broadcast %ne3A_428 : vector<16xi1> to vector<16xi1>
          %ne3A_430 = arith.xori %lt3A_425, %ne3A_429 : vector<16xi1>
          %and3A_431 = arith.andi %ne3A_430, %ne3A_422 : vector<16xi1>
          %add3A_432 = vector.broadcast %select_n3A_417 : i32 to vector<16xi32>
          %add3A_433 = arith.addi %rem3A_419, %add3A_432 : vector<16xi32>
          %select_n3A_434 = arith.select %and3A_431, %add3A_433, %rem3A_419 : vector<16xi1>, vector<16xi32>
          %swap3A_435 = arith.constant 16 : index
          %swap3A_436 = tpu.vector_load %arg23[%swap3A_435] {strides = array<i32>} : memref<32xi32, #tpu.memory_space<vmem>>, vector<16xi32>,
          tpu.vector_store %arg23[%swap3A_435], %select_n3A_434 {strides = array<i32>} : memref<32xi32, #tpu.memory_space<vmem>>, vector<16xi32>,
          %dma_start3A = arith.constant 0 : i32
          %dma_start3A_437 = arith.constant 0 : i32
          %dma_start3A_438 = tpu.memref_slice %arg4[%dma_start3A, %dma_start3A_437] : memref<10000x128xf32, #tpu.memory_space<hbm>> -> memref<10000x128xf32, #tpu.memory_space<hbm>>
          tpu.enqueue_indirect_dma source(%dma_start3A_438 : memref<10000x128xf32, #tpu.memory_space<hbm>>) target(%arg24 : memref<32x128xf32, #tpu.memory_space<vmem>>) offsets(%arg22 : memref<32xi32, #tpu.memory_space<vmem>>) semaphore(%arg44 : memref<!tpu.dma_semaphore, #tpu.memory_space<semaphore_mem>>)
        } else {
        }
        "tpu.region"() ({
          %run_scoped3A = tpu.sem_alloc : memref<!tpu.dma_semaphore, #tpu.memory_space<semaphore_mem>>
          %dma_start3A = arith.constant 0 : i32
          %dma_start3A_309 = arith.constant 0 : i32
          %dma_start3A_310 = tpu.memref_slice %arg9[%dma_start3A, %dma_start3A_309] : memref<5120x128xf32, #tpu.memory_space<vmem_shared>> -> memref<5120x128xf32, #tpu.memory_space<vmem_shared>>
          tpu.enqueue_indirect_dma source(%arg27 : memref<32x128xf32, #tpu.memory_space<vmem>>) target(%dma_start3A_310 : memref<5120x128xf32, #tpu.memory_space<vmem_shared>>) offsets(%arg26 : memref<32xi32, #tpu.memory_space<vmem>>) semaphore(%run_scoped3A : memref<!tpu.dma_semaphore, #tpu.memory_space<semaphore_mem>>) {add = true}
          %dma_wait3A_311 = arith.constant 0 : i32
          %dma_wait3A_312 = arith.constant 0 : i32
          %dma_wait3A_313 = tpu.memref_slice %arg9[%dma_wait3A_311, %dma_wait3A_312] : memref<5120x128xf32, #tpu.memory_space<vmem_shared>> -> memref<5120x128xf32, #tpu.memory_space<vmem_shared>>
          tpu.wait_indirect_dma semaphore(%run_scoped3A : memref<!tpu.dma_semaphore, #tpu.memory_space<semaphore_mem>>) src(%arg27 : memref<32x128xf32, #tpu.memory_space<vmem>>) dst(%dma_wait3A_313 : memref<5120x128xf32, #tpu.memory_space<vmem_shared>>)
          tpu.yield
        }) : () -> ()
      } else {
      }
      %mul3A_274 = arith.constant 8 : i32
      %mul3A_275 = arith.muli %while3A_233, %mul3A_274 : i32
      %add3A_276 = arith.constant 5 : i32
      %add3A_277 = arith.addi %mul3A_275, %add3A_276 : i32
      %lt3A_278 = arith.cmpi slt, %add3A_277, %select_n3A_151 : i32
      %convert_element_type3A_279 = arith.extui %lt3A_278 : i1 to i32
      %cond3A_280 = arith.constant 0 : i32
      %cond3A_281 = arith.cmpi ne, %convert_element_type3A_279, %cond3A_280 : i32
      scf.if %cond3A_281 {
        %dma_wait3A = arith.constant 0 : i32
        %dma_wait3A_299 = arith.constant 0 : i32
        %dma_wait3A_300 = tpu.memref_slice %arg4[%dma_wait3A, %dma_wait3A_299] : memref<10000x128xf32, #tpu.memory_space<hbm>> -> memref<10000x128xf32, #tpu.memory_space<hbm>>
        tpu.wait_indirect_dma semaphore(%arg46 : memref<!tpu.dma_semaphore, #tpu.memory_space<semaphore_mem>>) src(%dma_wait3A_300 : memref<10000x128xf32, #tpu.memory_space<hbm>>) dst(%arg30 : memref<32x128xf32, #tpu.memory_space<vmem>>)
        %add3A_301 = arith.constant 8 : i32
        %add3A_302 = arith.addi %add3A_277, %add3A_301 : i32
        %sub3A_303 = arith.constant 1 : i32
        %sub3A_304 = arith.subi %add3A_302, %sub3A_303 : i32
        %lt3A_305 = arith.cmpi slt, %sub3A_304, %select_n3A_151 : i32
        %convert_element_type3A_306 = arith.extui %lt3A_305 : i1 to i32
        %cond3A_307 = arith.constant 0 : i32
        %cond3A_308 = arith.cmpi ne, %convert_element_type3A_306, %cond3A_307 : i32
        scf.if %cond3A_308 {
          %add3A_309 = arith.constant 8 : i32
          %add3A_310 = arith.addi %add3A_277, %add3A_309 : i32
          %sub3A_311 = arith.constant 1 : i32
          %sub3A_312 = arith.subi %add3A_310, %sub3A_311 : i32
          %mul3A_313 = arith.constant 32 : i32
          %mul3A_314 = arith.muli %sub3A_312, %mul3A_313 : i32
          %add3A_315 = arith.constant 0 : i32
          %add3A_316 = arith.addi %mul3A_314, %add3A_315 : i32
          %get3A_317 = arith.index_cast %add3A_316 : i32 to index
          %get3A_318 = tpu.vector_load %arg12[%get3A_317] {strides = array<i32>} : memref<20384xi32, #tpu.memory_space<vmem>>, vector<16xi32>,
          %jit3A_319 = arith.constant 8192 : i32
          %div3A_320 = vector.broadcast %jit3A_319 : i32 to vector<16xi32>
          %div3A_321 = arith.divsi %get3A_318, %div3A_320 : vector<16xi32>
          %sign3A_322 = arith.constant 0 : i32
          %sign3A_323 = vector.broadcast %sign3A_322 : i32 to vector<16xi32>
          %sign3A_324 = arith.cmpi sgt, %get3A_318, %sign3A_323 : vector<16xi32>
          %sign3A_325 = arith.extui %sign3A_324 : vector<16xi1> to vector<16xi32>
          %sign3A_326 = arith.constant 0 : i32
          %sign3A_327 = vector.broadcast %sign3A_326 : i32 to vector<16xi32>
          %sign3A_328 = arith.cmpi slt, %get3A_318, %sign3A_327 : vector<16xi32>
          %sign3A_329 = arith.extui %sign3A_328 : vector<16xi1> to vector<16xi32>
          %sign3A_330 = arith.subi %sign3A_325, %sign3A_329 : vector<16xi32>
          %sign3A_331 = arith.constant 0 : i32
          %sign3A_332 = arith.cmpi sgt, %jit3A_319, %sign3A_331 : i32
          %sign3A_333 = arith.extui %sign3A_332 : i1 to i32
          %sign3A_334 = arith.constant 0 : i32
          %sign3A_335 = arith.cmpi slt, %jit3A_319, %sign3A_334 : i32
          %sign3A_336 = arith.extui %sign3A_335 : i1 to i32
          %sign3A_337 = arith.subi %sign3A_333, %sign3A_336 : i32
          %ne3A_338 = vector.broadcast %sign3A_337 : i32 to vector<16xi32>
          %ne3A_339 = arith.cmpi ne, %sign3A_330, %ne3A_338 : vector<16xi32>
          %rem3A_340 = vector.broadcast %jit3A_319 : i32 to vector<16xi32>
          %rem3A_341 = arith.remsi %get3A_318, %rem3A_340 : vector<16xi32>
          %ne3A_342 = arith.constant 0 : i32
          %ne3A_343 = vector.broadcast %ne3A_342 : i32 to vector<16xi32>
          %ne3A_344 = arith.cmpi ne, %rem3A_341, %ne3A_343 : vector<16xi32>
          %and3A_345 = arith.andi %ne3A_339, %ne3A_344 : vector<16xi1>
          %sub3A_346 = arith.constant 1 : i32
          %sub3A_347 = vector.broadcast %sub3A_346 : i32 to vector<16xi32>
          %sub3A_348 = arith.subi %div3A_321, %sub3A_347 : vector<16xi32>
          %select_n3A_349 = arith.select %and3A_345, %sub3A_348, %div3A_321 : vector<16xi1>, vector<16xi32>
          %swap3A = arith.constant 0 : index
          %swap3A_350 = tpu.vector_load %arg25[%swap3A] {strides = array<i32>} : memref<32xi32, #tpu.memory_space<vmem>>, vector<16xi32>,
          tpu.vector_store %arg25[%swap3A], %select_n3A_349 {strides = array<i32>} : memref<32xi32, #tpu.memory_space<vmem>>, vector<16xi32>,
          %jit3A_351 = arith.constant 8192 : i32
          %eq3A = arith.constant 0 : i32
          %eq3A_352 = arith.cmpi eq, %jit3A_351, %eq3A : i32
          %jit3A_353 = arith.constant 1 : i32
          %select_n3A_354 = arith.select %eq3A_352, %jit3A_353, %jit3A_351 : i32
          %rem3A_355 = vector.broadcast %select_n3A_354 : i32 to vector<16xi32>
          %rem3A_356 = arith.remsi %get3A_318, %rem3A_355 : vector<16xi32>
          %ne3A_357 = arith.constant 0 : i32
          %ne3A_358 = vector.broadcast %ne3A_357 : i32 to vector<16xi32>
          %ne3A_359 = arith.cmpi ne, %rem3A_356, %ne3A_358 : vector<16xi32>
          %lt3A_360 = arith.constant 0 : i32
          %lt3A_361 = vector.broadcast %lt3A_360 : i32 to vector<16xi32>
          %lt3A_362 = arith.cmpi slt, %rem3A_356, %lt3A_361 : vector<16xi32>
          %lt3A_363 = arith.constant 0 : i32
          %lt3A_364 = arith.cmpi slt, %select_n3A_354, %lt3A_363 : i32
          %ne3A_365 = vector.broadcast %lt3A_364 : i1 to vector<16xi1>
          %ne3A_366 = vector.broadcast %ne3A_365 : vector<16xi1> to vector<16xi1>
          %ne3A_367 = arith.xori %lt3A_362, %ne3A_366 : vector<16xi1>
          %and3A_368 = arith.andi %ne3A_367, %ne3A_359 : vector<16xi1>
          %add3A_369 = vector.broadcast %select_n3A_354 : i32 to vector<16xi32>
          %add3A_370 = arith.addi %rem3A_356, %add3A_369 : vector<16xi32>
          %select_n3A_371 = arith.select %and3A_368, %add3A_370, %rem3A_356 : vector<16xi1>, vector<16xi32>
          %swap3A_372 = arith.constant 0 : index
          %swap3A_373 = tpu.vector_load %arg26[%swap3A_372] {strides = array<i32>} : memref<32xi32, #tpu.memory_space<vmem>>, vector<16xi32>,
          tpu.vector_store %arg26[%swap3A_372], %select_n3A_371 {strides = array<i32>} : memref<32xi32, #tpu.memory_space<vmem>>, vector<16xi32>,
          %mul3A_374 = arith.constant 32 : i32
          %mul3A_375 = arith.muli %sub3A_312, %mul3A_374 : i32
          %add3A_376 = arith.constant 16 : i32
          %add3A_377 = arith.addi %mul3A_375, %add3A_376 : i32
          %get3A_378 = arith.index_cast %add3A_377 : i32 to index
          %get3A_379 = tpu.vector_load %arg12[%get3A_378] {strides = array<i32>} : memref<20384xi32, #tpu.memory_space<vmem>>, vector<16xi32>,
          %jit3A_380 = arith.constant 8192 : i32
          %div3A_381 = vector.broadcast %jit3A_380 : i32 to vector<16xi32>
          %div3A_382 = arith.divsi %get3A_379, %div3A_381 : vector<16xi32>
          %sign3A_383 = arith.constant 0 : i32
          %sign3A_384 = vector.broadcast %sign3A_383 : i32 to vector<16xi32>
          %sign3A_385 = arith.cmpi sgt, %get3A_379, %sign3A_384 : vector<16xi32>
          %sign3A_386 = arith.extui %sign3A_385 : vector<16xi1> to vector<16xi32>
          %sign3A_387 = arith.constant 0 : i32
          %sign3A_388 = vector.broadcast %sign3A_387 : i32 to vector<16xi32>
          %sign3A_389 = arith.cmpi slt, %get3A_379, %sign3A_388 : vector<16xi32>
          %sign3A_390 = arith.extui %sign3A_389 : vector<16xi1> to vector<16xi32>
          %sign3A_391 = arith.subi %sign3A_386, %sign3A_390 : vector<16xi32>
          %sign3A_392 = arith.constant 0 : i32
          %sign3A_393 = arith.cmpi sgt, %jit3A_380, %sign3A_392 : i32
          %sign3A_394 = arith.extui %sign3A_393 : i1 to i32
          %sign3A_395 = arith.constant 0 : i32
          %sign3A_396 = arith.cmpi slt, %jit3A_380, %sign3A_395 : i32
          %sign3A_397 = arith.extui %sign3A_396 : i1 to i32
          %sign3A_398 = arith.subi %sign3A_394, %sign3A_397 : i32
          %ne3A_399 = vector.broadcast %sign3A_398 : i32 to vector<16xi32>
          %ne3A_400 = arith.cmpi ne, %sign3A_391, %ne3A_399 : vector<16xi32>
          %rem3A_401 = vector.broadcast %jit3A_380 : i32 to vector<16xi32>
          %rem3A_402 = arith.remsi %get3A_379, %rem3A_401 : vector<16xi32>
          %ne3A_403 = arith.constant 0 : i32
          %ne3A_404 = vector.broadcast %ne3A_403 : i32 to vector<16xi32>
          %ne3A_405 = arith.cmpi ne, %rem3A_402, %ne3A_404 : vector<16xi32>
          %and3A_406 = arith.andi %ne3A_400, %ne3A_405 : vector<16xi1>
          %sub3A_407 = arith.constant 1 : i32
          %sub3A_408 = vector.broadcast %sub3A_407 : i32 to vector<16xi32>
          %sub3A_409 = arith.subi %div3A_382, %sub3A_408 : vector<16xi32>
          %select_n3A_410 = arith.select %and3A_406, %sub3A_409, %div3A_382 : vector<16xi1>, vector<16xi32>
          %swap3A_411 = arith.constant 16 : index
          %swap3A_412 = tpu.vector_load %arg25[%swap3A_411] {strides = array<i32>} : memref<32xi32, #tpu.memory_space<vmem>>, vector<16xi32>,
          tpu.vector_store %arg25[%swap3A_411], %select_n3A_410 {strides = array<i32>} : memref<32xi32, #tpu.memory_space<vmem>>, vector<16xi32>,
          %jit3A_413 = arith.constant 8192 : i32
          %eq3A_414 = arith.constant 0 : i32
          %eq3A_415 = arith.cmpi eq, %jit3A_413, %eq3A_414 : i32
          %jit3A_416 = arith.constant 1 : i32
          %select_n3A_417 = arith.select %eq3A_415, %jit3A_416, %jit3A_413 : i32
          %rem3A_418 = vector.broadcast %select_n3A_417 : i32 to vector<16xi32>
          %rem3A_419 = arith.remsi %get3A_379, %rem3A_418 : vector<16xi32>
          %ne3A_420 = arith.constant 0 : i32
          %ne3A_421 = vector.broadcast %ne3A_420 : i32 to vector<16xi32>
          %ne3A_422 = arith.cmpi ne, %rem3A_419, %ne3A_421 : vector<16xi32>
          %lt3A_423 = arith.constant 0 : i32
          %lt3A_424 = vector.broadcast %lt3A_423 : i32 to vector<16xi32>
          %lt3A_425 = arith.cmpi slt, %rem3A_419, %lt3A_424 : vector<16xi32>
          %lt3A_426 = arith.constant 0 : i32
          %lt3A_427 = arith.cmpi slt, %select_n3A_417, %lt3A_426 : i32
          %ne3A_428 = vector.broadcast %lt3A_427 : i1 to vector<16xi1>
          %ne3A_429 = vector.broadcast %ne3A_428 : vector<16xi1> to vector<16xi1>
          %ne3A_430 = arith.xori %lt3A_425, %ne3A_429 : vector<16xi1>
          %and3A_431 = arith.andi %ne3A_430, %ne3A_422 : vector<16xi1>
          %add3A_432 = vector.broadcast %select_n3A_417 : i32 to vector<16xi32>
          %add3A_433 = arith.addi %rem3A_419, %add3A_432 : vector<16xi32>
          %select_n3A_434 = arith.select %and3A_431, %add3A_433, %rem3A_419 : vector<16xi1>, vector<16xi32>
          %swap3A_435 = arith.constant 16 : index
          %swap3A_436 = tpu.vector_load %arg26[%swap3A_435] {strides = array<i32>} : memref<32xi32, #tpu.memory_space<vmem>>, vector<16xi32>,
          tpu.vector_store %arg26[%swap3A_435], %select_n3A_434 {strides = array<i32>} : memref<32xi32, #tpu.memory_space<vmem>>, vector<16xi32>,
          %dma_start3A = arith.constant 0 : i32
          %dma_start3A_437 = arith.constant 0 : i32
          %dma_start3A_438 = tpu.memref_slice %arg4[%dma_start3A, %dma_start3A_437] : memref<10000x128xf32, #tpu.memory_space<hbm>> -> memref<10000x128xf32, #tpu.memory_space<hbm>>
          tpu.enqueue_indirect_dma source(%dma_start3A_438 : memref<10000x128xf32, #tpu.memory_space<hbm>>) target(%arg27 : memref<32x128xf32, #tpu.memory_space<vmem>>) offsets(%arg25 : memref<32xi32, #tpu.memory_space<vmem>>) semaphore(%arg45 : memref<!tpu.dma_semaphore, #tpu.memory_space<semaphore_mem>>)
        } else {
        }
        "tpu.region"() ({
          %run_scoped3A = tpu.sem_alloc : memref<!tpu.dma_semaphore, #tpu.memory_space<semaphore_mem>>
          %dma_start3A = arith.constant 0 : i32
          %dma_start3A_309 = arith.constant 0 : i32
          %dma_start3A_310 = tpu.memref_slice %arg9[%dma_start3A, %dma_start3A_309] : memref<5120x128xf32, #tpu.memory_space<vmem_shared>> -> memref<5120x128xf32, #tpu.memory_space<vmem_shared>>
          tpu.enqueue_indirect_dma source(%arg30 : memref<32x128xf32, #tpu.memory_space<vmem>>) target(%dma_start3A_310 : memref<5120x128xf32, #tpu.memory_space<vmem_shared>>) offsets(%arg29 : memref<32xi32, #tpu.memory_space<vmem>>) semaphore(%run_scoped3A : memref<!tpu.dma_semaphore, #tpu.memory_space<semaphore_mem>>) {add = true}
          %dma_wait3A_311 = arith.constant 0 : i32
          %dma_wait3A_312 = arith.constant 0 : i32
          %dma_wait3A_313 = tpu.memref_slice %arg9[%dma_wait3A_311, %dma_wait3A_312] : memref<5120x128xf32, #tpu.memory_space<vmem_shared>> -> memref<5120x128xf32, #tpu.memory_space<vmem_shared>>
          tpu.wait_indirect_dma semaphore(%run_scoped3A : memref<!tpu.dma_semaphore, #tpu.memory_space<semaphore_mem>>) src(%arg30 : memref<32x128xf32, #tpu.memory_space<vmem>>) dst(%dma_wait3A_313 : memref<5120x128xf32, #tpu.memory_space<vmem_shared>>)
          tpu.yield
        }) : () -> ()
      } else {
      }
      %mul3A_282 = arith.constant 8 : i32
      %mul3A_283 = arith.muli %while3A_233, %mul3A_282 : i32
      %add3A_284 = arith.constant 6 : i32
      %add3A_285 = arith.addi %mul3A_283, %add3A_284 : i32
      %lt3A_286 = arith.cmpi slt, %add3A_285, %select_n3A_151 : i32
      %convert_element_type3A_287 = arith.extui %lt3A_286 : i1 to i32
      %cond3A_288 = arith.constant 0 : i32
      %cond3A_289 = arith.cmpi ne, %convert_element_type3A_287, %cond3A_288 : i32
      scf.if %cond3A_289 {
        %dma_wait3A = arith.constant 0 : i32
        %dma_wait3A_299 = arith.constant 0 : i32
        %dma_wait3A_300 = tpu.memref_slice %arg4[%dma_wait3A, %dma_wait3A_299] : memref<10000x128xf32, #tpu.memory_space<hbm>> -> memref<10000x128xf32, #tpu.memory_space<hbm>>
        tpu.wait_indirect_dma semaphore(%arg47 : memref<!tpu.dma_semaphore, #tpu.memory_space<semaphore_mem>>) src(%dma_wait3A_300 : memref<10000x128xf32, #tpu.memory_space<hbm>>) dst(%arg33 : memref<32x128xf32, #tpu.memory_space<vmem>>)
        %add3A_301 = arith.constant 8 : i32
        %add3A_302 = arith.addi %add3A_285, %add3A_301 : i32
        %sub3A_303 = arith.constant 1 : i32
        %sub3A_304 = arith.subi %add3A_302, %sub3A_303 : i32
        %lt3A_305 = arith.cmpi slt, %sub3A_304, %select_n3A_151 : i32
        %convert_element_type3A_306 = arith.extui %lt3A_305 : i1 to i32
        %cond3A_307 = arith.constant 0 : i32
        %cond3A_308 = arith.cmpi ne, %convert_element_type3A_306, %cond3A_307 : i32
        scf.if %cond3A_308 {
          %add3A_309 = arith.constant 8 : i32
          %add3A_310 = arith.addi %add3A_285, %add3A_309 : i32
          %sub3A_311 = arith.constant 1 : i32
          %sub3A_312 = arith.subi %add3A_310, %sub3A_311 : i32
          %mul3A_313 = arith.constant 32 : i32
          %mul3A_314 = arith.muli %sub3A_312, %mul3A_313 : i32
          %add3A_315 = arith.constant 0 : i32
          %add3A_316 = arith.addi %mul3A_314, %add3A_315 : i32
          %get3A_317 = arith.index_cast %add3A_316 : i32 to index
          %get3A_318 = tpu.vector_load %arg12[%get3A_317] {strides = array<i32>} : memref<20384xi32, #tpu.memory_space<vmem>>, vector<16xi32>,
          %jit3A_319 = arith.constant 8192 : i32
          %div3A_320 = vector.broadcast %jit3A_319 : i32 to vector<16xi32>
          %div3A_321 = arith.divsi %get3A_318, %div3A_320 : vector<16xi32>
          %sign3A_322 = arith.constant 0 : i32
          %sign3A_323 = vector.broadcast %sign3A_322 : i32 to vector<16xi32>
          %sign3A_324 = arith.cmpi sgt, %get3A_318, %sign3A_323 : vector<16xi32>
          %sign3A_325 = arith.extui %sign3A_324 : vector<16xi1> to vector<16xi32>
          %sign3A_326 = arith.constant 0 : i32
          %sign3A_327 = vector.broadcast %sign3A_326 : i32 to vector<16xi32>
          %sign3A_328 = arith.cmpi slt, %get3A_318, %sign3A_327 : vector<16xi32>
          %sign3A_329 = arith.extui %sign3A_328 : vector<16xi1> to vector<16xi32>
          %sign3A_330 = arith.subi %sign3A_325, %sign3A_329 : vector<16xi32>
          %sign3A_331 = arith.constant 0 : i32
          %sign3A_332 = arith.cmpi sgt, %jit3A_319, %sign3A_331 : i32
          %sign3A_333 = arith.extui %sign3A_332 : i1 to i32
          %sign3A_334 = arith.constant 0 : i32
          %sign3A_335 = arith.cmpi slt, %jit3A_319, %sign3A_334 : i32
          %sign3A_336 = arith.extui %sign3A_335 : i1 to i32
          %sign3A_337 = arith.subi %sign3A_333, %sign3A_336 : i32
          %ne3A_338 = vector.broadcast %sign3A_337 : i32 to vector<16xi32>
          %ne3A_339 = arith.cmpi ne, %sign3A_330, %ne3A_338 : vector<16xi32>
          %rem3A_340 = vector.broadcast %jit3A_319 : i32 to vector<16xi32>
          %rem3A_341 = arith.remsi %get3A_318, %rem3A_340 : vector<16xi32>
          %ne3A_342 = arith.constant 0 : i32
          %ne3A_343 = vector.broadcast %ne3A_342 : i32 to vector<16xi32>
          %ne3A_344 = arith.cmpi ne, %rem3A_341, %ne3A_343 : vector<16xi32>
          %and3A_345 = arith.andi %ne3A_339, %ne3A_344 : vector<16xi1>
          %sub3A_346 = arith.constant 1 : i32
          %sub3A_347 = vector.broadcast %sub3A_346 : i32 to vector<16xi32>
          %sub3A_348 = arith.subi %div3A_321, %sub3A_347 : vector<16xi32>
          %select_n3A_349 = arith.select %and3A_345, %sub3A_348, %div3A_321 : vector<16xi1>, vector<16xi32>
          %swap3A = arith.constant 0 : index
          %swap3A_350 = tpu.vector_load %arg28[%swap3A] {strides = array<i32>} : memref<32xi32, #tpu.memory_space<vmem>>, vector<16xi32>,
          tpu.vector_store %arg28[%swap3A], %select_n3A_349 {strides = array<i32>} : memref<32xi32, #tpu.memory_space<vmem>>, vector<16xi32>,
          %jit3A_351 = arith.constant 8192 : i32
          %eq3A = arith.constant 0 : i32
          %eq3A_352 = arith.cmpi eq, %jit3A_351, %eq3A : i32
          %jit3A_353 = arith.constant 1 : i32
          %select_n3A_354 = arith.select %eq3A_352, %jit3A_353, %jit3A_351 : i32
          %rem3A_355 = vector.broadcast %select_n3A_354 : i32 to vector<16xi32>
          %rem3A_356 = arith.remsi %get3A_318, %rem3A_355 : vector<16xi32>
          %ne3A_357 = arith.constant 0 : i32
          %ne3A_358 = vector.broadcast %ne3A_357 : i32 to vector<16xi32>
          %ne3A_359 = arith.cmpi ne, %rem3A_356, %ne3A_358 : vector<16xi32>
          %lt3A_360 = arith.constant 0 : i32
          %lt3A_361 = vector.broadcast %lt3A_360 : i32 to vector<16xi32>
          %lt3A_362 = arith.cmpi slt, %rem3A_356, %lt3A_361 : vector<16xi32>
          %lt3A_363 = arith.constant 0 : i32
          %lt3A_364 = arith.cmpi slt, %select_n3A_354, %lt3A_363 : i32
          %ne3A_365 = vector.broadcast %lt3A_364 : i1 to vector<16xi1>
          %ne3A_366 = vector.broadcast %ne3A_365 : vector<16xi1> to vector<16xi1>
          %ne3A_367 = arith.xori %lt3A_362, %ne3A_366 : vector<16xi1>
          %and3A_368 = arith.andi %ne3A_367, %ne3A_359 : vector<16xi1>
          %add3A_369 = vector.broadcast %select_n3A_354 : i32 to vector<16xi32>
          %add3A_370 = arith.addi %rem3A_356, %add3A_369 : vector<16xi32>
          %select_n3A_371 = arith.select %and3A_368, %add3A_370, %rem3A_356 : vector<16xi1>, vector<16xi32>
          %swap3A_372 = arith.constant 0 : index
          %swap3A_373 = tpu.vector_load %arg29[%swap3A_372] {strides = array<i32>} : memref<32xi32, #tpu.memory_space<vmem>>, vector<16xi32>,
          tpu.vector_store %arg29[%swap3A_372], %select_n3A_371 {strides = array<i32>} : memref<32xi32, #tpu.memory_space<vmem>>, vector<16xi32>,
          %mul3A_374 = arith.constant 32 : i32
          %mul3A_375 = arith.muli %sub3A_312, %mul3A_374 : i32
          %add3A_376 = arith.constant 16 : i32
          %add3A_377 = arith.addi %mul3A_375, %add3A_376 : i32
          %get3A_378 = arith.index_cast %add3A_377 : i32 to index
          %get3A_379 = tpu.vector_load %arg12[%get3A_378] {strides = array<i32>} : memref<20384xi32, #tpu.memory_space<vmem>>, vector<16xi32>,
          %jit3A_380 = arith.constant 8192 : i32
          %div3A_381 = vector.broadcast %jit3A_380 : i32 to vector<16xi32>
          %div3A_382 = arith.divsi %get3A_379, %div3A_381 : vector<16xi32>
          %sign3A_383 = arith.constant 0 : i32
          %sign3A_384 = vector.broadcast %sign3A_383 : i32 to vector<16xi32>
          %sign3A_385 = arith.cmpi sgt, %get3A_379, %sign3A_384 : vector<16xi32>
          %sign3A_386 = arith.extui %sign3A_385 : vector<16xi1> to vector<16xi32>
          %sign3A_387 = arith.constant 0 : i32
          %sign3A_388 = vector.broadcast %sign3A_387 : i32 to vector<16xi32>
          %sign3A_389 = arith.cmpi slt, %get3A_379, %sign3A_388 : vector<16xi32>
          %sign3A_390 = arith.extui %sign3A_389 : vector<16xi1> to vector<16xi32>
          %sign3A_391 = arith.subi %sign3A_386, %sign3A_390 : vector<16xi32>
          %sign3A_392 = arith.constant 0 : i32
          %sign3A_393 = arith.cmpi sgt, %jit3A_380, %sign3A_392 : i32
          %sign3A_394 = arith.extui %sign3A_393 : i1 to i32
          %sign3A_395 = arith.constant 0 : i32
          %sign3A_396 = arith.cmpi slt, %jit3A_380, %sign3A_395 : i32
          %sign3A_397 = arith.extui %sign3A_396 : i1 to i32
          %sign3A_398 = arith.subi %sign3A_394, %sign3A_397 : i32
          %ne3A_399 = vector.broadcast %sign3A_398 : i32 to vector<16xi32>
          %ne3A_400 = arith.cmpi ne, %sign3A_391, %ne3A_399 : vector<16xi32>
          %rem3A_401 = vector.broadcast %jit3A_380 : i32 to vector<16xi32>
          %rem3A_402 = arith.remsi %get3A_379, %rem3A_401 : vector<16xi32>
          %ne3A_403 = arith.constant 0 : i32
          %ne3A_404 = vector.broadcast %ne3A_403 : i32 to vector<16xi32>
          %ne3A_405 = arith.cmpi ne, %rem3A_402, %ne3A_404 : vector<16xi32>
          %and3A_406 = arith.andi %ne3A_400, %ne3A_405 : vector<16xi1>
          %sub3A_407 = arith.constant 1 : i32
          %sub3A_408 = vector.broadcast %sub3A_407 : i32 to vector<16xi32>
          %sub3A_409 = arith.subi %div3A_382, %sub3A_408 : vector<16xi32>
          %select_n3A_410 = arith.select %and3A_406, %sub3A_409, %div3A_382 : vector<16xi1>, vector<16xi32>
          %swap3A_411 = arith.constant 16 : index
          %swap3A_412 = tpu.vector_load %arg28[%swap3A_411] {strides = array<i32>} : memref<32xi32, #tpu.memory_space<vmem>>, vector<16xi32>,
          tpu.vector_store %arg28[%swap3A_411], %select_n3A_410 {strides = array<i32>} : memref<32xi32, #tpu.memory_space<vmem>>, vector<16xi32>,
          %jit3A_413 = arith.constant 8192 : i32
          %eq3A_414 = arith.constant 0 : i32
          %eq3A_415 = arith.cmpi eq, %jit3A_413, %eq3A_414 : i32
          %jit3A_416 = arith.constant 1 : i32
          %select_n3A_417 = arith.select %eq3A_415, %jit3A_416, %jit3A_413 : i32
          %rem3A_418 = vector.broadcast %select_n3A_417 : i32 to vector<16xi32>
          %rem3A_419 = arith.remsi %get3A_379, %rem3A_418 : vector<16xi32>
          %ne3A_420 = arith.constant 0 : i32
          %ne3A_421 = vector.broadcast %ne3A_420 : i32 to vector<16xi32>
          %ne3A_422 = arith.cmpi ne, %rem3A_419, %ne3A_421 : vector<16xi32>
          %lt3A_423 = arith.constant 0 : i32
          %lt3A_424 = vector.broadcast %lt3A_423 : i32 to vector<16xi32>
          %lt3A_425 = arith.cmpi slt, %rem3A_419, %lt3A_424 : vector<16xi32>
          %lt3A_426 = arith.constant 0 : i32
          %lt3A_427 = arith.cmpi slt, %select_n3A_417, %lt3A_426 : i32
          %ne3A_428 = vector.broadcast %lt3A_427 : i1 to vector<16xi1>
          %ne3A_429 = vector.broadcast %ne3A_428 : vector<16xi1> to vector<16xi1>
          %ne3A_430 = arith.xori %lt3A_425, %ne3A_429 : vector<16xi1>
          %and3A_431 = arith.andi %ne3A_430, %ne3A_422 : vector<16xi1>
          %add3A_432 = vector.broadcast %select_n3A_417 : i32 to vector<16xi32>
          %add3A_433 = arith.addi %rem3A_419, %add3A_432 : vector<16xi32>
          %select_n3A_434 = arith.select %and3A_431, %add3A_433, %rem3A_419 : vector<16xi1>, vector<16xi32>
          %swap3A_435 = arith.constant 16 : index
          %swap3A_436 = tpu.vector_load %arg29[%swap3A_435] {strides = array<i32>} : memref<32xi32, #tpu.memory_space<vmem>>, vector<16xi32>,
          tpu.vector_store %arg29[%swap3A_435], %select_n3A_434 {strides = array<i32>} : memref<32xi32, #tpu.memory_space<vmem>>, vector<16xi32>,
          %dma_start3A = arith.constant 0 : i32
          %dma_start3A_437 = arith.constant 0 : i32
          %dma_start3A_438 = tpu.memref_slice %arg4[%dma_start3A, %dma_start3A_437] : memref<10000x128xf32, #tpu.memory_space<hbm>> -> memref<10000x128xf32, #tpu.memory_space<hbm>>
          tpu.enqueue_indirect_dma source(%dma_start3A_438 : memref<10000x128xf32, #tpu.memory_space<hbm>>) target(%arg30 : memref<32x128xf32, #tpu.memory_space<vmem>>) offsets(%arg28 : memref<32xi32, #tpu.memory_space<vmem>>) semaphore(%arg46 : memref<!tpu.dma_semaphore, #tpu.memory_space<semaphore_mem>>)
        } else {
        }
        "tpu.region"() ({
          %run_scoped3A = tpu.sem_alloc : memref<!tpu.dma_semaphore, #tpu.memory_space<semaphore_mem>>
          %dma_start3A = arith.constant 0 : i32
          %dma_start3A_309 = arith.constant 0 : i32
          %dma_start3A_310 = tpu.memref_slice %arg9[%dma_start3A, %dma_start3A_309] : memref<5120x128xf32, #tpu.memory_space<vmem_shared>> -> memref<5120x128xf32, #tpu.memory_space<vmem_shared>>
          tpu.enqueue_indirect_dma source(%arg33 : memref<32x128xf32, #tpu.memory_space<vmem>>) target(%dma_start3A_310 : memref<5120x128xf32, #tpu.memory_space<vmem_shared>>) offsets(%arg32 : memref<32xi32, #tpu.memory_space<vmem>>) semaphore(%run_scoped3A : memref<!tpu.dma_semaphore, #tpu.memory_space<semaphore_mem>>) {add = true}
          %dma_wait3A_311 = arith.constant 0 : i32
          %dma_wait3A_312 = arith.constant 0 : i32
          %dma_wait3A_313 = tpu.memref_slice %arg9[%dma_wait3A_311, %dma_wait3A_312] : memref<5120x128xf32, #tpu.memory_space<vmem_shared>> -> memref<5120x128xf32, #tpu.memory_space<vmem_shared>>
          tpu.wait_indirect_dma semaphore(%run_scoped3A : memref<!tpu.dma_semaphore, #tpu.memory_space<semaphore_mem>>) src(%arg33 : memref<32x128xf32, #tpu.memory_space<vmem>>) dst(%dma_wait3A_313 : memref<5120x128xf32, #tpu.memory_space<vmem_shared>>)
          tpu.yield
        }) : () -> ()
      } else {
      }
      %mul3A_290 = arith.constant 8 : i32
      %mul3A_291 = arith.muli %while3A_233, %mul3A_290 : i32
      %add3A_292 = arith.constant 7 : i32
      %add3A_293 = arith.addi %mul3A_291, %add3A_292 : i32
      %lt3A_294 = arith.cmpi slt, %add3A_293, %select_n3A_151 : i32
      %convert_element_type3A_295 = arith.extui %lt3A_294 : i1 to i32
      %cond3A_296 = arith.constant 0 : i32
      %cond3A_297 = arith.cmpi ne, %convert_element_type3A_295, %cond3A_296 : i32
      scf.if %cond3A_297 {
        %dma_wait3A = arith.constant 0 : i32
        %dma_wait3A_299 = arith.constant 0 : i32
        %dma_wait3A_300 = tpu.memref_slice %arg4[%dma_wait3A, %dma_wait3A_299] : memref<10000x128xf32, #tpu.memory_space<hbm>> -> memref<10000x128xf32, #tpu.memory_space<hbm>>
        tpu.wait_indirect_dma semaphore(%arg48 : memref<!tpu.dma_semaphore, #tpu.memory_space<semaphore_mem>>) src(%dma_wait3A_300 : memref<10000x128xf32, #tpu.memory_space<hbm>>) dst(%arg36 : memref<32x128xf32, #tpu.memory_space<vmem>>)
        %add3A_301 = arith.constant 8 : i32
        %add3A_302 = arith.addi %add3A_293, %add3A_301 : i32
        %sub3A_303 = arith.constant 1 : i32
        %sub3A_304 = arith.subi %add3A_302, %sub3A_303 : i32
        %lt3A_305 = arith.cmpi slt, %sub3A_304, %select_n3A_151 : i32
        %convert_element_type3A_306 = arith.extui %lt3A_305 : i1 to i32
        %cond3A_307 = arith.constant 0 : i32
        %cond3A_308 = arith.cmpi ne, %convert_element_type3A_306, %cond3A_307 : i32
        scf.if %cond3A_308 {
          %add3A_309 = arith.constant 8 : i32
          %add3A_310 = arith.addi %add3A_293, %add3A_309 : i32
          %sub3A_311 = arith.constant 1 : i32
          %sub3A_312 = arith.subi %add3A_310, %sub3A_311 : i32
          %mul3A_313 = arith.constant 32 : i32
          %mul3A_314 = arith.muli %sub3A_312, %mul3A_313 : i32
          %add3A_315 = arith.constant 0 : i32
          %add3A_316 = arith.addi %mul3A_314, %add3A_315 : i32
          %get3A_317 = arith.index_cast %add3A_316 : i32 to index
          %get3A_318 = tpu.vector_load %arg12[%get3A_317] {strides = array<i32>} : memref<20384xi32, #tpu.memory_space<vmem>>, vector<16xi32>,
          %jit3A_319 = arith.constant 8192 : i32
          %div3A_320 = vector.broadcast %jit3A_319 : i32 to vector<16xi32>
          %div3A_321 = arith.divsi %get3A_318, %div3A_320 : vector<16xi32>
          %sign3A_322 = arith.constant 0 : i32
          %sign3A_323 = vector.broadcast %sign3A_322 : i32 to vector<16xi32>
          %sign3A_324 = arith.cmpi sgt, %get3A_318, %sign3A_323 : vector<16xi32>
          %sign3A_325 = arith.extui %sign3A_324 : vector<16xi1> to vector<16xi32>
          %sign3A_326 = arith.constant 0 : i32
          %sign3A_327 = vector.broadcast %sign3A_326 : i32 to vector<16xi32>
          %sign3A_328 = arith.cmpi slt, %get3A_318, %sign3A_327 : vector<16xi32>
          %sign3A_329 = arith.extui %sign3A_328 : vector<16xi1> to vector<16xi32>
          %sign3A_330 = arith.subi %sign3A_325, %sign3A_329 : vector<16xi32>
          %sign3A_331 = arith.constant 0 : i32
          %sign3A_332 = arith.cmpi sgt, %jit3A_319, %sign3A_331 : i32
          %sign3A_333 = arith.extui %sign3A_332 : i1 to i32
          %sign3A_334 = arith.constant 0 : i32
          %sign3A_335 = arith.cmpi slt, %jit3A_319, %sign3A_334 : i32
          %sign3A_336 = arith.extui %sign3A_335 : i1 to i32
          %sign3A_337 = arith.subi %sign3A_333, %sign3A_336 : i32
          %ne3A_338 = vector.broadcast %sign3A_337 : i32 to vector<16xi32>
          %ne3A_339 = arith.cmpi ne, %sign3A_330, %ne3A_338 : vector<16xi32>
          %rem3A_340 = vector.broadcast %jit3A_319 : i32 to vector<16xi32>
          %rem3A_341 = arith.remsi %get3A_318, %rem3A_340 : vector<16xi32>
          %ne3A_342 = arith.constant 0 : i32
          %ne3A_343 = vector.broadcast %ne3A_342 : i32 to vector<16xi32>
          %ne3A_344 = arith.cmpi ne, %rem3A_341, %ne3A_343 : vector<16xi32>
          %and3A_345 = arith.andi %ne3A_339, %ne3A_344 : vector<16xi1>
          %sub3A_346 = arith.constant 1 : i32
          %sub3A_347 = vector.broadcast %sub3A_346 : i32 to vector<16xi32>
          %sub3A_348 = arith.subi %div3A_321, %sub3A_347 : vector<16xi32>
          %select_n3A_349 = arith.select %and3A_345, %sub3A_348, %div3A_321 : vector<16xi1>, vector<16xi32>
          %swap3A = arith.constant 0 : index
          %swap3A_350 = tpu.vector_load %arg31[%swap3A] {strides = array<i32>} : memref<32xi32, #tpu.memory_space<vmem>>, vector<16xi32>,
          tpu.vector_store %arg31[%swap3A], %select_n3A_349 {strides = array<i32>} : memref<32xi32, #tpu.memory_space<vmem>>, vector<16xi32>,
          %jit3A_351 = arith.constant 8192 : i32
          %eq3A = arith.constant 0 : i32
          %eq3A_352 = arith.cmpi eq, %jit3A_351, %eq3A : i32
          %jit3A_353 = arith.constant 1 : i32
          %select_n3A_354 = arith.select %eq3A_352, %jit3A_353, %jit3A_351 : i32
          %rem3A_355 = vector.broadcast %select_n3A_354 : i32 to vector<16xi32>
          %rem3A_356 = arith.remsi %get3A_318, %rem3A_355 : vector<16xi32>
          %ne3A_357 = arith.constant 0 : i32
          %ne3A_358 = vector.broadcast %ne3A_357 : i32 to vector<16xi32>
          %ne3A_359 = arith.cmpi ne, %rem3A_356, %ne3A_358 : vector<16xi32>
          %lt3A_360 = arith.constant 0 : i32
          %lt3A_361 = vector.broadcast %lt3A_360 : i32 to vector<16xi32>
          %lt3A_362 = arith.cmpi slt, %rem3A_356, %lt3A_361 : vector<16xi32>
          %lt3A_363 = arith.constant 0 : i32
          %lt3A_364 = arith.cmpi slt, %select_n3A_354, %lt3A_363 : i32
          %ne3A_365 = vector.broadcast %lt3A_364 : i1 to vector<16xi1>
          %ne3A_366 = vector.broadcast %ne3A_365 : vector<16xi1> to vector<16xi1>
          %ne3A_367 = arith.xori %lt3A_362, %ne3A_366 : vector<16xi1>
          %and3A_368 = arith.andi %ne3A_367, %ne3A_359 : vector<16xi1>
          %add3A_369 = vector.broadcast %select_n3A_354 : i32 to vector<16xi32>
          %add3A_370 = arith.addi %rem3A_356, %add3A_369 : vector<16xi32>
          %select_n3A_371 = arith.select %and3A_368, %add3A_370, %rem3A_356 : vector<16xi1>, vector<16xi32>
          %swap3A_372 = arith.constant 0 : index
          %swap3A_373 = tpu.vector_load %arg32[%swap3A_372] {strides = array<i32>} : memref<32xi32, #tpu.memory_space<vmem>>, vector<16xi32>,
          tpu.vector_store %arg32[%swap3A_372], %select_n3A_371 {strides = array<i32>} : memref<32xi32, #tpu.memory_space<vmem>>, vector<16xi32>,
          %mul3A_374 = arith.constant 32 : i32
          %mul3A_375 = arith.muli %sub3A_312, %mul3A_374 : i32
          %add3A_376 = arith.constant 16 : i32
          %add3A_377 = arith.addi %mul3A_375, %add3A_376 : i32
          %get3A_378 = arith.index_cast %add3A_377 : i32 to index
          %get3A_379 = tpu.vector_load %arg12[%get3A_378] {strides = array<i32>} : memref<20384xi32, #tpu.memory_space<vmem>>, vector<16xi32>,
          %jit3A_380 = arith.constant 8192 : i32
          %div3A_381 = vector.broadcast %jit3A_380 : i32 to vector<16xi32>
          %div3A_382 = arith.divsi %get3A_379, %div3A_381 : vector<16xi32>
          %sign3A_383 = arith.constant 0 : i32
          %sign3A_384 = vector.broadcast %sign3A_383 : i32 to vector<16xi32>
          %sign3A_385 = arith.cmpi sgt, %get3A_379, %sign3A_384 : vector<16xi32>
          %sign3A_386 = arith.extui %sign3A_385 : vector<16xi1> to vector<16xi32>
          %sign3A_387 = arith.constant 0 : i32
          %sign3A_388 = vector.broadcast %sign3A_387 : i32 to vector<16xi32>
          %sign3A_389 = arith.cmpi slt, %get3A_379, %sign3A_388 : vector<16xi32>
          %sign3A_390 = arith.extui %sign3A_389 : vector<16xi1> to vector<16xi32>
          %sign3A_391 = arith.subi %sign3A_386, %sign3A_390 : vector<16xi32>
          %sign3A_392 = arith.constant 0 : i32
          %sign3A_393 = arith.cmpi sgt, %jit3A_380, %sign3A_392 : i32
          %sign3A_394 = arith.extui %sign3A_393 : i1 to i32
          %sign3A_395 = arith.constant 0 : i32
          %sign3A_396 = arith.cmpi slt, %jit3A_380, %sign3A_395 : i32
          %sign3A_397 = arith.extui %sign3A_396 : i1 to i32
          %sign3A_398 = arith.subi %sign3A_394, %sign3A_397 : i32
          %ne3A_399 = vector.broadcast %sign3A_398 : i32 to vector<16xi32>
          %ne3A_400 = arith.cmpi ne, %sign3A_391, %ne3A_399 : vector<16xi32>
          %rem3A_401 = vector.broadcast %jit3A_380 : i32 to vector<16xi32>
          %rem3A_402 = arith.remsi %get3A_379, %rem3A_401 : vector<16xi32>
          %ne3A_403 = arith.constant 0 : i32
          %ne3A_404 = vector.broadcast %ne3A_403 : i32 to vector<16xi32>
          %ne3A_405 = arith.cmpi ne, %rem3A_402, %ne3A_404 : vector<16xi32>
          %and3A_406 = arith.andi %ne3A_400, %ne3A_405 : vector<16xi1>
          %sub3A_407 = arith.constant 1 : i32
          %sub3A_408 = vector.broadcast %sub3A_407 : i32 to vector<16xi32>
          %sub3A_409 = arith.subi %div3A_382, %sub3A_408 : vector<16xi32>
          %select_n3A_410 = arith.select %and3A_406, %sub3A_409, %div3A_382 : vector<16xi1>, vector<16xi32>
          %swap3A_411 = arith.constant 16 : index
          %swap3A_412 = tpu.vector_load %arg31[%swap3A_411] {strides = array<i32>} : memref<32xi32, #tpu.memory_space<vmem>>, vector<16xi32>,
          tpu.vector_store %arg31[%swap3A_411], %select_n3A_410 {strides = array<i32>} : memref<32xi32, #tpu.memory_space<vmem>>, vector<16xi32>,
          %jit3A_413 = arith.constant 8192 : i32
          %eq3A_414 = arith.constant 0 : i32
          %eq3A_415 = arith.cmpi eq, %jit3A_413, %eq3A_414 : i32
          %jit3A_416 = arith.constant 1 : i32
          %select_n3A_417 = arith.select %eq3A_415, %jit3A_416, %jit3A_413 : i32
          %rem3A_418 = vector.broadcast %select_n3A_417 : i32 to vector<16xi32>
          %rem3A_419 = arith.remsi %get3A_379, %rem3A_418 : vector<16xi32>
          %ne3A_420 = arith.constant 0 : i32
          %ne3A_421 = vector.broadcast %ne3A_420 : i32 to vector<16xi32>
          %ne3A_422 = arith.cmpi ne, %rem3A_419, %ne3A_421 : vector<16xi32>
          %lt3A_423 = arith.constant 0 : i32
          %lt3A_424 = vector.broadcast %lt3A_423 : i32 to vector<16xi32>
          %lt3A_425 = arith.cmpi slt, %rem3A_419, %lt3A_424 : vector<16xi32>
          %lt3A_426 = arith.constant 0 : i32
          %lt3A_427 = arith.cmpi slt, %select_n3A_417, %lt3A_426 : i32
          %ne3A_428 = vector.broadcast %lt3A_427 : i1 to vector<16xi1>
          %ne3A_429 = vector.broadcast %ne3A_428 : vector<16xi1> to vector<16xi1>
          %ne3A_430 = arith.xori %lt3A_425, %ne3A_429 : vector<16xi1>
          %and3A_431 = arith.andi %ne3A_430, %ne3A_422 : vector<16xi1>
          %add3A_432 = vector.broadcast %select_n3A_417 : i32 to vector<16xi32>
          %add3A_433 = arith.addi %rem3A_419, %add3A_432 : vector<16xi32>
          %select_n3A_434 = arith.select %and3A_431, %add3A_433, %rem3A_419 : vector<16xi1>, vector<16xi32>
          %swap3A_435 = arith.constant 16 : index
          %swap3A_436 = tpu.vector_load %arg32[%swap3A_435] {strides = array<i32>} : memref<32xi32, #tpu.memory_space<vmem>>, vector<16xi32>,
          tpu.vector_store %arg32[%swap3A_435], %select_n3A_434 {strides = array<i32>} : memref<32xi32, #tpu.memory_space<vmem>>, vector<16xi32>,
          %dma_start3A = arith.constant 0 : i32
          %dma_start3A_437 = arith.constant 0 : i32
          %dma_start3A_438 = tpu.memref_slice %arg4[%dma_start3A, %dma_start3A_437] : memref<10000x128xf32, #tpu.memory_space<hbm>> -> memref<10000x128xf32, #tpu.memory_space<hbm>>
          tpu.enqueue_indirect_dma source(%dma_start3A_438 : memref<10000x128xf32, #tpu.memory_space<hbm>>) target(%arg33 : memref<32x128xf32, #tpu.memory_space<vmem>>) offsets(%arg31 : memref<32xi32, #tpu.memory_space<vmem>>) semaphore(%arg47 : memref<!tpu.dma_semaphore, #tpu.memory_space<semaphore_mem>>)
        } else {
        }
        "tpu.region"() ({
          %run_scoped3A = tpu.sem_alloc : memref<!tpu.dma_semaphore, #tpu.memory_space<semaphore_mem>>
          %dma_start3A = arith.constant 0 : i32
          %dma_start3A_309 = arith.constant 0 : i32
          %dma_start3A_310 = tpu.memref_slice %arg9[%dma_start3A, %dma_start3A_309] : memref<5120x128xf32, #tpu.memory_space<vmem_shared>> -> memref<5120x128xf32, #tpu.memory_space<vmem_shared>>
          tpu.enqueue_indirect_dma source(%arg36 : memref<32x128xf32, #tpu.memory_space<vmem>>) target(%dma_start3A_310 : memref<5120x128xf32, #tpu.memory_space<vmem_shared>>) offsets(%arg35 : memref<32xi32, #tpu.memory_space<vmem>>) semaphore(%run_scoped3A : memref<!tpu.dma_semaphore, #tpu.memory_space<semaphore_mem>>) {add = true}
          %dma_wait3A_311 = arith.constant 0 : i32
          %dma_wait3A_312 = arith.constant 0 : i32
          %dma_wait3A_313 = tpu.memref_slice %arg9[%dma_wait3A_311, %dma_wait3A_312] : memref<5120x128xf32, #tpu.memory_space<vmem_shared>> -> memref<5120x128xf32, #tpu.memory_space<vmem_shared>>
          tpu.wait_indirect_dma semaphore(%run_scoped3A : memref<!tpu.dma_semaphore, #tpu.memory_space<semaphore_mem>>) src(%arg36 : memref<32x128xf32, #tpu.memory_space<vmem>>) dst(%dma_wait3A_313 : memref<5120x128xf32, #tpu.memory_space<vmem_shared>>)
          tpu.yield
        }) : () -> ()
      } else {
      }
      %while3A_298 = arith.constant 0 : i32
      scf.yield %while3A_298 : i32
    }
    %barrier3A_224 = arith.constant 0 : index
    tpu.barrier barrier_id(%barrier3A_224)
    "tpu.region"() ({
      %run_scoped3A = tpu.sem_alloc : memref<!tpu.dma_semaphore, #tpu.memory_space<semaphore_mem>>
      tpu.enqueue_dma source(%arg6 : memref<128xf32, #tpu.memory_space<hbm>>) target(%arg39 : memref<128xf32, #tpu.memory_space<vmem>>) target_semaphore(%run_scoped3A : memref<!tpu.dma_semaphore, #tpu.memory_space<semaphore_mem>>)
      tpu.wait_dma2 semaphore(%run_scoped3A : memref<!tpu.dma_semaphore, #tpu.memory_space<semaphore_mem>>) src(%arg6 : memref<128xf32, #tpu.memory_space<hbm>>) dst(%arg39 : memref<128xf32, #tpu.memory_space<vmem>>)
      tpu.yield
    }) : () -> ()
    "tpu.region"() ({
      %run_scoped3A = tpu.sem_alloc : memref<!tpu.dma_semaphore, #tpu.memory_space<semaphore_mem>>
      tpu.enqueue_dma source(%arg7 : memref<16xf32, #tpu.memory_space<hbm>>) target(%arg40 : memref<16xf32, #tpu.memory_space<vmem>>) target_semaphore(%run_scoped3A : memref<!tpu.dma_semaphore, #tpu.memory_space<semaphore_mem>>)
      tpu.wait_dma2 semaphore(%run_scoped3A : memref<!tpu.dma_semaphore, #tpu.memory_space<semaphore_mem>>) src(%arg7 : memref<16xf32, #tpu.memory_space<hbm>>) dst(%arg40 : memref<16xf32, #tpu.memory_space<vmem>>)
      tpu.yield
    }) : () -> ()
    %get3A = arith.constant 0 : index
    %get3A_225 = tpu.vector_load %arg40[%get3A] {strides = array<i32>} : memref<16xf32, #tpu.memory_space<vmem>>, vector<16xf32>,
    %scan3A_226 = arith.constant 0 : i32
    %scan3A_227 = arith.constant 0 : i32
    %scan3A_228 = arith.constant 8 : i32
    %scan3A_229 = arith.addi %scan3A_227, %scan3A_228 : i32
    %scan3A_230 = arith.constant 1 : i32
    %scan3A_231 = scf.for %scan3A_233 = %scan3A_227 to %scan3A_229 step %scan3A_230 iter_args(%scan3A_234 = %scan3A_226) -> (i32)  : i32 {
      %mul3A_235 = arith.constant 320 : i32
      %mul3A_236 = arith.muli %arg1, %mul3A_235 : i32
      %mul3A_237 = arith.constant 40 : i32
      %mul3A_238 = arith.muli %scan3A_233, %mul3A_237 : i32
      %add3A_239 = arith.addi %mul3A_236, %mul3A_238 : i32
      %lt3A = arith.constant 5000 : i32
      %lt3A_240 = arith.cmpi slt, %add3A_239, %lt3A : i32
      %convert_element_type3A_241 = arith.extui %lt3A_240 : i1 to i32
      %cond3A_242 = arith.constant 0 : i32
      %cond3A_243 = arith.cmpi ne, %convert_element_type3A_241, %cond3A_242 : i32
      scf.if %cond3A_243 {
        %mul3A_245 = arith.constant 5000 : i32
        %mul3A_246 = arith.muli %arg0, %mul3A_245 : i32
        %add3A_247 = arith.addi %mul3A_246, %add3A_239 : i32
        "tpu.region"() ({
          %run_scoped3A = tpu.sem_alloc : memref<!tpu.dma_semaphore, #tpu.memory_space<semaphore_mem>>
          %dma_start3A = arith.constant 0 : i32
          %dma_start3A_255 = tpu.memref_slice %arg9[%add3A_239, %dma_start3A] : memref<5120x128xf32, #tpu.memory_space<vmem_shared>> -> memref<40x128xf32, #tpu.memory_space<vmem_shared>>
          %dma_start3A_256 = arith.constant 0 : i32
          %dma_start3A_257 = tpu.memref_slice %arg9[%add3A_239, %dma_start3A_256] : memref<5120x128xf32, #tpu.memory_space<vmem_shared>> -> memref<40x128xf32, #tpu.memory_space<vmem_shared>>
          tpu.enqueue_dma source(%dma_start3A_257 : memref<40x128xf32, #tpu.memory_space<vmem_shared>>) target(%arg37 : memref<40x128xf32, #tpu.memory_space<vmem>>) target_semaphore(%run_scoped3A : memref<!tpu.dma_semaphore, #tpu.memory_space<semaphore_mem>>)
          %dma_wait3A = arith.constant 0 : i32
          %dma_wait3A_258 = tpu.memref_slice %arg9[%add3A_239, %dma_wait3A] : memref<5120x128xf32, #tpu.memory_space<vmem_shared>> -> memref<40x128xf32, #tpu.memory_space<vmem_shared>>
          %dma_wait3A_259 = arith.constant 0 : i32
          %dma_wait3A_260 = tpu.memref_slice %arg9[%add3A_239, %dma_wait3A_259] : memref<5120x128xf32, #tpu.memory_space<vmem_shared>> -> memref<40x128xf32, #tpu.memory_space<vmem_shared>>
          tpu.wait_dma2 semaphore(%run_scoped3A : memref<!tpu.dma_semaphore, #tpu.memory_space<semaphore_mem>>) src(%dma_wait3A_260 : memref<40x128xf32, #tpu.memory_space<vmem_shared>>) dst(%arg37 : memref<40x128xf32, #tpu.memory_space<vmem>>)
          tpu.yield
        }) : () -> ()
        "tpu.region"() ({
          %run_scoped3A = tpu.sem_alloc : memref<!tpu.dma_semaphore, #tpu.memory_space<semaphore_mem>>
          %dma_start3A = arith.constant 0 : i32
          %dma_start3A_255 = tpu.memref_slice %arg5[%add3A_247, %dma_start3A] : memref<10000x128xf32, #tpu.memory_space<hbm>> -> memref<40x128xf32, #tpu.memory_space<hbm>>
          %dma_start3A_256 = arith.constant 0 : i32
          %dma_start3A_257 = tpu.memref_slice %arg5[%add3A_247, %dma_start3A_256] : memref<10000x128xf32, #tpu.memory_space<hbm>> -> memref<40x128xf32, #tpu.memory_space<hbm>>
          tpu.enqueue_dma source(%dma_start3A_257 : memref<40x128xf32, #tpu.memory_space<hbm>>) target(%arg38 : memref<40x128xf32, #tpu.memory_space<vmem>>) target_semaphore(%run_scoped3A : memref<!tpu.dma_semaphore, #tpu.memory_space<semaphore_mem>>)
          %dma_wait3A = arith.constant 0 : i32
          %dma_wait3A_258 = tpu.memref_slice %arg5[%add3A_247, %dma_wait3A] : memref<10000x128xf32, #tpu.memory_space<hbm>> -> memref<40x128xf32, #tpu.memory_space<hbm>>
          %dma_wait3A_259 = arith.constant 0 : i32
          %dma_wait3A_260 = tpu.memref_slice %arg5[%add3A_247, %dma_wait3A_259] : memref<10000x128xf32, #tpu.memory_space<hbm>> -> memref<40x128xf32, #tpu.memory_space<hbm>>
          tpu.wait_dma2 semaphore(%run_scoped3A : memref<!tpu.dma_semaphore, #tpu.memory_space<semaphore_mem>>) src(%dma_wait3A_260 : memref<40x128xf32, #tpu.memory_space<hbm>>) dst(%arg38 : memref<40x128xf32, #tpu.memory_space<vmem>>)
          tpu.yield
        }) : () -> ()
        %scan3A_248 = arith.constant 0 : i32
        %scan3A_249 = arith.constant 0 : i32
        %scan3A_250 = arith.constant 40 : i32
        %scan3A_251 = arith.addi %scan3A_249, %scan3A_250 : i32
        %scan3A_252 = arith.constant 1 : i32
        %scan3A_253 = scf.for %scan3A_255 = %scan3A_249 to %scan3A_251 step %scan3A_252 iter_args(%scan3A_256 = %scan3A_248) -> (i32)  : i32 {
          %get3A_257 = arith.index_cast %scan3A_255 : i32 to index
          %get3A_258 = arith.constant 0 : index
          %get3A_259 = tpu.vector_load %arg38[%get3A_257, %get3A_258] {strides = array<i32>} : memref<40x128xf32, #tpu.memory_space<vmem>>, vector<16xf32>,
          %get3A_260 = arith.index_cast %scan3A_255 : i32 to index
          %get3A_261 = arith.constant 0 : index
          %get3A_262 = tpu.vector_load %arg37[%get3A_260, %get3A_261] {strides = array<i32>} : memref<40x128xf32, #tpu.memory_space<vmem>>, vector<16xf32>,
          %mul3A_263 = arith.mulf %get3A_259, %get3A_262 : vector<16xf32>
          %get3A_264 = arith.constant 0 : index
          %get3A_265 = tpu.vector_load %arg39[%get3A_264] {strides = array<i32>} : memref<128xf32, #tpu.memory_space<vmem>>, vector<16xf32>,
          %add3A_266 = arith.addf %mul3A_263, %get3A_265 : vector<16xf32>
          %ge3A = arith.constant 0.000000e+00 : f32
          %ge3A_267 = vector.broadcast %ge3A : f32 to vector<16xf32>
          %ge3A_268 = arith.cmpf oge, %add3A_266, %ge3A_267 : vector<16xf32>
          %mul3A_269 = arith.mulf %add3A_266, %get3A_225 : vector<16xf32>
          %select_n3A_270 = arith.select %ge3A_268, %add3A_266, %mul3A_269 : vector<16xi1>, vector<16xf32>
          %swap3A = arith.index_cast %scan3A_255 : i32 to index
          %swap3A_271 = arith.constant 0 : index
          %swap3A_272 = tpu.vector_load %arg37[%swap3A, %swap3A_271] {strides = array<i32>} : memref<40x128xf32, #tpu.memory_space<vmem>>, vector<16xf32>,
          tpu.vector_store %arg37[%swap3A, %swap3A_271], %select_n3A_270 {strides = array<i32>} : memref<40x128xf32, #tpu.memory_space<vmem>>, vector<16xf32>,
          %get3A_273 = arith.index_cast %scan3A_255 : i32 to index
          %get3A_274 = arith.constant 16 : index
          %get3A_275 = tpu.vector_load %arg37[%get3A_273, %get3A_274] {strides = array<i32>} : memref<40x128xf32, #tpu.memory_space<vmem>>, vector<16xf32>,
          %mul3A_276 = arith.mulf %get3A_259, %get3A_275 : vector<16xf32>
          %get3A_277 = arith.constant 16 : index
          %get3A_278 = tpu.vector_load %arg39[%get3A_277] {strides = array<i32>} : memref<128xf32, #tpu.memory_space<vmem>>, vector<16xf32>,
          %add3A_279 = arith.addf %mul3A_276, %get3A_278 : vector<16xf32>
          %ge3A_280 = arith.constant 0.000000e+00 : f32
          %ge3A_281 = vector.broadcast %ge3A_280 : f32 to vector<16xf32>
          %ge3A_282 = arith.cmpf oge, %add3A_279, %ge3A_281 : vector<16xf32>
          %mul3A_283 = arith.mulf %add3A_279, %get3A_225 : vector<16xf32>
          %select_n3A_284 = arith.select %ge3A_282, %add3A_279, %mul3A_283 : vector<16xi1>, vector<16xf32>
          %swap3A_285 = arith.index_cast %scan3A_255 : i32 to index
          %swap3A_286 = arith.constant 16 : index
          %swap3A_287 = tpu.vector_load %arg37[%swap3A_285, %swap3A_286] {strides = array<i32>} : memref<40x128xf32, #tpu.memory_space<vmem>>, vector<16xf32>,
          tpu.vector_store %arg37[%swap3A_285, %swap3A_286], %select_n3A_284 {strides = array<i32>} : memref<40x128xf32, #tpu.memory_space<vmem>>, vector<16xf32>,
          %get3A_288 = arith.index_cast %scan3A_255 : i32 to index
          %get3A_289 = arith.constant 32 : index
          %get3A_290 = tpu.vector_load %arg37[%get3A_288, %get3A_289] {strides = array<i32>} : memref<40x128xf32, #tpu.memory_space<vmem>>, vector<16xf32>,
          %mul3A_291 = arith.mulf %get3A_259, %get3A_290 : vector<16xf32>
          %get3A_292 = arith.constant 32 : index
          %get3A_293 = tpu.vector_load %arg39[%get3A_292] {strides = array<i32>} : memref<128xf32, #tpu.memory_space<vmem>>, vector<16xf32>,
          %add3A_294 = arith.addf %mul3A_291, %get3A_293 : vector<16xf32>
          %ge3A_295 = arith.constant 0.000000e+00 : f32
          %ge3A_296 = vector.broadcast %ge3A_295 : f32 to vector<16xf32>
          %ge3A_297 = arith.cmpf oge, %add3A_294, %ge3A_296 : vector<16xf32>
          %mul3A_298 = arith.mulf %add3A_294, %get3A_225 : vector<16xf32>
          %select_n3A_299 = arith.select %ge3A_297, %add3A_294, %mul3A_298 : vector<16xi1>, vector<16xf32>
          %swap3A_300 = arith.index_cast %scan3A_255 : i32 to index
          %swap3A_301 = arith.constant 32 : index
          %swap3A_302 = tpu.vector_load %arg37[%swap3A_300, %swap3A_301] {strides = array<i32>} : memref<40x128xf32, #tpu.memory_space<vmem>>, vector<16xf32>,
          tpu.vector_store %arg37[%swap3A_300, %swap3A_301], %select_n3A_299 {strides = array<i32>} : memref<40x128xf32, #tpu.memory_space<vmem>>, vector<16xf32>,
          %get3A_303 = arith.index_cast %scan3A_255 : i32 to index
          %get3A_304 = arith.constant 48 : index
          %get3A_305 = tpu.vector_load %arg37[%get3A_303, %get3A_304] {strides = array<i32>} : memref<40x128xf32, #tpu.memory_space<vmem>>, vector<16xf32>,
          %mul3A_306 = arith.mulf %get3A_259, %get3A_305 : vector<16xf32>
          %get3A_307 = arith.constant 48 : index
          %get3A_308 = tpu.vector_load %arg39[%get3A_307] {strides = array<i32>} : memref<128xf32, #tpu.memory_space<vmem>>, vector<16xf32>,
          %add3A_309 = arith.addf %mul3A_306, %get3A_308 : vector<16xf32>
          %ge3A_310 = arith.constant 0.000000e+00 : f32
          %ge3A_311 = vector.broadcast %ge3A_310 : f32 to vector<16xf32>
          %ge3A_312 = arith.cmpf oge, %add3A_309, %ge3A_311 : vector<16xf32>
          %mul3A_313 = arith.mulf %add3A_309, %get3A_225 : vector<16xf32>
          %select_n3A_314 = arith.select %ge3A_312, %add3A_309, %mul3A_313 : vector<16xi1>, vector<16xf32>
          %swap3A_315 = arith.index_cast %scan3A_255 : i32 to index
          %swap3A_316 = arith.constant 48 : index
          %swap3A_317 = tpu.vector_load %arg37[%swap3A_315, %swap3A_316] {strides = array<i32>} : memref<40x128xf32, #tpu.memory_space<vmem>>, vector<16xf32>,
          tpu.vector_store %arg37[%swap3A_315, %swap3A_316], %select_n3A_314 {strides = array<i32>} : memref<40x128xf32, #tpu.memory_space<vmem>>, vector<16xf32>,
          %get3A_318 = arith.index_cast %scan3A_255 : i32 to index
          %get3A_319 = arith.constant 64 : index
          %get3A_320 = tpu.vector_load %arg37[%get3A_318, %get3A_319] {strides = array<i32>} : memref<40x128xf32, #tpu.memory_space<vmem>>, vector<16xf32>,
          %mul3A_321 = arith.mulf %get3A_259, %get3A_320 : vector<16xf32>
          %get3A_322 = arith.constant 64 : index
          %get3A_323 = tpu.vector_load %arg39[%get3A_322] {strides = array<i32>} : memref<128xf32, #tpu.memory_space<vmem>>, vector<16xf32>,
          %add3A_324 = arith.addf %mul3A_321, %get3A_323 : vector<16xf32>
          %ge3A_325 = arith.constant 0.000000e+00 : f32
          %ge3A_326 = vector.broadcast %ge3A_325 : f32 to vector<16xf32>
          %ge3A_327 = arith.cmpf oge, %add3A_324, %ge3A_326 : vector<16xf32>
          %mul3A_328 = arith.mulf %add3A_324, %get3A_225 : vector<16xf32>
          %select_n3A_329 = arith.select %ge3A_327, %add3A_324, %mul3A_328 : vector<16xi1>, vector<16xf32>
          %swap3A_330 = arith.index_cast %scan3A_255 : i32 to index
          %swap3A_331 = arith.constant 64 : index
          %swap3A_332 = tpu.vector_load %arg37[%swap3A_330, %swap3A_331] {strides = array<i32>} : memref<40x128xf32, #tpu.memory_space<vmem>>, vector<16xf32>,
          tpu.vector_store %arg37[%swap3A_330, %swap3A_331], %select_n3A_329 {strides = array<i32>} : memref<40x128xf32, #tpu.memory_space<vmem>>, vector<16xf32>,
          %get3A_333 = arith.index_cast %scan3A_255 : i32 to index
          %get3A_334 = arith.constant 80 : index
          %get3A_335 = tpu.vector_load %arg37[%get3A_333, %get3A_334] {strides = array<i32>} : memref<40x128xf32, #tpu.memory_space<vmem>>, vector<16xf32>,
          %mul3A_336 = arith.mulf %get3A_259, %get3A_335 : vector<16xf32>
          %get3A_337 = arith.constant 80 : index
          %get3A_338 = tpu.vector_load %arg39[%get3A_337] {strides = array<i32>} : memref<128xf32, #tpu.memory_space<vmem>>, vector<16xf32>,
          %add3A_339 = arith.addf %mul3A_336, %get3A_338 : vector<16xf32>
          %ge3A_340 = arith.constant 0.000000e+00 : f32
          %ge3A_341 = vector.broadcast %ge3A_340 : f32 to vector<16xf32>
          %ge3A_342 = arith.cmpf oge, %add3A_339, %ge3A_341 : vector<16xf32>
          %mul3A_343 = arith.mulf %add3A_339, %get3A_225 : vector<16xf32>
          %select_n3A_344 = arith.select %ge3A_342, %add3A_339, %mul3A_343 : vector<16xi1>, vector<16xf32>
          %swap3A_345 = arith.index_cast %scan3A_255 : i32 to index
          %swap3A_346 = arith.constant 80 : index
          %swap3A_347 = tpu.vector_load %arg37[%swap3A_345, %swap3A_346] {strides = array<i32>} : memref<40x128xf32, #tpu.memory_space<vmem>>, vector<16xf32>,
          tpu.vector_store %arg37[%swap3A_345, %swap3A_346], %select_n3A_344 {strides = array<i32>} : memref<40x128xf32, #tpu.memory_space<vmem>>, vector<16xf32>,
          %get3A_348 = arith.index_cast %scan3A_255 : i32 to index
          %get3A_349 = arith.constant 96 : index
          %get3A_350 = tpu.vector_load %arg37[%get3A_348, %get3A_349] {strides = array<i32>} : memref<40x128xf32, #tpu.memory_space<vmem>>, vector<16xf32>,
          %mul3A_351 = arith.mulf %get3A_259, %get3A_350 : vector<16xf32>
          %get3A_352 = arith.constant 96 : index
          %get3A_353 = tpu.vector_load %arg39[%get3A_352] {strides = array<i32>} : memref<128xf32, #tpu.memory_space<vmem>>, vector<16xf32>,
          %add3A_354 = arith.addf %mul3A_351, %get3A_353 : vector<16xf32>
          %ge3A_355 = arith.constant 0.000000e+00 : f32
          %ge3A_356 = vector.broadcast %ge3A_355 : f32 to vector<16xf32>
          %ge3A_357 = arith.cmpf oge, %add3A_354, %ge3A_356 : vector<16xf32>
          %mul3A_358 = arith.mulf %add3A_354, %get3A_225 : vector<16xf32>
          %select_n3A_359 = arith.select %ge3A_357, %add3A_354, %mul3A_358 : vector<16xi1>, vector<16xf32>
          %swap3A_360 = arith.index_cast %scan3A_255 : i32 to index
          %swap3A_361 = arith.constant 96 : index
          %swap3A_362 = tpu.vector_load %arg37[%swap3A_360, %swap3A_361] {strides = array<i32>} : memref<40x128xf32, #tpu.memory_space<vmem>>, vector<16xf32>,
          tpu.vector_store %arg37[%swap3A_360, %swap3A_361], %select_n3A_359 {strides = array<i32>} : memref<40x128xf32, #tpu.memory_space<vmem>>, vector<16xf32>,
          %get3A_363 = arith.index_cast %scan3A_255 : i32 to index
          %get3A_364 = arith.constant 112 : index
          %get3A_365 = tpu.vector_load %arg37[%get3A_363, %get3A_364] {strides = array<i32>} : memref<40x128xf32, #tpu.memory_space<vmem>>, vector<16xf32>,
          %mul3A_366 = arith.mulf %get3A_259, %get3A_365 : vector<16xf32>
          %get3A_367 = arith.constant 112 : index
          %get3A_368 = tpu.vector_load %arg39[%get3A_367] {strides = array<i32>} : memref<128xf32, #tpu.memory_space<vmem>>, vector<16xf32>,
          %add3A_369 = arith.addf %mul3A_366, %get3A_368 : vector<16xf32>
          %ge3A_370 = arith.constant 0.000000e+00 : f32
          %ge3A_371 = vector.broadcast %ge3A_370 : f32 to vector<16xf32>
          %ge3A_372 = arith.cmpf oge, %add3A_369, %ge3A_371 : vector<16xf32>
          %mul3A_373 = arith.mulf %add3A_369, %get3A_225 : vector<16xf32>
          %select_n3A_374 = arith.select %ge3A_372, %add3A_369, %mul3A_373 : vector<16xi1>, vector<16xf32>
          %swap3A_375 = arith.index_cast %scan3A_255 : i32 to index
          %swap3A_376 = arith.constant 112 : index
          %swap3A_377 = tpu.vector_load %arg37[%swap3A_375, %swap3A_376] {strides = array<i32>} : memref<40x128xf32, #tpu.memory_space<vmem>>, vector<16xf32>,
          tpu.vector_store %arg37[%swap3A_375, %swap3A_376], %select_n3A_374 {strides = array<i32>} : memref<40x128xf32, #tpu.memory_space<vmem>>, vector<16xf32>,
          %scan3A_378 = arith.constant 0 : i32
          scf.yield %scan3A_378 : i32
        }
        %scan3A_254 = arith.constant 40 : i32
        "tpu.region"() ({
          %run_scoped3A = tpu.sem_alloc : memref<!tpu.dma_semaphore, #tpu.memory_space<semaphore_mem>>
          %dma_start3A = arith.constant 0 : i32
          %dma_start3A_255 = tpu.memref_slice %arg8[%add3A_247, %dma_start3A] : memref<10000x128xf32, #tpu.memory_space<hbm>> -> memref<40x128xf32, #tpu.memory_space<hbm>>
          %dma_start3A_256 = arith.constant 0 : i32
          %dma_start3A_257 = tpu.memref_slice %arg8[%add3A_247, %dma_start3A_256] : memref<10000x128xf32, #tpu.memory_space<hbm>> -> memref<40x128xf32, #tpu.memory_space<hbm>>
          tpu.enqueue_dma source(%arg37 : memref<40x128xf32, #tpu.memory_space<vmem>>) target(%dma_start3A_257 : memref<40x128xf32, #tpu.memory_space<hbm>>) target_semaphore(%run_scoped3A : memref<!tpu.dma_semaphore, #tpu.memory_space<semaphore_mem>>)
          %dma_wait3A = arith.constant 0 : i32
          %dma_wait3A_258 = tpu.memref_slice %arg8[%add3A_247, %dma_wait3A] : memref<10000x128xf32, #tpu.memory_space<hbm>> -> memref<40x128xf32, #tpu.memory_space<hbm>>
          %dma_wait3A_259 = arith.constant 0 : i32
          %dma_wait3A_260 = tpu.memref_slice %arg8[%add3A_247, %dma_wait3A_259] : memref<10000x128xf32, #tpu.memory_space<hbm>> -> memref<40x128xf32, #tpu.memory_space<hbm>>
          tpu.wait_dma2 semaphore(%run_scoped3A : memref<!tpu.dma_semaphore, #tpu.memory_space<semaphore_mem>>) src(%arg37 : memref<40x128xf32, #tpu.memory_space<vmem>>) dst(%dma_wait3A_260 : memref<40x128xf32, #tpu.memory_space<hbm>>)
          tpu.yield
        }) : () -> ()
      } else {
      }
      %scan3A_244 = arith.constant 0 : i32
      scf.yield %scan3A_244 : i32
    }
    %scan3A_232 = arith.constant 8 : i32
    return
  }
}

#map = affine_map<(d0, d1) -> (0)>
#map1 = affine_map<(d0, d1) -> (0, 0)>
module attributes {stable_mosaic.version = 14 : i64} {
  func.func @_deg_body(%arg0: i32, %arg1: i32, %arg2: memref<320000xi32, #tpu.memory_space<hbm>>, %arg3: memref<2x10240xf32, #tpu.memory_space<hbm>>, %arg4: memref<10240xf32, #tpu.memory_space<vmem_shared>>, %arg5: memref<10000xi32, #tpu.memory_space<vmem>>, %arg6: memref<32xi32, #tpu.memory_space<vmem>>, %arg7: memref<32xf32, #tpu.memory_space<vmem>>, %arg8: memref<640xf32, #tpu.memory_space<vmem>>) attributes {dimension_semantics = [#tpu.dimension_semantics<core_parallel>, #tpu.dimension_semantics<subcore_parallel>], iteration_bounds = array<i64: 2, 16>, scalar_prefetch = 0 : i64, scratch_operands = 5 : i64, tpu.core_type = #tpu.core_type<sc_vector_subcore>, window_params = [{transform_indices = #map}, {transform_indices = #map1}]} {
    %mul3A = arith.constant 16 : i32
    %mul3A_0 = arith.muli %arg0, %mul3A : i32
    %add3A = arith.addi %mul3A_0, %arg1 : i32
    %broadcast_in_dim3A = arith.constant 0.000000e+00 : f32
    %broadcast_in_dim3A_1 = vector.broadcast %broadcast_in_dim3A : f32 to vector<16xf32>
    %scan3A = arith.constant 0 : i32
    %scan3A_2 = arith.constant 0 : i32
    %scan3A_3 = arith.constant 40 : i32
    %scan3A_4 = arith.addi %scan3A_2, %scan3A_3 : i32
    %scan3A_5 = arith.constant 1 : i32
    %scan3A_6 = scf.for %scan3A_45 = %scan3A_2 to %scan3A_4 step %scan3A_5 iter_args(%scan3A_46 = %scan3A) -> (i32)  : i32 {
      %mul3A_47 = arith.constant 16 : i32
      %mul3A_48 = arith.muli %scan3A_45, %mul3A_47 : i32
      %swap3A_49 = arith.index_cast %mul3A_48 : i32 to index
      %swap3A_50 = tpu.vector_load %arg8[%swap3A_49] {strides = array<i32>} : memref<640xf32, #tpu.memory_space<vmem>>, vector<16xf32>,
      tpu.vector_store %arg8[%swap3A_49], %broadcast_in_dim3A_1 {strides = array<i32>} : memref<640xf32, #tpu.memory_space<vmem>>, vector<16xf32>,
      %scan3A_51 = arith.constant 0 : i32
      scf.yield %scan3A_51 : i32
    }
    %scan3A_7 = arith.constant 40 : i32
    %broadcast_in_dim3A_8 = arith.constant 1.000000e+00 : f32
    %broadcast_in_dim3A_9 = vector.broadcast %broadcast_in_dim3A_8 : f32 to vector<16xf32>
    %scan3A_10 = arith.constant 0 : i32
    %scan3A_11 = arith.constant 0 : i32
    %scan3A_12 = arith.constant 2 : i32
    %scan3A_13 = arith.addi %scan3A_11, %scan3A_12 : i32
    %scan3A_14 = arith.constant 1 : i32
    %scan3A_15 = scf.for %scan3A_45 = %scan3A_11 to %scan3A_13 step %scan3A_14 iter_args(%scan3A_46 = %scan3A_10) -> (i32)  : i32 {
      %mul3A_47 = arith.constant 16 : i32
      %mul3A_48 = arith.muli %scan3A_45, %mul3A_47 : i32
      %swap3A_49 = arith.index_cast %mul3A_48 : i32 to index
      %swap3A_50 = tpu.vector_load %arg7[%swap3A_49] {strides = array<i32>} : memref<32xf32, #tpu.memory_space<vmem>>, vector<16xf32>,
      tpu.vector_store %arg7[%swap3A_49], %broadcast_in_dim3A_9 {strides = array<i32>} : memref<32xf32, #tpu.memory_space<vmem>>, vector<16xf32>,
      %scan3A_51 = arith.constant 0 : i32
      scf.yield %scan3A_51 : i32
    }
    %scan3A_16 = arith.constant 2 : i32
    %mul3A_17 = arith.constant 640 : i32
    %mul3A_18 = arith.muli %arg1, %mul3A_17 : i32
    "tpu.region"() ({
      %run_scoped3A = tpu.sem_alloc : memref<!tpu.dma_semaphore, #tpu.memory_space<semaphore_mem>>
      %dma_start3A = tpu.memref_slice %arg4[%mul3A_18] : memref<10240xf32, #tpu.memory_space<vmem_shared>> -> memref<640xf32, #tpu.memory_space<vmem_shared>>
      %dma_start3A_45 = tpu.memref_slice %arg4[%mul3A_18] : memref<10240xf32, #tpu.memory_space<vmem_shared>> -> memref<640xf32, #tpu.memory_space<vmem_shared>>
      tpu.enqueue_dma source(%arg8 : memref<640xf32, #tpu.memory_space<vmem>>) target(%dma_start3A_45 : memref<640xf32, #tpu.memory_space<vmem_shared>>) target_semaphore(%run_scoped3A : memref<!tpu.dma_semaphore, #tpu.memory_space<semaphore_mem>>)
      %dma_wait3A = tpu.memref_slice %arg4[%mul3A_18] : memref<10240xf32, #tpu.memory_space<vmem_shared>> -> memref<640xf32, #tpu.memory_space<vmem_shared>>
      %dma_wait3A_46 = tpu.memref_slice %arg4[%mul3A_18] : memref<10240xf32, #tpu.memory_space<vmem_shared>> -> memref<640xf32, #tpu.memory_space<vmem_shared>>
      tpu.wait_dma2 semaphore(%run_scoped3A : memref<!tpu.dma_semaphore, #tpu.memory_space<semaphore_mem>>) src(%arg8 : memref<640xf32, #tpu.memory_space<vmem>>) dst(%dma_wait3A_46 : memref<640xf32, #tpu.memory_space<vmem_shared>>)
      tpu.yield
    }) : () -> ()
    %barrier3A = arith.constant 0 : index
    tpu.barrier barrier_id(%barrier3A)
    %mul3A_19 = arith.constant 10000 : i32
    %mul3A_20 = arith.muli %add3A, %mul3A_19 : i32
    "tpu.region"() ({
      %run_scoped3A = tpu.sem_alloc : memref<!tpu.dma_semaphore, #tpu.memory_space<semaphore_mem>>
      %dma_start3A = tpu.memref_slice %arg2[%mul3A_20] : memref<320000xi32, #tpu.memory_space<hbm>> -> memref<10000xi32, #tpu.memory_space<hbm>>
      %dma_start3A_45 = tpu.memref_slice %arg2[%mul3A_20] : memref<320000xi32, #tpu.memory_space<hbm>> -> memref<10000xi32, #tpu.memory_space<hbm>>
      tpu.enqueue_dma source(%dma_start3A_45 : memref<10000xi32, #tpu.memory_space<hbm>>) target(%arg5 : memref<10000xi32, #tpu.memory_space<vmem>>) target_semaphore(%run_scoped3A : memref<!tpu.dma_semaphore, #tpu.memory_space<semaphore_mem>>)
      %dma_wait3A = tpu.memref_slice %arg2[%mul3A_20] : memref<320000xi32, #tpu.memory_space<hbm>> -> memref<10000xi32, #tpu.memory_space<hbm>>
      %dma_wait3A_46 = tpu.memref_slice %arg2[%mul3A_20] : memref<320000xi32, #tpu.memory_space<hbm>> -> memref<10000xi32, #tpu.memory_space<hbm>>
      tpu.wait_dma2 semaphore(%run_scoped3A : memref<!tpu.dma_semaphore, #tpu.memory_space<semaphore_mem>>) src(%dma_wait3A_46 : memref<10000xi32, #tpu.memory_space<hbm>>) dst(%arg5 : memref<10000xi32, #tpu.memory_space<vmem>>)
      tpu.yield
    }) : () -> ()
    %scan3A_21 = arith.constant 0 : i32
    %scan3A_22 = arith.constant 0 : i32
    %scan3A_23 = arith.constant 312 : i32
    %scan3A_24 = arith.addi %scan3A_22, %scan3A_23 : i32
    %scan3A_25 = arith.constant 1 : i32
    %scan3A_26 = scf.for %scan3A_45 = %scan3A_22 to %scan3A_24 step %scan3A_25 iter_args(%scan3A_46 = %scan3A_21) -> (i32)  : i32 {
      %mul3A_47 = arith.constant 32 : i32
      %mul3A_48 = arith.muli %scan3A_45, %mul3A_47 : i32
      %add3A_49 = arith.constant 0 : i32
      %add3A_50 = arith.addi %mul3A_48, %add3A_49 : i32
      %get3A_51 = arith.index_cast %add3A_50 : i32 to index
      %get3A_52 = tpu.vector_load %arg5[%get3A_51] {strides = array<i32>} : memref<10000xi32, #tpu.memory_space<vmem>>, vector<16xi32>,
      %swap3A_53 = arith.constant 0 : index
      %swap3A_54 = tpu.vector_load %arg6[%swap3A_53] {strides = array<i32>} : memref<32xi32, #tpu.memory_space<vmem>>, vector<16xi32>,
      tpu.vector_store %arg6[%swap3A_53], %get3A_52 {strides = array<i32>} : memref<32xi32, #tpu.memory_space<vmem>>, vector<16xi32>,
      %mul3A_55 = arith.constant 32 : i32
      %mul3A_56 = arith.muli %scan3A_45, %mul3A_55 : i32
      %add3A_57 = arith.constant 16 : i32
      %add3A_58 = arith.addi %mul3A_56, %add3A_57 : i32
      %get3A_59 = arith.index_cast %add3A_58 : i32 to index
      %get3A_60 = tpu.vector_load %arg5[%get3A_59] {strides = array<i32>} : memref<10000xi32, #tpu.memory_space<vmem>>, vector<16xi32>,
      %swap3A_61 = arith.constant 16 : index
      %swap3A_62 = tpu.vector_load %arg6[%swap3A_61] {strides = array<i32>} : memref<32xi32, #tpu.memory_space<vmem>>, vector<16xi32>,
      tpu.vector_store %arg6[%swap3A_61], %get3A_60 {strides = array<i32>} : memref<32xi32, #tpu.memory_space<vmem>>, vector<16xi32>,
      "tpu.region"() ({
        %run_scoped3A = tpu.sem_alloc : memref<!tpu.dma_semaphore, #tpu.memory_space<semaphore_mem>>
        %dma_start3A = arith.constant 0 : i32
        %dma_start3A_64 = tpu.memref_slice %arg4[%dma_start3A] : memref<10240xf32, #tpu.memory_space<vmem_shared>> -> memref<10240xf32, #tpu.memory_space<vmem_shared>>
        tpu.enqueue_indirect_dma source(%arg7 : memref<32xf32, #tpu.memory_space<vmem>>) target(%dma_start3A_64 : memref<10240xf32, #tpu.memory_space<vmem_shared>>) offsets(%arg6 : memref<32xi32, #tpu.memory_space<vmem>>) semaphore(%run_scoped3A : memref<!tpu.dma_semaphore, #tpu.memory_space<semaphore_mem>>) {add = true}
        %dma_wait3A = arith.constant 0 : i32
        %dma_wait3A_65 = tpu.memref_slice %arg4[%dma_wait3A] : memref<10240xf32, #tpu.memory_space<vmem_shared>> -> memref<10240xf32, #tpu.memory_space<vmem_shared>>
        tpu.wait_indirect_dma semaphore(%run_scoped3A : memref<!tpu.dma_semaphore, #tpu.memory_space<semaphore_mem>>) src(%arg7 : memref<32xf32, #tpu.memory_space<vmem>>) dst(%dma_wait3A_65 : memref<10240xf32, #tpu.memory_space<vmem_shared>>)
        tpu.yield
      }) : () -> ()
      %scan3A_63 = arith.constant 0 : i32
      scf.yield %scan3A_63 : i32
    }
    %scan3A_27 = arith.constant 312 : i32
    %iota3A = tpu.iota {dimensions = array<i32: 0>} : vector<16xi32>
    %add3A_28 = arith.constant 10000 : i32
    %add3A_29 = vector.broadcast %add3A_28 : i32 to vector<16xi32>
    %add3A_30 = arith.addi %iota3A, %add3A_29 : vector<16xi32>
    %swap3A = arith.constant 0 : index
    %swap3A_31 = tpu.vector_load %arg6[%swap3A] {strides = array<i32>} : memref<32xi32, #tpu.memory_space<vmem>>, vector<16xi32>,
    tpu.vector_store %arg6[%swap3A], %add3A_30 {strides = array<i32>} : memref<32xi32, #tpu.memory_space<vmem>>, vector<16xi32>,
    %add3A_32 = arith.constant 10000 : i32
    %add3A_33 = vector.broadcast %add3A_32 : i32 to vector<16xi32>
    %add3A_34 = arith.addi %iota3A, %add3A_33 : vector<16xi32>
    %swap3A_35 = arith.constant 16 : index
    %swap3A_36 = tpu.vector_load %arg6[%swap3A_35] {strides = array<i32>} : memref<32xi32, #tpu.memory_space<vmem>>, vector<16xi32>,
    tpu.vector_store %arg6[%swap3A_35], %add3A_34 {strides = array<i32>} : memref<32xi32, #tpu.memory_space<vmem>>, vector<16xi32>,
    %get3A = arith.constant 9984 : index
    %get3A_37 = tpu.vector_load %arg5[%get3A] {strides = array<i32>} : memref<10000xi32, #tpu.memory_space<vmem>>, vector<16xi32>,
    %swap3A_38 = arith.constant 0 : index
    %swap3A_39 = tpu.vector_load %arg6[%swap3A_38] {strides = array<i32>} : memref<32xi32, #tpu.memory_space<vmem>>, vector<16xi32>,
    tpu.vector_store %arg6[%swap3A_38], %get3A_37 {strides = array<i32>} : memref<32xi32, #tpu.memory_space<vmem>>, vector<16xi32>,
    "tpu.region"() ({
      %run_scoped3A = tpu.sem_alloc : memref<!tpu.dma_semaphore, #tpu.memory_space<semaphore_mem>>
      %dma_start3A = arith.constant 0 : i32
      %dma_start3A_45 = tpu.memref_slice %arg4[%dma_start3A] : memref<10240xf32, #tpu.memory_space<vmem_shared>> -> memref<10240xf32, #tpu.memory_space<vmem_shared>>
      tpu.enqueue_indirect_dma source(%arg7 : memref<32xf32, #tpu.memory_space<vmem>>) target(%dma_start3A_45 : memref<10240xf32, #tpu.memory_space<vmem_shared>>) offsets(%arg6 : memref<32xi32, #tpu.memory_space<vmem>>) semaphore(%run_scoped3A : memref<!tpu.dma_semaphore, #tpu.memory_space<semaphore_mem>>) {add = true}
      %dma_wait3A = arith.constant 0 : i32
      %dma_wait3A_46 = tpu.memref_slice %arg4[%dma_wait3A] : memref<10240xf32, #tpu.memory_space<vmem_shared>> -> memref<10240xf32, #tpu.memory_space<vmem_shared>>
      tpu.wait_indirect_dma semaphore(%run_scoped3A : memref<!tpu.dma_semaphore, #tpu.memory_space<semaphore_mem>>) src(%arg7 : memref<32xf32, #tpu.memory_space<vmem>>) dst(%dma_wait3A_46 : memref<10240xf32, #tpu.memory_space<vmem_shared>>)
      tpu.yield
    }) : () -> ()
    %barrier3A_40 = arith.constant 0 : index
    tpu.barrier barrier_id(%barrier3A_40)
    %mul3A_41 = arith.constant 640 : i32
    %mul3A_42 = arith.muli %arg1, %mul3A_41 : i32
    %mul3A_43 = arith.constant 640 : i32
    %mul3A_44 = arith.muli %arg1, %mul3A_43 : i32
    "tpu.region"() ({
      %run_scoped3A = tpu.sem_alloc : memref<!tpu.dma_semaphore, #tpu.memory_space<semaphore_mem>>
      %dma_start3A = tpu.memref_slice %arg3[%arg0, %mul3A_44] : memref<2x10240xf32, #tpu.memory_space<hbm>> -> memref<1x640xf32, #tpu.memory_space<hbm>>
      %dma_start3A_45 = tpu.memref_squeeze %dma_start3A : memref<1x640xf32, #tpu.memory_space<hbm>> -> memref<640xf32, #tpu.memory_space<hbm>>
      %dma_start3A_46 = tpu.memref_slice %arg4[%mul3A_42] : memref<10240xf32, #tpu.memory_space<vmem_shared>> -> memref<640xf32, #tpu.memory_space<vmem_shared>>
      tpu.enqueue_dma source(%dma_start3A_46 : memref<640xf32, #tpu.memory_space<vmem_shared>>) target(%dma_start3A_45 : memref<640xf32, #tpu.memory_space<hbm>>) target_semaphore(%run_scoped3A : memref<!tpu.dma_semaphore, #tpu.memory_space<semaphore_mem>>)
      %dma_wait3A = tpu.memref_slice %arg3[%arg0, %mul3A_44] : memref<2x10240xf32, #tpu.memory_space<hbm>> -> memref<1x640xf32, #tpu.memory_space<hbm>>
      %dma_wait3A_47 = tpu.memref_squeeze %dma_wait3A : memref<1x640xf32, #tpu.memory_space<hbm>> -> memref<640xf32, #tpu.memory_space<hbm>>
      %dma_wait3A_48 = tpu.memref_slice %arg4[%mul3A_42] : memref<10240xf32, #tpu.memory_space<vmem_shared>> -> memref<640xf32, #tpu.memory_space<vmem_shared>>
      tpu.wait_dma2 semaphore(%run_scoped3A : memref<!tpu.dma_semaphore, #tpu.memory_space<semaphore_mem>>) src(%dma_wait3A_48 : memref<640xf32, #tpu.memory_space<vmem_shared>>) dst(%dma_wait3A_47 : memref<640xf32, #tpu.memory_space<hbm>>)
      tpu.yield
    }) : () -> ()
    return
  }
}

module attributes {stable_mosaic.version = 14 : i64} {
  func.func @_tc_body(%arg0: i32, %arg1: memref<512x128xf32, #tpu.memory_space<vmem>>, %arg2: memref<128x128xf32, #tpu.memory_space<vmem>>, %arg3: memref<2x512xf32, #tpu.memory_space<vmem>>, %arg4: memref<512x128xf32, #tpu.memory_space<vmem>>, %arg5: memref<512x128xf32, #tpu.memory_space<vmem>>) attributes {dimension_semantics = [#tpu.dimension_semantics<arbitrary>], iteration_bounds = array<i64: 20>, scalar_prefetch = 0 : i64, scratch_operands = 0 : i64, tpu.core_type = #tpu.core_type<tc>, window_params = [{transform_indices = @transform_0, window_bounds = array<i64: 512, 128>}, {pipeline_mode = #tpu.pipeline_mode<synchronous>, transform_indices = @transform_1, window_bounds = array<i64: 128, 128>}, {transform_indices = @transform_2, window_bounds = array<i64: 2, 512>}, {transform_indices = @transform_3, window_bounds = array<i64: 512, 128>}, {transform_indices = @transform_4, window_bounds = array<i64: 512, 128>}]} {
    %broadcast_in_dim3A = arith.constant 1.000000e+00 : f32
    %broadcast_in_dim3A_0 = vector.broadcast %broadcast_in_dim3A : f32 to vector<2x128xf32>
    %get3A = arith.constant 0 : index
    %get3A_1 = arith.constant 0 : index
    %get3A_2 = vector.load %arg3[%get3A, %get3A_1] : memref<2x512xf32, #tpu.memory_space<vmem>>, vector<2x512xf32>
    %dot_general3A = arith.constant dense<0.000000e+00> : vector<512x128xf32>
    %dot_general3A_3 = tpu.matmul %get3A_2, %broadcast_in_dim3A_0, %dot_general3A {dimension_numbers = #tpu.dot_dimension_numbers<[0], [0], [1], [1], [0, 1, 1, 1], [], []>, precision = #tpu.contract_precision<fp32>, transpose_lhs_hint = false} : vector<2x512xf32>, vector<2x128xf32>, vector<512x128xf32> -> vector<512x128xf32>
    %add3A = arith.constant 1.000000e+00 : f32
    %add3A_4 = vector.broadcast %add3A : f32 to vector<512x128xf32>
    %add3A_5 = arith.addf %dot_general3A_3, %add3A_4 : vector<512x128xf32>
    %rsqrt3A = math.rsqrt %add3A_5 : vector<512x128xf32>
    %get3A_6 = arith.constant 0 : index
    %get3A_7 = arith.constant 0 : index
    %get3A_8 = vector.load %arg1[%get3A_6, %get3A_7] : memref<512x128xf32, #tpu.memory_space<vmem>>, vector<512x128xf32>
    %get3A_9 = arith.constant 0 : index
    %get3A_10 = arith.constant 0 : index
    %get3A_11 = vector.load %arg2[%get3A_9, %get3A_10] : memref<128x128xf32, #tpu.memory_space<vmem>>, vector<128x128xf32>
    %dot_general3A_12 = arith.constant dense<0.000000e+00> : vector<512x128xf32>
    %dot_general3A_13 = tpu.matmul %get3A_8, %get3A_11, %dot_general3A_12 {dimension_numbers = #tpu.dot_dimension_numbers<[1], [0], [0], [1], [0, 0, 1, 1], [], []>, precision = #tpu.contract_precision<fp32>, transpose_lhs_hint = false} : vector<512x128xf32>, vector<128x128xf32>, vector<512x128xf32> -> vector<512x128xf32>
    %mul3A = arith.mulf %dot_general3A_13, %rsqrt3A : vector<512x128xf32>
    %swap3A = arith.constant 0 : index
    %swap3A_14 = arith.constant 0 : index
    %swap3A_15 = vector.load %arg4[%swap3A, %swap3A_14] : memref<512x128xf32, #tpu.memory_space<vmem>>, vector<512x128xf32>
    tpu.vector_store %arg4[%swap3A, %swap3A_14], %mul3A {strides = array<i32>} : memref<512x128xf32, #tpu.memory_space<vmem>>, vector<512x128xf32>,
    %swap3A_16 = arith.constant 0 : index
    %swap3A_17 = arith.constant 0 : index
    %swap3A_18 = vector.load %arg5[%swap3A_16, %swap3A_17] : memref<512x128xf32, #tpu.memory_space<vmem>>, vector<512x128xf32>
    tpu.vector_store %arg5[%swap3A_16, %swap3A_17], %rsqrt3A {strides = array<i32>} : memref<512x128xf32, #tpu.memory_space<vmem>>, vector<512x128xf32>,
    return
  }
  func.func @transform_0(%arg0: i32) -> (i32, i32) {
    %c0_i32 = arith.constant 0 : i32
    %c0_i32_0 = arith.constant 0 : i32
    return %arg0, %c0_i32 : i32, i32
  }
  func.func @transform_1(%arg0: i32) -> (i32, i32) {
    %c0_i32 = arith.constant 0 : i32
    %c0_i32_0 = arith.constant 0 : i32
    %c0_i32_1 = arith.constant 0 : i32
    return %c0_i32, %c0_i32_0 : i32, i32
  }
  func.func @transform_2(%arg0: i32) -> (i32, i32) {
    %c0_i32 = arith.constant 0 : i32
    %c0_i32_0 = arith.constant 0 : i32
    return %c0_i32, %arg0 : i32, i32
  }
  func.func @transform_3(%arg0: i32) -> (i32, i32) {
    %c0_i32 = arith.constant 0 : i32
    %c0_i32_0 = arith.constant 0 : i32
    return %arg0, %c0_i32 : i32, i32
  }
  func.func @transform_4(%arg0: i32) -> (i32, i32) {
    %c0_i32 = arith.constant 0 : i32
    %c0_i32_0 = arith.constant 0 : i32
    return %arg0, %c0_i32 : i32, i32
  }
}

</mosaic_0001>

<sc_bundles>
// kernel: kernel.5.cloned.1.call-start
scs
__scs_entry_jumppad:
0x0: {  	(pc) =	sbr.rel $0x88, $3  }
0x1: {  	(tag) =	ssettag $0x0;
	lr =	simm.s32 $0x1  }
0x2: {  	[smem:$0x3F9C] =	sst lr;
	_ =	strace $0xD0000000  }
0x3: {  	_ = 	snop  }
0x4: {  	_ = 	snop  }
0x5: {  	_ = 	snop  }
0x6: {  	_ = 	snop  }
0x7: {  	_ = 	snop  }
__scs_overlays_trampoline_lowered:
0x8: {  	[smem:$0x3FAB] =	sst s0  }
0x9: {  	[smem:$0x3FAC] =	sst s1  }
0xa: {  	[smem:$0x3FAD] =	sst s2  }
0xb: {  	[smem:$0x3FAE] =	sst s3  }
0xc: {  	[smem:$0x3FAF] =	sst s4  }
0xd: {  	[smem:$0x3FB0] =	sst s5  }
0xe: {  	[smem:$0x3FB1] =	sst s6  }
0xf: {  	[smem:$0x3FB2] =	sst s7  }
0x10: {  	[smem:$0x3FB3] =	sst s8  }
0x11: {  	[smem:$0x3FB4] =	sst s9;
	s0 =	simm.s32 @!p0 $0x0  }
0x12: {  	s1 =	sld [smem:$0x3F9A];
	s0 =	simm.s32 @p0 $0x1  }
0x13: {  	[smem:$0x3FB5] =	sst s0;
	s0 =	simm.s32 @!p1 $0x0  }
0x14: {  	s2 =	sld [smem:$0x3F99];
	s0 =	simm.s32 @p1 $0x1  }
0x15: {  	[smem:$0x3FB6] =	sst s0;
	s0 =	simm.s32 @!p2 $0x0  }
0x16: {  	s3 =	sld [smem:$0x3FDB];
	s0 =	simm.s32 @p2 $0x1  }
0x17: {  	s4 =	simm.s32 $0x1BF5;
	[smem:$0x3FB8] =	sst s0  }
0x18: {  	s0 =	sld [smem:$0x3F9B];
	_ =	swait.ge [sflag:s4], $0x0  }
0x19: {  	s7 =	sld [smem:$0x3F9C]  }
0x1a: {  	s8 =	sadd.s32 $0xFFFFE003, lr  }
0x1b: {  	s9 =	sadd.s32 $0xFFFFFEF7, lr;
	s5 =	simm.s32 $0xFFFFFFFF;
	p2 =	slt.u32 s8, $0xFFFFF086  }
0x1c: {  	p1 =	slt.u32 s9, $0xF7A;
	s5 =	simm.s32 @!p2 $0x0  }
0x1d: {  	s5 =	simm.s32 @p1 $0x1;
	p0 =	seq.s32 s7, s2  }
0x1e: {  	s7 =	smul.u32 @!p0 $0xF7A, s2;
	p2 =	seq.s32 @!p0 s5, $0x0  }
0x1f: {  	s9 =	smul.u32 $0xF7A, s1;
	s8 =	simm.s32 @!p0 $0x1BF5;
	p2 =	por !p2, p0  }
0x20: {  	[sflag:s8] =	ssyncset.s32 @!p0 $0xFFFFF086;
	s6 =	sadd.s32 @!p0 s3, s7;
	s7 =	simm.s32 @!p0 $0x108  }
0x21: {  	s3 =	sadd.s32 s3, s9;
	s6 =	sadd.s32 @!p0 $0x88, s6;
	s7 =	simm.s32 @p2 $0x1082  }
0x22: {  	[simem:s7], [sflag:s8] =	dma.local @!p0 [hbm:s6], $0xF7A  }
0x23: {  	s9 =	sor.u32 $0xD0000000, s2;
	s6 =	simm.s32 $0x108;
	_ =	swait.ge @!p0 [sflag:s8], $0x0  }
0x24: {  	s3 =	sadd.s32 $0x88, s3;
	s6 =	simm.s32 @!p1 $0x1082;
	[sflag:s4] =	ssyncset.s32 $0xFFFFF086  }
0x25: {  	[simem:s6], [sflag:s4] =	dma.local [hbm:s3], $0xF7A  }
0x26: {  	[smem:$0x3F9C] =	sst s1;
	(tag) =	ssettag s2;
	_ =	strace s9  }
0x27: {  	s1 =	sld [smem:$0x3FAC]  }
0x28: {  	s2 =	sld [smem:$0x3FAD]  }
0x29: {  	s4 =	sld [smem:$0x3FAF]  }
0x2a: {  	p0 =	seq.s32 s5, $0x0;
	s5 =	sld [smem:$0x3FB0]  }
0x2b: {  	s6 =	sld [smem:$0x3FB1]  }
0x2c: {  	s7 =	sld [smem:$0x3FB2]  }
0x2d: {  	s3 =	simm.s32 $0x108;
	s8 =	sld [smem:$0x3FB3]  }
0x2e: {  	s3 =	simm.s32 @!p0 $0x1082;
	s9 =	sld [smem:$0x3FB4]  }
0x2f: {  	lr =	sadd.s32 s0, s3;
	s0 =	sld [smem:$0x3FAB]  }
0x30: {  	s3 =	sld [smem:$0x3FAE]  }
0x31: {  	[smem:$0x3FB7] =	sst s10  }
0x32: {  	s10 =	sld [smem:$0x3FB5];
	_ =	sdelay $0x3  }
0x33: {  	p0 =	seq.s32 s10, $0x1;
	s10 =	sld [smem:$0x3FB7];
	_ =	sdelay $0x3  }
0x34: {  	[smem:$0x3FB7] =	sst s10  }
0x35: {  	s10 =	sld [smem:$0x3FB6];
	_ =	sdelay $0x3  }
0x36: {  	p1 =	seq.s32 s10, $0x1;
	s10 =	sld [smem:$0x3FB7];
	_ =	sdelay $0x3  }
0x37: {  	[smem:$0x3FB7] =	sst s10  }
0x38: {  	s10 =	sld [smem:$0x3FB8]  }
0x39: {  	_ = 	snop;
	(pc) =	sbr.ind lr, $3  }
0x3a: {  	_ = 	snop  }
0x3b: {  	_ = 	snop  }
0x3c: {  	p2 =	seq.s32 s10, $0x1;
	s10 =	sld [smem:$0x3FB7]  }
0x3d: {  	_ =	shalt  }
0x3e: {  	_ =	shalt  }
0x3f: {  	_ =	shalt  }
0x40: {  	_ =	shalt  }
0x41: {  	_ =	shalt  }
0x42: {  	_ =	shalt  }
0x43: {  	_ =	shalt  }
0x44: {  	_ =	shalt  }
0x45: {  	_ =	shalt  }
0x46: {  	_ =	shalt  }
0x47: {  	_ =	shalt  }
0x48: {  	_ =	shalt  }
0x49: {  	_ =	shalt  }
0x4a: {  	_ =	shalt  }
0x4b: {  	_ =	shalt  }
0x4c: {  	_ =	shalt  }
0x4d: {  	_ =	shalt  }
0x4e: {  	_ =	shalt  }
0x4f: {  	_ =	shalt  }
0x50: {  	_ =	shalt  }
0x51: {  	_ =	shalt  }
0x52: {  	_ =	shalt  }
0x53: {  	_ =	shalt  }
0x54: {  	_ =	shalt  }
0x55: {  	_ =	shalt  }
0x56: {  	_ =	shalt  }
0x57: {  	_ =	shalt  }
0x58: {  	_ =	shalt  }
0x59: {  	_ =	shalt  }
0x5a: {  	_ =	shalt  }
0x5b: {  	_ =	shalt  }
0x5c: {  	_ =	shalt  }
0x5d: {  	_ =	shalt  }
0x5e: {  	_ =	shalt  }
0x5f: {  	_ =	shalt  }
0x60: {  	_ =	shalt  }
0x61: {  	_ =	shalt  }
0x62: {  	_ =	shalt  }
0x63: {  	_ =	shalt  }
0x64: {  	_ =	shalt  }
0x65: {  	_ =	shalt  }
0x66: {  	_ =	shalt  }
0x67: {  	_ =	shalt  }
0x68: {  	_ =	shalt  }
0x69: {  	_ =	shalt  }
0x6a: {  	_ =	shalt  }
0x6b: {  	_ =	shalt  }
0x6c: {  	_ =	shalt  }
0x6d: {  	_ =	shalt  }
0x6e: {  	_ =	shalt  }
0x6f: {  	_ =	shalt  }
0x70: {  	_ =	shalt  }
0x71: {  	_ =	shalt  }
0x72: {  	_ =	shalt  }
0x73: {  	_ =	shalt  }
0x74: {  	_ =	shalt  }
0x75: {  	_ =	shalt  }
0x76: {  	_ =	shalt  }
0x77: {  	_ =	shalt  }
0x78: {  	_ =	shalt  }
0x79: {  	_ =	shalt  }
0x7a: {  	_ =	shalt  }
0x7b: {  	_ =	shalt  }
0x7c: {  	_ =	shalt  }
0x7d: {  	_ =	shalt  }
0x7e: {  	_ =	shalt  }
0x7f: {  	_ =	shalt  }
0x80: {  	_ =	shalt  }
0x81: {  	_ =	shalt  }
0x82: {  	_ =	shalt  }
0x83: {  	_ =	shalt  }
0x84: {  	_ =	shalt  }
0x85: {  	_ =	shalt  }
0x86: {  	_ =	shalt  }
0x87: {  	_ =	shalt  }
.Lfunc_end0:
.L_simem_size_0:
called_computation_lowered:
.L_overlay_start_0:
0x88: {  	s2 =	sld [smem:$0x3FD9]  }
0x89: {  	s3 =	sld [smem:$0x3FFE];
	_ =	sdelay $0x1  }
0x8a: {  	s1 =	srdreg.scid  }
0x8b: {  	s0 =	sand.u32 $0x1, s1  }
0x8c: {  	s17 =	sshll.u32 s0, $0xA;
	s2 =	sadd.s32 s3, s2  }
0x8d: {  	s2 =	sadd.s32 s2, s17  }
0x8e: {  	[smem:$0x3FC3] =	sst s2  }
0x8f: {  	_ = 	snop  }
0x90: {  	s2 =	sld [smem:$0x3FD0];
	(tm) =	ssettm $0x1  }
0x91: {  	s18 =	sld [smem:$0x3FFB];
	_ =	sdelay $0x3  }
0x92: {  	_ =	strace s18  }
0x93: {  	s3 =	sld [smem:$0x3FFC];
	_ =	sdelay $0x3  }
0x94: {  	_ =	strace s3  }
0x95: {  	s3 =	sld [smem:$0x3FFD];
	_ =	sdelay $0x3  }
0x96: {  	_ =	strace s3  }
0x97: {  	_ =	strace $0x8FFFFFFF  }
0x98: {  	s19 =	sld [smem:$0x3FDB];
	_ =	sdelay $0x1  }
0x99: {  	s4 =	simm.s32 $_scs_section_size  }
0x9a: {  	s5 =	simm.s32 $_size__tile_overlayer_lowered;
	s6 =	simm.s32 $_tile_overlayer_lowered  }
0x9b: {  	s22 =	simm.s32 $0x1BFF;
	s21 =	sshll.u32 s6, $0x1;
	s3 =	sadd.s32 s4, s19  }
0x9c: {  	s7 =	simm.s32 $0x0;
	s20 =	sshll.u32 s5, $0x1;
	s5 =	sadd.s32 s21, s3  }
0x9d: {  	[timem:s7], [sflag:s22] =	dma.local [hbm:s5], s20  }
0x9e: {  	_ =	swait.ge [sflag:s22], s20  }
0x9f: {  	s4 =	ssub.s32 $0x0, s20;
	[sflag:s22] =	ssyncset.done $0x0  }
0xa0: {  	[sflag:s22] =	ssyncadd.s32 s4;
	_ =	sdelay $0x1  }
0xa1: {  	s23 =	simm.s32 $0x1B8B  }
0xa2: {  	_ =	swait.ge [sflag:s23], $0x1  }
0xa3: {  	[sflag:s23] =	ssyncset.done $0x0  }
0xa4: {  	s25 =	simm.s32 $0x1B8E;
	s24 =	sld [smem:$0x3FFE];
	[sflag:s23] =	ssyncadd.s32 $0xFFFFFFFF  }
0xa5: {  	s26 =	simm.s32 $execute0_lowered;
	[smem:$0x3FD2] =	sst s25  }
0xa6: {  	s5 =	sshll.u32 s26, $0x1;
	_ =	strace $0x80000046;
	[dreg:$0x1] =	wrdreg $0xFFFFFFFF  }
0xa7: {  	s28 =	simm.s32 $_size_execute0_lowered;
	s3 =	sadd.s32 s3, s5;
	[dreg:$0x0] =	wrdreg $0x0  }
0xa8: {  	s5 =	sshll.u32 s28, $0x1;
	[dreg:$0x2] =	wrdreg s3  }
0xa9: {  	[dreg:$0x3] =	wrdreg s5  }
0xaa: {  	[dreg:$0x4] =	wrdreg $0xC0  }
0xab: {  	_ =	task [dreg:s7], $0x5FFFF  }
0xac: {  	[dreg:$0x1] =	wrdreg $0xFFFFFFFF  }
0xad: {  	[dreg:$0x0] =	wrdreg $0x60  }
0xae: {  	[dreg:$0x2] =	wrdreg s24  }
0xaf: {  	[dreg:$0x3] =	wrdreg s2  }
0xb0: {  	[dreg:$0x4] =	wrdreg $0x0  }
0xb1: {  	[dreg:$0x5] =	wrdreg $0x9  }
0xb2: {  	_ =	task.clear_ibuf [dreg:s7], $0x6FFFF;
	_ =	strace $0x90000046  }
0xb3: {  	s29 =	simm.s32 $0x9;
	_ =	strace $0x80000048  }
0xb4: {  	_ =	swait.ge [sflag:s29], $0x1  }
0xb5: {  	[sflag:s29] =	ssyncadd.s32 $0xFFFFFFFF  }
0xb6: {  	_ =	strace $0x90000048  }
0xb7: {  	_ =	sfence  }
0xb8: {  	s30 =	sld [smem:$0x0];
	_ =	sdelay $0x2  }
0xb9: {  	s31 =	sshll.u32 s1, $0xD;
	s1 =	sshrl.u32 s1, $0x2  }
0xba: {  	s3 =	sand.u32 $0x4000, s31;
	s1 =	sadd.s32 s1, s30  }
0xbb: {  	s0 =	sor.u32 s3, s0;
	s1 =	sshll.u32 s1, $0x11  }
0xbc: {  	s0 =	sor.u32 s1, s0  }
0xbd: {  	s0 =	sadd.s32 $0x8F2B, s0  }
0xbe: {  	[sflag:s0] =	ssyncadd.remote.s32 $0x1  }
0xbf: {  	_ =	sfence.sel $0xFFFF  }
0xc0: {  	[dreg:$0x0] =	wrdreg $0xFFFFFFFF;
	(pc) =	sbr.abs _section_cstart, $3  }
0xc1: {  	[dreg:$0x1] =	wrdreg $0xFFFFFFFF  }
0xc2: {  	_ =	task.clear_ibuf [dreg:s7], $0x2FFFF;
	_ =	strace $0x9FFFFFFF  }
0xc3: {  	(tm) =	ssettm $0x7FFFFFFF  }
tec
execute0_lowered:
.L_overlay_start_1:
0x0: {  	(tag) =	ssettag $0x1  }
0x1: {  	s4 =	rddreg [dreg:$0x0]  }
0x2: {  	s0 =	srdreg.scid;
	s6 =	rddreg [dreg:$0x1]  }
0x3: {  	s2 =	rddreg [dreg:$0x2];
	s1 =	stileid.u32  }
0x4: {  	s3 =	simm.s32 $0x0;
	s11 =	simm.s32 $0x20;
	s12 =	simm.s32 $0x2A00  }
0x5: {  	s13 =	simm.s32 $0x2A80;
	s16 =	simm.s32 $0x10;
	s17 =	simm.s32 $0x0  }
0x6: {  	s5 =	sand.u32 $0x1, s0;
	s0 =	rddreg [dreg:$0x3];
	s8 =	smul.u32 $0x500, s1  }
0x7: {  	[smem:$0x7FF] =	sst s3;
	s10 =	smul.u32 $0xA00, s1;
	s14 =	sshll.u32 s1, $0x6  }
0x8: {  	s7 =	sshll.u32 s5, $0x4;
	_ =	strace $0x80000047;
	s9 =	ssub.s32 $0x2, s5  }
0x9: {  	s5 =	sshll.u32 s5, $0x7;
	s14 =	sor.u32 $0x1C01, s14;
	s7 =	sor.u32 s1, s7  }
0xa: {  	s28 =	sshrl.u32 s9, $0x1;
	s5 =	sor.u32 s5, s8;
	s30 =	sshrl.u32 s10, $0x2  }
0xb: {  	s8 =	simm.s32 $0x2B00;
	s10 =	simm.s32 $0x280;
	s7 =	smul.u32 $0x4E2, s7  }
0xc: {  	s29 =	ssub.s32 s9, s28;
	s31 =	sshrl.u32 s5, $0x3;
	s9 =	simm.s32 $0x1  }
0xd: {  	v2 =	vlaneseq.u32;
	s6 =	sadd.s32 s6, s31;
	s7 =	sadd.s32 s7, s4;
	s4 =	sadd.s32 s30, s2  }
0xe: {  	v0 =	vimm.f32 $0.0e+00;
	v1 =	vimm.f32 $1.000000000e+00;
	v2 =	vor.u32 $0x2710, v2;
	s5 =	sadd.s32 $0x1200, s7;
	s7 =	smax.u32 s29, $0x1;
	s15 =	sshrl.u32 s4, $0x3  }
.LBB2_1:
0xf: {  	[tilespmem:$0x2B00] =	vst v0  }
0x10: {  	[tilespmem:$0x2B10] =	vst v0  }
0x11: {  	[tilespmem:$0x2B20] =	vst v0  }
0x12: {  	[tilespmem:$0x2B30] =	vst v0  }
0x13: {  	[tilespmem:$0x2B40] =	vst v0  }
0x14: {  	[tilespmem:$0x2B50] =	vst v0  }
0x15: {  	[tilespmem:$0x2B60] =	vst v0  }
0x16: {  	[tilespmem:$0x2B70] =	vst v0  }
0x17: {  	[tilespmem:$0x2B80] =	vst v0  }
0x18: {  	[tilespmem:$0x2B90] =	vst v0  }
0x19: {  	[tilespmem:$0x2BA0] =	vst v0  }
0x1a: {  	[tilespmem:$0x2BB0] =	vst v0  }
0x1b: {  	[tilespmem:$0x2BC0] =	vst v0  }
0x1c: {  	[tilespmem:$0x2BD0] =	vst v0  }
0x1d: {  	[tilespmem:$0x2BE0] =	vst v0  }
0x1e: {  	[tilespmem:$0x2BF0] =	vst v0  }
0x1f: {  	[tilespmem:$0x2C00] =	vst v0  }
0x20: {  	[tilespmem:$0x2C10] =	vst v0  }
0x21: {  	[tilespmem:$0x2C20] =	vst v0  }
0x22: {  	[tilespmem:$0x2C30] =	vst v0  }
0x23: {  	[tilespmem:$0x2C40] =	vst v0  }
0x24: {  	[tilespmem:$0x2C50] =	vst v0  }
0x25: {  	[tilespmem:$0x2C60] =	vst v0  }
0x26: {  	[tilespmem:$0x2C70] =	vst v0  }
0x27: {  	[tilespmem:$0x2C80] =	vst v0  }
0x28: {  	[tilespmem:$0x2C90] =	vst v0  }
0x29: {  	[tilespmem:$0x2CA0] =	vst v0  }
0x2a: {  	[tilespmem:$0x2CB0] =	vst v0  }
0x2b: {  	[tilespmem:$0x2CC0] =	vst v0  }
0x2c: {  	[tilespmem:$0x2CD0] =	vst v0  }
0x2d: {  	[tilespmem:$0x2CE0] =	vst v0  }
0x2e: {  	[tilespmem:$0x2CF0] =	vst v0  }
0x2f: {  	[tilespmem:$0x2D00] =	vst v0  }
0x30: {  	[tilespmem:$0x2D10] =	vst v0  }
0x31: {  	[tilespmem:$0x2D20] =	vst v0  }
0x32: {  	[tilespmem:$0x2D30] =	vst v0  }
0x33: {  	[tilespmem:$0x2D40] =	vst v0  }
0x34: {  	[tilespmem:$0x2D50] =	vst v0  }
0x35: {  	[tilespmem:$0x2D60] =	vst v0  }
0x36: {  	[tilespmem:$0x2D70] =	vst v0  }
0x37: {  	[tilespmem:$0x2A80] =	vst v1  }
0x38: {  	[tilespmem:$0x2A90] =	vst v1  }
0x39: {  	[spmem:s4] =	stream.linear.scatter [tilespmem:s8], [sflag:$0x1], $0x280, $0x38;
	[tilespmem:$0x2D80] =	vst v63  }
0x3a: {  	_ =	swait.ge [sflag:s9], $0x280  }
0x3b: {  	[sflag:s9] =	ssyncset.done $0x0  }
0x3c: {  	[sflag:s9] =	ssyncadd.s32 $0xFFFFFD80  }
0x3d: {  	[bflag:$0x0] =	sbarrier.arrive $0xFFFF  }
0x3e: {  	[tilespmem:s10], [sflag:$0x1] =	stream.linear.gather [hbm4b:s5+s3], $0x2710, $0x38;
	[tilespmem:$0x2D80] =	vst v63  }
0x3f: {  	_ =	swait.ge [sflag:s9], $0x2710  }
0x40: {  	[sflag:s9] =	ssyncset.done $0x0  }
0x41: {  	s18 =	simm.s32 $0x0;
	[sflag:s9] =	ssyncadd.s32 $0xFFFFD8F0  }
0x42: {  	v3 =	vld [tilespmem:s18+$0x280];
	_ =	sdelay $0x4  }
0x43: {  	[tilespmem:$0x2A00] =	vst v3  }
0x44: {  	v3 =	vld [tilespmem:s18+$0x290];
	_ =	sdelay $0x4  }
0x45: {  	[tilespmem:$0x2A10] =	vst v3  }
0x46: {  	[spmem:s2] =	stream.indirect.scatter.add.f32 [tilespmem:s13], [sflag:$0x1], $0x1, s12, s11, $0xb8;
	[tilespmem:$0x2D80] =	vst v63  }
0x47: {  	_ =	swait.ge [sflag:s9], $0x20  }
0x48: {  	s19 =	simm.s32 $0x100;
	s18 =	simm.s32 $0x80;
	[sflag:s9] =	ssyncset.done $0x0  }
.LBB2_2:
0x49: {  	s20 =	sshra.s32 s18, $0x2  }
0x4a: {  	[sflag:s9] =	ssyncadd.s32 $0xFFFFFFE0;
	s18 =	smov.u32 s19;
	s21 =	sadd.s32 $0x80, s19  }
0x4b: {  	p0 =	sne.s32 s19, $0x9B80;
	v3 =	vld [tilespmem:s20+$0x280];
	_ =	sdelay $0x4  }
0x4c: {  	[tilespmem:$0x2A00] =	vst v3  }
0x4d: {  	v3 =	vld [tilespmem:s20+$0x290];
	_ =	sdelay $0x3  }
.Ltmp0:
0x4e: {  	(pc) =	sbr.rel @p0 .LBB2_2-.Ltmp0, $4  }
0x4f: {  	[tilespmem:$0x2A10] =	vst v3  }
0x50: {  	[spmem:s2] =	stream.indirect.scatter.add.f32 [tilespmem:s13], [sflag:$0x1], $0x1, s12, s11, $0xb8;
	[tilespmem:$0x2D80] =	vst v63  }
0x51: {  	_ =	swait.ge [sflag:s9], $0x20  }
0x52: {  	s19 =	smov.u32 s21;
	[sflag:s9] =	ssyncset.done $0x0  }
0x53: {  	s18 =	sshra.s32 s18, $0x2;
	[sflag:s9] =	ssyncadd.s32 $0xFFFFFFE0  }
0x54: {  	v3 =	vld [tilespmem:s18+$0x280];
	_ =	sdelay $0x4  }
0x55: {  	[tilespmem:$0x2A00] =	vst v3  }
0x56: {  	v3 =	vld [tilespmem:s18+$0x290];
	_ =	sdelay $0x4  }
0x57: {  	[tilespmem:$0x2A10] =	vst v3  }
0x58: {  	[spmem:s2] =	stream.indirect.scatter.add.f32 [tilespmem:s13], [sflag:$0x1], $0x1, s12, s11, $0xb8;
	[tilespmem:$0x2D80] =	vst v63  }
0x59: {  	_ =	swait.ge [sflag:s9], $0x20  }
0x5a: {  	[sflag:s9] =	ssyncset.done $0x0  }
0x5b: {  	[sflag:s9] =	ssyncadd.s32 $0xFFFFFFE0  }
0x5c: {  	v3 =	vld [tilespmem:$0x2980];
	_ =	sdelay $0x2  }
0x5d: {  	[tilespmem:$0x2A00] =	vst v2  }
0x5e: {  	[tilespmem:$0x2A10] =	vst v2  }
0x5f: {  	[tilespmem:$0x2A00] =	vst v3  }
0x60: {  	[spmem:s2] =	stream.indirect.scatter.add.f32 [tilespmem:s13], [sflag:$0x1], $0x1, s12, s11, $0xb8;
	[tilespmem:$0x2D80] =	vst v63  }
0x61: {  	_ =	swait.ge [sflag:s9], $0x20  }
0x62: {  	s17 =	sadd.s32 $0x1, s17;
	[sflag:s9] =	ssyncset.done $0x0  }
0x63: {  	p0 =	sne.s32 s17, s7;
	[sflag:s9] =	ssyncadd.s32 $0xFFFFFFE0  }
.Ltmp1:
0x64: {  	[bflag:$0x0] =	sbarrier.arrive $0xFFFF;
	(pc) =	sbr.rel @p0 .LBB2_1-.Ltmp1, $4  }
0x65: {  	[hbm:s6@s11], [sflag:s14] =	dma.strided [spmem:s15@s16], $0x50, s9, $0x10   }
0x66: {  	_ =	swait.ge [sflag:s9], $0x50  }
0x67: {  	[sflag:s9] =	ssyncset.done $0x0  }
0x68: {  	[sflag:s9] =	ssyncadd.s32 $0xFFFFFFB0  }
0x69: {  	_ =	sfence.sel $0x180000  }
0x6a: {  	[bflag:$0x0] =	sbarrier.arrive $0xFFFF  }
0x6b: {  	p0 =	sne.s32 s1, $0x0;
	_ =	strace $0x90000047  }
0x6c: {  	s0 =	sadd.s32 @!p0 $0x100000, s0;
	[bflag:$0x2] =	sbarrier.arrive $0xFFFF  }
0x6d: {  	[sflag:s0] =	ssyncadd.tile.s32 @!p0 $0x1;
	_ =	shalt  }
.Lfunc_end2:
_tile_overlayer_lowered:
.L_overlay_start_2:
0x6e: {  	(tag) =	ssettag $0x2  }
0x6f: {  	s0 =	rddreg [dreg:$0x0];
	s2 =	stileid.u32  }
0x70: {  	s1 =	rddreg [dreg:$0x1];
	p0 =	sne.s32 s2, $0x0  }
0x71: {  	s3 =	rddreg [dreg:$0x2];
	[bflag:$0x3] =	sbarrier.arrive $0xFFFF;
	s2 =	simm.s32 @!p0 $0x1C01  }
0x72: {  	[timem:s3], [sflag:s2] =	dma.local @!p0 [hbm:s0], s1  }
0x73: {  	s0 =	simm.s32 @!p0 $0x1  }
0x74: {  	_ =	swait.ge @!p0 [sflag:s0], s1  }
0x75: {  	s1 =	ssub.s32 @!p0 $0x0, s1;
	[sflag:s0] =	ssyncset.done @!p0 $0x0  }
0x76: {  	[sflag:s0] =	ssyncadd.s32 @!p0 s1  }
0x77: {  	[bflag:$0x3] =	sbarrier.arrive $0xFFFF  }
0x78: {  	_ =	shalt  }

// kernel: kernel.8.cloned.1.call-start
scs
__scs_entry_jumppad:
0x0: {  	(pc) =	sbr.rel $0x88, $3  }
0x1: {  	(tag) =	ssettag $0x0;
	lr =	simm.s32 $0x1  }
0x2: {  	[smem:$0x3F9C] =	sst lr;
	_ =	strace $0xD0000000  }
0x3: {  	_ = 	snop  }
0x4: {  	_ = 	snop  }
0x5: {  	_ = 	snop  }
0x6: {  	_ = 	snop  }
0x7: {  	_ = 	snop  }
__scs_overlays_trampoline_lowered:
0x8: {  	[smem:$0x3FAB] =	sst s0  }
0x9: {  	[smem:$0x3FAC] =	sst s1  }
0xa: {  	[smem:$0x3FAD] =	sst s2  }
0xb: {  	[smem:$0x3FAE] =	sst s3  }
0xc: {  	[smem:$0x3FAF] =	sst s4  }
0xd: {  	[smem:$0x3FB0] =	sst s5  }
0xe: {  	[smem:$0x3FB1] =	sst s6  }
0xf: {  	[smem:$0x3FB2] =	sst s7  }
0x10: {  	[smem:$0x3FB3] =	sst s8  }
0x11: {  	[smem:$0x3FB4] =	sst s9;
	s0 =	simm.s32 @!p0 $0x0  }
0x12: {  	s1 =	sld [smem:$0x3F9A];
	s0 =	simm.s32 @p0 $0x1  }
0x13: {  	[smem:$0x3FB5] =	sst s0;
	s0 =	simm.s32 @!p1 $0x0  }
0x14: {  	s2 =	sld [smem:$0x3F99];
	s0 =	simm.s32 @p1 $0x1  }
0x15: {  	[smem:$0x3FB6] =	sst s0;
	s0 =	simm.s32 @!p2 $0x0  }
0x16: {  	s3 =	sld [smem:$0x3FDB];
	s0 =	simm.s32 @p2 $0x1  }
0x17: {  	s4 =	simm.s32 $0x1BF5;
	[smem:$0x3FB8] =	sst s0  }
0x18: {  	s0 =	sld [smem:$0x3F9B];
	_ =	swait.ge [sflag:s4], $0x0  }
0x19: {  	s7 =	sld [smem:$0x3F9C]  }
0x1a: {  	s8 =	sadd.s32 $0xFFFFE003, lr  }
0x1b: {  	s9 =	sadd.s32 $0xFFFFFEF7, lr;
	s5 =	simm.s32 $0xFFFFFFFF;
	p2 =	slt.u32 s8, $0xFFFFF086  }
0x1c: {  	p1 =	slt.u32 s9, $0xF7A;
	s5 =	simm.s32 @!p2 $0x0  }
0x1d: {  	s5 =	simm.s32 @p1 $0x1;
	p0 =	seq.s32 s7, s2  }
0x1e: {  	s7 =	smul.u32 @!p0 $0xF7A, s2;
	p2 =	seq.s32 @!p0 s5, $0x0  }
0x1f: {  	s9 =	smul.u32 $0xF7A, s1;
	s8 =	simm.s32 @!p0 $0x1BF5;
	p2 =	por !p2, p0  }
0x20: {  	[sflag:s8] =	ssyncset.s32 @!p0 $0xFFFFF086;
	s6 =	sadd.s32 @!p0 s3, s7;
	s7 =	simm.s32 @!p0 $0x108  }
0x21: {  	s3 =	sadd.s32 s3, s9;
	s6 =	sadd.s32 @!p0 $0x88, s6;
	s7 =	simm.s32 @p2 $0x1082  }
0x22: {  	[simem:s7], [sflag:s8] =	dma.local @!p0 [hbm:s6], $0xF7A  }
0x23: {  	s9 =	sor.u32 $0xD0000000, s2;
	s6 =	simm.s32 $0x108;
	_ =	swait.ge @!p0 [sflag:s8], $0x0  }
0x24: {  	s3 =	sadd.s32 $0x88, s3;
	s6 =	simm.s32 @!p1 $0x1082;
	[sflag:s4] =	ssyncset.s32 $0xFFFFF086  }
0x25: {  	[simem:s6], [sflag:s4] =	dma.local [hbm:s3], $0xF7A  }
0x26: {  	[smem:$0x3F9C] =	sst s1;
	(tag) =	ssettag s2;
	_ =	strace s9  }
0x27: {  	s1 =	sld [smem:$0x3FAC]  }
0x28: {  	s2 =	sld [smem:$0x3FAD]  }
0x29: {  	s4 =	sld [smem:$0x3FAF]  }
0x2a: {  	p0 =	seq.s32 s5, $0x0;
	s5 =	sld [smem:$0x3FB0]  }
0x2b: {  	s6 =	sld [smem:$0x3FB1]  }
0x2c: {  	s7 =	sld [smem:$0x3FB2]  }
0x2d: {  	s3 =	simm.s32 $0x108;
	s8 =	sld [smem:$0x3FB3]  }
0x2e: {  	s3 =	simm.s32 @!p0 $0x1082;
	s9 =	sld [smem:$0x3FB4]  }
0x2f: {  	lr =	sadd.s32 s0, s3;
	s0 =	sld [smem:$0x3FAB]  }
0x30: {  	s3 =	sld [smem:$0x3FAE]  }
0x31: {  	[smem:$0x3FB7] =	sst s10  }
0x32: {  	s10 =	sld [smem:$0x3FB5];
	_ =	sdelay $0x3  }
0x33: {  	p0 =	seq.s32 s10, $0x1;
	s10 =	sld [smem:$0x3FB7];
	_ =	sdelay $0x3  }
0x34: {  	[smem:$0x3FB7] =	sst s10  }
0x35: {  	s10 =	sld [smem:$0x3FB6];
	_ =	sdelay $0x3  }
0x36: {  	p1 =	seq.s32 s10, $0x1;
	s10 =	sld [smem:$0x3FB7];
	_ =	sdelay $0x3  }
0x37: {  	[smem:$0x3FB7] =	sst s10  }
0x38: {  	s10 =	sld [smem:$0x3FB8]  }
0x39: {  	_ = 	snop;
	(pc) =	sbr.ind lr, $3  }
0x3a: {  	_ = 	snop  }
0x3b: {  	_ = 	snop  }
0x3c: {  	p2 =	seq.s32 s10, $0x1;
	s10 =	sld [smem:$0x3FB7]  }
0x3d: {  	_ =	shalt  }
0x3e: {  	_ =	shalt  }
0x3f: {  	_ =	shalt  }
0x40: {  	_ =	shalt  }
0x41: {  	_ =	shalt  }
0x42: {  	_ =	shalt  }
0x43: {  	_ =	shalt  }
0x44: {  	_ =	shalt  }
0x45: {  	_ =	shalt  }
0x46: {  	_ =	shalt  }
0x47: {  	_ =	shalt  }
0x48: {  	_ =	shalt  }
0x49: {  	_ =	shalt  }
0x4a: {  	_ =	shalt  }
0x4b: {  	_ =	shalt  }
0x4c: {  	_ =	shalt  }
0x4d: {  	_ =	shalt  }
0x4e: {  	_ =	shalt  }
0x4f: {  	_ =	shalt  }
0x50: {  	_ =	shalt  }
0x51: {  	_ =	shalt  }
0x52: {  	_ =	shalt  }
0x53: {  	_ =	shalt  }
0x54: {  	_ =	shalt  }
0x55: {  	_ =	shalt  }
0x56: {  	_ =	shalt  }
0x57: {  	_ =	shalt  }
0x58: {  	_ =	shalt  }
0x59: {  	_ =	shalt  }
0x5a: {  	_ =	shalt  }
0x5b: {  	_ =	shalt  }
0x5c: {  	_ =	shalt  }
0x5d: {  	_ =	shalt  }
0x5e: {  	_ =	shalt  }
0x5f: {  	_ =	shalt  }
0x60: {  	_ =	shalt  }
0x61: {  	_ =	shalt  }
0x62: {  	_ =	shalt  }
0x63: {  	_ =	shalt  }
0x64: {  	_ =	shalt  }
0x65: {  	_ =	shalt  }
0x66: {  	_ =	shalt  }
0x67: {  	_ =	shalt  }
0x68: {  	_ =	shalt  }
0x69: {  	_ =	shalt  }
0x6a: {  	_ =	shalt  }
0x6b: {  	_ =	shalt  }
0x6c: {  	_ =	shalt  }
0x6d: {  	_ =	shalt  }
0x6e: {  	_ =	shalt  }
0x6f: {  	_ =	shalt  }
0x70: {  	_ =	shalt  }
0x71: {  	_ =	shalt  }
0x72: {  	_ =	shalt  }
0x73: {  	_ =	shalt  }
0x74: {  	_ =	shalt  }
0x75: {  	_ =	shalt  }
0x76: {  	_ =	shalt  }
0x77: {  	_ =	shalt  }
0x78: {  	_ =	shalt  }
0x79: {  	_ =	shalt  }
0x7a: {  	_ =	shalt  }
0x7b: {  	_ =	shalt  }
0x7c: {  	_ =	shalt  }
0x7d: {  	_ =	shalt  }
0x7e: {  	_ =	shalt  }
0x7f: {  	_ =	shalt  }
0x80: {  	_ =	shalt  }
0x81: {  	_ =	shalt  }
0x82: {  	_ =	shalt  }
0x83: {  	_ =	shalt  }
0x84: {  	_ =	shalt  }
0x85: {  	_ =	shalt  }
0x86: {  	_ =	shalt  }
0x87: {  	_ =	shalt  }
.Lfunc_end0:
.L_simem_size_0:
called_computation.1_lowered:
.L_overlay_start_0:
0x88: {  	s2 =	sld [smem:$0x3FD9]  }
0x89: {  	s3 =	sld [smem:$0x3FFE];
	_ =	sdelay $0x1  }
0x8a: {  	s1 =	srdreg.scid  }
0x8b: {  	s0 =	sand.u32 $0x1, s1  }
0x8c: {  	s17 =	sshll.u32 s0, $0xA;
	s2 =	sadd.s32 s3, s2  }
0x8d: {  	s2 =	sadd.s32 s2, s17  }
0x8e: {  	[smem:$0x3FC3] =	sst s2  }
0x8f: {  	_ = 	snop  }
0x90: {  	s2 =	sld [smem:$0x3FC6]  }
0x91: {  	s18 =	sld [smem:$0x3FD0];
	(tm) =	ssettm $0x1  }
0x92: {  	s4 =	sld [smem:$0x3FFB];
	_ =	sdelay $0x3  }
0x93: {  	_ =	strace s4  }
0x94: {  	s4 =	sld [smem:$0x3FFC];
	_ =	sdelay $0x3  }
0x95: {  	_ =	strace s4  }
0x96: {  	s4 =	sld [smem:$0x3FFD];
	_ =	sdelay $0x3  }
0x97: {  	_ =	strace s4  }
0x98: {  	_ =	strace $0x8FFFFFFF  }
0x99: {  	s19 =	sld [smem:$0x3FDB];
	_ =	sdelay $0x1  }
0x9a: {  	s5 =	simm.s32 $_scs_section_size  }
0x9b: {  	s6 =	simm.s32 $_size__tile_overlayer_lowered;
	s7 =	simm.s32 $_tile_overlayer_lowered  }
0x9c: {  	s22 =	simm.s32 $0x1BFF;
	s21 =	sshll.u32 s7, $0x1;
	s4 =	sadd.s32 s5, s19  }
0x9d: {  	s8 =	simm.s32 $0x0;
	s20 =	sshll.u32 s6, $0x1;
	s6 =	sadd.s32 s21, s4  }
0x9e: {  	[timem:s8], [sflag:s22] =	dma.local [hbm:s6], s20  }
0x9f: {  	_ =	swait.ge [sflag:s22], s20  }
0xa0: {  	s5 =	ssub.s32 $0x0, s20;
	[sflag:s22] =	ssyncset.done $0x0  }
0xa1: {  	[sflag:s22] =	ssyncadd.s32 s5;
	_ =	sdelay $0x1  }
0xa2: {  	s23 =	simm.s32 $0x1B8B  }
0xa3: {  	_ =	swait.ge [sflag:s23], $0x1  }
0xa4: {  	[sflag:s23] =	ssyncset.done $0x0  }
0xa5: {  	s25 =	simm.s32 $0x1B8E;
	s24 =	sld [smem:$0x3FFE];
	[sflag:s23] =	ssyncadd.s32 $0xFFFFFFFF  }
0xa6: {  	s26 =	simm.s32 $execute0_lowered;
	[smem:$0x3FD2] =	sst s25  }
0xa7: {  	s6 =	sshll.u32 s26, $0x1;
	_ =	strace $0x80000049;
	[dreg:$0x1] =	wrdreg $0xFFFFFFFF  }
0xa8: {  	s28 =	simm.s32 $_size_execute0_lowered;
	s4 =	sadd.s32 s4, s6;
	[dreg:$0x0] =	wrdreg $0x0  }
0xa9: {  	s6 =	sshll.u32 s28, $0x1;
	[dreg:$0x2] =	wrdreg s4  }
0xaa: {  	[dreg:$0x3] =	wrdreg s6  }
0xab: {  	[dreg:$0x4] =	wrdreg $0xC0  }
0xac: {  	_ =	task [dreg:s8], $0x5FFFF  }
0xad: {  	[dreg:$0x1] =	wrdreg $0xFFFFFFFF  }
0xae: {  	[dreg:$0x0] =	wrdreg $0x60  }
0xaf: {  	[dreg:$0x2] =	wrdreg s24  }
0xb0: {  	[dreg:$0x3] =	wrdreg s2  }
0xb1: {  	[dreg:$0x4] =	wrdreg s18  }
0xb2: {  	[dreg:$0x5] =	wrdreg $0x0  }
0xb3: {  	[dreg:$0x6] =	wrdreg $0x9  }
0xb4: {  	_ =	task.clear_ibuf [dreg:s8], $0x7FFFF;
	_ =	strace $0x90000049  }
0xb5: {  	s29 =	simm.s32 $0x9;
	_ =	strace $0x8000004B  }
0xb6: {  	_ =	swait.ge [sflag:s29], $0x1  }
0xb7: {  	[sflag:s29] =	ssyncadd.s32 $0xFFFFFFFF  }
0xb8: {  	_ =	strace $0x9000004B  }
0xb9: {  	_ =	sfence  }
0xba: {  	s30 =	sld [smem:$0x0];
	_ =	sdelay $0x2  }
0xbb: {  	s31 =	sshll.u32 s1, $0xD;
	s1 =	sshrl.u32 s1, $0x2  }
0xbc: {  	s3 =	sand.u32 $0x4000, s31;
	s1 =	sadd.s32 s1, s30  }
0xbd: {  	s0 =	sor.u32 s3, s0;
	s1 =	sshll.u32 s1, $0x11  }
0xbe: {  	s0 =	sor.u32 s1, s0  }
0xbf: {  	s0 =	sadd.s32 $0x8F2B, s0  }
0xc0: {  	[sflag:s0] =	ssyncadd.remote.s32 $0x1  }
0xc1: {  	_ =	sfence.sel $0xFFFF  }
0xc2: {  	[dreg:$0x0] =	wrdreg $0xFFFFFFFF;
	(pc) =	sbr.abs _section_cstart, $3  }
0xc3: {  	[dreg:$0x1] =	wrdreg $0xFFFFFFFF  }
0xc4: {  	_ =	task.clear_ibuf [dreg:s8], $0x2FFFF;
	_ =	strace $0x9FFFFFFF  }
0xc5: {  	(tm) =	ssettm $0x7FFFFFFF  }
tec
execute0_lowered:
.L_overlay_start_1:
0x0: {  	(tag) =	ssettag $0x1  }
0x1: {  	s0 =	rddreg [dreg:$0x0]  }
0x2: {  	s2 =	rddreg [dreg:$0x2]  }
0x3: {  	s3 =	rddreg [dreg:$0x3];
	s5 =	simm.s32 $0x0;
	s1 =	srdreg.scid  }
0x4: {  	s13 =	stileid.u32;
	s28 =	simm.s32 $0xA000;
	[smem:$0x7FF] =	sst s5  }
0x5: {  	s6 =	sadd.s32 $0xB000, s0;
	s1 =	sand.u32 $0x1, s1;
	s4 =	smul.u32 $0x28000, s13  }
0x6: {  	s7 =	sadd.s32 $0x1200, s0;
	s8 =	sadd.s32 $0x14E00, s0;
	s10 =	ssub.s32 $0x2, s1  }
0x7: {  	s9 =	sadd.s32 $0x3C000, s0;
	s11 =	sshrl.u32 s10, $0x1;
	s4 =	sshrl.u32 s4, $0x2  }
0x8: {  	s0 =	sadd.s32 $0x63200, s0;
	s18 =	ssub.s32 s10, s11;
	s11 =	sadd.s32 s4, s3  }
0x9: {  	_ =	strace $0x8000004A;
	[dreg:$0xc] =	wrdreg s0;
	s4 =	sadd.s32 $0x1000, s11  }
0xa: {  	s29 =	simm.s32 $0xA800;
	s19 =	sadd.s32 $0x2000, s11;
	[dreg:$0xd] =	wrdreg s4  }
0xb: {  	s30 =	simm.s32 $0xB000;
	s20 =	sadd.s32 $0x3000, s11;
	[dreg:$0xe] =	wrdreg s19  }
0xc: {  	s31 =	simm.s32 $0x19C00;
	s21 =	sadd.s32 $0x4000, s11;
	[dreg:$0xf] =	wrdreg s20  }
0xd: {  	s12 =	smul.u32 $0x140, s13;
	s22 =	sadd.s32 $0x5000, s11;
	[dreg:$0x10] =	wrdreg s21  }
0xe: {  	s0 =	simm.s32 $0x0;
	s23 =	sadd.s32 $0x6000, s11;
	[dreg:$0x11] =	wrdreg s22  }
.Ltmp0:
0xf: {  	s24 =	sadd.s32 $0x7000, s11;
	[dreg:$0x12] =	wrdreg s23;
	(pc) =	sbr.rel .LBB2_1-.Ltmp0, $4  }
0x10: {  	s25 =	sadd.s32 $0x8000, s11;
	[dreg:$0x13] =	wrdreg s24;
	s20 =	smul.u32 $0x4E20, s13  }
0x11: {  	s26 =	sadd.s32 $0x9000, s11;
	[dreg:$0x14] =	wrdreg s25;
	s23 =	smul.u32 $0x1388, s1  }
0x12: {  	v1 =	vimm.f32 $0.0e+00;
	v2 =	vlaneseq.u32;
	v3 =	vimm.s32 $0x0;
	[dreg:$0x15] =	wrdreg s26;
	s24 =	smax.u32 s18, $0x1;
	s25 =	simm.s32 $0x10100  }
0x13: {  	v4 =	vor.u32 $0x4F90, v2;
	v5 =	vadd.s32 $0x1388, v2;
	s26 =	simm.s32 $0x9;
	s4 =	simm.s32 $0x18800;
	s1 =	simm.s32 $0xA;
	v0 =	vmov s23  }
.LBB2_26:
0x14: {  	s0 =	sadd.s32 $0x1, s0  }
0x15: {  	p0 =	sne.s32 s0, s24  }
.Ltmp1:
0x16: {  	_ = 	snop;
	(pc) =	sbr.rel @!p0 .LBB2_27-.Ltmp1, $1  }
0x17: {  	_ =	sdelay $0x3  }
.LBB2_1:
0x18: {  	s10 =	sand.u32 $0x3E00, s5  }
0x19: {  	s13 =	sand.u32 $0x70, s5;
	s14 =	sshrl.u32 s10, $0x2  }
0x1a: {  	s10 =	simm.s32 $0x40;
	s14 =	sor.u32 s13, s14;
	s13 =	simm.s32 $0x0  }
.LBB2_2:
0x1b: {  	p0 =	sne.s32 s10, $0x3FC0  }
0x1c: {  	[tilespmem:s14+$0x10100] =	vst v1;
	s13 =	sadd.s32 $0x10, s13;
	s14 =	smov.u32 s10;
	s10 =	sadd.s32 $0x40, s10  }
.Ltmp2:
0x1d: {  	(pc) =	sbr.rel @p0 .LBB2_2-.Ltmp2, $4  }
0x1e: {  	_ = 	snop  }
0x1f: {  	s14 =	sand.u32 $0x3E00, s14  }
0x20: {  	s15 =	sand.u32 $0x70, s13;
	s14 =	sshrl.u32 s14, $0x2  }
0x21: {  	s14 =	sor.u32 s15, s14  }
0x22: {  	[tilespmem:s14+$0x10100] =	vst v1  }
0x23: {  	[spmem:s11] =	stream.linear.scatter [tilespmem:s25], [sflag:$0x9], $0x1000, $0x38;
	[tilespmem:$0x1B100] =	vst v63  }
0x24: {  	_ =	swait.ge [sflag:s26], $0x1000  }
0x25: {  	[sflag:s26] =	ssyncset.done $0x0  }
0x26: {  	s10 =	rddreg [dreg:$0xd];
	[sflag:s26] =	ssyncadd.s32 $0xFFFFF000  }
0x27: {  	[spmem:s10] =	stream.linear.scatter [tilespmem:s25], [sflag:$0x9], $0x1000, $0x38;
	[tilespmem:$0x1B100] =	vst v63  }
0x28: {  	_ =	swait.ge [sflag:s26], $0x1000  }
0x29: {  	[sflag:s26] =	ssyncset.done $0x0  }
0x2a: {  	s14 =	rddreg [dreg:$0xe];
	[sflag:s26] =	ssyncadd.s32 $0xFFFFF000  }
0x2b: {  	[spmem:s14] =	stream.linear.scatter [tilespmem:s25], [sflag:$0x9], $0x1000, $0x38;
	[tilespmem:$0x1B100] =	vst v63  }
0x2c: {  	_ =	swait.ge [sflag:s26], $0x1000  }
0x2d: {  	[sflag:s26] =	ssyncset.done $0x0  }
0x2e: {  	s15 =	rddreg [dreg:$0xf];
	[sflag:s26] =	ssyncadd.s32 $0xFFFFF000  }
0x2f: {  	[spmem:s15] =	stream.linear.scatter [tilespmem:s25], [sflag:$0x9], $0x1000, $0x38;
	[tilespmem:$0x1B100] =	vst v63  }
0x30: {  	_ =	swait.ge [sflag:s26], $0x1000  }
0x31: {  	[sflag:s26] =	ssyncset.done $0x0  }
0x32: {  	s16 =	rddreg [dreg:$0x10];
	[sflag:s26] =	ssyncadd.s32 $0xFFFFF000  }
0x33: {  	[spmem:s16] =	stream.linear.scatter [tilespmem:s25], [sflag:$0x9], $0x1000, $0x38;
	[tilespmem:$0x1B100] =	vst v63  }
0x34: {  	_ =	swait.ge [sflag:s26], $0x1000  }
0x35: {  	[sflag:s26] =	ssyncset.done $0x0  }
0x36: {  	s17 =	rddreg [dreg:$0x11];
	[sflag:s26] =	ssyncadd.s32 $0xFFFFF000  }
0x37: {  	[spmem:s17] =	stream.linear.scatter [tilespmem:s25], [sflag:$0x9], $0x1000, $0x38;
	[tilespmem:$0x1B100] =	vst v63  }
0x38: {  	_ =	swait.ge [sflag:s26], $0x1000  }
0x39: {  	[sflag:s26] =	ssyncset.done $0x0  }
0x3a: {  	s18 =	rddreg [dreg:$0x12];
	[sflag:s26] =	ssyncadd.s32 $0xFFFFF000  }
0x3b: {  	[spmem:s18] =	stream.linear.scatter [tilespmem:s25], [sflag:$0x9], $0x1000, $0x38;
	[tilespmem:$0x1B100] =	vst v63  }
0x3c: {  	_ =	swait.ge [sflag:s26], $0x1000  }
0x3d: {  	[sflag:s26] =	ssyncset.done $0x0  }
0x3e: {  	s19 =	rddreg [dreg:$0x13];
	[sflag:s26] =	ssyncadd.s32 $0xFFFFF000  }
0x3f: {  	[spmem:s19] =	stream.linear.scatter [tilespmem:s25], [sflag:$0x9], $0x1000, $0x38;
	[tilespmem:$0x1B100] =	vst v63  }
0x40: {  	_ =	swait.ge [sflag:s26], $0x1000  }
0x41: {  	[sflag:s26] =	ssyncset.done $0x0  }
0x42: {  	s21 =	rddreg [dreg:$0x14];
	[sflag:s26] =	ssyncadd.s32 $0xFFFFF000  }
0x43: {  	[spmem:s21] =	stream.linear.scatter [tilespmem:s25], [sflag:$0x9], $0x1000, $0x38;
	[tilespmem:$0x1B100] =	vst v63  }
0x44: {  	_ =	swait.ge [sflag:s26], $0x1000  }
0x45: {  	[sflag:s26] =	ssyncset.done $0x0  }
0x46: {  	s22 =	rddreg [dreg:$0x15];
	[sflag:s26] =	ssyncadd.s32 $0xFFFFF000  }
0x47: {  	[spmem:s22] =	stream.linear.scatter [tilespmem:s25], [sflag:$0x9], $0x1000, $0x38;
	[tilespmem:$0x1B100] =	vst v63  }
0x48: {  	_ =	swait.ge [sflag:s26], $0x1000  }
0x49: {  	[sflag:s26] =	ssyncset.done $0x0  }
0x4a: {  	s13 =	simm.s32 $0x0;
	[sflag:s26] =	ssyncadd.s32 $0xFFFFF000  }
0x4b: {  	s10 =	simm.s32 $0x0;
	s14 =	simm.s32 $0x0;
	[bflag:$0x0] =	sbarrier.arrive $0xFFFF  }
.LBB2_4:
0x4c: {  	s15 =	smul.u32 $0x7D0, s14;
	_ =	sdelay $0x1  }
0x4d: {  	s15 =	sadd.s32 s20, s15  }
0x4e: {  	s15 =	sshrl.u32 s15, $0x3  }
0x4f: {  	s16 =	sadd.s32 s6, s15  }
0x50: {  	[tilespmem:s28], [sflag:$0x9] =	stream.linear.gather [hbm4b:s16+s13], $0x7D0, $0x38;
	[tilespmem:$0x1B100] =	vst v63  }
0x51: {  	_ =	swait.ge [sflag:s26], $0x7D0  }
0x52: {  	[sflag:s26] =	ssyncset.done $0x0  }
0x53: {  	s15 =	sadd.s32 s7, s15;
	[sflag:s26] =	ssyncadd.s32 $0xFFFFF830  }
0x54: {  	[tilespmem:s29], [sflag:$0x9] =	stream.linear.gather [hbm4b:s15+s13], $0x7D0, $0x38;
	[tilespmem:$0x1B100] =	vst v63  }
0x55: {  	_ =	swait.ge [sflag:s26], $0x7D0  }
0x56: {  	[sflag:s26] =	ssyncset.done $0x0  }
0x57: {  	s22 =	simm.s32 $0x0;
	[sflag:s26] =	ssyncadd.s32 $0xFFFFF830  }
0x58: {  	v6 =	vld [tilespmem:s22+$0xA800];
	_ =	sdelay $0x4  }
0x59: {  	v6 =	vsub.s32 v6, v0  }
0x5a: {  	vm0 =	vlt.u32 v6, $0x1388  }
0x5b: {  	v7 =	vsel vm0, $0x1, v3  }
0x5c: {  	(xrf0) =	vadd.scan.msk.s32 $0xffff, v7;
	_ =	sdelay $0x2  }
0x5d: {  	v7 =	vmov s10  }
0x5e: {  	v7 =	vadd.s32 $0xFFFFFFFF, v7  }
0x5f: {  	v7 =	vbroadcast v7, $0x0  }
0x60: {  	v8 =	vld [tilespmem:s22+$0xA000];
	v9, _, _ =	vpop (xrf0)  }
0x61: {  	v7 =	vadd.s32 v9, v7;
	(v2sf) =	vpush v9, $0xF  }
0x62: {  	v7 =	vsel vm0, v7, v4;
	_ =	sdelay $0x2  }
0x63: {  	v8 =	vshll.u32 v8, $0xD  }
0x64: {  	v6 =	vadd.s32 v6, v8  }
0x65: {  	s16 =	simm.s32 $0x10;
	[tilespmem:v7+s30+$0x0] =	vst.idx.msk $0xffff, v6  }
0x66: {  	v6 =	vld [tilespmem:s16+$0xA800];
	_ =	sdelay $0x4  }
0x67: {  	v6 =	vsub.s32 v6, v0  }
0x68: {  	vm0 =	vlt.u32 v6, $0x1388  }
0x69: {  	v7 =	vsel vm0, $0x1, v3  }
0x6a: {  	s15 =	simm.s32 $0x80;
	(xrf0) =	vadd.scan.msk.s32 $0xffff, v7;
	s17 =	spop (v2sf)  }
.LBB2_5:
0x6b: {  	p0 =	sne.s32 s15, $0x1F00  }
0x6c: {  	s10 =	sadd.s32 s10, s17;
	s17 =	smov.u32 s15;
	s15 =	sadd.s32 $0x40, s15  }
0x6d: {  	v7 =	vmov s10  }
0x6e: {  	v7 =	vadd.s32 $0xFFFFFFFF, v7;
	_ =	sdelay $0x1  }
0x6f: {  	v7 =	vbroadcast v7, $0x0  }
0x70: {  	v8 =	vld [tilespmem:s16+$0xA000];
	v9, _, _ =	vpop (xrf0)  }
0x71: {  	v7 =	vadd.s32 v9, v7;
	(v2sf) =	vpush v9, $0xF  }
0x72: {  	v7 =	vsel vm0, v7, v4;
	_ =	sdelay $0x2  }
0x73: {  	v8 =	vshll.u32 v8, $0xD  }
0x74: {  	v6 =	vadd.s32 v6, v8  }
0x75: {  	s16 =	sshra.s32 s17, $0x2;
	[tilespmem:v7+s30+$0x0] =	vst.idx.msk $0xffff, v6  }
0x76: {  	v6 =	vld [tilespmem:s16+$0xA800];
	_ =	sdelay $0x3  }
.Ltmp3:
0x77: {  	(pc) =	sbr.rel @p0 .LBB2_5-.Ltmp3, $4  }
0x78: {  	v6 =	vsub.s32 v6, v0  }
0x79: {  	vm0 =	vlt.u32 v6, $0x1388  }
0x7a: {  	v7 =	vsel vm0, $0x1, v3  }
0x7b: {  	(xrf0) =	vadd.scan.msk.s32 $0xffff, v7;
	s17 =	spop (v2sf)  }
0x7c: {  	_ =	sdelay $0x4  }
0x7d: {  	v7, _, _ =	vpop (xrf0)  }
0x7e: {  	(v2sf) =	vpush v7, $0xF;
	_ =	sdelay $0x4  }
0x7f: {  	s15 =	sadd.s32 s10, s17  }
0x80: {  	v8 =	vmov s15  }
0x81: {  	v8 =	vadd.s32 $0xFFFFFFFF, v8  }
0x82: {  	v8 =	vbroadcast v8, $0x0  }
0x83: {  	v9 =	vld [tilespmem:s16+$0xA000]  }
0x84: {  	s14 =	sadd.s32 $0x1, s14;
	v7 =	vadd.s32 v7, v8  }
0x85: {  	p0 =	sne.s32 s14, $0xA;
	v7 =	vsel vm0, v7, v4  }
.Ltmp4:
0x86: {  	_ = 	snop;
	(pc) =	sbr.rel @p0 .LBB2_4-.Ltmp4, $4  }
0x87: {  	_ = 	snop  }
0x88: {  	v63 =	vshll.u32 v9, $0xD  }
0x89: {  	v6 =	vadd.s32 v6, v63;
	s16 =	spop (v2sf)  }
0x8a: {  	[tilespmem:v7+s30+$0x0] =	vst.idx.msk $0xffff, v6;
	s10 =	sadd.s32 s15, s16  }
0x8b: {  	s13 =	sadd.s32 $0x0, s12  }
0x8c: {  	v7 =	vor.u32 s13, v2;
	s13 =	sadd.s32 s15, s16  }
0x8d: {  	v6 =	vadd.s32 v0, v7;
	s15 =	sadd.s32 $0x0, s13  }
0x8e: {  	v8 =	vshll.u32 v6, $0xD;
	v6 =	vadd.s32 s15, v2;
	_ =	sdelay $0x2  }
0x8f: {  	s14 =	simm.s32 $0x10;
	vm0 =	vlt.u32 v7, $0x1388;
	v7 =	vadd.s32 v7, v8  }
.LBB2_8:
0x90: {  	s15 =	sadd.s32 s14, s12;
	v7 =	vsel vm0, v7, v5;
	p0 =	sne.s32 s14, $0x130  }
.Ltmp5:
0x91: {  	s16 =	sadd.s32 s14, s13;
	s14 =	sadd.s32 $0x10, s14;
	[tilespmem:v6+s30+$0x0] =	vst.idx.msk $0xffff, v7;
	(pc) =	sbr.rel @p0 .LBB2_8-.Ltmp5, $4  }
0x92: {  	v7 =	vor.u32 s15, v2;
	v6 =	vadd.s32 s16, v2  }
0x93: {  	v8 =	vadd.s32 v0, v7  }
0x94: {  	v8 =	vshll.u32 v8, $0xD  }
0x95: {  	vm0 =	vlt.u32 v7, $0x1388;
	v7 =	vadd.s32 v7, v8  }
0x96: {  	s13 =	sadd.s32 $0x15F, s10  }
0x97: {  	s14 =	sand.u32 $0x1F, s13  }
0x98: {  	s15 =	sshra.s32 s13, $0x1F;
	p0 =	slt.s32 s13, $0x1;
	p1 =	sne.s32 s14, $0x0  }
0x99: {  	s18 =	sshrl.u32 s15, $0x1B;
	p0 =	por !p0, !p1  }
0x9a: {  	s14 =	simm.s32 $0x1;
	s13 =	sadd.s32 s18, s13;
	p0 =	por !p0, !p0  }
0x9b: {  	s13 =	sshrl.u32 s13, $0x5;
	s14 =	simm.s32 @!p0 $0x0  }
0x9c: {  	s13 =	ssub.s32 s13, s14  }
0x9d: {  	s10 =	sadd.s32 $0x140, s10;
	s13 =	sshll.u32 s13, $0x5  }
0x9e: {  	s19 =	ssub.s32 s13, s10  }
0x9f: {  	s14 =	sadd.s32 $0xF, s19  }
0xa0: {  	s21 =	sand.u32 $0xF, s14  }
0xa1: {  	s22 =	sshra.s32 s14, $0x1F;
	p6 =	slt.s32 s14, $0x1;
	p5 =	sne.s32 s21, $0x0  }
0xa2: {  	s15 =	sshrl.u32 s22, $0x1C;
	p0 =	por !p6, !p5  }
0xa3: {  	s14 =	sadd.s32 s15, s14;
	s15 =	simm.s32 $0x1;
	p0 =	por !p0, !p0  }
0xa4: {  	s14 =	sshra.s32 s14, $0x4;
	s15 =	simm.s32 @!p0 $0x0  }
0xa5: {  	s14 =	ssub.s32 s14, s15  }
0xa6: {  	p0 =	slt.s32 s14, $0x1  }
.Ltmp6:
0xa7: {  	_ = 	snop;
	(pc) =	sbr.rel @p0 .LBB2_12-.Ltmp6, $3  }
0xa8: {  	_ =	sdelay $0x1  }
0xa9: {  	v7 =	vsel vm0, v7, v5  }
0xaa: {  	[tilespmem:v6+s30+$0x0] =	vst.idx.msk $0xffff, v7  }
0xab: {  	p0 =	sne.s32 s14, $0x1  }
.Ltmp7:
0xac: {  	_ = 	snop;
	(pc) =	sbr.rel @!p0 .LBB2_12-.Ltmp7, $3  }
0xad: {  	_ =	sdelay $0x1  }
0xae: {  	s10 =	sadd.s32 $0xB000, s10  }
0xaf: {  	s14 =	sadd.s32 $0xFFFFFFFF, s14;
	[tilespmem:s10+$0x0] =	vst v5  }
.LBB2_11:
0xb0: {  	p0 =	sne.s32 s14, $0x1  }
.Ltmp8:
0xb1: {  	_ = 	snop;
	(pc) =	sbr.rel @p0 .LBB2_11-.Ltmp8, $3  }
0xb2: {  	_ =	sdelay $0x1  }
0xb3: {  	s14 =	sadd.s32 $0xFFFFFFFF, s14;
	s10 =	sadd.s32 $0x10, s10  }
0xb4: {  	[tilespmem:s10+$0x0] =	vst v5  }
.LBB2_12:
0xb5: {  	s10 =	sshra.s32 s13, $0x5  }
0xb6: {  	p0 =	slt.s32 s10, $0x1  }
0xb7: {  	v6 =	vld @!p0 [tilespmem:$0xB000];
	_ =	sdelay $0x2  }
0xb8: {  	v7 =	vld @!p0 [tilespmem:$0xB010];
	_ =	sdelay $0x1  }
0xb9: {  	v8 =	vshra.s32 @!p0 v6, $0x1F  }
0xba: {  	v8 =	vshrl.u32 @!p0 v8, $0x13  }
0xbb: {  	v8 =	vadd.s32 @!p0 v8, v6  }
0xbc: {  	v9 =	vshra.s32 @!p0 v7, $0x1F;
	v8 =	vshra.s32 @!p0 v8, $0xD  }
0xbd: {  	v9 =	vshrl.u32 @!p0 v9, $0x13;
	v10 =	vshll.u32 @!p0 v8, $0xD  }
0xbe: {  	vm0 =	vlt.s32 @!p0 v6, $0x1;
	v9 =	vadd.s32 @!p0 v9, v7;
	vm1 =	vne.s32 @!p0 v6, v10  }
0xbf: {  	v11 =	vand.u32 @!p0 $0xFFFFE000, v9;
	v10 =	vimm.s32 @!p0 $0x0;
	vm0 =	vmand @!p0 vm0, vm1  }
0xc0: {  	vm1 =	vne.s32 @!p0 v7, v11;
	v11 =	vsel @!p0 vm0, $0xFFFFFFFF, v10;
	vm0 =	vlt.s32 @!p0 v7, $0x1  }
0xc1: {  	v8 =	vadd.s32 @!p0 v11, v8;
	vm0 =	vmand @!p0 vm0, vm1  }
0xc2: {  	v6 =	vand.u32 @!p0 $0x1FFF, v6;
	[tilespmem:$0x10000] =	vst @!p0 v8;
	v8 =	vshra.s32 @!p0 v9, $0xD;
	v9 =	vsel @!p0 vm0, $0xFFFFFFFF, v10  }
0xc3: {  	[tilespmem:$0x10080] =	vst @!p0 v6;
	v6 =	vadd.s32 @!p0 v9, v8  }
0xc4: {  	s14 =	simm.s32 @!p0 $0x20;
	[tilespmem:$0x10010] =	vst @!p0 v6;
	v6 =	vand.u32 @!p0 $0x1FFF, v7  }
0xc5: {  	s15 =	simm.s32 @!p0 $0x10000;
	s16 =	simm.s32 @!p0 $0x10100;
	p1 =	seq.s32 @!p0 s13, $0x20;
	[tilespmem:$0x10090] =	vst @!p0 v6  }
0xc6: {  	[tilespmem:s16], [sflag:$0x1] =	stream.indirect.gather @!p0 [hbm4b:s8+s14], $0x80, s15, s14, $0xb8;
	[tilespmem:$0x1B100] =	vst v63  }
0xc7: {  	p0 =	por p0, p1  }
0xc8: {  	v6 =	vld @!p0 [tilespmem:$0xB020];
	_ =	sdelay $0x2  }
0xc9: {  	v7 =	vld @!p0 [tilespmem:$0xB030];
	_ =	sdelay $0x1  }
0xca: {  	v8 =	vshra.s32 @!p0 v6, $0x1F  }
0xcb: {  	v8 =	vshrl.u32 @!p0 v8, $0x13  }
0xcc: {  	v8 =	vadd.s32 @!p0 v8, v6  }
0xcd: {  	v9 =	vshra.s32 @!p0 v7, $0x1F;
	v8 =	vshra.s32 @!p0 v8, $0xD  }
0xce: {  	v9 =	vshrl.u32 @!p0 v9, $0x13;
	v10 =	vshll.u32 @!p0 v8, $0xD  }
0xcf: {  	vm0 =	vlt.s32 @!p0 v6, $0x1;
	v9 =	vadd.s32 @!p0 v9, v7;
	vm1 =	vne.s32 @!p0 v6, v10  }
0xd0: {  	v11 =	vand.u32 @!p0 $0xFFFFE000, v9;
	v10 =	vimm.s32 @!p0 $0x0;
	vm0 =	vmand @!p0 vm0, vm1  }
0xd1: {  	vm1 =	vne.s32 @!p0 v7, v11;
	v11 =	vsel @!p0 vm0, $0xFFFFFFFF, v10;
	vm0 =	vlt.s32 @!p0 v7, $0x1  }
0xd2: {  	v8 =	vadd.s32 @!p0 v11, v8;
	vm0 =	vmand @!p0 vm0, vm1  }
0xd3: {  	v6 =	vand.u32 @!p0 $0x1FFF, v6;
	[tilespmem:$0x11100] =	vst @!p0 v8;
	v8 =	vshra.s32 @!p0 v9, $0xD;
	v9 =	vsel @!p0 vm0, $0xFFFFFFFF, v10  }
0xd4: {  	[tilespmem:$0x11180] =	vst @!p0 v6;
	v6 =	vadd.s32 @!p0 v9, v8  }
0xd5: {  	s14 =	simm.s32 @!p0 $0x20;
	[tilespmem:$0x11110] =	vst @!p0 v6;
	v6 =	vand.u32 @!p0 $0x1FFF, v7  }
0xd6: {  	s15 =	simm.s32 @!p0 $0x11100;
	s16 =	simm.s32 @!p0 $0x11200;
	p1 =	slt.u32 @!p0 s10, $0x3;
	[tilespmem:$0x11190] =	vst @!p0 v6  }
0xd7: {  	[tilespmem:s16], [sflag:$0x2] =	stream.indirect.gather @!p0 [hbm4b:s8+s14], $0x80, s15, s14, $0xb8;
	[tilespmem:$0x1B100] =	vst v63  }
0xd8: {  	p0 =	por p0, p1  }
0xd9: {  	v6 =	vld @!p0 [tilespmem:$0xB040];
	_ =	sdelay $0x2  }
0xda: {  	v7 =	vld @!p0 [tilespmem:$0xB050];
	_ =	sdelay $0x1  }
0xdb: {  	v8 =	vshra.s32 @!p0 v6, $0x1F  }
0xdc: {  	v8 =	vshrl.u32 @!p0 v8, $0x13  }
0xdd: {  	v8 =	vadd.s32 @!p0 v8, v6  }
0xde: {  	v9 =	vshra.s32 @!p0 v7, $0x1F;
	v8 =	vshra.s32 @!p0 v8, $0xD  }
0xdf: {  	v9 =	vshrl.u32 @!p0 v9, $0x13;
	v10 =	vshll.u32 @!p0 v8, $0xD  }
0xe0: {  	vm0 =	vlt.s32 @!p0 v6, $0x1;
	v9 =	vadd.s32 @!p0 v9, v7;
	vm1 =	vne.s32 @!p0 v6, v10  }
0xe1: {  	v11 =	vand.u32 @!p0 $0xFFFFE000, v9;
	v10 =	vimm.s32 @!p0 $0x0;
	vm0 =	vmand @!p0 vm0, vm1  }
0xe2: {  	vm1 =	vne.s32 @!p0 v7, v11;
	v11 =	vsel @!p0 vm0, $0xFFFFFFFF, v10;
	vm0 =	vlt.s32 @!p0 v7, $0x1  }
0xe3: {  	v8 =	vadd.s32 @!p0 v11, v8;
	vm0 =	vmand @!p0 vm0, vm1  }
0xe4: {  	v6 =	vand.u32 @!p0 $0x1FFF, v6;
	[tilespmem:$0x12200] =	vst @!p0 v8;
	v8 =	vshra.s32 @!p0 v9, $0xD;
	v9 =	vsel @!p0 vm0, $0xFFFFFFFF, v10  }
0xe5: {  	[tilespmem:$0x12280] =	vst @!p0 v6;
	v6 =	vadd.s32 @!p0 v9, v8  }
0xe6: {  	s14 =	simm.s32 @!p0 $0x20;
	[tilespmem:$0x12210] =	vst @!p0 v6;
	v6 =	vand.u32 @!p0 $0x1FFF, v7  }
0xe7: {  	s15 =	simm.s32 @!p0 $0x12200;
	s16 =	simm.s32 @!p0 $0x12300;
	p1 =	seq.s32 @!p0 s13, $0x60;
	[tilespmem:$0x12290] =	vst @!p0 v6  }
0xe8: {  	[tilespmem:s16], [sflag:$0x3] =	stream.indirect.gather @!p0 [hbm4b:s8+s14], $0x80, s15, s14, $0xb8;
	[tilespmem:$0x1B100] =	vst v63  }
0xe9: {  	p0 =	por p0, p1  }
0xea: {  	v6 =	vld @!p0 [tilespmem:$0xB060];
	_ =	sdelay $0x2  }
0xeb: {  	v7 =	vld @!p0 [tilespmem:$0xB070];
	_ =	sdelay $0x1  }
0xec: {  	v8 =	vshra.s32 @!p0 v6, $0x1F  }
0xed: {  	v8 =	vshrl.u32 @!p0 v8, $0x13  }
0xee: {  	v8 =	vadd.s32 @!p0 v8, v6  }
0xef: {  	v9 =	vshra.s32 @!p0 v7, $0x1F;
	v8 =	vshra.s32 @!p0 v8, $0xD  }
0xf0: {  	v9 =	vshrl.u32 @!p0 v9, $0x13;
	v10 =	vshll.u32 @!p0 v8, $0xD  }
0xf1: {  	vm0 =	vlt.s32 @!p0 v6, $0x1;
	v9 =	vadd.s32 @!p0 v9, v7;
	vm1 =	vne.s32 @!p0 v6, v10  }
0xf2: {  	v11 =	vand.u32 @!p0 $0xFFFFE000, v9;
	v10 =	vimm.s32 @!p0 $0x0;
	vm0 =	vmand @!p0 vm0, vm1  }
0xf3: {  	vm1 =	vne.s32 @!p0 v7, v11;
	v11 =	vsel @!p0 vm0, $0xFFFFFFFF, v10;
	vm0 =	vlt.s32 @!p0 v7, $0x1  }
0xf4: {  	v8 =	vadd.s32 @!p0 v11, v8;
	vm0 =	vmand @!p0 vm0, vm1  }
0xf5: {  	v6 =	vand.u32 @!p0 $0x1FFF, v6;
	[tilespmem:$0x13300] =	vst @!p0 v8;
	v8 =	vshra.s32 @!p0 v9, $0xD;
	v9 =	vsel @!p0 vm0, $0xFFFFFFFF, v10  }
0xf6: {  	[tilespmem:$0x13380] =	vst @!p0 v6;
	v6 =	vadd.s32 @!p0 v9, v8  }
0xf7: {  	s14 =	simm.s32 @!p0 $0x20;
	[tilespmem:$0x13310] =	vst @!p0 v6;
	v6 =	vand.u32 @!p0 $0x1FFF, v7  }
0xf8: {  	s15 =	simm.s32 @!p0 $0x13300;
	s16 =	simm.s32 @!p0 $0x13400;
	p1 =	slt.u32 @!p0 s10, $0x5;
	[tilespmem:$0x13390] =	vst @!p0 v6  }
0xf9: {  	[tilespmem:s16], [sflag:$0x4] =	stream.indirect.gather @!p0 [hbm4b:s8+s14], $0x80, s15, s14, $0xb8;
	[tilespmem:$0x1B100] =	vst v63  }
0xfa: {  	p0 =	por p0, p1  }
0xfb: {  	v6 =	vld @!p0 [tilespmem:$0xB080];
	_ =	sdelay $0x2  }
0xfc: {  	v7 =	vld @!p0 [tilespmem:$0xB090];
	_ =	sdelay $0x1  }
0xfd: {  	v8 =	vshra.s32 @!p0 v6, $0x1F  }
0xfe: {  	v8 =	vshrl.u32 @!p0 v8, $0x13  }
0xff: {  	v8 =	vadd.s32 @!p0 v8, v6  }
0x100: {  	v9 =	vshra.s32 @!p0 v7, $0x1F;
	v8 =	vshra.s32 @!p0 v8, $0xD  }
0x101: {  	v9 =	vshrl.u32 @!p0 v9, $0x13;
	v10 =	vshll.u32 @!p0 v8, $0xD  }
0x102: {  	vm0 =	vlt.s32 @!p0 v6, $0x1;
	v9 =	vadd.s32 @!p0 v9, v7;
	vm1 =	vne.s32 @!p0 v6, v10  }
0x103: {  	v11 =	vand.u32 @!p0 $0xFFFFE000, v9;
	v10 =	vimm.s32 @!p0 $0x0;
	vm0 =	vmand @!p0 vm0, vm1  }
0x104: {  	vm1 =	vne.s32 @!p0 v7, v11;
	v11 =	vsel @!p0 vm0, $0xFFFFFFFF, v10;
	vm0 =	vlt.s32 @!p0 v7, $0x1  }
0x105: {  	v8 =	vadd.s32 @!p0 v11, v8;
	vm0 =	vmand @!p0 vm0, vm1  }
0x106: {  	v6 =	vand.u32 @!p0 $0x1FFF, v6;
	[tilespmem:$0x14400] =	vst @!p0 v8;
	v8 =	vshra.s32 @!p0 v9, $0xD;
	v9 =	vsel @!p0 vm0, $0xFFFFFFFF, v10  }
0x107: {  	[tilespmem:$0x14480] =	vst @!p0 v6;
	v6 =	vadd.s32 @!p0 v9, v8  }
0x108: {  	s14 =	simm.s32 @!p0 $0x20;
	[tilespmem:$0x14410] =	vst @!p0 v6;
	v6 =	vand.u32 @!p0 $0x1FFF, v7  }
0x109: {  	s15 =	simm.s32 @!p0 $0x14400;
	s16 =	simm.s32 @!p0 $0x14500;
	p1 =	seq.s32 @!p0 s13, $0xA0;
	[tilespmem:$0x14490] =	vst @!p0 v6  }
0x10a: {  	[tilespmem:s16], [sflag:$0x5] =	stream.indirect.gather @!p0 [hbm4b:s8+s14], $0x80, s15, s14, $0xb8;
	[tilespmem:$0x1B100] =	vst v63  }
0x10b: {  	p0 =	por p0, p1  }
.Ltmp9:
0x10c: {  	_ = 	snop;
	(pc) =	sbr.rel @p0 .LBB2_14-.Ltmp9, $1  }
0x10d: {  	_ =	sdelay $0x3  }
0x10e: {  	v6 =	vld [tilespmem:$0xB0A0];
	_ =	sdelay $0x1  }
0x10f: {  	v7 =	vld [tilespmem:$0xB0B0];
	_ =	sdelay $0x2  }
0x110: {  	v8 =	vshra.s32 v6, $0x1F  }
0x111: {  	v8 =	vshrl.u32 v8, $0x13  }
0x112: {  	v9 =	vshra.s32 v7, $0x1F;
	v8 =	vadd.s32 v8, v6  }
0x113: {  	v9 =	vshrl.u32 v9, $0x13;
	v8 =	vshra.s32 v8, $0xD  }
0x114: {  	v9 =	vadd.s32 v9, v7;
	v10 =	vshll.u32 v8, $0xD  }
0x115: {  	vm0 =	vlt.s32 v6, $0x1;
	v61 =	vand.u32 $0xFFFFE000, v9;
	vm1 =	vne.s32 v6, v10  }
0x116: {  	vm14 =	vlt.s32 v7, $0x1;
	vm15 =	vne.s32 v7, v61;
	vm0 =	vmand vm0, vm1  }
0x117: {  	v6 =	vand.u32 $0x1FFF, v6;
	v11 =	vsel vm0, $0xFFFFFFFF, v3;
	vm0 =	vmand vm14, vm15  }
0x118: {  	v62 =	vshra.s32 v9, $0xD;
	[tilespmem:$0x15580] =	vst v6;
	v8 =	vadd.s32 v11, v8;
	v63 =	vsel vm0, $0xFFFFFFFF, v3  }
0x119: {  	[tilespmem:$0x15500] =	vst v8;
	v6 =	vadd.s32 v63, v62  }
0x11a: {  	s13 =	simm.s32 $0x20;
	[tilespmem:$0x15510] =	vst v6;
	v6 =	vand.u32 $0x1FFF, v7  }
0x11b: {  	s14 =	simm.s32 $0x15500;
	s15 =	simm.s32 $0x15600;
	p0 =	slt.u32 s10, $0x7;
	[tilespmem:$0x15590] =	vst v6  }
0x11c: {  	[tilespmem:s15], [sflag:$0x6] =	stream.indirect.gather [hbm4b:s8+s13], $0x80, s14, s13, $0xb8;
	[tilespmem:$0x1B100] =	vst v63  }
0x11d: {  	v6 =	vld @!p0 [tilespmem:$0xB0C0];
	_ =	sdelay $0x2  }
0x11e: {  	v7 =	vld @!p0 [tilespmem:$0xB0D0];
	_ =	sdelay $0x1  }
0x11f: {  	v8 =	vshra.s32 @!p0 v6, $0x1F  }
0x120: {  	v8 =	vshrl.u32 @!p0 v8, $0x13  }
0x121: {  	v8 =	vadd.s32 @!p0 v8, v6  }
0x122: {  	v9 =	vshra.s32 @!p0 v7, $0x1F;
	v8 =	vshra.s32 @!p0 v8, $0xD  }
0x123: {  	v9 =	vshrl.u32 @!p0 v9, $0x13;
	v10 =	vshll.u32 @!p0 v8, $0xD  }
0x124: {  	vm0 =	vlt.s32 @!p0 v6, $0x1;
	v9 =	vadd.s32 @!p0 v9, v7;
	vm1 =	vne.s32 @!p0 v6, v10  }
0x125: {  	v11 =	vand.u32 @!p0 $0xFFFFE000, v9;
	v10 =	vimm.s32 @!p0 $0x0;
	vm0 =	vmand @!p0 vm0, vm1  }
0x126: {  	vm1 =	vne.s32 @!p0 v7, v11;
	v11 =	vsel @!p0 vm0, $0xFFFFFFFF, v10;
	vm0 =	vlt.s32 @!p0 v7, $0x1  }
0x127: {  	v8 =	vadd.s32 @!p0 v11, v8;
	vm0 =	vmand @!p0 vm0, vm1  }
0x128: {  	v6 =	vand.u32 @!p0 $0x1FFF, v6;
	[tilespmem:$0x16600] =	vst @!p0 v8;
	v8 =	vshra.s32 @!p0 v9, $0xD;
	v9 =	vsel @!p0 vm0, $0xFFFFFFFF, v10  }
0x129: {  	[tilespmem:$0x16680] =	vst @!p0 v6;
	v6 =	vadd.s32 @!p0 v9, v8  }
0x12a: {  	[tilespmem:$0x16610] =	vst @!p0 v6;
	v6 =	vand.u32 @!p0 $0x1FFF, v7  }
0x12b: {  	s13 =	simm.s32 @!p0 $0x20;
	s14 =	simm.s32 @!p0 $0x16600;
	s15 =	simm.s32 @!p0 $0x16700;
	[tilespmem:$0x16690] =	vst @!p0 v6  }
0x12c: {  	[tilespmem:s15], [sflag:$0x7] =	stream.indirect.gather @!p0 [hbm4b:s8+s13], $0x80, s14, s13, $0xb8;
	[tilespmem:$0x1B100] =	vst v63  }
.LBB2_14:
0x12d: {  	s13 =	sadd.s32 $0x7, s10  }
0x12e: {  	s14 =	sand.u32 $0x7, s13  }
0x12f: {  	p0 =	slt.s32 s10, $0xFFFFFFFA;
	p1 =	sne.s32 s14, $0x0  }
0x130: {  	s22 =	sshrl.u32 s13, $0x1D;
	p0 =	por !p0, !p1  }
0x131: {  	s13 =	sadd.s32 s22, s13;
	s14 =	simm.s32 $0x1;
	p0 =	por !p0, !p0  }
0x132: {  	s13 =	sshra.s32 s13, $0x3;
	s14 =	simm.s32 @!p0 $0x0  }
0x133: {  	s13 =	ssub.s32 s13, s14  }
0x134: {  	p0 =	slt.s32 s13, $0x1  }
.Ltmp10:
0x135: {  	_ = 	snop;
	(pc) =	sbr.rel @p0 .LBB2_20-.Ltmp10, $1  }
0x136: {  	_ =	sdelay $0x3  }
0x137: {  	s14 =	sadd.s32 $0xFFFFFFFF, s10  }
0x138: {  	s17 =	sadd.s32 $0xFFFFFFFD, s10;
	[dreg:$0x5] =	wrdreg s14  }
0x139: {  	s16 =	sadd.s32 $0xFFFFFFFE, s10;
	[dreg:$0x7] =	wrdreg s17;
	s17 =	sadd.s32 $0xFFFFFFFF, s13  }
0x13a: {  	s18 =	sadd.s32 $0xFFFFFFFC, s10;
	[dreg:$0x6] =	wrdreg s16;
	p1 =	sne.s32 s17, $0x0  }
.Ltmp11:
0x13b: {  	s19 =	sadd.s32 $0xFFFFFFFB, s10;
	[dreg:$0x8] =	wrdreg s18;
	(pc) =	sbr.rel @!p1 .LBB2_16-.Ltmp11, $4  }
0x13c: {  	s21 =	sadd.s32 $0xFFFFFFFA, s10;
	[dreg:$0x9] =	wrdreg s19  }
0x13d: {  	s22 =	sadd.s32 $0xFFFFFFF9, s10;
	[dreg:$0xa] =	wrdreg s21  }
0x13e: {  	s15 =	simm.s32 $0xE;
	p0 =	por $0x0, $0x0;
	[dreg:$0xb] =	wrdreg s22  }
0x13f: {  	s13 =	simm.s32 $0x1C0;
	s14 =	simm.s32 $0xB1C0;
	s16 =	simm.s32 $0x0  }
0x140: {  	p0 =	sle.s32 s10, $0x0  }
0x141: {  	s15 =	simm.s32 @!p0 $0x1  }
0x142: {  	_ =	swait.ge @!p0 [sflag:s15], $0x1000  }
0x143: {  	p1 =	sle.s32 @!p0 s10, $0x7;
	[sflag:s15] =	ssyncset.done @!p0 $0x0  }
0x144: {  	p1 =	por p1, p0;
	[sflag:s15] =	ssyncadd.s32 @!p0 $0xFFFFF000  }
0x145: {  	v6 =	vld @!p1 [tilespmem:s14+$0xFFFFFF20];
	_ =	sdelay $0x4  }
0x146: {  	v7 =	vshra.s32 @!p1 v6, $0x1F  }
0x147: {  	v7 =	vshrl.u32 @!p1 v7, $0x13  }
0x148: {  	v7 =	vadd.s32 @!p1 v7, v6  }
0x149: {  	v7 =	vshra.s32 @!p1 v7, $0xD  }
0x14a: {  	v8 =	vshll.u32 @!p1 v7, $0xD  }
0x14b: {  	vm0 =	vlt.s32 @!p1 v6, $0x1;
	vm1 =	vne.s32 @!p1 v6, v8  }
0x14c: {  	v8 =	vimm.s32 @!p1 $0x0;
	vm0 =	vmand @!p1 vm0, vm1  }
0x14d: {  	v6 =	vand.u32 @!p1 $0x1FFF, v6;
	v9 =	vsel @!p1 vm0, $0xFFFFFFFF, v8  }
0x14e: {  	s15 =	simm.s32 @!p1 $0xE0;
	[tilespmem:$0x17780] =	vst @!p1 v6;
	v6 =	vadd.s32 @!p1 v9, v7  }
0x14f: {  	s15 =	sor.u32 @!p1 $0x70, s15;
	[tilespmem:$0x17700] =	vst @!p1 v6  }
0x150: {  	v6 =	vld @!p1 [tilespmem:s15+$0xB000];
	_ =	sdelay $0x4  }
0x151: {  	v7 =	vshra.s32 @!p1 v6, $0x1F  }
0x152: {  	v7 =	vshrl.u32 @!p1 v7, $0x13  }
0x153: {  	v7 =	vadd.s32 @!p1 v7, v6  }
0x154: {  	v9 =	vand.u32 @!p1 $0xFFFFE000, v7  }
0x155: {  	vm0 =	vlt.s32 @!p1 v6, $0x1;
	vm1 =	vne.s32 @!p1 v6, v9  }
0x156: {  	vm0 =	vmand @!p1 vm0, vm1  }
0x157: {  	v7 =	vshra.s32 @!p1 v7, $0xD;
	v6 =	vand.u32 @!p1 $0x1FFF, v6;
	v8 =	vsel @!p1 vm0, $0xFFFFFFFF, v8  }
0x158: {  	s16 =	simm.s32 @!p1 $0x20;
	[tilespmem:$0x17790] =	vst @!p1 v6;
	v6 =	vadd.s32 @!p1 v8, v7  }
0x159: {  	s18 =	simm.s32 @!p1 $0x17700;
	s19 =	simm.s32 @!p1 $0x17800;
	s15 =	simm.s32 @!p0 $0xA;
	[tilespmem:$0x17710] =	vst @!p1 v6  }
0x15a: {  	[tilespmem:s19], [sflag:$0x8] =	stream.indirect.gather @!p1 [hbm4b:s8+s16], $0x80, s18, s16, $0xb8;
	[tilespmem:$0x1B100] =	vst v63  }
0x15b: {  	s16 =	simm.s32 @!p0 $0x20;
	s18 =	simm.s32 @!p0 $0x10080;
	s19 =	simm.s32 @!p0 $0x10100  }
0x15c: {  	[spmem:s3] =	stream.indirect.scatter.add.f32 @!p0 [tilespmem:s19], [sflag:$0xA], $0x80, s18, s16, $0xb8;
	[tilespmem:$0x1B100] =	vst v63  }
0x15d: {  	_ =	swait.ge @!p0 [sflag:s15], $0x1000  }
0x15e: {  	s19 =	rddreg [dreg:$0x5]  }
0x15f: {  	[sflag:s15] =	ssyncset.done @!p0 $0x0;
	p1 =	sle.s32 s19, $0x0  }
0x160: {  	[sflag:s15] =	ssyncadd.s32 @!p0 $0xFFFFF000;
	s15 =	simm.s32 @!p1 $0x2  }
0x161: {  	_ =	swait.ge @!p1 [sflag:s15], $0x1000  }
0x162: {  	p0 =	sle.s32 @!p1 s10, $0x8;
	[sflag:s15] =	ssyncset.done @!p1 $0x0  }
0x163: {  	p0 =	por p0, p1;
	[sflag:s15] =	ssyncadd.s32 @!p1 $0xFFFFF000  }
0x164: {  	v6 =	vld @!p0 [tilespmem:s14+$0xFFFFFF40];
	_ =	sdelay $0x4  }
0x165: {  	v7 =	vshra.s32 @!p0 v6, $0x1F  }
0x166: {  	v7 =	vshrl.u32 @!p0 v7, $0x13  }
0x167: {  	v7 =	vadd.s32 @!p0 v7, v6  }
0x168: {  	v7 =	vshra.s32 @!p0 v7, $0xD  }
0x169: {  	v8 =	vshll.u32 @!p0 v7, $0xD  }
0x16a: {  	vm0 =	vlt.s32 @!p0 v6, $0x1;
	vm1 =	vne.s32 @!p0 v6, v8  }
0x16b: {  	v8 =	vimm.s32 @!p0 $0x0;
	vm0 =	vmand @!p0 vm0, vm1  }
0x16c: {  	v6 =	vand.u32 @!p0 $0x1FFF, v6;
	v9 =	vsel @!p0 vm0, $0xFFFFFFFF, v8  }
0x16d: {  	[tilespmem:$0x10080] =	vst @!p0 v6;
	v6 =	vadd.s32 @!p0 v9, v7  }
0x16e: {  	[tilespmem:$0x10000] =	vst @!p0 v6  }
0x16f: {  	v6 =	vld @!p0 [tilespmem:s14+$0xFFFFFF50];
	_ =	sdelay $0x4  }
0x170: {  	v7 =	vshra.s32 @!p0 v6, $0x1F  }
0x171: {  	v7 =	vshrl.u32 @!p0 v7, $0x13  }
0x172: {  	v7 =	vadd.s32 @!p0 v7, v6  }
0x173: {  	v9 =	vand.u32 @!p0 $0xFFFFE000, v7  }
0x174: {  	vm0 =	vlt.s32 @!p0 v6, $0x1;
	vm1 =	vne.s32 @!p0 v6, v9  }
0x175: {  	vm0 =	vmand @!p0 vm0, vm1  }
0x176: {  	v7 =	vshra.s32 @!p0 v7, $0xD;
	v6 =	vand.u32 @!p0 $0x1FFF, v6;
	v8 =	vsel @!p0 vm0, $0xFFFFFFFF, v8  }
0x177: {  	s16 =	simm.s32 @!p0 $0x20;
	[tilespmem:$0x10090] =	vst @!p0 v6;
	v6 =	vadd.s32 @!p0 v8, v7  }
0x178: {  	s18 =	simm.s32 @!p0 $0x10000;
	s19 =	simm.s32 @!p0 $0x10100;
	s15 =	simm.s32 @!p1 $0xA;
	[tilespmem:$0x10010] =	vst @!p0 v6  }
0x179: {  	[tilespmem:s19], [sflag:$0x1] =	stream.indirect.gather @!p0 [hbm4b:s8+s16], $0x80, s18, s16, $0xb8;
	[tilespmem:$0x1B100] =	vst v63  }
0x17a: {  	s16 =	simm.s32 @!p1 $0x20;
	s18 =	simm.s32 @!p1 $0x11180;
	s19 =	simm.s32 @!p1 $0x11200  }
0x17b: {  	[spmem:s3] =	stream.indirect.scatter.add.f32 @!p1 [tilespmem:s19], [sflag:$0xA], $0x80, s18, s16, $0xb8;
	[tilespmem:$0x1B100] =	vst v63  }
0x17c: {  	_ =	swait.ge @!p1 [sflag:s15], $0x1000  }
0x17d: {  	s21 =	rddreg [dreg:$0x6]  }
0x17e: {  	[sflag:s15] =	ssyncset.done @!p1 $0x0;
	p0 =	sle.s32 s21, $0x0  }
0x17f: {  	[sflag:s15] =	ssyncadd.s32 @!p1 $0xFFFFF000;
	s15 =	simm.s32 @!p0 $0x3  }
0x180: {  	_ =	swait.ge @!p0 [sflag:s15], $0x1000  }
0x181: {  	p1 =	sle.s32 @!p0 s10, $0x9;
	[sflag:s15] =	ssyncset.done @!p0 $0x0  }
0x182: {  	p1 =	por p1, p0;
	[sflag:s15] =	ssyncadd.s32 @!p0 $0xFFFFF000  }
0x183: {  	v6 =	vld @!p1 [tilespmem:s14+$0xFFFFFF60];
	_ =	sdelay $0x4  }
0x184: {  	v7 =	vshra.s32 @!p1 v6, $0x1F  }
0x185: {  	v7 =	vshrl.u32 @!p1 v7, $0x13  }
0x186: {  	v7 =	vadd.s32 @!p1 v7, v6  }
0x187: {  	v7 =	vshra.s32 @!p1 v7, $0xD  }
0x188: {  	v8 =	vshll.u32 @!p1 v7, $0xD  }
0x189: {  	vm0 =	vlt.s32 @!p1 v6, $0x1;
	vm1 =	vne.s32 @!p1 v6, v8  }
0x18a: {  	v8 =	vimm.s32 @!p1 $0x0;
	vm0 =	vmand @!p1 vm0, vm1  }
0x18b: {  	v6 =	vand.u32 @!p1 $0x1FFF, v6;
	v9 =	vsel @!p1 vm0, $0xFFFFFFFF, v8  }
0x18c: {  	s15 =	simm.s32 @!p1 $0x120;
	[tilespmem:$0x11180] =	vst @!p1 v6;
	v6 =	vadd.s32 @!p1 v9, v7  }
0x18d: {  	s15 =	sor.u32 @!p1 $0x30, s15;
	[tilespmem:$0x11100] =	vst @!p1 v6  }
0x18e: {  	v6 =	vld @!p1 [tilespmem:s15+$0xB000];
	_ =	sdelay $0x4  }
0x18f: {  	v7 =	vshra.s32 @!p1 v6, $0x1F  }
0x190: {  	v7 =	vshrl.u32 @!p1 v7, $0x13  }
0x191: {  	v7 =	vadd.s32 @!p1 v7, v6  }
0x192: {  	v9 =	vand.u32 @!p1 $0xFFFFE000, v7  }
0x193: {  	vm0 =	vlt.s32 @!p1 v6, $0x1;
	vm1 =	vne.s32 @!p1 v6, v9  }
0x194: {  	vm0 =	vmand @!p1 vm0, vm1  }
0x195: {  	v7 =	vshra.s32 @!p1 v7, $0xD;
	v6 =	vand.u32 @!p1 $0x1FFF, v6;
	v8 =	vsel @!p1 vm0, $0xFFFFFFFF, v8  }
0x196: {  	s16 =	simm.s32 @!p1 $0x20;
	[tilespmem:$0x11190] =	vst @!p1 v6;
	v6 =	vadd.s32 @!p1 v8, v7  }
0x197: {  	s18 =	simm.s32 @!p1 $0x11100;
	s19 =	simm.s32 @!p1 $0x11200;
	s15 =	simm.s32 @!p0 $0xA;
	[tilespmem:$0x11110] =	vst @!p1 v6  }
0x198: {  	[tilespmem:s19], [sflag:$0x2] =	stream.indirect.gather @!p1 [hbm4b:s8+s16], $0x80, s18, s16, $0xb8;
	[tilespmem:$0x1B100] =	vst v63  }
0x199: {  	s16 =	simm.s32 @!p0 $0x20;
	s18 =	simm.s32 @!p0 $0x12280;
	s19 =	simm.s32 @!p0 $0x12300  }
0x19a: {  	[spmem:s3] =	stream.indirect.scatter.add.f32 @!p0 [tilespmem:s19], [sflag:$0xA], $0x80, s18, s16, $0xb8;
	[tilespmem:$0x1B100] =	vst v63  }
0x19b: {  	_ =	swait.ge @!p0 [sflag:s15], $0x1000  }
0x19c: {  	s22 =	rddreg [dreg:$0x7]  }
0x19d: {  	[sflag:s15] =	ssyncset.done @!p0 $0x0;
	p1 =	sle.s32 s22, $0x0  }
0x19e: {  	[sflag:s15] =	ssyncadd.s32 @!p0 $0xFFFFF000;
	s15 =	simm.s32 @!p1 $0x4  }
0x19f: {  	_ =	swait.ge @!p1 [sflag:s15], $0x1000  }
0x1a0: {  	p0 =	sle.s32 @!p1 s10, $0xA;
	[sflag:s15] =	ssyncset.done @!p1 $0x0  }
0x1a1: {  	p0 =	por p0, p1;
	[sflag:s15] =	ssyncadd.s32 @!p1 $0xFFFFF000  }
0x1a2: {  	v6 =	vld @!p0 [tilespmem:s14+$0xFFFFFF80];
	_ =	sdelay $0x4  }
0x1a3: {  	v7 =	vshra.s32 @!p0 v6, $0x1F  }
0x1a4: {  	v7 =	vshrl.u32 @!p0 v7, $0x13  }
0x1a5: {  	v7 =	vadd.s32 @!p0 v7, v6  }
0x1a6: {  	v7 =	vshra.s32 @!p0 v7, $0xD  }
0x1a7: {  	v8 =	vshll.u32 @!p0 v7, $0xD  }
0x1a8: {  	vm0 =	vlt.s32 @!p0 v6, $0x1;
	vm1 =	vne.s32 @!p0 v6, v8  }
0x1a9: {  	v8 =	vimm.s32 @!p0 $0x0;
	vm0 =	vmand @!p0 vm0, vm1  }
0x1aa: {  	v6 =	vand.u32 @!p0 $0x1FFF, v6;
	v9 =	vsel @!p0 vm0, $0xFFFFFFFF, v8  }
0x1ab: {  	s15 =	simm.s32 @!p0 $0x140;
	[tilespmem:$0x12280] =	vst @!p0 v6;
	v6 =	vadd.s32 @!p0 v9, v7  }
0x1ac: {  	s15 =	sor.u32 @!p0 $0x50, s15;
	[tilespmem:$0x12200] =	vst @!p0 v6  }
0x1ad: {  	v6 =	vld @!p0 [tilespmem:s15+$0xB000];
	_ =	sdelay $0x4  }
0x1ae: {  	v7 =	vshra.s32 @!p0 v6, $0x1F  }
0x1af: {  	v7 =	vshrl.u32 @!p0 v7, $0x13  }
0x1b0: {  	v7 =	vadd.s32 @!p0 v7, v6  }
0x1b1: {  	v9 =	vand.u32 @!p0 $0xFFFFE000, v7  }
0x1b2: {  	vm0 =	vlt.s32 @!p0 v6, $0x1;
	vm1 =	vne.s32 @!p0 v6, v9  }
0x1b3: {  	vm0 =	vmand @!p0 vm0, vm1  }
0x1b4: {  	v7 =	vshra.s32 @!p0 v7, $0xD;
	v6 =	vand.u32 @!p0 $0x1FFF, v6;
	v8 =	vsel @!p0 vm0, $0xFFFFFFFF, v8  }
0x1b5: {  	s16 =	simm.s32 @!p0 $0x20;
	[tilespmem:$0x12290] =	vst @!p0 v6;
	v6 =	vadd.s32 @!p0 v8, v7  }
0x1b6: {  	s18 =	simm.s32 @!p0 $0x12200;
	s19 =	simm.s32 @!p0 $0x12300;
	s15 =	simm.s32 @!p1 $0xA;
	[tilespmem:$0x12210] =	vst @!p0 v6  }
0x1b7: {  	[tilespmem:s19], [sflag:$0x3] =	stream.indirect.gather @!p0 [hbm4b:s8+s16], $0x80, s18, s16, $0xb8;
	[tilespmem:$0x1B100] =	vst v63  }
0x1b8: {  	s16 =	simm.s32 @!p1 $0x20;
	s18 =	simm.s32 @!p1 $0x13380;
	s19 =	simm.s32 @!p1 $0x13400  }
0x1b9: {  	[spmem:s3] =	stream.indirect.scatter.add.f32 @!p1 [tilespmem:s19], [sflag:$0xA], $0x80, s18, s16, $0xb8;
	[tilespmem:$0x1B100] =	vst v63  }
0x1ba: {  	_ =	swait.ge @!p1 [sflag:s15], $0x1000  }
0x1bb: {  	s18 =	rddreg [dreg:$0x8]  }
0x1bc: {  	[sflag:s15] =	ssyncset.done @!p1 $0x0;
	p0 =	sle.s32 s18, $0x0  }
0x1bd: {  	[sflag:s15] =	ssyncadd.s32 @!p1 $0xFFFFF000;
	s15 =	simm.s32 @!p0 $0x5  }
0x1be: {  	_ =	swait.ge @!p0 [sflag:s15], $0x1000  }
0x1bf: {  	p1 =	sle.s32 @!p0 s10, $0xB;
	[sflag:s15] =	ssyncset.done @!p0 $0x0  }
0x1c0: {  	p1 =	por p1, p0;
	[sflag:s15] =	ssyncadd.s32 @!p0 $0xFFFFF000  }
0x1c1: {  	v6 =	vld @!p1 [tilespmem:s14+$0xFFFFFFA0];
	_ =	sdelay $0x4  }
0x1c2: {  	v7 =	vshra.s32 @!p1 v6, $0x1F  }
0x1c3: {  	v7 =	vshrl.u32 @!p1 v7, $0x13  }
0x1c4: {  	v7 =	vadd.s32 @!p1 v7, v6  }
0x1c5: {  	v7 =	vshra.s32 @!p1 v7, $0xD  }
0x1c6: {  	v8 =	vshll.u32 @!p1 v7, $0xD  }
0x1c7: {  	vm0 =	vlt.s32 @!p1 v6, $0x1;
	vm1 =	vne.s32 @!p1 v6, v8  }
0x1c8: {  	v8 =	vimm.s32 @!p1 $0x0;
	vm0 =	vmand @!p1 vm0, vm1  }
0x1c9: {  	v6 =	vand.u32 @!p1 $0x1FFF, v6;
	v9 =	vsel @!p1 vm0, $0xFFFFFFFF, v8  }
0x1ca: {  	s15 =	simm.s32 @!p1 $0x160;
	[tilespmem:$0x13380] =	vst @!p1 v6;
	v6 =	vadd.s32 @!p1 v9, v7  }
0x1cb: {  	s15 =	sor.u32 @!p1 $0x70, s15;
	[tilespmem:$0x13300] =	vst @!p1 v6  }
0x1cc: {  	v6 =	vld @!p1 [tilespmem:s15+$0xB000];
	_ =	sdelay $0x4  }
0x1cd: {  	v7 =	vshra.s32 @!p1 v6, $0x1F  }
0x1ce: {  	v7 =	vshrl.u32 @!p1 v7, $0x13  }
0x1cf: {  	v7 =	vadd.s32 @!p1 v7, v6  }
0x1d0: {  	v9 =	vand.u32 @!p1 $0xFFFFE000, v7  }
0x1d1: {  	vm0 =	vlt.s32 @!p1 v6, $0x1;
	vm1 =	vne.s32 @!p1 v6, v9  }
0x1d2: {  	vm0 =	vmand @!p1 vm0, vm1  }
0x1d3: {  	v7 =	vshra.s32 @!p1 v7, $0xD;
	v6 =	vand.u32 @!p1 $0x1FFF, v6;
	v8 =	vsel @!p1 vm0, $0xFFFFFFFF, v8  }
0x1d4: {  	s16 =	simm.s32 @!p1 $0x20;
	[tilespmem:$0x13390] =	vst @!p1 v6;
	v6 =	vadd.s32 @!p1 v8, v7  }
0x1d5: {  	s18 =	simm.s32 @!p1 $0x13300;
	s19 =	simm.s32 @!p1 $0x13400;
	s15 =	simm.s32 @!p0 $0xA;
	[tilespmem:$0x13310] =	vst @!p1 v6  }
0x1d6: {  	[tilespmem:s19], [sflag:$0x4] =	stream.indirect.gather @!p1 [hbm4b:s8+s16], $0x80, s18, s16, $0xb8;
	[tilespmem:$0x1B100] =	vst v63  }
0x1d7: {  	s16 =	simm.s32 @!p0 $0x20;
	s18 =	simm.s32 @!p0 $0x14480;
	s19 =	simm.s32 @!p0 $0x14500  }
0x1d8: {  	[spmem:s3] =	stream.indirect.scatter.add.f32 @!p0 [tilespmem:s19], [sflag:$0xA], $0x80, s18, s16, $0xb8;
	[tilespmem:$0x1B100] =	vst v63  }
0x1d9: {  	_ =	swait.ge @!p0 [sflag:s15], $0x1000  }
0x1da: {  	s19 =	rddreg [dreg:$0x9]  }
0x1db: {  	[sflag:s15] =	ssyncset.done @!p0 $0x0;
	p1 =	sle.s32 s19, $0x0  }
0x1dc: {  	[sflag:s15] =	ssyncadd.s32 @!p0 $0xFFFFF000;
	s15 =	simm.s32 @!p1 $0x6  }
0x1dd: {  	_ =	swait.ge @!p1 [sflag:s15], $0x1000  }
0x1de: {  	p0 =	sle.s32 @!p1 s10, $0xC;
	[sflag:s15] =	ssyncset.done @!p1 $0x0  }
0x1df: {  	p0 =	por p0, p1;
	[sflag:s15] =	ssyncadd.s32 @!p1 $0xFFFFF000  }
0x1e0: {  	v6 =	vld @!p0 [tilespmem:s14+$0xFFFFFFC0];
	_ =	sdelay $0x4  }
0x1e1: {  	v7 =	vshra.s32 @!p0 v6, $0x1F  }
0x1e2: {  	v7 =	vshrl.u32 @!p0 v7, $0x13  }
0x1e3: {  	v7 =	vadd.s32 @!p0 v7, v6  }
0x1e4: {  	v7 =	vshra.s32 @!p0 v7, $0xD  }
0x1e5: {  	v8 =	vshll.u32 @!p0 v7, $0xD  }
0x1e6: {  	vm0 =	vlt.s32 @!p0 v6, $0x1;
	vm1 =	vne.s32 @!p0 v6, v8  }
0x1e7: {  	v8 =	vimm.s32 @!p0 $0x0;
	vm0 =	vmand @!p0 vm0, vm1  }
0x1e8: {  	v6 =	vand.u32 @!p0 $0x1FFF, v6;
	v9 =	vsel @!p0 vm0, $0xFFFFFFFF, v8  }
0x1e9: {  	[tilespmem:$0x14480] =	vst @!p0 v6;
	v6 =	vadd.s32 @!p0 v9, v7  }
0x1ea: {  	[tilespmem:$0x14400] =	vst @!p0 v6  }
0x1eb: {  	v6 =	vld @!p0 [tilespmem:s14+$0xFFFFFFD0];
	_ =	sdelay $0x4  }
0x1ec: {  	v7 =	vshra.s32 @!p0 v6, $0x1F  }
0x1ed: {  	v7 =	vshrl.u32 @!p0 v7, $0x13  }
0x1ee: {  	v7 =	vadd.s32 @!p0 v7, v6  }
0x1ef: {  	v9 =	vand.u32 @!p0 $0xFFFFE000, v7  }
0x1f0: {  	vm0 =	vlt.s32 @!p0 v6, $0x1;
	vm1 =	vne.s32 @!p0 v6, v9  }
0x1f1: {  	vm0 =	vmand @!p0 vm0, vm1  }
0x1f2: {  	v7 =	vshra.s32 @!p0 v7, $0xD;
	v6 =	vand.u32 @!p0 $0x1FFF, v6;
	v8 =	vsel @!p0 vm0, $0xFFFFFFFF, v8  }
0x1f3: {  	s16 =	simm.s32 @!p0 $0x20;
	[tilespmem:$0x14490] =	vst @!p0 v6;
	v6 =	vadd.s32 @!p0 v8, v7  }
0x1f4: {  	s18 =	simm.s32 @!p0 $0x14400;
	s19 =	simm.s32 @!p0 $0x14500;
	s15 =	simm.s32 @!p1 $0xA;
	[tilespmem:$0x14410] =	vst @!p0 v6  }
0x1f5: {  	[tilespmem:s19], [sflag:$0x5] =	stream.indirect.gather @!p0 [hbm4b:s8+s16], $0x80, s18, s16, $0xb8;
	[tilespmem:$0x1B100] =	vst v63  }
0x1f6: {  	s16 =	simm.s32 @!p1 $0x20;
	s18 =	simm.s32 @!p1 $0x15580;
	s19 =	simm.s32 @!p1 $0x15600  }
0x1f7: {  	[spmem:s3] =	stream.indirect.scatter.add.f32 @!p1 [tilespmem:s19], [sflag:$0xA], $0x80, s18, s16, $0xb8;
	[tilespmem:$0x1B100] =	vst v63  }
0x1f8: {  	_ =	swait.ge @!p1 [sflag:s15], $0x1000  }
0x1f9: {  	s21 =	rddreg [dreg:$0xa]  }
0x1fa: {  	[sflag:s15] =	ssyncset.done @!p1 $0x0;
	p0 =	sle.s32 s21, $0x0  }
0x1fb: {  	[sflag:s15] =	ssyncadd.s32 @!p1 $0xFFFFF000;
	s15 =	simm.s32 @!p0 $0x7  }
0x1fc: {  	_ =	swait.ge @!p0 [sflag:s15], $0x1000  }
0x1fd: {  	p1 =	sle.s32 @!p0 s10, $0xD;
	[sflag:s15] =	ssyncset.done @!p0 $0x0  }
0x1fe: {  	p1 =	por p1, p0;
	[sflag:s15] =	ssyncadd.s32 @!p0 $0xFFFFF000  }
0x1ff: {  	v6 =	vld @!p1 [tilespmem:s14+$0xFFFFFFE0];
	_ =	sdelay $0x4  }
0x200: {  	v7 =	vshra.s32 @!p1 v6, $0x1F  }
0x201: {  	v7 =	vshrl.u32 @!p1 v7, $0x13  }
0x202: {  	v7 =	vadd.s32 @!p1 v7, v6  }
0x203: {  	v7 =	vshra.s32 @!p1 v7, $0xD  }
0x204: {  	v8 =	vshll.u32 @!p1 v7, $0xD  }
0x205: {  	vm0 =	vlt.s32 @!p1 v6, $0x1;
	vm1 =	vne.s32 @!p1 v6, v8  }
0x206: {  	v8 =	vimm.s32 @!p1 $0x0;
	vm0 =	vmand @!p1 vm0, vm1  }
0x207: {  	v6 =	vand.u32 @!p1 $0x1FFF, v6;
	v9 =	vsel @!p1 vm0, $0xFFFFFFFF, v8  }
0x208: {  	s15 =	simm.s32 @!p1 $0x1A0;
	[tilespmem:$0x15580] =	vst @!p1 v6;
	v6 =	vadd.s32 @!p1 v9, v7  }
0x209: {  	s15 =	sor.u32 @!p1 $0x30, s15;
	[tilespmem:$0x15500] =	vst @!p1 v6  }
0x20a: {  	v6 =	vld @!p1 [tilespmem:s15+$0xB000];
	_ =	sdelay $0x4  }
0x20b: {  	v7 =	vshra.s32 @!p1 v6, $0x1F  }
0x20c: {  	v7 =	vshrl.u32 @!p1 v7, $0x13  }
0x20d: {  	v7 =	vadd.s32 @!p1 v7, v6  }
0x20e: {  	v9 =	vand.u32 @!p1 $0xFFFFE000, v7  }
0x20f: {  	vm0 =	vlt.s32 @!p1 v6, $0x1;
	vm1 =	vne.s32 @!p1 v6, v9  }
0x210: {  	vm0 =	vmand @!p1 vm0, vm1  }
0x211: {  	v7 =	vshra.s32 @!p1 v7, $0xD;
	v6 =	vand.u32 @!p1 $0x1FFF, v6;
	v8 =	vsel @!p1 vm0, $0xFFFFFFFF, v8  }
0x212: {  	s16 =	simm.s32 @!p1 $0x20;
	[tilespmem:$0x15590] =	vst @!p1 v6;
	v6 =	vadd.s32 @!p1 v8, v7  }
0x213: {  	s18 =	simm.s32 @!p1 $0x15500;
	s19 =	simm.s32 @!p1 $0x15600;
	s15 =	simm.s32 @!p0 $0xA;
	[tilespmem:$0x15510] =	vst @!p1 v6  }
0x214: {  	[tilespmem:s19], [sflag:$0x6] =	stream.indirect.gather @!p1 [hbm4b:s8+s16], $0x80, s18, s16, $0xb8;
	[tilespmem:$0x1B100] =	vst v63  }
0x215: {  	s16 =	simm.s32 @!p0 $0x20;
	s18 =	simm.s32 @!p0 $0x16680;
	s19 =	simm.s32 @!p0 $0x16700  }
0x216: {  	[spmem:s3] =	stream.indirect.scatter.add.f32 @!p0 [tilespmem:s19], [sflag:$0xA], $0x80, s18, s16, $0xb8;
	[tilespmem:$0x1B100] =	vst v63  }
0x217: {  	_ =	swait.ge @!p0 [sflag:s15], $0x1000  }
0x218: {  	s22 =	rddreg [dreg:$0xb]  }
0x219: {  	[sflag:s15] =	ssyncset.done @!p0 $0x0;
	p2 =	sle.s32 s22, $0x0  }
0x21a: {  	[sflag:s15] =	ssyncadd.s32 @!p0 $0xFFFFF000;
	s15 =	simm.s32 @!p2 $0x8  }
0x21b: {  	_ =	swait.ge @!p2 [sflag:s15], $0x1000  }
0x21c: {  	p0 =	sle.s32 @!p2 s10, $0xE;
	[sflag:s15] =	ssyncset.done @!p2 $0x0  }
0x21d: {  	p0 =	por p0, p2;
	[sflag:s15] =	ssyncadd.s32 @!p2 $0xFFFFF000  }
0x21e: {  	v6 =	vld @!p0 [tilespmem:s14+$0x0];
	_ =	sdelay $0x4  }
0x21f: {  	v7 =	vshra.s32 @!p0 v6, $0x1F  }
0x220: {  	v7 =	vshrl.u32 @!p0 v7, $0x13  }
0x221: {  	v7 =	vadd.s32 @!p0 v7, v6  }
0x222: {  	v7 =	vshra.s32 @!p0 v7, $0xD  }
0x223: {  	v8 =	vshll.u32 @!p0 v7, $0xD  }
0x224: {  	vm0 =	vlt.s32 @!p0 v6, $0x1;
	vm1 =	vne.s32 @!p0 v6, v8  }
0x225: {  	v8 =	vimm.s32 @!p0 $0x0;
	vm0 =	vmand @!p0 vm0, vm1  }
0x226: {  	v6 =	vand.u32 @!p0 $0x1FFF, v6;
	v9 =	vsel @!p0 vm0, $0xFFFFFFFF, v8  }
0x227: {  	[tilespmem:$0x16680] =	vst @!p0 v6;
	v6 =	vadd.s32 @!p0 v9, v7  }
0x228: {  	s13 =	sor.u32 @!p0 $0x50, s13;
	[tilespmem:$0x16600] =	vst @!p0 v6  }
0x229: {  	v6 =	vld @!p0 [tilespmem:s13+$0xB000];
	_ =	sdelay $0x4  }
0x22a: {  	v7 =	vshra.s32 @!p0 v6, $0x1F  }
0x22b: {  	v7 =	vshrl.u32 @!p0 v7, $0x13  }
0x22c: {  	v7 =	vadd.s32 @!p0 v7, v6  }
0x22d: {  	v9 =	vand.u32 @!p0 $0xFFFFE000, v7  }
0x22e: {  	vm0 =	vlt.s32 @!p0 v6, $0x1;
	vm1 =	vne.s32 @!p0 v6, v9  }
0x22f: {  	vm0 =	vmand @!p0 vm0, vm1  }
0x230: {  	s17 =	sadd.s32 $0xFFFFFFFF, s17;
	v7 =	vshra.s32 @!p0 v7, $0xD;
	v6 =	vand.u32 @!p0 $0x1FFF, v6;
	v8 =	vsel @!p0 vm0, $0xFFFFFFFF, v8  }
0x231: {  	p1 =	sne.s32 s17, $0x0;
	[tilespmem:$0x16690] =	vst @!p0 v6;
	v6 =	vadd.s32 @!p0 v8, v7  }
0x232: {  	s15 =	simm.s32 @!p0 $0x16700;
	s14 =	simm.s32 @!p0 $0x16600;
	s13 =	simm.s32 @!p0 $0x20;
	[tilespmem:$0x16610] =	vst @!p0 v6  }
0x233: {  	[tilespmem:s15], [sflag:$0x7] =	stream.indirect.gather @!p0 [hbm4b:s8+s13], $0x80, s14, s13, $0xb8;
	[tilespmem:$0x1B100] =	vst v63  }
.Ltmp12:
0x234: {  	s16 =	simm.s32 $0x8;
	s18 =	simm.s32 @!p2 $0x9;
	(pc) =	sbr.rel @!p1 .LBB2_19-.Ltmp12, $4  }
0x235: {  	s13 =	simm.s32 @!p2 $0x20;
	s14 =	simm.s32 @!p2 $0x17780;
	s15 =	simm.s32 @!p2 $0x17800  }
0x236: {  	[spmem:s3] =	stream.indirect.scatter.add.f32 @!p2 [tilespmem:s15], [sflag:$0x9], $0x80, s14, s13, $0xb8;
	[tilespmem:$0x1B100] =	vst v63  }
0x237: {  	p0 =	por $0x1, $0x1;
	s15 =	simm.s32 $0x16;
	_ =	swait.ge @!p2 [sflag:s18], $0x1000  }
0x238: {  	s14 =	simm.s32 $0xB2C0;
	s13 =	simm.s32 $0x2C0;
	[sflag:s18] =	ssyncset.done @!p2 $0x0  }
.LBB2_18:
0x239: {  	p3 =	sge.s32 s16, s10  }
0x23a: {  	[sflag:s18] =	ssyncadd.s32 @!p2 $0xFFFFF000;
	s18 =	simm.s32 @!p3 $0x1  }
0x23b: {  	s19 =	sadd.s32 @!p3 $0xFFFFFFF9, s15;
	_ =	swait.ge @!p3 [sflag:s18], $0x1000  }
0x23c: {  	p2 =	sge.s32 @!p3 s19, s10;
	[sflag:s18] =	ssyncset.done @!p3 $0x0  }
0x23d: {  	p2 =	por p2, p3;
	[sflag:s18] =	ssyncadd.s32 @!p3 $0xFFFFF000  }
0x23e: {  	v6 =	vld @!p2 [tilespmem:s14+$0xFFFFFF20];
	_ =	sdelay $0x4  }
0x23f: {  	v7 =	vshra.s32 @!p2 v6, $0x1F  }
0x240: {  	v7 =	vshrl.u32 @!p2 v7, $0x13  }
0x241: {  	v7 =	vadd.s32 @!p2 v7, v6  }
0x242: {  	v8 =	vand.u32 @!p2 $0x1FFF, v6;
	v7 =	vshra.s32 @!p2 v7, $0xD  }
0x243: {  	[tilespmem:$0x17780] =	vst @!p2 v8;
	v8 =	vshll.u32 @!p2 v7, $0xD  }
0x244: {  	vm0 =	vlt.s32 @!p2 v6, $0x1;
	vm1 =	vne.s32 @!p2 v6, v8  }
0x245: {  	v6 =	vimm.s32 @!p2 $0x0;
	vm0 =	vmand @!p2 vm0, vm1  }
0x246: {  	v8 =	vsel @!p2 vm0, $0xFFFFFFFF, v6  }
0x247: {  	s18 =	sadd.s32 @!p2 $0xFFFFFF20, s13;
	v7 =	vadd.s32 @!p2 v8, v7  }
0x248: {  	s18 =	sor.u32 @!p2 $0x70, s18;
	[tilespmem:$0x17700] =	vst @!p2 v7  }
0x249: {  	v7 =	vld @!p2 [tilespmem:s18+$0xB000];
	_ =	sdelay $0x4  }
0x24a: {  	v8 =	vshra.s32 @!p2 v7, $0x1F  }
0x24b: {  	v8 =	vshrl.u32 @!p2 v8, $0x13  }
0x24c: {  	v9 =	vand.u32 @!p2 $0x1FFF, v7;
	v8 =	vadd.s32 @!p2 v8, v7  }
0x24d: {  	[tilespmem:$0x17790] =	vst @!p2 v9;
	v9 =	vshra.s32 @!p2 v8, $0xD;
	v8 =	vand.u32 @!p2 $0xFFFFE000, v8  }
0x24e: {  	vm0 =	vlt.s32 @!p2 v7, $0x1;
	vm1 =	vne.s32 @!p2 v7, v8  }
0x24f: {  	vm0 =	vmand @!p2 vm0, vm1  }
0x250: {  	v6 =	vsel @!p2 vm0, $0xFFFFFFFF, v6  }
0x251: {  	s19 =	simm.s32 @!p2 $0x20;
	v6 =	vadd.s32 @!p2 v6, v9  }
0x252: {  	s21 =	simm.s32 @!p2 $0x17700;
	s22 =	simm.s32 @!p2 $0x17800;
	s18 =	simm.s32 @!p3 $0xA;
	[tilespmem:$0x17710] =	vst @!p2 v6  }
0x253: {  	[tilespmem:s22], [sflag:$0x8] =	stream.indirect.gather @!p2 [hbm4b:s8+s19], $0x80, s21, s19, $0xb8;
	[tilespmem:$0x1B100] =	vst v63  }
0x254: {  	s19 =	simm.s32 @!p3 $0x20;
	s21 =	simm.s32 @!p3 $0x10080;
	s22 =	simm.s32 @!p3 $0x10100  }
0x255: {  	[spmem:s3] =	stream.indirect.scatter.add.f32 @!p3 [tilespmem:s22], [sflag:$0xA], $0x80, s21, s19, $0xb8;
	[tilespmem:$0x1B100] =	vst v63  }
0x256: {  	_ =	swait.ge @!p3 [sflag:s18], $0x1000  }
0x257: {  	s22 =	rddreg [dreg:$0x5]  }
0x258: {  	[sflag:s18] =	ssyncset.done @!p3 $0x0;
	p2 =	sge.s32 s16, s22  }
0x259: {  	[sflag:s18] =	ssyncadd.s32 @!p3 $0xFFFFF000;
	s18 =	simm.s32 @!p2 $0x2  }
0x25a: {  	s19 =	sadd.s32 @!p2 $0xFFFFFFFA, s15;
	_ =	swait.ge @!p2 [sflag:s18], $0x1000  }
0x25b: {  	p3 =	sge.s32 @!p2 s19, s10;
	[sflag:s18] =	ssyncset.done @!p2 $0x0  }
0x25c: {  	p3 =	por p3, p2;
	[sflag:s18] =	ssyncadd.s32 @!p2 $0xFFFFF000  }
0x25d: {  	v6 =	vld @!p3 [tilespmem:s14+$0xFFFFFF40];
	_ =	sdelay $0x4  }
0x25e: {  	v7 =	vshra.s32 @!p3 v6, $0x1F  }
0x25f: {  	v7 =	vshrl.u32 @!p3 v7, $0x13  }
0x260: {  	v7 =	vadd.s32 @!p3 v7, v6  }
0x261: {  	v8 =	vand.u32 @!p3 $0x1FFF, v6;
	v7 =	vshra.s32 @!p3 v7, $0xD  }
0x262: {  	[tilespmem:$0x10080] =	vst @!p3 v8;
	v8 =	vshll.u32 @!p3 v7, $0xD  }
0x263: {  	vm0 =	vlt.s32 @!p3 v6, $0x1;
	vm1 =	vne.s32 @!p3 v6, v8  }
0x264: {  	v6 =	vimm.s32 @!p3 $0x0;
	vm0 =	vmand @!p3 vm0, vm1  }
0x265: {  	v8 =	vsel @!p3 vm0, $0xFFFFFFFF, v6  }
0x266: {  	v7 =	vadd.s32 @!p3 v8, v7  }
0x267: {  	[tilespmem:$0x10000] =	vst @!p3 v7  }
0x268: {  	v7 =	vld @!p3 [tilespmem:s14+$0xFFFFFF50];
	_ =	sdelay $0x4  }
0x269: {  	v8 =	vshra.s32 @!p3 v7, $0x1F  }
0x26a: {  	v8 =	vshrl.u32 @!p3 v8, $0x13  }
0x26b: {  	v9 =	vand.u32 @!p3 $0x1FFF, v7;
	v8 =	vadd.s32 @!p3 v8, v7  }
0x26c: {  	[tilespmem:$0x10090] =	vst @!p3 v9;
	v9 =	vshra.s32 @!p3 v8, $0xD;
	v8 =	vand.u32 @!p3 $0xFFFFE000, v8  }
0x26d: {  	vm0 =	vlt.s32 @!p3 v7, $0x1;
	vm1 =	vne.s32 @!p3 v7, v8  }
0x26e: {  	vm0 =	vmand @!p3 vm0, vm1  }
0x26f: {  	v6 =	vsel @!p3 vm0, $0xFFFFFFFF, v6  }
0x270: {  	s18 =	simm.s32 @!p2 $0xA;
	v6 =	vadd.s32 @!p3 v6, v9  }
0x271: {  	s19 =	simm.s32 @!p3 $0x20;
	s21 =	simm.s32 @!p3 $0x10000;
	s22 =	simm.s32 @!p3 $0x10100;
	[tilespmem:$0x10010] =	vst @!p3 v6  }
0x272: {  	[tilespmem:s22], [sflag:$0x1] =	stream.indirect.gather @!p3 [hbm4b:s8+s19], $0x80, s21, s19, $0xb8;
	[tilespmem:$0x1B100] =	vst v63  }
0x273: {  	s19 =	simm.s32 @!p2 $0x20;
	s21 =	simm.s32 @!p2 $0x11180;
	s22 =	simm.s32 @!p2 $0x11200  }
0x274: {  	[spmem:s3] =	stream.indirect.scatter.add.f32 @!p2 [tilespmem:s22], [sflag:$0xA], $0x80, s21, s19, $0xb8;
	[tilespmem:$0x1B100] =	vst v63  }
0x275: {  	_ =	swait.ge @!p2 [sflag:s18], $0x1000  }
0x276: {  	[sflag:s18] =	ssyncset.done @!p2 $0x0;
	s21 =	rddreg [dreg:$0x6]  }
0x277: {  	[sflag:s18] =	ssyncadd.s32 @!p2 $0xFFFFF000;
	p2 =	sge.s32 s16, s21  }
0x278: {  	s18 =	simm.s32 @!p2 $0x3  }
0x279: {  	s19 =	sadd.s32 @!p2 $0xFFFFFFFB, s15;
	_ =	swait.ge @!p2 [sflag:s18], $0x1000  }
0x27a: {  	p3 =	sge.s32 @!p2 s19, s10;
	[sflag:s18] =	ssyncset.done @!p2 $0x0  }
0x27b: {  	p3 =	por p3, p2;
	[sflag:s18] =	ssyncadd.s32 @!p2 $0xFFFFF000  }
0x27c: {  	v6 =	vld @!p3 [tilespmem:s14+$0xFFFFFF60];
	_ =	sdelay $0x4  }
0x27d: {  	v7 =	vshra.s32 @!p3 v6, $0x1F  }
0x27e: {  	v7 =	vshrl.u32 @!p3 v7, $0x13  }
0x27f: {  	v7 =	vadd.s32 @!p3 v7, v6  }
0x280: {  	v8 =	vand.u32 @!p3 $0x1FFF, v6;
	v7 =	vshra.s32 @!p3 v7, $0xD  }
0x281: {  	[tilespmem:$0x11180] =	vst @!p3 v8;
	v8 =	vshll.u32 @!p3 v7, $0xD  }
0x282: {  	vm0 =	vlt.s32 @!p3 v6, $0x1;
	vm1 =	vne.s32 @!p3 v6, v8  }
0x283: {  	v6 =	vimm.s32 @!p3 $0x0;
	vm0 =	vmand @!p3 vm0, vm1  }
0x284: {  	v8 =	vsel @!p3 vm0, $0xFFFFFFFF, v6  }
0x285: {  	s18 =	sadd.s32 @!p3 $0xFFFFFF60, s13;
	v7 =	vadd.s32 @!p3 v8, v7  }
0x286: {  	s18 =	sor.u32 @!p3 $0x30, s18;
	[tilespmem:$0x11100] =	vst @!p3 v7  }
0x287: {  	v7 =	vld @!p3 [tilespmem:s18+$0xB000];
	_ =	sdelay $0x4  }
0x288: {  	v8 =	vshra.s32 @!p3 v7, $0x1F  }
0x289: {  	v8 =	vshrl.u32 @!p3 v8, $0x13  }
0x28a: {  	v9 =	vand.u32 @!p3 $0x1FFF, v7;
	v8 =	vadd.s32 @!p3 v8, v7  }
0x28b: {  	[tilespmem:$0x11190] =	vst @!p3 v9;
	v9 =	vshra.s32 @!p3 v8, $0xD;
	v8 =	vand.u32 @!p3 $0xFFFFE000, v8  }
0x28c: {  	vm0 =	vlt.s32 @!p3 v7, $0x1;
	vm1 =	vne.s32 @!p3 v7, v8  }
0x28d: {  	vm0 =	vmand @!p3 vm0, vm1  }
0x28e: {  	v6 =	vsel @!p3 vm0, $0xFFFFFFFF, v6  }
0x28f: {  	s19 =	simm.s32 @!p3 $0x20;
	v6 =	vadd.s32 @!p3 v6, v9  }
0x290: {  	s21 =	simm.s32 @!p3 $0x11100;
	s22 =	simm.s32 @!p3 $0x11200;
	s18 =	simm.s32 @!p2 $0xA;
	[tilespmem:$0x11110] =	vst @!p3 v6  }
0x291: {  	[tilespmem:s22], [sflag:$0x2] =	stream.indirect.gather @!p3 [hbm4b:s8+s19], $0x80, s21, s19, $0xb8;
	[tilespmem:$0x1B100] =	vst v63  }
0x292: {  	s19 =	simm.s32 @!p2 $0x20;
	s21 =	simm.s32 @!p2 $0x12280;
	s22 =	simm.s32 @!p2 $0x12300  }
0x293: {  	[spmem:s3] =	stream.indirect.scatter.add.f32 @!p2 [tilespmem:s22], [sflag:$0xA], $0x80, s21, s19, $0xb8;
	[tilespmem:$0x1B100] =	vst v63  }
0x294: {  	_ =	swait.ge @!p2 [sflag:s18], $0x1000  }
0x295: {  	[sflag:s18] =	ssyncset.done @!p2 $0x0;
	s22 =	rddreg [dreg:$0x7]  }
0x296: {  	[sflag:s18] =	ssyncadd.s32 @!p2 $0xFFFFF000;
	p2 =	sge.s32 s16, s22  }
0x297: {  	s18 =	simm.s32 @!p2 $0x4  }
0x298: {  	s19 =	sadd.s32 @!p2 $0xFFFFFFFC, s15;
	_ =	swait.ge @!p2 [sflag:s18], $0x1000  }
0x299: {  	p3 =	sge.s32 @!p2 s19, s10;
	[sflag:s18] =	ssyncset.done @!p2 $0x0  }
0x29a: {  	p3 =	por p3, p2;
	[sflag:s18] =	ssyncadd.s32 @!p2 $0xFFFFF000  }
0x29b: {  	v6 =	vld @!p3 [tilespmem:s14+$0xFFFFFF80];
	_ =	sdelay $0x4  }
0x29c: {  	v7 =	vshra.s32 @!p3 v6, $0x1F  }
0x29d: {  	v7 =	vshrl.u32 @!p3 v7, $0x13  }
0x29e: {  	v7 =	vadd.s32 @!p3 v7, v6  }
0x29f: {  	v8 =	vand.u32 @!p3 $0x1FFF, v6;
	v7 =	vshra.s32 @!p3 v7, $0xD  }
0x2a0: {  	[tilespmem:$0x12280] =	vst @!p3 v8;
	v8 =	vshll.u32 @!p3 v7, $0xD  }
0x2a1: {  	vm0 =	vlt.s32 @!p3 v6, $0x1;
	vm1 =	vne.s32 @!p3 v6, v8  }
0x2a2: {  	v6 =	vimm.s32 @!p3 $0x0;
	vm0 =	vmand @!p3 vm0, vm1  }
0x2a3: {  	v8 =	vsel @!p3 vm0, $0xFFFFFFFF, v6  }
0x2a4: {  	s18 =	sadd.s32 @!p3 $0xFFFFFF80, s13;
	v7 =	vadd.s32 @!p3 v8, v7  }
0x2a5: {  	s18 =	sor.u32 @!p3 $0x50, s18;
	[tilespmem:$0x12200] =	vst @!p3 v7  }
0x2a6: {  	v7 =	vld @!p3 [tilespmem:s18+$0xB000];
	_ =	sdelay $0x4  }
0x2a7: {  	v8 =	vshra.s32 @!p3 v7, $0x1F  }
0x2a8: {  	v8 =	vshrl.u32 @!p3 v8, $0x13  }
0x2a9: {  	v9 =	vand.u32 @!p3 $0x1FFF, v7;
	v8 =	vadd.s32 @!p3 v8, v7  }
0x2aa: {  	[tilespmem:$0x12290] =	vst @!p3 v9;
	v9 =	vshra.s32 @!p3 v8, $0xD;
	v8 =	vand.u32 @!p3 $0xFFFFE000, v8  }
0x2ab: {  	vm0 =	vlt.s32 @!p3 v7, $0x1;
	vm1 =	vne.s32 @!p3 v7, v8  }
0x2ac: {  	vm0 =	vmand @!p3 vm0, vm1  }
0x2ad: {  	v6 =	vsel @!p3 vm0, $0xFFFFFFFF, v6  }
0x2ae: {  	s19 =	simm.s32 @!p3 $0x20;
	v6 =	vadd.s32 @!p3 v6, v9  }
0x2af: {  	s21 =	simm.s32 @!p3 $0x12200;
	s22 =	simm.s32 @!p3 $0x12300;
	s18 =	simm.s32 @!p2 $0xA;
	[tilespmem:$0x12210] =	vst @!p3 v6  }
0x2b0: {  	[tilespmem:s22], [sflag:$0x3] =	stream.indirect.gather @!p3 [hbm4b:s8+s19], $0x80, s21, s19, $0xb8;
	[tilespmem:$0x1B100] =	vst v63  }
0x2b1: {  	s19 =	simm.s32 @!p2 $0x20;
	s21 =	simm.s32 @!p2 $0x13380;
	s22 =	simm.s32 @!p2 $0x13400  }
0x2b2: {  	[spmem:s3] =	stream.indirect.scatter.add.f32 @!p2 [tilespmem:s22], [sflag:$0xA], $0x80, s21, s19, $0xb8;
	[tilespmem:$0x1B100] =	vst v63  }
0x2b3: {  	_ =	swait.ge @!p2 [sflag:s18], $0x1000  }
0x2b4: {  	[sflag:s18] =	ssyncset.done @!p2 $0x0;
	s21 =	rddreg [dreg:$0x8]  }
0x2b5: {  	[sflag:s18] =	ssyncadd.s32 @!p2 $0xFFFFF000;
	p2 =	sge.s32 s16, s21  }
0x2b6: {  	s18 =	simm.s32 @!p2 $0x5  }
0x2b7: {  	s19 =	sadd.s32 @!p2 $0xFFFFFFFD, s15;
	_ =	swait.ge @!p2 [sflag:s18], $0x1000  }
0x2b8: {  	p3 =	sge.s32 @!p2 s19, s10;
	[sflag:s18] =	ssyncset.done @!p2 $0x0  }
0x2b9: {  	p3 =	por p3, p2;
	[sflag:s18] =	ssyncadd.s32 @!p2 $0xFFFFF000  }
0x2ba: {  	v6 =	vld @!p3 [tilespmem:s14+$0xFFFFFFA0];
	_ =	sdelay $0x4  }
0x2bb: {  	v7 =	vshra.s32 @!p3 v6, $0x1F  }
0x2bc: {  	v7 =	vshrl.u32 @!p3 v7, $0x13  }
0x2bd: {  	v7 =	vadd.s32 @!p3 v7, v6  }
0x2be: {  	v8 =	vand.u32 @!p3 $0x1FFF, v6;
	v7 =	vshra.s32 @!p3 v7, $0xD  }
0x2bf: {  	[tilespmem:$0x13380] =	vst @!p3 v8;
	v8 =	vshll.u32 @!p3 v7, $0xD  }
0x2c0: {  	vm0 =	vlt.s32 @!p3 v6, $0x1;
	vm1 =	vne.s32 @!p3 v6, v8  }
0x2c1: {  	v6 =	vimm.s32 @!p3 $0x0;
	vm0 =	vmand @!p3 vm0, vm1  }
0x2c2: {  	v8 =	vsel @!p3 vm0, $0xFFFFFFFF, v6  }
0x2c3: {  	s18 =	sadd.s32 @!p3 $0xFFFFFFA0, s13;
	v7 =	vadd.s32 @!p3 v8, v7  }
0x2c4: {  	s18 =	sor.u32 @!p3 $0x70, s18;
	[tilespmem:$0x13300] =	vst @!p3 v7  }
0x2c5: {  	v7 =	vld @!p3 [tilespmem:s18+$0xB000];
	_ =	sdelay $0x4  }
0x2c6: {  	v8 =	vshra.s32 @!p3 v7, $0x1F  }
0x2c7: {  	v8 =	vshrl.u32 @!p3 v8, $0x13  }
0x2c8: {  	v9 =	vand.u32 @!p3 $0x1FFF, v7;
	v8 =	vadd.s32 @!p3 v8, v7  }
0x2c9: {  	[tilespmem:$0x13390] =	vst @!p3 v9;
	v9 =	vshra.s32 @!p3 v8, $0xD;
	v8 =	vand.u32 @!p3 $0xFFFFE000, v8  }
0x2ca: {  	vm0 =	vlt.s32 @!p3 v7, $0x1;
	vm1 =	vne.s32 @!p3 v7, v8  }
0x2cb: {  	vm0 =	vmand @!p3 vm0, vm1  }
0x2cc: {  	v6 =	vsel @!p3 vm0, $0xFFFFFFFF, v6  }
0x2cd: {  	s19 =	simm.s32 @!p3 $0x20;
	v6 =	vadd.s32 @!p3 v6, v9  }
0x2ce: {  	s21 =	simm.s32 @!p3 $0x13300;
	s22 =	simm.s32 @!p3 $0x13400;
	s18 =	simm.s32 @!p2 $0xA;
	[tilespmem:$0x13310] =	vst @!p3 v6  }
0x2cf: {  	[tilespmem:s22], [sflag:$0x4] =	stream.indirect.gather @!p3 [hbm4b:s8+s19], $0x80, s21, s19, $0xb8;
	[tilespmem:$0x1B100] =	vst v63  }
0x2d0: {  	s19 =	simm.s32 @!p2 $0x20;
	s21 =	simm.s32 @!p2 $0x14480;
	s22 =	simm.s32 @!p2 $0x14500  }
0x2d1: {  	[spmem:s3] =	stream.indirect.scatter.add.f32 @!p2 [tilespmem:s22], [sflag:$0xA], $0x80, s21, s19, $0xb8;
	[tilespmem:$0x1B100] =	vst v63  }
0x2d2: {  	_ =	swait.ge @!p2 [sflag:s18], $0x1000  }
0x2d3: {  	[sflag:s18] =	ssyncset.done @!p2 $0x0;
	s22 =	rddreg [dreg:$0x9]  }
0x2d4: {  	[sflag:s18] =	ssyncadd.s32 @!p2 $0xFFFFF000;
	p2 =	sge.s32 s16, s22  }
0x2d5: {  	s18 =	simm.s32 @!p2 $0x6  }
0x2d6: {  	s19 =	sadd.s32 @!p2 $0xFFFFFFFE, s15;
	_ =	swait.ge @!p2 [sflag:s18], $0x1000  }
0x2d7: {  	p3 =	sge.s32 @!p2 s19, s10;
	[sflag:s18] =	ssyncset.done @!p2 $0x0  }
0x2d8: {  	p3 =	por p3, p2;
	[sflag:s18] =	ssyncadd.s32 @!p2 $0xFFFFF000  }
0x2d9: {  	v6 =	vld @!p3 [tilespmem:s14+$0xFFFFFFC0];
	_ =	sdelay $0x4  }
0x2da: {  	v7 =	vshra.s32 @!p3 v6, $0x1F  }
0x2db: {  	v7 =	vshrl.u32 @!p3 v7, $0x13  }
0x2dc: {  	v7 =	vadd.s32 @!p3 v7, v6  }
0x2dd: {  	v8 =	vand.u32 @!p3 $0x1FFF, v6;
	v7 =	vshra.s32 @!p3 v7, $0xD  }
0x2de: {  	[tilespmem:$0x14480] =	vst @!p3 v8;
	v8 =	vshll.u32 @!p3 v7, $0xD  }
0x2df: {  	vm0 =	vlt.s32 @!p3 v6, $0x1;
	vm1 =	vne.s32 @!p3 v6, v8  }
0x2e0: {  	v6 =	vimm.s32 @!p3 $0x0;
	vm0 =	vmand @!p3 vm0, vm1  }
0x2e1: {  	v8 =	vsel @!p3 vm0, $0xFFFFFFFF, v6  }
0x2e2: {  	v7 =	vadd.s32 @!p3 v8, v7  }
0x2e3: {  	[tilespmem:$0x14400] =	vst @!p3 v7  }
0x2e4: {  	v7 =	vld @!p3 [tilespmem:s14+$0xFFFFFFD0];
	_ =	sdelay $0x4  }
0x2e5: {  	v8 =	vshra.s32 @!p3 v7, $0x1F  }
0x2e6: {  	v8 =	vshrl.u32 @!p3 v8, $0x13  }
0x2e7: {  	v9 =	vand.u32 @!p3 $0x1FFF, v7;
	v8 =	vadd.s32 @!p3 v8, v7  }
0x2e8: {  	[tilespmem:$0x14490] =	vst @!p3 v9;
	v9 =	vshra.s32 @!p3 v8, $0xD;
	v8 =	vand.u32 @!p3 $0xFFFFE000, v8  }
0x2e9: {  	vm0 =	vlt.s32 @!p3 v7, $0x1;
	vm1 =	vne.s32 @!p3 v7, v8  }
0x2ea: {  	vm0 =	vmand @!p3 vm0, vm1  }
0x2eb: {  	v6 =	vsel @!p3 vm0, $0xFFFFFFFF, v6  }
0x2ec: {  	s18 =	simm.s32 @!p2 $0xA;
	v6 =	vadd.s32 @!p3 v6, v9  }
0x2ed: {  	s19 =	simm.s32 @!p3 $0x20;
	s21 =	simm.s32 @!p3 $0x14400;
	s22 =	simm.s32 @!p3 $0x14500;
	[tilespmem:$0x14410] =	vst @!p3 v6  }
0x2ee: {  	[tilespmem:s22], [sflag:$0x5] =	stream.indirect.gather @!p3 [hbm4b:s8+s19], $0x80, s21, s19, $0xb8;
	[tilespmem:$0x1B100] =	vst v63  }
0x2ef: {  	s19 =	simm.s32 @!p2 $0x20;
	s21 =	simm.s32 @!p2 $0x15580;
	s22 =	simm.s32 @!p2 $0x15600  }
0x2f0: {  	[spmem:s3] =	stream.indirect.scatter.add.f32 @!p2 [tilespmem:s22], [sflag:$0xA], $0x80, s21, s19, $0xb8;
	[tilespmem:$0x1B100] =	vst v63  }
0x2f1: {  	_ =	swait.ge @!p2 [sflag:s18], $0x1000  }
0x2f2: {  	[sflag:s18] =	ssyncset.done @!p2 $0x0;
	s21 =	rddreg [dreg:$0xa]  }
0x2f3: {  	[sflag:s18] =	ssyncadd.s32 @!p2 $0xFFFFF000;
	p2 =	sge.s32 s16, s21  }
0x2f4: {  	s18 =	simm.s32 @!p2 $0x7  }
0x2f5: {  	s19 =	sadd.s32 @!p2 $0xFFFFFFFF, s15;
	_ =	swait.ge @!p2 [sflag:s18], $0x1000  }
0x2f6: {  	p3 =	sge.s32 @!p2 s19, s10;
	[sflag:s18] =	ssyncset.done @!p2 $0x0  }
0x2f7: {  	p3 =	por p3, p2;
	[sflag:s18] =	ssyncadd.s32 @!p2 $0xFFFFF000  }
0x2f8: {  	v6 =	vld @!p3 [tilespmem:s14+$0xFFFFFFE0];
	_ =	sdelay $0x4  }
0x2f9: {  	v7 =	vshra.s32 @!p3 v6, $0x1F  }
0x2fa: {  	v7 =	vshrl.u32 @!p3 v7, $0x13  }
0x2fb: {  	v7 =	vadd.s32 @!p3 v7, v6  }
0x2fc: {  	v8 =	vand.u32 @!p3 $0x1FFF, v6;
	v7 =	vshra.s32 @!p3 v7, $0xD  }
0x2fd: {  	[tilespmem:$0x15580] =	vst @!p3 v8;
	v8 =	vshll.u32 @!p3 v7, $0xD  }
0x2fe: {  	vm0 =	vlt.s32 @!p3 v6, $0x1;
	vm1 =	vne.s32 @!p3 v6, v8  }
0x2ff: {  	v6 =	vimm.s32 @!p3 $0x0;
	vm0 =	vmand @!p3 vm0, vm1  }
0x300: {  	v8 =	vsel @!p3 vm0, $0xFFFFFFFF, v6  }
0x301: {  	s18 =	sadd.s32 @!p3 $0xFFFFFFE0, s13;
	v7 =	vadd.s32 @!p3 v8, v7  }
0x302: {  	s18 =	sor.u32 @!p3 $0x30, s18;
	[tilespmem:$0x15500] =	vst @!p3 v7  }
0x303: {  	v7 =	vld @!p3 [tilespmem:s18+$0xB000];
	_ =	sdelay $0x4  }
0x304: {  	v8 =	vshra.s32 @!p3 v7, $0x1F  }
0x305: {  	v8 =	vshrl.u32 @!p3 v8, $0x13  }
0x306: {  	v9 =	vand.u32 @!p3 $0x1FFF, v7;
	v8 =	vadd.s32 @!p3 v8, v7  }
0x307: {  	[tilespmem:$0x15590] =	vst @!p3 v9;
	v9 =	vshra.s32 @!p3 v8, $0xD;
	v8 =	vand.u32 @!p3 $0xFFFFE000, v8  }
0x308: {  	vm0 =	vlt.s32 @!p3 v7, $0x1;
	vm1 =	vne.s32 @!p3 v7, v8  }
0x309: {  	vm0 =	vmand @!p3 vm0, vm1  }
0x30a: {  	v6 =	vsel @!p3 vm0, $0xFFFFFFFF, v6  }
0x30b: {  	s19 =	simm.s32 @!p3 $0x20;
	v6 =	vadd.s32 @!p3 v6, v9  }
0x30c: {  	s21 =	simm.s32 @!p3 $0x15500;
	s22 =	simm.s32 @!p3 $0x15600;
	s18 =	simm.s32 @!p2 $0xA;
	[tilespmem:$0x15510] =	vst @!p3 v6  }
0x30d: {  	[tilespmem:s22], [sflag:$0x6] =	stream.indirect.gather @!p3 [hbm4b:s8+s19], $0x80, s21, s19, $0xb8;
	[tilespmem:$0x1B100] =	vst v63  }
0x30e: {  	s19 =	simm.s32 @!p2 $0x20;
	s21 =	simm.s32 @!p2 $0x16680;
	s22 =	simm.s32 @!p2 $0x16700  }
0x30f: {  	[spmem:s3] =	stream.indirect.scatter.add.f32 @!p2 [tilespmem:s22], [sflag:$0xA], $0x80, s21, s19, $0xb8;
	[tilespmem:$0x1B100] =	vst v63  }
0x310: {  	_ =	swait.ge @!p2 [sflag:s18], $0x1000  }
0x311: {  	[sflag:s18] =	ssyncset.done @!p2 $0x0;
	s22 =	rddreg [dreg:$0xb]  }
0x312: {  	[sflag:s18] =	ssyncadd.s32 @!p2 $0xFFFFF000;
	p2 =	sge.s32 s16, s22  }
0x313: {  	s16 =	simm.s32 @!p2 $0x8  }
0x314: {  	_ =	swait.ge @!p2 [sflag:s16], $0x1000  }
0x315: {  	p3 =	sge.s32 @!p2 s15, s10;
	[sflag:s16] =	ssyncset.done @!p2 $0x0  }
0x316: {  	p3 =	por p3, p2;
	[sflag:s16] =	ssyncadd.s32 @!p2 $0xFFFFF000  }
0x317: {  	v6 =	vld @!p3 [tilespmem:s14+$0x0];
	_ =	sdelay $0x4  }
0x318: {  	v7 =	vshra.s32 @!p3 v6, $0x1F  }
0x319: {  	v7 =	vshrl.u32 @!p3 v7, $0x13  }
0x31a: {  	v7 =	vadd.s32 @!p3 v7, v6  }
0x31b: {  	v8 =	vand.u32 @!p3 $0x1FFF, v6;
	v7 =	vshra.s32 @!p3 v7, $0xD  }
0x31c: {  	[tilespmem:$0x16680] =	vst @!p3 v8;
	v8 =	vshll.u32 @!p3 v7, $0xD  }
0x31d: {  	vm0 =	vlt.s32 @!p3 v6, $0x1;
	vm1 =	vne.s32 @!p3 v6, v8  }
0x31e: {  	v6 =	vimm.s32 @!p3 $0x0;
	vm0 =	vmand @!p3 vm0, vm1  }
0x31f: {  	v8 =	vsel @!p3 vm0, $0xFFFFFFFF, v6  }
0x320: {  	v7 =	vadd.s32 @!p3 v8, v7  }
0x321: {  	s16 =	sor.u32 @!p3 $0x50, s13;
	[tilespmem:$0x16600] =	vst @!p3 v7  }
0x322: {  	v7 =	vld @!p3 [tilespmem:s16+$0xB000];
	_ =	sdelay $0x4  }
0x323: {  	v8 =	vshra.s32 @!p3 v7, $0x1F  }
0x324: {  	v8 =	vshrl.u32 @!p3 v8, $0x13  }
0x325: {  	v9 =	vand.u32 @!p3 $0x1FFF, v7;
	v8 =	vadd.s32 @!p3 v8, v7  }
0x326: {  	[tilespmem:$0x16690] =	vst @!p3 v9;
	v9 =	vshra.s32 @!p3 v8, $0xD;
	v8 =	vand.u32 @!p3 $0xFFFFE000, v8  }
0x327: {  	vm0 =	vlt.s32 @!p3 v7, $0x1;
	vm1 =	vne.s32 @!p3 v7, v8  }
0x328: {  	vm0 =	vmand @!p3 vm0, vm1  }
0x329: {  	s17 =	sadd.s32 $0xFFFFFFFF, s17;
	v6 =	vsel @!p3 vm0, $0xFFFFFFFF, v6  }
0x32a: {  	p1 =	sne.s32 s17, $0x0;
	v6 =	vadd.s32 @!p3 v6, v9  }
0x32b: {  	s19 =	simm.s32 @!p3 $0x16600;
	s21 =	simm.s32 @!p3 $0x16700;
	s16 =	simm.s32 @!p3 $0x20;
	[tilespmem:$0x16610] =	vst @!p3 v6  }
0x32c: {  	[tilespmem:s21], [sflag:$0x7] =	stream.indirect.gather @!p3 [hbm4b:s8+s16], $0x80, s19, s16, $0xb8;
	[tilespmem:$0x1B100] =	vst v63  }
.Ltmp13:
0x32d: {  	s18 =	simm.s32 @!p2 $0x9;
	(pc) =	sbr.rel @p1 .LBB2_18-.Ltmp13, $4  }
0x32e: {  	s16 =	simm.s32 @!p2 $0x20;
	s19 =	simm.s32 @!p2 $0x17780;
	s21 =	simm.s32 @!p2 $0x17800  }
0x32f: {  	[spmem:s3] =	stream.indirect.scatter.add.f32 @!p2 [tilespmem:s21], [sflag:$0x9], $0x80, s19, s16, $0xb8;
	[tilespmem:$0x1B100] =	vst v63  }
0x330: {  	s15 =	sadd.s32 $0x8, s15;
	s13 =	sadd.s32 $0x100, s13;
	_ =	swait.ge @!p2 [sflag:s18], $0x1000  }
0x331: {  	s14 =	sadd.s32 $0x100, s14;
	s16 =	sadd.s32 $0xFFFFFFF2, s15;
	[sflag:s18] =	ssyncset.done @!p2 $0x0  }
.LBB2_19:
0x332: {  	p1 =	sge.s32 s16, s10;
	p0 =	por p2, !p0  }
0x333: {  	[sflag:s18] =	ssyncadd.s32 @!p0 $0xFFFFF000;
	s17 =	simm.s32 @!p1 $0x1  }
0x334: {  	s18 =	sadd.s32 @!p1 $0xFFFFFFF9, s15;
	_ =	swait.ge @!p1 [sflag:s17], $0x1000  }
0x335: {  	p0 =	sge.s32 @!p1 s18, s10;
	[sflag:s17] =	ssyncset.done @!p1 $0x0  }
0x336: {  	p0 =	por p0, p1;
	[sflag:s17] =	ssyncadd.s32 @!p1 $0xFFFFF000  }
0x337: {  	v6 =	vld @!p0 [tilespmem:s14+$0xFFFFFF20];
	_ =	sdelay $0x4  }
0x338: {  	v7 =	vshra.s32 @!p0 v6, $0x1F  }
0x339: {  	v7 =	vshrl.u32 @!p0 v7, $0x13  }
0x33a: {  	v7 =	vadd.s32 @!p0 v7, v6  }
0x33b: {  	v7 =	vshra.s32 @!p0 v7, $0xD  }
0x33c: {  	v8 =	vshll.u32 @!p0 v7, $0xD  }
0x33d: {  	vm0 =	vlt.s32 @!p0 v6, $0x1;
	vm1 =	vne.s32 @!p0 v6, v8  }
0x33e: {  	v8 =	vimm.s32 @!p0 $0x0;
	vm0 =	vmand @!p0 vm0, vm1  }
0x33f: {  	v6 =	vand.u32 @!p0 $0x1FFF, v6;
	v9 =	vsel @!p0 vm0, $0xFFFFFFFF, v8  }
0x340: {  	s17 =	sadd.s32 @!p0 $0xFFFFFF20, s13;
	[tilespmem:$0x17780] =	vst @!p0 v6;
	v6 =	vadd.s32 @!p0 v9, v7  }
0x341: {  	s17 =	sor.u32 @!p0 $0x70, s17;
	[tilespmem:$0x17700] =	vst @!p0 v6  }
0x342: {  	v6 =	vld @!p0 [tilespmem:s17+$0xB000];
	_ =	sdelay $0x4  }
0x343: {  	v7 =	vshra.s32 @!p0 v6, $0x1F  }
0x344: {  	v7 =	vshrl.u32 @!p0 v7, $0x13  }
0x345: {  	v7 =	vadd.s32 @!p0 v7, v6  }
0x346: {  	v9 =	vand.u32 @!p0 $0xFFFFE000, v7  }
0x347: {  	vm0 =	vlt.s32 @!p0 v6, $0x1;
	vm1 =	vne.s32 @!p0 v6, v9  }
0x348: {  	vm0 =	vmand @!p0 vm0, vm1  }
0x349: {  	v7 =	vshra.s32 @!p0 v7, $0xD;
	v6 =	vand.u32 @!p0 $0x1FFF, v6;
	v8 =	vsel @!p0 vm0, $0xFFFFFFFF, v8  }
0x34a: {  	s18 =	simm.s32 @!p0 $0x20;
	[tilespmem:$0x17790] =	vst @!p0 v6;
	v6 =	vadd.s32 @!p0 v8, v7  }
0x34b: {  	s19 =	simm.s32 @!p0 $0x17700;
	s21 =	simm.s32 @!p0 $0x17800;
	s17 =	simm.s32 @!p1 $0xA;
	[tilespmem:$0x17710] =	vst @!p0 v6  }
0x34c: {  	[tilespmem:s21], [sflag:$0x8] =	stream.indirect.gather @!p0 [hbm4b:s8+s18], $0x80, s19, s18, $0xb8;
	[tilespmem:$0x1B100] =	vst v63  }
0x34d: {  	s18 =	simm.s32 @!p1 $0x20;
	s19 =	simm.s32 @!p1 $0x10080;
	s21 =	simm.s32 @!p1 $0x10100  }
0x34e: {  	[spmem:s3] =	stream.indirect.scatter.add.f32 @!p1 [tilespmem:s21], [sflag:$0xA], $0x80, s19, s18, $0xb8;
	[tilespmem:$0x1B100] =	vst v63  }
0x34f: {  	_ =	swait.ge @!p1 [sflag:s17], $0x1000  }
0x350: {  	s22 =	rddreg [dreg:$0x5]  }
0x351: {  	[sflag:s17] =	ssyncset.done @!p1 $0x0;
	p2 =	sge.s32 s16, s22  }
0x352: {  	[sflag:s17] =	ssyncadd.s32 @!p1 $0xFFFFF000;
	s17 =	simm.s32 @!p2 $0x2  }
0x353: {  	s18 =	sadd.s32 @!p2 $0xFFFFFFFA, s15;
	_ =	swait.ge @!p2 [sflag:s17], $0x1000  }
0x354: {  	p0 =	sge.s32 @!p2 s18, s10;
	[sflag:s17] =	ssyncset.done @!p2 $0x0  }
0x355: {  	p0 =	por p0, p2;
	[sflag:s17] =	ssyncadd.s32 @!p2 $0xFFFFF000  }
0x356: {  	v6 =	vld @!p0 [tilespmem:s14+$0xFFFFFF40];
	_ =	sdelay $0x4  }
0x357: {  	v7 =	vshra.s32 @!p0 v6, $0x1F  }
0x358: {  	v7 =	vshrl.u32 @!p0 v7, $0x13  }
0x359: {  	v7 =	vadd.s32 @!p0 v7, v6  }
0x35a: {  	v7 =	vshra.s32 @!p0 v7, $0xD  }
0x35b: {  	v8 =	vshll.u32 @!p0 v7, $0xD  }
0x35c: {  	vm0 =	vlt.s32 @!p0 v6, $0x1;
	vm1 =	vne.s32 @!p0 v6, v8  }
0x35d: {  	v8 =	vimm.s32 @!p0 $0x0;
	vm0 =	vmand @!p0 vm0, vm1  }
0x35e: {  	v6 =	vand.u32 @!p0 $0x1FFF, v6;
	v9 =	vsel @!p0 vm0, $0xFFFFFFFF, v8  }
0x35f: {  	[tilespmem:$0x10080] =	vst @!p0 v6;
	v6 =	vadd.s32 @!p0 v9, v7  }
0x360: {  	[tilespmem:$0x10000] =	vst @!p0 v6  }
0x361: {  	v6 =	vld @!p0 [tilespmem:s14+$0xFFFFFF50];
	_ =	sdelay $0x4  }
0x362: {  	v7 =	vshra.s32 @!p0 v6, $0x1F  }
0x363: {  	v7 =	vshrl.u32 @!p0 v7, $0x13  }
0x364: {  	v7 =	vadd.s32 @!p0 v7, v6  }
0x365: {  	v9 =	vand.u32 @!p0 $0xFFFFE000, v7  }
0x366: {  	vm0 =	vlt.s32 @!p0 v6, $0x1;
	vm1 =	vne.s32 @!p0 v6, v9  }
0x367: {  	vm0 =	vmand @!p0 vm0, vm1  }
0x368: {  	v7 =	vshra.s32 @!p0 v7, $0xD;
	v6 =	vand.u32 @!p0 $0x1FFF, v6;
	v8 =	vsel @!p0 vm0, $0xFFFFFFFF, v8  }
0x369: {  	s17 =	simm.s32 @!p2 $0xA;
	[tilespmem:$0x10090] =	vst @!p0 v6;
	v6 =	vadd.s32 @!p0 v8, v7  }
0x36a: {  	s18 =	simm.s32 @!p0 $0x20;
	s19 =	simm.s32 @!p0 $0x10000;
	s21 =	simm.s32 @!p0 $0x10100;
	[tilespmem:$0x10010] =	vst @!p0 v6  }
0x36b: {  	[tilespmem:s21], [sflag:$0x1] =	stream.indirect.gather @!p0 [hbm4b:s8+s18], $0x80, s19, s18, $0xb8;
	[tilespmem:$0x1B100] =	vst v63  }
0x36c: {  	s18 =	simm.s32 @!p2 $0x20;
	s19 =	simm.s32 @!p2 $0x11180;
	s21 =	simm.s32 @!p2 $0x11200  }
0x36d: {  	[spmem:s3] =	stream.indirect.scatter.add.f32 @!p2 [tilespmem:s21], [sflag:$0xA], $0x80, s19, s18, $0xb8;
	[tilespmem:$0x1B100] =	vst v63  }
0x36e: {  	_ =	swait.ge @!p2 [sflag:s17], $0x1000  }
0x36f: {  	s19 =	rddreg [dreg:$0x6]  }
0x370: {  	[sflag:s17] =	ssyncset.done @!p2 $0x0;
	p0 =	sge.s32 s16, s19  }
0x371: {  	[sflag:s17] =	ssyncadd.s32 @!p2 $0xFFFFF000;
	s17 =	simm.s32 @!p0 $0x3  }
0x372: {  	s18 =	sadd.s32 @!p0 $0xFFFFFFFB, s15;
	_ =	swait.ge @!p0 [sflag:s17], $0x1000  }
0x373: {  	p1 =	sge.s32 @!p0 s18, s10;
	[sflag:s17] =	ssyncset.done @!p0 $0x0  }
0x374: {  	p1 =	por p1, p0;
	[sflag:s17] =	ssyncadd.s32 @!p0 $0xFFFFF000  }
0x375: {  	v6 =	vld @!p1 [tilespmem:s14+$0xFFFFFF60];
	_ =	sdelay $0x4  }
0x376: {  	v7 =	vshra.s32 @!p1 v6, $0x1F  }
0x377: {  	v7 =	vshrl.u32 @!p1 v7, $0x13  }
0x378: {  	v7 =	vadd.s32 @!p1 v7, v6  }
0x379: {  	v7 =	vshra.s32 @!p1 v7, $0xD  }
0x37a: {  	v8 =	vshll.u32 @!p1 v7, $0xD  }
0x37b: {  	vm0 =	vlt.s32 @!p1 v6, $0x1;
	vm1 =	vne.s32 @!p1 v6, v8  }
0x37c: {  	v8 =	vimm.s32 @!p1 $0x0;
	vm0 =	vmand @!p1 vm0, vm1  }
0x37d: {  	v6 =	vand.u32 @!p1 $0x1FFF, v6;
	v9 =	vsel @!p1 vm0, $0xFFFFFFFF, v8  }
0x37e: {  	s17 =	sadd.s32 @!p1 $0xFFFFFF60, s13;
	[tilespmem:$0x11180] =	vst @!p1 v6;
	v6 =	vadd.s32 @!p1 v9, v7  }
0x37f: {  	s17 =	sor.u32 @!p1 $0x30, s17;
	[tilespmem:$0x11100] =	vst @!p1 v6  }
0x380: {  	v6 =	vld @!p1 [tilespmem:s17+$0xB000];
	_ =	sdelay $0x4  }
0x381: {  	v7 =	vshra.s32 @!p1 v6, $0x1F  }
0x382: {  	v7 =	vshrl.u32 @!p1 v7, $0x13  }
0x383: {  	v7 =	vadd.s32 @!p1 v7, v6  }
0x384: {  	v9 =	vand.u32 @!p1 $0xFFFFE000, v7  }
0x385: {  	vm0 =	vlt.s32 @!p1 v6, $0x1;
	vm1 =	vne.s32 @!p1 v6, v9  }
0x386: {  	vm0 =	vmand @!p1 vm0, vm1  }
0x387: {  	v7 =	vshra.s32 @!p1 v7, $0xD;
	v6 =	vand.u32 @!p1 $0x1FFF, v6;
	v8 =	vsel @!p1 vm0, $0xFFFFFFFF, v8  }
0x388: {  	s18 =	simm.s32 @!p1 $0x20;
	[tilespmem:$0x11190] =	vst @!p1 v6;
	v6 =	vadd.s32 @!p1 v8, v7  }
0x389: {  	s19 =	simm.s32 @!p1 $0x11100;
	s21 =	simm.s32 @!p1 $0x11200;
	s17 =	simm.s32 @!p0 $0xA;
	[tilespmem:$0x11110] =	vst @!p1 v6  }
0x38a: {  	[tilespmem:s21], [sflag:$0x2] =	stream.indirect.gather @!p1 [hbm4b:s8+s18], $0x80, s19, s18, $0xb8;
	[tilespmem:$0x1B100] =	vst v63  }
0x38b: {  	s18 =	simm.s32 @!p0 $0x20;
	s19 =	simm.s32 @!p0 $0x12280;
	s21 =	simm.s32 @!p0 $0x12300  }
0x38c: {  	[spmem:s3] =	stream.indirect.scatter.add.f32 @!p0 [tilespmem:s21], [sflag:$0xA], $0x80, s19, s18, $0xb8;
	[tilespmem:$0x1B100] =	vst v63  }
0x38d: {  	_ =	swait.ge @!p0 [sflag:s17], $0x1000  }
0x38e: {  	s21 =	rddreg [dreg:$0x7]  }
0x38f: {  	[sflag:s17] =	ssyncset.done @!p0 $0x0;
	p1 =	sge.s32 s16, s21  }
0x390: {  	[sflag:s17] =	ssyncadd.s32 @!p0 $0xFFFFF000;
	s17 =	simm.s32 @!p1 $0x4  }
0x391: {  	s18 =	sadd.s32 @!p1 $0xFFFFFFFC, s15;
	_ =	swait.ge @!p1 [sflag:s17], $0x1000  }
0x392: {  	p0 =	sge.s32 @!p1 s18, s10;
	[sflag:s17] =	ssyncset.done @!p1 $0x0  }
0x393: {  	p0 =	por p0, p1;
	[sflag:s17] =	ssyncadd.s32 @!p1 $0xFFFFF000  }
0x394: {  	v6 =	vld @!p0 [tilespmem:s14+$0xFFFFFF80];
	_ =	sdelay $0x4  }
0x395: {  	v7 =	vshra.s32 @!p0 v6, $0x1F  }
0x396: {  	v7 =	vshrl.u32 @!p0 v7, $0x13  }
0x397: {  	v7 =	vadd.s32 @!p0 v7, v6  }
0x398: {  	v7 =	vshra.s32 @!p0 v7, $0xD  }
0x399: {  	v8 =	vshll.u32 @!p0 v7, $0xD  }
0x39a: {  	vm0 =	vlt.s32 @!p0 v6, $0x1;
	vm1 =	vne.s32 @!p0 v6, v8  }
0x39b: {  	v8 =	vimm.s32 @!p0 $0x0;
	vm0 =	vmand @!p0 vm0, vm1  }
0x39c: {  	v6 =	vand.u32 @!p0 $0x1FFF, v6;
	v9 =	vsel @!p0 vm0, $0xFFFFFFFF, v8  }
0x39d: {  	s17 =	sadd.s32 @!p0 $0xFFFFFF80, s13;
	[tilespmem:$0x12280] =	vst @!p0 v6;
	v6 =	vadd.s32 @!p0 v9, v7  }
0x39e: {  	s17 =	sor.u32 @!p0 $0x50, s17;
	[tilespmem:$0x12200] =	vst @!p0 v6  }
0x39f: {  	v6 =	vld @!p0 [tilespmem:s17+$0xB000];
	_ =	sdelay $0x4  }
0x3a0: {  	v7 =	vshra.s32 @!p0 v6, $0x1F  }
0x3a1: {  	v7 =	vshrl.u32 @!p0 v7, $0x13  }
0x3a2: {  	v7 =	vadd.s32 @!p0 v7, v6  }
0x3a3: {  	v9 =	vand.u32 @!p0 $0xFFFFE000, v7  }
0x3a4: {  	vm0 =	vlt.s32 @!p0 v6, $0x1;
	vm1 =	vne.s32 @!p0 v6, v9  }
0x3a5: {  	vm0 =	vmand @!p0 vm0, vm1  }
0x3a6: {  	v7 =	vshra.s32 @!p0 v7, $0xD;
	v6 =	vand.u32 @!p0 $0x1FFF, v6;
	v8 =	vsel @!p0 vm0, $0xFFFFFFFF, v8  }
0x3a7: {  	s18 =	simm.s32 @!p0 $0x20;
	[tilespmem:$0x12290] =	vst @!p0 v6;
	v6 =	vadd.s32 @!p0 v8, v7  }
0x3a8: {  	s19 =	simm.s32 @!p0 $0x12200;
	s21 =	simm.s32 @!p0 $0x12300;
	s17 =	simm.s32 @!p1 $0xA;
	[tilespmem:$0x12210] =	vst @!p0 v6  }
0x3a9: {  	[tilespmem:s21], [sflag:$0x3] =	stream.indirect.gather @!p0 [hbm4b:s8+s18], $0x80, s19, s18, $0xb8;
	[tilespmem:$0x1B100] =	vst v63  }
0x3aa: {  	s18 =	simm.s32 @!p1 $0x20;
	s19 =	simm.s32 @!p1 $0x13380;
	s21 =	simm.s32 @!p1 $0x13400  }
0x3ab: {  	[spmem:s3] =	stream.indirect.scatter.add.f32 @!p1 [tilespmem:s21], [sflag:$0xA], $0x80, s19, s18, $0xb8;
	[tilespmem:$0x1B100] =	vst v63  }
0x3ac: {  	_ =	swait.ge @!p1 [sflag:s17], $0x1000  }
0x3ad: {  	s22 =	rddreg [dreg:$0x8]  }
0x3ae: {  	[sflag:s17] =	ssyncset.done @!p1 $0x0;
	p0 =	sge.s32 s16, s22  }
0x3af: {  	[sflag:s17] =	ssyncadd.s32 @!p1 $0xFFFFF000;
	s17 =	simm.s32 @!p0 $0x5  }
0x3b0: {  	s18 =	sadd.s32 @!p0 $0xFFFFFFFD, s15;
	_ =	swait.ge @!p0 [sflag:s17], $0x1000  }
0x3b1: {  	p1 =	sge.s32 @!p0 s18, s10;
	[sflag:s17] =	ssyncset.done @!p0 $0x0  }
0x3b2: {  	p1 =	por p1, p0;
	[sflag:s17] =	ssyncadd.s32 @!p0 $0xFFFFF000  }
0x3b3: {  	v6 =	vld @!p1 [tilespmem:s14+$0xFFFFFFA0];
	_ =	sdelay $0x4  }
0x3b4: {  	v7 =	vshra.s32 @!p1 v6, $0x1F  }
0x3b5: {  	v7 =	vshrl.u32 @!p1 v7, $0x13  }
0x3b6: {  	v7 =	vadd.s32 @!p1 v7, v6  }
0x3b7: {  	v7 =	vshra.s32 @!p1 v7, $0xD  }
0x3b8: {  	v8 =	vshll.u32 @!p1 v7, $0xD  }
0x3b9: {  	vm0 =	vlt.s32 @!p1 v6, $0x1;
	vm1 =	vne.s32 @!p1 v6, v8  }
0x3ba: {  	v8 =	vimm.s32 @!p1 $0x0;
	vm0 =	vmand @!p1 vm0, vm1  }
0x3bb: {  	v6 =	vand.u32 @!p1 $0x1FFF, v6;
	v9 =	vsel @!p1 vm0, $0xFFFFFFFF, v8  }
0x3bc: {  	s17 =	sadd.s32 @!p1 $0xFFFFFFA0, s13;
	[tilespmem:$0x13380] =	vst @!p1 v6;
	v6 =	vadd.s32 @!p1 v9, v7  }
0x3bd: {  	s17 =	sor.u32 @!p1 $0x70, s17;
	[tilespmem:$0x13300] =	vst @!p1 v6  }
0x3be: {  	v6 =	vld @!p1 [tilespmem:s17+$0xB000];
	_ =	sdelay $0x4  }
0x3bf: {  	v7 =	vshra.s32 @!p1 v6, $0x1F  }
0x3c0: {  	v7 =	vshrl.u32 @!p1 v7, $0x13  }
0x3c1: {  	v7 =	vadd.s32 @!p1 v7, v6  }
0x3c2: {  	v9 =	vand.u32 @!p1 $0xFFFFE000, v7  }
0x3c3: {  	vm0 =	vlt.s32 @!p1 v6, $0x1;
	vm1 =	vne.s32 @!p1 v6, v9  }
0x3c4: {  	vm0 =	vmand @!p1 vm0, vm1  }
0x3c5: {  	v7 =	vshra.s32 @!p1 v7, $0xD;
	v6 =	vand.u32 @!p1 $0x1FFF, v6;
	v8 =	vsel @!p1 vm0, $0xFFFFFFFF, v8  }
0x3c6: {  	s18 =	simm.s32 @!p1 $0x20;
	[tilespmem:$0x13390] =	vst @!p1 v6;
	v6 =	vadd.s32 @!p1 v8, v7  }
0x3c7: {  	s19 =	simm.s32 @!p1 $0x13300;
	s21 =	simm.s32 @!p1 $0x13400;
	s17 =	simm.s32 @!p0 $0xA;
	[tilespmem:$0x13310] =	vst @!p1 v6  }
0x3c8: {  	[tilespmem:s21], [sflag:$0x4] =	stream.indirect.gather @!p1 [hbm4b:s8+s18], $0x80, s19, s18, $0xb8;
	[tilespmem:$0x1B100] =	vst v63  }
0x3c9: {  	s18 =	simm.s32 @!p0 $0x20;
	s19 =	simm.s32 @!p0 $0x14480;
	s21 =	simm.s32 @!p0 $0x14500  }
0x3ca: {  	[spmem:s3] =	stream.indirect.scatter.add.f32 @!p0 [tilespmem:s21], [sflag:$0xA], $0x80, s19, s18, $0xb8;
	[tilespmem:$0x1B100] =	vst v63  }
0x3cb: {  	_ =	swait.ge @!p0 [sflag:s17], $0x1000  }
0x3cc: {  	s19 =	rddreg [dreg:$0x9]  }
0x3cd: {  	[sflag:s17] =	ssyncset.done @!p0 $0x0;
	p1 =	sge.s32 s16, s19  }
0x3ce: {  	[sflag:s17] =	ssyncadd.s32 @!p0 $0xFFFFF000;
	s17 =	simm.s32 @!p1 $0x6  }
0x3cf: {  	s18 =	sadd.s32 @!p1 $0xFFFFFFFE, s15;
	_ =	swait.ge @!p1 [sflag:s17], $0x1000  }
0x3d0: {  	p0 =	sge.s32 @!p1 s18, s10;
	[sflag:s17] =	ssyncset.done @!p1 $0x0  }
0x3d1: {  	p0 =	por p0, p1;
	[sflag:s17] =	ssyncadd.s32 @!p1 $0xFFFFF000  }
0x3d2: {  	v6 =	vld @!p0 [tilespmem:s14+$0xFFFFFFC0];
	_ =	sdelay $0x4  }
0x3d3: {  	v7 =	vshra.s32 @!p0 v6, $0x1F  }
0x3d4: {  	v7 =	vshrl.u32 @!p0 v7, $0x13  }
0x3d5: {  	v7 =	vadd.s32 @!p0 v7, v6  }
0x3d6: {  	v7 =	vshra.s32 @!p0 v7, $0xD  }
0x3d7: {  	v8 =	vshll.u32 @!p0 v7, $0xD  }
0x3d8: {  	vm0 =	vlt.s32 @!p0 v6, $0x1;
	vm1 =	vne.s32 @!p0 v6, v8  }
0x3d9: {  	v8 =	vimm.s32 @!p0 $0x0;
	vm0 =	vmand @!p0 vm0, vm1  }
0x3da: {  	v6 =	vand.u32 @!p0 $0x1FFF, v6;
	v9 =	vsel @!p0 vm0, $0xFFFFFFFF, v8  }
0x3db: {  	[tilespmem:$0x14480] =	vst @!p0 v6;
	v6 =	vadd.s32 @!p0 v9, v7  }
0x3dc: {  	[tilespmem:$0x14400] =	vst @!p0 v6  }
0x3dd: {  	v6 =	vld @!p0 [tilespmem:s14+$0xFFFFFFD0];
	_ =	sdelay $0x4  }
0x3de: {  	v7 =	vshra.s32 @!p0 v6, $0x1F  }
0x3df: {  	v7 =	vshrl.u32 @!p0 v7, $0x13  }
0x3e0: {  	v7 =	vadd.s32 @!p0 v7, v6  }
0x3e1: {  	v9 =	vand.u32 @!p0 $0xFFFFE000, v7  }
0x3e2: {  	vm0 =	vlt.s32 @!p0 v6, $0x1;
	vm1 =	vne.s32 @!p0 v6, v9  }
0x3e3: {  	vm0 =	vmand @!p0 vm0, vm1  }
0x3e4: {  	v7 =	vshra.s32 @!p0 v7, $0xD;
	v6 =	vand.u32 @!p0 $0x1FFF, v6;
	v8 =	vsel @!p0 vm0, $0xFFFFFFFF, v8  }
0x3e5: {  	s17 =	simm.s32 @!p1 $0xA;
	[tilespmem:$0x14490] =	vst @!p0 v6;
	v6 =	vadd.s32 @!p0 v8, v7  }
0x3e6: {  	s18 =	simm.s32 @!p0 $0x20;
	s19 =	simm.s32 @!p0 $0x14400;
	s21 =	simm.s32 @!p0 $0x14500;
	[tilespmem:$0x14410] =	vst @!p0 v6  }
0x3e7: {  	[tilespmem:s21], [sflag:$0x5] =	stream.indirect.gather @!p0 [hbm4b:s8+s18], $0x80, s19, s18, $0xb8;
	[tilespmem:$0x1B100] =	vst v63  }
0x3e8: {  	s18 =	simm.s32 @!p1 $0x20;
	s19 =	simm.s32 @!p1 $0x15580;
	s21 =	simm.s32 @!p1 $0x15600  }
0x3e9: {  	[spmem:s3] =	stream.indirect.scatter.add.f32 @!p1 [tilespmem:s21], [sflag:$0xA], $0x80, s19, s18, $0xb8;
	[tilespmem:$0x1B100] =	vst v63  }
0x3ea: {  	_ =	swait.ge @!p1 [sflag:s17], $0x1000  }
0x3eb: {  	s21 =	rddreg [dreg:$0xa]  }
0x3ec: {  	[sflag:s17] =	ssyncset.done @!p1 $0x0;
	p0 =	sge.s32 s16, s21  }
0x3ed: {  	[sflag:s17] =	ssyncadd.s32 @!p1 $0xFFFFF000;
	s17 =	simm.s32 @!p0 $0x7  }
0x3ee: {  	s18 =	sadd.s32 @!p0 $0xFFFFFFFF, s15;
	_ =	swait.ge @!p0 [sflag:s17], $0x1000  }
0x3ef: {  	p1 =	sge.s32 @!p0 s18, s10;
	[sflag:s17] =	ssyncset.done @!p0 $0x0  }
0x3f0: {  	p1 =	por p1, p0;
	[sflag:s17] =	ssyncadd.s32 @!p0 $0xFFFFF000  }
0x3f1: {  	v6 =	vld @!p1 [tilespmem:s14+$0xFFFFFFE0];
	_ =	sdelay $0x4  }
0x3f2: {  	v7 =	vshra.s32 @!p1 v6, $0x1F  }
0x3f3: {  	v7 =	vshrl.u32 @!p1 v7, $0x13  }
0x3f4: {  	v7 =	vadd.s32 @!p1 v7, v6  }
0x3f5: {  	v7 =	vshra.s32 @!p1 v7, $0xD  }
0x3f6: {  	v8 =	vshll.u32 @!p1 v7, $0xD  }
0x3f7: {  	vm0 =	vlt.s32 @!p1 v6, $0x1;
	vm1 =	vne.s32 @!p1 v6, v8  }
0x3f8: {  	v8 =	vimm.s32 @!p1 $0x0;
	vm0 =	vmand @!p1 vm0, vm1  }
0x3f9: {  	v6 =	vand.u32 @!p1 $0x1FFF, v6;
	v9 =	vsel @!p1 vm0, $0xFFFFFFFF, v8  }
0x3fa: {  	s17 =	sadd.s32 @!p1 $0xFFFFFFE0, s13;
	[tilespmem:$0x15580] =	vst @!p1 v6;
	v6 =	vadd.s32 @!p1 v9, v7  }
0x3fb: {  	s17 =	sor.u32 @!p1 $0x30, s17;
	[tilespmem:$0x15500] =	vst @!p1 v6  }
0x3fc: {  	v6 =	vld @!p1 [tilespmem:s17+$0xB000];
	_ =	sdelay $0x4  }
0x3fd: {  	v7 =	vshra.s32 @!p1 v6, $0x1F  }
0x3fe: {  	v7 =	vshrl.u32 @!p1 v7, $0x13  }
0x3ff: {  	v7 =	vadd.s32 @!p1 v7, v6  }
0x400: {  	v9 =	vand.u32 @!p1 $0xFFFFE000, v7  }
0x401: {  	vm0 =	vlt.s32 @!p1 v6, $0x1;
	vm1 =	vne.s32 @!p1 v6, v9  }
0x402: {  	vm0 =	vmand @!p1 vm0, vm1  }
0x403: {  	v7 =	vshra.s32 @!p1 v7, $0xD;
	v6 =	vand.u32 @!p1 $0x1FFF, v6;
	v8 =	vsel @!p1 vm0, $0xFFFFFFFF, v8  }
0x404: {  	s18 =	simm.s32 @!p1 $0x20;
	[tilespmem:$0x15590] =	vst @!p1 v6;
	v6 =	vadd.s32 @!p1 v8, v7  }
0x405: {  	s19 =	simm.s32 @!p1 $0x15500;
	s21 =	simm.s32 @!p1 $0x15600;
	s17 =	simm.s32 @!p0 $0xA;
	[tilespmem:$0x15510] =	vst @!p1 v6  }
0x406: {  	[tilespmem:s21], [sflag:$0x6] =	stream.indirect.gather @!p1 [hbm4b:s8+s18], $0x80, s19, s18, $0xb8;
	[tilespmem:$0x1B100] =	vst v63  }
0x407: {  	s18 =	simm.s32 @!p0 $0x20;
	s19 =	simm.s32 @!p0 $0x16680;
	s21 =	simm.s32 @!p0 $0x16700  }
0x408: {  	[spmem:s3] =	stream.indirect.scatter.add.f32 @!p0 [tilespmem:s21], [sflag:$0xA], $0x80, s19, s18, $0xb8;
	[tilespmem:$0x1B100] =	vst v63  }
0x409: {  	_ =	swait.ge @!p0 [sflag:s17], $0x1000  }
0x40a: {  	s22 =	rddreg [dreg:$0xb]  }
0x40b: {  	[sflag:s17] =	ssyncset.done @!p0 $0x0;
	p1 =	sge.s32 s16, s22  }
0x40c: {  	[sflag:s17] =	ssyncadd.s32 @!p0 $0xFFFFF000;
	s16 =	simm.s32 @!p1 $0x8  }
0x40d: {  	_ =	swait.ge @!p1 [sflag:s16], $0x1000  }
0x40e: {  	p0 =	sge.s32 @!p1 s15, s10;
	[sflag:s16] =	ssyncset.done @!p1 $0x0  }
0x40f: {  	p0 =	por p0, p1;
	[sflag:s16] =	ssyncadd.s32 @!p1 $0xFFFFF000  }
0x410: {  	v6 =	vld @!p0 [tilespmem:s14+$0x0];
	_ =	sdelay $0x4  }
0x411: {  	v7 =	vshra.s32 @!p0 v6, $0x1F  }
0x412: {  	v7 =	vshrl.u32 @!p0 v7, $0x13  }
0x413: {  	v7 =	vadd.s32 @!p0 v7, v6  }
0x414: {  	v7 =	vshra.s32 @!p0 v7, $0xD  }
0x415: {  	v8 =	vshll.u32 @!p0 v7, $0xD  }
0x416: {  	vm0 =	vlt.s32 @!p0 v6, $0x1;
	vm1 =	vne.s32 @!p0 v6, v8  }
0x417: {  	v8 =	vimm.s32 @!p0 $0x0;
	vm0 =	vmand @!p0 vm0, vm1  }
0x418: {  	v6 =	vand.u32 @!p0 $0x1FFF, v6;
	v9 =	vsel @!p0 vm0, $0xFFFFFFFF, v8  }
0x419: {  	[tilespmem:$0x16680] =	vst @!p0 v6;
	v6 =	vadd.s32 @!p0 v9, v7  }
0x41a: {  	s10 =	sor.u32 @!p0 $0x50, s13;
	[tilespmem:$0x16600] =	vst @!p0 v6  }
0x41b: {  	v6 =	vld @!p0 [tilespmem:s10+$0xB000];
	_ =	sdelay $0x4  }
0x41c: {  	v7 =	vshra.s32 @!p0 v6, $0x1F  }
0x41d: {  	v7 =	vshrl.u32 @!p0 v7, $0x13  }
0x41e: {  	v7 =	vadd.s32 @!p0 v7, v6  }
0x41f: {  	v9 =	vand.u32 @!p0 $0xFFFFE000, v7  }
0x420: {  	vm0 =	vlt.s32 @!p0 v6, $0x1;
	vm1 =	vne.s32 @!p0 v6, v9  }
0x421: {  	vm0 =	vmand @!p0 vm0, vm1  }
0x422: {  	v7 =	vshra.s32 @!p0 v7, $0xD;
	v6 =	vand.u32 @!p0 $0x1FFF, v6;
	v8 =	vsel @!p0 vm0, $0xFFFFFFFF, v8  }
0x423: {  	s13 =	simm.s32 @!p0 $0x20;
	[tilespmem:$0x16690] =	vst @!p0 v6;
	v6 =	vadd.s32 @!p0 v8, v7  }
0x424: {  	s15 =	simm.s32 @!p0 $0x16700;
	s14 =	simm.s32 @!p0 $0x16600;
	s10 =	simm.s32 @!p1 $0x9;
	[tilespmem:$0x16610] =	vst @!p0 v6  }
0x425: {  	[tilespmem:s15], [sflag:$0x7] =	stream.indirect.gather @!p0 [hbm4b:s8+s13], $0x80, s14, s13, $0xb8;
	[tilespmem:$0x1B100] =	vst v63  }
0x426: {  	s13 =	simm.s32 @!p1 $0x20;
	s14 =	simm.s32 @!p1 $0x17780;
	s15 =	simm.s32 @!p1 $0x17800  }
0x427: {  	[spmem:s3] =	stream.indirect.scatter.add.f32 @!p1 [tilespmem:s15], [sflag:$0x9], $0x80, s14, s13, $0xb8;
	[tilespmem:$0x1B100] =	vst v63  }
0x428: {  	_ =	swait.ge @!p1 [sflag:s10], $0x1000  }
0x429: {  	[sflag:s10] =	ssyncset.done @!p1 $0x0  }
0x42a: {  	[sflag:s10] =	ssyncadd.s32 @!p1 $0xFFFFF000  }
.LBB2_20:
0x42b: {  	[bflag:$0x0] =	sbarrier.arrive $0xFFFF  }
0x42c: {  	s10 =	simm.s32 $0x0;
	s14 =	simm.s32 $0x1B000;
	s13 =	rddreg [dreg:$0x1]  }
0x42d: {  	[tilespmem:s14], [sflag:$0x9] =	stream.linear.gather [hbm4b:s13+s10], $0x80, $0x38;
	[tilespmem:$0x1B100] =	vst v63  }
0x42e: {  	_ =	swait.ge [sflag:s26], $0x80  }
0x42f: {  	[sflag:s26] =	ssyncset.done $0x0  }
0x430: {  	s22 =	simm.s32 $0x1B080;
	s21 =	rddreg [dreg:$0xc];
	[sflag:s26] =	ssyncadd.s32 $0xFFFFFF80  }
0x431: {  	[tilespmem:s22], [sflag:$0x9] =	stream.linear.gather [hbm4b:s21+s10], $0x80, $0x38;
	[tilespmem:$0x1B100] =	vst v63  }
.Ltmp14:
0x432: {  	_ = 	snop;
	(pc) =	sbr.rel .LBB2_21-.Ltmp14, $4  }
0x433: {  	_ =	swait.ge [sflag:s26], $0x80  }
0x434: {  	[sflag:s26] =	ssyncset.done $0x0  }
0x435: {  	[sflag:s26] =	ssyncadd.s32 $0xFFFFFF80  }
0x436: {  	v6 =	vld [tilespmem:$0x1B080]  }
.LBB2_25:
0x437: {  	s10 =	sadd.s32 $0x1, s10  }
0x438: {  	p0 =	sne.s32 s10, $0x8  }
.Ltmp15:
0x439: {  	_ = 	snop;
	(pc) =	sbr.rel @!p0 .LBB2_26-.Ltmp15, $1  }
0x43a: {  	_ =	sdelay $0x3  }
.LBB2_21:
0x43b: {  	s13 =	smul.u32 $0x28, s10;
	_ =	sdelay $0x1  }
0x43c: {  	s13 =	sadd.s32 s12, s13  }
0x43d: {  	p0 =	sgt.u32 s13, $0x1387  }
.Ltmp16:
0x43e: {  	_ = 	snop;
	(pc) =	sbr.rel @p0 .LBB2_25-.Ltmp16, $1  }
0x43f: {  	_ =	sdelay $0x3  }
0x440: {  	s14 =	sshll.u32 s13, $0x7  }
0x441: {  	s14 =	sand.u32 $0x3FFFFF80, s14  }
0x442: {  	s14 =	sadd.s32 s14, s3  }
0x443: {  	[tilespmem:s4], [sflag:$0xA] =	stream.linear.gather [spmem:s14], $0x1400, $0x38;
	[tilespmem:$0x1B100] =	vst v63  }
0x444: {  	s21 =	sadd.s32 s23, s13;
	_ =	swait.ge [sflag:s1], $0x1400  }
0x445: {  	s13 =	sshll.u32 s21, $0x4;
	[sflag:s1] =	ssyncset.done $0x0  }
0x446: {  	s15 =	simm.s32 $0x0;
	s22 =	sadd.s32 s9, s13;
	[sflag:s1] =	ssyncadd.s32 $0xFFFFEC00  }
0x447: {  	[tilespmem:s31], [sflag:$0xA] =	stream.linear.gather [hbm4b:s22+s15], $0x1400, $0x38;
	[tilespmem:$0x1B100] =	vst v63  }
0x448: {  	_ =	swait.ge [sflag:s1], $0x1400  }
0x449: {  	[sflag:s1] =	ssyncset.done $0x0  }
0x44a: {  	s14 =	simm.s32 $0x0;
	[sflag:s1] =	ssyncadd.s32 $0xFFFFEC00  }
0x44b: {  	v7 =	vld [tilespmem:s14+$0x19C00]  }
0x44c: {  	v8 =	vld [tilespmem:s14+$0x18800];
	_ =	sdelay $0x1  }
0x44d: {  	v9 =	vld [tilespmem:$0x1B000];
	_ =	sdelay $0x2  }
0x44e: {  	v8 =	vmul.f32 v8, v7;
	_ =	sdelay $0x1  }
0x44f: {  	v8 =	vadd.f32 v9, v8;
	_ =	sdelay $0x1  }
0x450: {  	v9 =	vmul.f32 v8, v6  }
0x451: {  	vm0 =	vge.f32 v8, $0.0e+00  }
0x452: {  	v10 =	vld [tilespmem:s14+$0x18810];
	v8 =	vsel vm0, v8, v9  }
0x453: {  	[tilespmem:s14+$0x18800] =	vst v8  }
0x454: {  	v8 =	vld [tilespmem:$0x1B010];
	_ =	sdelay $0x2  }
0x455: {  	v9 =	vmul.f32 v10, v7;
	_ =	sdelay $0x1  }
0x456: {  	v8 =	vadd.f32 v8, v9;
	_ =	sdelay $0x1  }
0x457: {  	v9 =	vmul.f32 v8, v6  }
0x458: {  	vm0 =	vge.f32 v8, $0.0e+00  }
0x459: {  	v10 =	vld [tilespmem:s14+$0x18820];
	v8 =	vsel vm0, v8, v9  }
0x45a: {  	[tilespmem:s14+$0x18810] =	vst v8  }
0x45b: {  	v8 =	vld [tilespmem:$0x1B020];
	_ =	sdelay $0x2  }
0x45c: {  	v9 =	vmul.f32 v10, v7;
	_ =	sdelay $0x1  }
0x45d: {  	v8 =	vadd.f32 v8, v9;
	_ =	sdelay $0x1  }
0x45e: {  	v9 =	vmul.f32 v8, v6  }
0x45f: {  	vm0 =	vge.f32 v8, $0.0e+00  }
0x460: {  	v10 =	vld [tilespmem:s14+$0x18830];
	v8 =	vsel vm0, v8, v9  }
0x461: {  	[tilespmem:s14+$0x18820] =	vst v8  }
0x462: {  	v8 =	vld [tilespmem:$0x1B030];
	_ =	sdelay $0x2  }
0x463: {  	v9 =	vmul.f32 v10, v7;
	_ =	sdelay $0x1  }
0x464: {  	v8 =	vadd.f32 v8, v9;
	_ =	sdelay $0x1  }
0x465: {  	v9 =	vmul.f32 v8, v6  }
0x466: {  	vm0 =	vge.f32 v8, $0.0e+00  }
0x467: {  	v10 =	vld [tilespmem:s14+$0x18840];
	v8 =	vsel vm0, v8, v9  }
0x468: {  	[tilespmem:s14+$0x18830] =	vst v8  }
0x469: {  	v8 =	vld [tilespmem:$0x1B040];
	_ =	sdelay $0x2  }
0x46a: {  	v9 =	vmul.f32 v10, v7;
	_ =	sdelay $0x1  }
0x46b: {  	v8 =	vadd.f32 v8, v9;
	_ =	sdelay $0x1  }
0x46c: {  	v9 =	vmul.f32 v8, v6  }
0x46d: {  	vm0 =	vge.f32 v8, $0.0e+00  }
0x46e: {  	v10 =	vld [tilespmem:s14+$0x18850];
	v8 =	vsel vm0, v8, v9  }
0x46f: {  	[tilespmem:s14+$0x18840] =	vst v8  }
0x470: {  	v8 =	vld [tilespmem:$0x1B050];
	_ =	sdelay $0x2  }
0x471: {  	v9 =	vmul.f32 v10, v7;
	_ =	sdelay $0x1  }
0x472: {  	v8 =	vadd.f32 v8, v9;
	_ =	sdelay $0x1  }
0x473: {  	v9 =	vmul.f32 v8, v6  }
0x474: {  	vm0 =	vge.f32 v8, $0.0e+00  }
0x475: {  	v10 =	vld [tilespmem:s14+$0x18860];
	v8 =	vsel vm0, v8, v9  }
0x476: {  	[tilespmem:s14+$0x18850] =	vst v8  }
0x477: {  	v8 =	vld [tilespmem:$0x1B060];
	_ =	sdelay $0x2  }
0x478: {  	v9 =	vmul.f32 v10, v7;
	_ =	sdelay $0x1  }
0x479: {  	v8 =	vadd.f32 v8, v9;
	_ =	sdelay $0x1  }
0x47a: {  	v9 =	vmul.f32 v8, v6  }
0x47b: {  	vm0 =	vge.f32 v8, $0.0e+00  }
0x47c: {  	v10 =	vld [tilespmem:s14+$0x18870];
	v8 =	vsel vm0, v8, v9  }
0x47d: {  	[tilespmem:s14+$0x18860] =	vst v8  }
0x47e: {  	v8 =	vld [tilespmem:$0x1B070];
	_ =	sdelay $0x2  }
0x47f: {  	v7 =	vmul.f32 v10, v7;
	_ =	sdelay $0x1  }
0x480: {  	v8 =	vadd.f32 v8, v7;
	_ =	sdelay $0x1  }
0x481: {  	s17 =	simm.s32 $0x80;
	v9 =	vmul.f32 v8, v6  }
0x482: {  	s15 =	simm.s32 $0x400;
	v7 =	vld [tilespmem:s17+$0x19C00];
	vm0 =	vge.f32 v8, $0.0e+00  }
.LBB2_23:
0x483: {  	p0 =	sne.s32 s15, $0x4E00;
	v10 =	vld [tilespmem:s17+$0x18800];
	v8 =	vsel vm0, v8, v9;
	s16 =	smov.u32 s15;
	s15 =	sadd.s32 $0x200, s15  }
0x484: {  	[tilespmem:s14+$0x18870] =	vst v8;
	s14 =	smov.u32 s17  }
0x485: {  	v8 =	vld [tilespmem:$0x1B000];
	_ =	sdelay $0x2  }
0x486: {  	v9 =	vmul.f32 v10, v7;
	_ =	sdelay $0x1  }
0x487: {  	v8 =	vadd.f32 v8, v9;
	_ =	sdelay $0x1  }
0x488: {  	vm0 =	vge.f32 v8, $0.0e+00;
	v9 =	vmul.f32 v8, v6  }
0x489: {  	v10 =	vld [tilespmem:s14+$0x18810]  }
0x48a: {  	v8 =	vsel vm0, v8, v9  }
0x48b: {  	[tilespmem:s14+$0x18800] =	vst v8  }
0x48c: {  	v8 =	vld [tilespmem:$0x1B010];
	_ =	sdelay $0x1  }
0x48d: {  	v9 =	vmul.f32 v10, v7;
	_ =	sdelay $0x2  }
0x48e: {  	v8 =	vadd.f32 v8, v9;
	_ =	sdelay $0x1  }
0x48f: {  	vm0 =	vge.f32 v8, $0.0e+00;
	v9 =	vmul.f32 v8, v6  }
0x490: {  	v10 =	vld [tilespmem:s14+$0x18820]  }
0x491: {  	v8 =	vsel vm0, v8, v9  }
0x492: {  	[tilespmem:s14+$0x18810] =	vst v8  }
0x493: {  	v8 =	vld [tilespmem:$0x1B020];
	_ =	sdelay $0x1  }
0x494: {  	v9 =	vmul.f32 v10, v7;
	_ =	sdelay $0x2  }
0x495: {  	v8 =	vadd.f32 v8, v9;
	_ =	sdelay $0x1  }
0x496: {  	vm0 =	vge.f32 v8, $0.0e+00;
	v9 =	vmul.f32 v8, v6  }
0x497: {  	v10 =	vld [tilespmem:s14+$0x18830]  }
0x498: {  	v8 =	vsel vm0, v8, v9  }
0x499: {  	[tilespmem:s14+$0x18820] =	vst v8  }
0x49a: {  	v8 =	vld [tilespmem:$0x1B030];
	_ =	sdelay $0x1  }
0x49b: {  	v9 =	vmul.f32 v10, v7;
	_ =	sdelay $0x2  }
0x49c: {  	v8 =	vadd.f32 v8, v9;
	_ =	sdelay $0x1  }
0x49d: {  	vm0 =	vge.f32 v8, $0.0e+00;
	v9 =	vmul.f32 v8, v6  }
0x49e: {  	v10 =	vld [tilespmem:s14+$0x18840]  }
0x49f: {  	v8 =	vsel vm0, v8, v9  }
0x4a0: {  	[tilespmem:s14+$0x18830] =	vst v8  }
0x4a1: {  	v8 =	vld [tilespmem:$0x1B040];
	_ =	sdelay $0x1  }
0x4a2: {  	v9 =	vmul.f32 v10, v7;
	_ =	sdelay $0x2  }
0x4a3: {  	v8 =	vadd.f32 v8, v9;
	_ =	sdelay $0x1  }
0x4a4: {  	vm0 =	vge.f32 v8, $0.0e+00;
	v9 =	vmul.f32 v8, v6  }
0x4a5: {  	v10 =	vld [tilespmem:s14+$0x18850]  }
0x4a6: {  	v8 =	vsel vm0, v8, v9  }
0x4a7: {  	[tilespmem:s14+$0x18840] =	vst v8  }
0x4a8: {  	v8 =	vld [tilespmem:$0x1B050];
	_ =	sdelay $0x1  }
0x4a9: {  	v9 =	vmul.f32 v10, v7;
	_ =	sdelay $0x2  }
0x4aa: {  	v8 =	vadd.f32 v8, v9;
	_ =	sdelay $0x1  }
0x4ab: {  	vm0 =	vge.f32 v8, $0.0e+00;
	v9 =	vmul.f32 v8, v6  }
0x4ac: {  	v10 =	vld [tilespmem:s14+$0x18860]  }
0x4ad: {  	v8 =	vsel vm0, v8, v9  }
0x4ae: {  	[tilespmem:s14+$0x18850] =	vst v8  }
0x4af: {  	v8 =	vld [tilespmem:$0x1B060];
	_ =	sdelay $0x1  }
0x4b0: {  	v9 =	vmul.f32 v10, v7;
	_ =	sdelay $0x2  }
0x4b1: {  	v8 =	vadd.f32 v8, v9;
	_ =	sdelay $0x1  }
0x4b2: {  	vm0 =	vge.f32 v8, $0.0e+00;
	v9 =	vmul.f32 v8, v6  }
0x4b3: {  	v10 =	vld [tilespmem:s14+$0x18870]  }
0x4b4: {  	v8 =	vsel vm0, v8, v9  }
0x4b5: {  	[tilespmem:s14+$0x18860] =	vst v8  }
0x4b6: {  	v8 =	vld [tilespmem:$0x1B070];
	_ =	sdelay $0x1  }
0x4b7: {  	v7 =	vmul.f32 v10, v7;
	_ =	sdelay $0x1  }
.Ltmp17:
0x4b8: {  	(pc) =	sbr.rel @p0 .LBB2_23-.Ltmp17, $3  }
0x4b9: {  	v8 =	vadd.f32 v8, v7;
	_ =	sdelay $0x1  }
0x4ba: {  	s17 =	sshra.s32 s16, $0x2;
	vm0 =	vge.f32 v8, $0.0e+00;
	v9 =	vmul.f32 v8, v6  }
0x4bb: {  	v7 =	vld [tilespmem:s17+$0x19C00]  }
0x4bc: {  	v10 =	vld [tilespmem:s17+$0x18800];
	v8 =	vsel vm0, v8, v9  }
0x4bd: {  	[tilespmem:s14+$0x18870] =	vst v8  }
0x4be: {  	v8 =	vld [tilespmem:$0x1B000];
	_ =	sdelay $0x2  }
0x4bf: {  	v50 =	vmul.f32 v10, v7;
	_ =	sdelay $0x1  }
0x4c0: {  	v8 =	vadd.f32 v8, v50;
	_ =	sdelay $0x1  }
0x4c1: {  	v9 =	vmul.f32 v8, v6  }
0x4c2: {  	vm8 =	vge.f32 v8, $0.0e+00  }
0x4c3: {  	v51 =	vld [tilespmem:s17+$0x18810];
	v8 =	vsel vm8, v8, v9  }
0x4c4: {  	[tilespmem:s17+$0x18800] =	vst v8  }
0x4c5: {  	v8 =	vld [tilespmem:$0x1B010];
	_ =	sdelay $0x2  }
0x4c6: {  	v52 =	vmul.f32 v51, v7;
	_ =	sdelay $0x1  }
0x4c7: {  	v8 =	vadd.f32 v8, v52;
	_ =	sdelay $0x1  }
0x4c8: {  	v9 =	vmul.f32 v8, v6  }
0x4c9: {  	vm9 =	vge.f32 v8, $0.0e+00  }
0x4ca: {  	v53 =	vld [tilespmem:s17+$0x18820];
	v8 =	vsel vm9, v8, v9  }
0x4cb: {  	[tilespmem:s17+$0x18810] =	vst v8  }
0x4cc: {  	v8 =	vld [tilespmem:$0x1B020];
	_ =	sdelay $0x2  }
0x4cd: {  	v54 =	vmul.f32 v53, v7;
	_ =	sdelay $0x1  }
0x4ce: {  	v8 =	vadd.f32 v8, v54;
	_ =	sdelay $0x1  }
0x4cf: {  	v9 =	vmul.f32 v8, v6  }
0x4d0: {  	vm10 =	vge.f32 v8, $0.0e+00  }
0x4d1: {  	v55 =	vld [tilespmem:s17+$0x18830];
	v8 =	vsel vm10, v8, v9  }
0x4d2: {  	[tilespmem:s17+$0x18820] =	vst v8  }
0x4d3: {  	v8 =	vld [tilespmem:$0x1B030];
	_ =	sdelay $0x2  }
0x4d4: {  	v56 =	vmul.f32 v55, v7;
	_ =	sdelay $0x1  }
0x4d5: {  	v8 =	vadd.f32 v8, v56;
	_ =	sdelay $0x1  }
0x4d6: {  	v9 =	vmul.f32 v8, v6  }
0x4d7: {  	vm11 =	vge.f32 v8, $0.0e+00  }
0x4d8: {  	v57 =	vld [tilespmem:s17+$0x18840];
	v8 =	vsel vm11, v8, v9  }
0x4d9: {  	[tilespmem:s17+$0x18830] =	vst v8  }
0x4da: {  	v8 =	vld [tilespmem:$0x1B040];
	_ =	sdelay $0x2  }
0x4db: {  	v58 =	vmul.f32 v57, v7;
	_ =	sdelay $0x1  }
0x4dc: {  	v8 =	vadd.f32 v8, v58;
	_ =	sdelay $0x1  }
0x4dd: {  	v9 =	vmul.f32 v8, v6  }
0x4de: {  	vm12 =	vge.f32 v8, $0.0e+00  }
0x4df: {  	v59 =	vld [tilespmem:s17+$0x18850];
	v8 =	vsel vm12, v8, v9  }
0x4e0: {  	[tilespmem:s17+$0x18840] =	vst v8  }
0x4e1: {  	v8 =	vld [tilespmem:$0x1B050];
	_ =	sdelay $0x2  }
0x4e2: {  	v60 =	vmul.f32 v59, v7;
	_ =	sdelay $0x1  }
0x4e3: {  	v8 =	vadd.f32 v8, v60;
	_ =	sdelay $0x1  }
0x4e4: {  	v9 =	vmul.f32 v8, v6  }
0x4e5: {  	vm13 =	vge.f32 v8, $0.0e+00  }
0x4e6: {  	v61 =	vld [tilespmem:s17+$0x18860];
	v8 =	vsel vm13, v8, v9  }
0x4e7: {  	[tilespmem:s17+$0x18850] =	vst v8  }
0x4e8: {  	v8 =	vld [tilespmem:$0x1B060];
	_ =	sdelay $0x2  }
0x4e9: {  	v62 =	vmul.f32 v61, v7;
	_ =	sdelay $0x1  }
0x4ea: {  	v8 =	vadd.f32 v8, v62;
	_ =	sdelay $0x1  }
0x4eb: {  	v9 =	vmul.f32 v8, v6  }
0x4ec: {  	vm14 =	vge.f32 v8, $0.0e+00  }
0x4ed: {  	v63 =	vld [tilespmem:s17+$0x18870];
	v8 =	vsel vm14, v8, v9  }
0x4ee: {  	[tilespmem:s17+$0x18860] =	vst v8  }
0x4ef: {  	v8 =	vld [tilespmem:$0x1B070];
	_ =	sdelay $0x2  }
0x4f0: {  	v7 =	vmul.f32 v63, v7;
	_ =	sdelay $0x1  }
0x4f1: {  	v7 =	vadd.f32 v8, v7;
	_ =	sdelay $0x1  }
0x4f2: {  	v8 =	vmul.f32 v7, v6  }
0x4f3: {  	vm15 =	vge.f32 v7, $0.0e+00  }
0x4f4: {  	v7 =	vsel vm15, v7, v8  }
.Ltmp18:
0x4f5: {  	s13 =	sadd.s32 s2, s13;
	[tilespmem:s17+$0x18870] =	vst v7;
	(pc) =	sbr.rel .LBB2_25-.Ltmp18, $4  }
0x4f6: {  	[hbm4b:s13+s5] =	stream.linear.scatter [tilespmem:s4], [sflag:$0x9], $0x1400, $0x38;
	[tilespmem:$0x1B100] =	vst v63  }
0x4f7: {  	_ =	swait.ge [sflag:s26], $0x1400  }
0x4f8: {  	[sflag:s26] =	ssyncset.done $0x0  }
0x4f9: {  	[sflag:s26] =	ssyncadd.s32 $0xFFFFEC00  }
.LBB2_16:
.Ltmp19:
0x4fa: {  	(pc) =	sbr.rel .LBB2_19-.Ltmp19, $2  }
0x4fb: {  	_ =	sdelay $0x2  }
0x4fc: {  	_ = 	snop  }
.LBB2_27:
0x4fd: {  	_ =	sfence.sel $0x180000  }
0x4fe: {  	[bflag:$0x0] =	sbarrier.arrive $0xFFFF  }
0x4ff: {  	_ =	strace $0x9000004A  }
0x500: {  	s0 =	stileid.u32;
	[bflag:$0x2] =	sbarrier.arrive $0xFFFF  }
0x501: {  	p0 =	sne.s32 s0, $0x0;
	s0 =	rddreg [dreg:$0x4]  }
0x502: {  	s0 =	sadd.s32 @!p0 $0x100000, s0  }
0x503: {  	[sflag:s0] =	ssyncadd.tile.s32 @!p0 $0x1;
	_ =	shalt  }
.Lfunc_end2:
_tile_overlayer_lowered:
.L_overlay_start_2:
0x504: {  	(tag) =	ssettag $0x2  }
0x505: {  	s0 =	rddreg [dreg:$0x0];
	s2 =	stileid.u32  }
0x506: {  	s1 =	rddreg [dreg:$0x1];
	p0 =	sne.s32 s2, $0x0  }
0x507: {  	s3 =	rddreg [dreg:$0x2];
	[bflag:$0x3] =	sbarrier.arrive $0xFFFF;
	s2 =	simm.s32 @!p0 $0x1C09  }
0x508: {  	[timem:s3], [sflag:s2] =	dma.local @!p0 [hbm:s0], s1  }
0x509: {  	s0 =	simm.s32 @!p0 $0x9  }
0x50a: {  	_ =	swait.ge @!p0 [sflag:s0], s1  }
0x50b: {  	s1 =	ssub.s32 @!p0 $0x0, s1;
	[sflag:s0] =	ssyncset.done @!p0 $0x0  }
0x50c: {  	[sflag:s0] =	ssyncadd.s32 @!p0 s1  }
0x50d: {  	[bflag:$0x3] =	sbarrier.arrive $0xFFFF  }
0x50e: {  	_ =	shalt  }

</sc_bundles>
